<compile_context>
chip_gen: v7x
topology: tpu7x:2x2x1
jax: 0.10.2.dev20260603
libtpu: 0.0.44.dev20260713+nightly
codegen_flags: <defaults>
</compile_context>

<pallas_src>
import jax
import jax.numpy as jnp
from jax import lax
from jax.experimental import pallas as pl
from jax.experimental.pallas import tpu as pltpu, tpu_sc as plsc

VOCAB = 1000000
B = 16384
L = 50
E = 64
PAD = 64
NC = 2
NS = 16
NW = NC * NS
BPW = B // NW
CB = 8
NCH = BPW // CB
ROT = 2
LANES = 16
NG = PAD // LANES
EUN = 4
NFG = 3


def _sc_body(center_hbm, ctx_hbm, v_hbm, u_hbm, out_hbm,
             cidx_v, ctx_v, ubs, vbs, ob, sems, vsems):
    cid = lax.axis_index("c")
    sid = lax.axis_index("s")
    wid = sid * NC + cid
    base = wid * BPW

    pltpu.sync_copy(center_hbm.at[pl.ds(base, BPW)], cidx_v)
    pltpu.sync_copy(ctx_hbm.at[pl.ds(base, BPW)], ctx_v)

    iota = lax.iota(jnp.int32, LANES)
    rowg = [iota + g * LANES for g in range(NG)]

    def issue(c, ub, sem):
        hs = []
        for i in range(CB):
            hs.append(pltpu.async_copy(u_hbm.at[ctx_v.at[c * CB + i]],
                                       ub.at[pl.ds(i * PAD, L)], sem))
        return hs

    def compute(c, ub, vb, voff, ob):
        for i in range(CB):
            rows = [rowg[g] + i * PAD for g in range(NFG)]
            ifull = jnp.full((LANES,), voff + i, jnp.int32)
            icol = jnp.full((LANES,), c * CB + i, jnp.int32)

            def ebody(t4, accs, rows=rows, ifull=ifull):
                for r in range(EUN):
                    col = (iota + (t4 * EUN + r)) & (E - 1)
                    s = plsc.load_gather(vb, [ifull, col])
                    accs = tuple(
                        accs[g] + plsc.load_gather(ub, [rows[g], col]) * s
                        for g in range(NFG))
                return accs

            accs = lax.fori_loop(
                0, E // EUN, ebody,
                tuple(jnp.zeros((LANES,), jnp.float32) for _ in range(NFG)))
            for g in range(NFG):
                plsc.store_scatter(ob, [rowg[g], icol], accs[g])

        ti = iota >> 1
        tl = NFG * LANES + (iota & 1)
        trow = ti * PAD + tl
        tiv = ti + voff

        def tbody(t4, acc):
            for r in range(EUN):
                col = (iota + (t4 * EUN + r)) & (E - 1)
                s = plsc.load_gather(vb, [tiv, col])
                acc = acc + plsc.load_gather(ub, [trow, col]) * s
            return acc

        tacc = lax.fori_loop(0, E // EUN, tbody,
                             jnp.zeros((LANES,), jnp.float32))
        plsc.store_scatter(ob, [tl, jnp.full((LANES,), c * CB, jnp.int32)
                                + ti], tacc)

    def outer(cr, carry):
        c0 = cr * ROT
        vhs = [pltpu.async_copy(
            v_hbm.at[cidx_v.at[pl.ds((c0 + 2 * k) * CB, 2 * CB)]],
            vbs[k], vsems[k]) for k in range(ROT // 2)]
        for q in range(ROT):
            hs = issue(c0 + q, ubs[q], sems[q])
            if q % 2 == 0:
                vhs[q // 2].wait()
            for h in hs:
                h.wait()
            compute(c0 + q, ubs[q], vbs[q // 2], (q % 2) * CB, ob)
        return carry

    lax.fori_loop(0, NCH // ROT, outer, 0)
    pltpu.sync_copy(ob, out_hbm.at[:, pl.ds(base, BPW)])


def kernel(center, context_negative, v_table, u_table):
    mesh = plsc.VectorSubcoreMesh(core_axis_name="c", subcore_axis_name="s")
    out_t = pl.kernel(
        _sc_body,
        out_type=jax.ShapeDtypeStruct((L, B), jnp.float32),
        mesh=mesh,
        compiler_params=pltpu.CompilerParams(needs_layout_passes=False,
                                             use_tc_tiling_on_sc=False),
        scratch_types=[
            pltpu.VMEM((BPW,), jnp.int32),
            pltpu.VMEM((BPW, L), jnp.int32),
            [pltpu.VMEM((CB * PAD, E), jnp.float32) for _ in range(ROT)],
            [pltpu.VMEM((2 * CB, E), jnp.float32) for _ in range(ROT // 2)],
            pltpu.VMEM((L, BPW), jnp.float32),
            [pltpu.SemaphoreType.DMA for _ in range(ROT)],
            [pltpu.SemaphoreType.DMA for _ in range(ROT // 2)],
        ],
    )(center.reshape(B), context_negative, v_table, u_table)
    return out_t.T.reshape(B, 1, L)

# --- scband reference (transcript-rebuilt; emitter-appended) ---
"""Pipeline reference for scband-word2vec-26774826123714 (READ-ONLY COPY).

The authoritative reference and input builder live on the scoring server;
editing this copy changes nothing except your own understanding.
"""

import jax, jax.numpy as jnp
import numpy as np

VOCAB = 1000000
EMBED = 64
B = 16384
L = 50

def setup_inputs(seed: int = 0) -> dict:
    key = jax.random.key(seed)
    k1, k2, k3, k4 = jax.random.split(key, 4)
    center = jax.random.randint(k1, (B, 1), 0, VOCAB, dtype=jnp.int64 if jax.config.jax_enable_x64 else jnp.int32).astype(jnp.int32)
    context_negative = jax.random.randint(k2, (B, L), 0, VOCAB, dtype=jnp.int32)
    v_table = jax.random.normal(k3, (VOCAB, EMBED), dtype=jnp.float32) * 0.02
    u_table = jax.random.normal(k4, (VOCAB, EMBED), dtype=jnp.float32) * 0.02
    return {"center": center, "context_negative": context_negative, "v_table": v_table, "u_table": u_table}

def reference(center, context_negative, v_table, u_table):
    # skip_gram: v = embed_v(center) -> [B, 1, E]; u = embed_u(ctx) -> [B, L, E]
    v = jnp.take(v_table, center, axis=0)              # [B, 1, E]
    u = jnp.take(u_table, context_negative, axis=0)    # [B, L, E]
    # pred = bmm(v, u.permute(0,2,1)) -> [B, 1, L]
    pred = jnp.einsum('bie,ble->bil', v, u)
    return pred

if False:  # reference __main__ guard neutralized (emitter)
    inp = setup_inputs()
    out = reference(**inp)
    print(out.shape)

if __name__ == "__main__":
    import jax
    _d = setup_inputs()
    print(jax.jit(kernel)(*tuple(_d.values())))

</pallas_src>

<mosaic_0001>
#map = affine_map<(d0, d1) -> (0)>
#map1 = affine_map<(d0, d1) -> (0, 0)>
module attributes {stable_mosaic.version = 14 : i64} {
  func.func @_sc_body(%arg0: i32, %arg1: i32, %arg2: memref<16384xi32, #tpu.memory_space<hbm>>, %arg3: memref<16384x50xi32, #tpu.memory_space<hbm>>, %arg4: memref<1000000x64xf32, #tpu.memory_space<hbm>>, %arg5: memref<1000000x64xf32, #tpu.memory_space<hbm>>, %arg6: memref<50x16384xf32, #tpu.memory_space<hbm>>, %arg7: memref<512xi32, #tpu.memory_space<vmem>>, %arg8: memref<512x50xi32, #tpu.memory_space<vmem>>, %arg9: memref<512x64xf32, #tpu.memory_space<vmem>>, %arg10: memref<512x64xf32, #tpu.memory_space<vmem>>, %arg11: memref<16x64xf32, #tpu.memory_space<vmem>>, %arg12: memref<50x512xf32, #tpu.memory_space<vmem>>, %arg13: memref<!tpu.dma_semaphore, #tpu.memory_space<semaphore_mem>>, %arg14: memref<!tpu.dma_semaphore, #tpu.memory_space<semaphore_mem>>, %arg15: memref<!tpu.dma_semaphore, #tpu.memory_space<semaphore_mem>>) attributes {dimension_semantics = [#tpu.dimension_semantics<core_parallel>, #tpu.dimension_semantics<subcore_parallel>], iteration_bounds = array<i64: 2, 16>, scalar_prefetch = 0 : i64, scratch_operands = 9 : i64, tpu.core_type = #tpu.core_type<sc_vector_subcore>, window_params = [{transform_indices = #map}, {transform_indices = #map1}, {transform_indices = #map1}, {transform_indices = #map1}, {transform_indices = #map1}]} {
    %mul3A = arith.constant 2 : i32
    %mul3A_0 = arith.muli %arg1, %mul3A : i32
    %add3A = arith.addi %mul3A_0, %arg0 : i32
    %mul3A_1 = arith.constant 512 : i32
    %mul3A_2 = arith.muli %add3A, %mul3A_1 : i32
    "tpu.region"() ({
      %run_scoped3A = tpu.sem_alloc : memref<!tpu.dma_semaphore, #tpu.memory_space<semaphore_mem>>
      %dma_start3A = tpu.memref_slice %arg2[%mul3A_2] : memref<16384xi32, #tpu.memory_space<hbm>> -> memref<512xi32, #tpu.memory_space<hbm>>
      %dma_start3A_20 = tpu.memref_slice %arg2[%mul3A_2] : memref<16384xi32, #tpu.memory_space<hbm>> -> memref<512xi32, #tpu.memory_space<hbm>>
      tpu.enqueue_dma source(%dma_start3A_20 : memref<512xi32, #tpu.memory_space<hbm>>) target(%arg7 : memref<512xi32, #tpu.memory_space<vmem>>) target_semaphore(%run_scoped3A : memref<!tpu.dma_semaphore, #tpu.memory_space<semaphore_mem>>)
      %dma_wait3A = tpu.memref_slice %arg2[%mul3A_2] : memref<16384xi32, #tpu.memory_space<hbm>> -> memref<512xi32, #tpu.memory_space<hbm>>
      %dma_wait3A_21 = tpu.memref_slice %arg2[%mul3A_2] : memref<16384xi32, #tpu.memory_space<hbm>> -> memref<512xi32, #tpu.memory_space<hbm>>
      tpu.wait_dma2 semaphore(%run_scoped3A : memref<!tpu.dma_semaphore, #tpu.memory_space<semaphore_mem>>) src(%dma_wait3A_21 : memref<512xi32, #tpu.memory_space<hbm>>) dst(%arg7 : memref<512xi32, #tpu.memory_space<vmem>>)
      tpu.yield
    }) : () -> ()
    "tpu.region"() ({
      %run_scoped3A = tpu.sem_alloc : memref<!tpu.dma_semaphore, #tpu.memory_space<semaphore_mem>>
      %dma_start3A = arith.constant 0 : i32
      %dma_start3A_20 = tpu.memref_slice %arg3[%mul3A_2, %dma_start3A] : memref<16384x50xi32, #tpu.memory_space<hbm>> -> memref<512x50xi32, #tpu.memory_space<hbm>>
      %dma_start3A_21 = arith.constant 0 : i32
      %dma_start3A_22 = tpu.memref_slice %arg3[%mul3A_2, %dma_start3A_21] : memref<16384x50xi32, #tpu.memory_space<hbm>> -> memref<512x50xi32, #tpu.memory_space<hbm>>
      tpu.enqueue_dma source(%dma_start3A_22 : memref<512x50xi32, #tpu.memory_space<hbm>>) target(%arg8 : memref<512x50xi32, #tpu.memory_space<vmem>>) target_semaphore(%run_scoped3A : memref<!tpu.dma_semaphore, #tpu.memory_space<semaphore_mem>>)
      %dma_wait3A = arith.constant 0 : i32
      %dma_wait3A_23 = tpu.memref_slice %arg3[%mul3A_2, %dma_wait3A] : memref<16384x50xi32, #tpu.memory_space<hbm>> -> memref<512x50xi32, #tpu.memory_space<hbm>>
      %dma_wait3A_24 = arith.constant 0 : i32
      %dma_wait3A_25 = tpu.memref_slice %arg3[%mul3A_2, %dma_wait3A_24] : memref<16384x50xi32, #tpu.memory_space<hbm>> -> memref<512x50xi32, #tpu.memory_space<hbm>>
      tpu.wait_dma2 semaphore(%run_scoped3A : memref<!tpu.dma_semaphore, #tpu.memory_space<semaphore_mem>>) src(%dma_wait3A_25 : memref<512x50xi32, #tpu.memory_space<hbm>>) dst(%arg8 : memref<512x50xi32, #tpu.memory_space<vmem>>)
      tpu.yield
    }) : () -> ()
    %iota3A = tpu.iota {dimensions = array<i32: 0>} : vector<16xi32>
    %add3A_3 = arith.constant 0 : i32
    %add3A_4 = vector.broadcast %add3A_3 : i32 to vector<16xi32>
    %add3A_5 = arith.addi %iota3A, %add3A_4 : vector<16xi32>
    %add3A_6 = arith.constant 16 : i32
    %add3A_7 = vector.broadcast %add3A_6 : i32 to vector<16xi32>
    %add3A_8 = arith.addi %iota3A, %add3A_7 : vector<16xi32>
    %add3A_9 = arith.constant 32 : i32
    %add3A_10 = vector.broadcast %add3A_9 : i32 to vector<16xi32>
    %add3A_11 = arith.addi %iota3A, %add3A_10 : vector<16xi32>
    %add3A_12 = arith.constant 48 : i32
    %add3A_13 = vector.broadcast %add3A_12 : i32 to vector<16xi32>
    %add3A_14 = arith.addi %iota3A, %add3A_13 : vector<16xi32>
    %scan3A = arith.constant 0 : i32
    %scan3A_15 = arith.constant 0 : i32
    %scan3A_16 = arith.constant 32 : i32
    %scan3A_17 = arith.addi %scan3A_15, %scan3A_16 : i32
    %scan3A_18 = arith.constant 1 : i32
    scf.for %scan3A_20 = %scan3A_15 to %scan3A_17 step %scan3A_18  : i32 {
      %mul3A_21 = arith.constant 2 : i32
      %mul3A_22 = arith.muli %scan3A_20, %mul3A_21 : i32
      %add3A_23 = arith.constant 0 : i32
      %add3A_24 = arith.addi %mul3A_22, %add3A_23 : i32
      %mul3A_25 = arith.constant 8 : i32
      %mul3A_26 = arith.muli %add3A_24, %mul3A_25 : i32
      %dma_start3A = tpu.memref_slice %arg7[%mul3A_26] : memref<512xi32, #tpu.memory_space<vmem>> -> memref<16xi32, #tpu.memory_space<vmem>>
      %dma_start3A_27 = arith.constant 0 : i32
      %dma_start3A_28 = arith.constant 0 : i32
      %dma_start3A_29 = tpu.memref_slice %arg4[%dma_start3A_27, %dma_start3A_28] : memref<1000000x64xf32, #tpu.memory_space<hbm>> -> memref<1000000x64xf32, #tpu.memory_space<hbm>>
      tpu.enqueue_indirect_dma source(%dma_start3A_29 : memref<1000000x64xf32, #tpu.memory_space<hbm>>) target(%arg11 : memref<16x64xf32, #tpu.memory_space<vmem>>) offsets(%dma_start3A : memref<16xi32, #tpu.memory_space<vmem>>) semaphore(%arg15 : memref<!tpu.dma_semaphore, #tpu.memory_space<semaphore_mem>>)
      %add3A_30 = arith.constant 0 : i32
      %add3A_31 = arith.addi %mul3A_22, %add3A_30 : i32
      %mul3A_32 = arith.constant 8 : i32
      %mul3A_33 = arith.muli %add3A_31, %mul3A_32 : i32
      %add3A_34 = arith.constant 0 : i32
      %add3A_35 = arith.addi %mul3A_33, %add3A_34 : i32
      %dma_start3A_36 = arith.constant 0 : i32
      %dma_start3A_37 = arith.constant 0 : i32
      %dma_start3A_38 = tpu.memref_slice %arg9[%dma_start3A_36, %dma_start3A_37] : memref<512x64xf32, #tpu.memory_space<vmem>> -> memref<50x64xf32, #tpu.memory_space<vmem>>
      %dma_start3A_39 = arith.constant 0 : i32
      %dma_start3A_40 = tpu.memref_slice %arg8[%add3A_35, %dma_start3A_39] : memref<512x50xi32, #tpu.memory_space<vmem>> -> memref<1x50xi32, #tpu.memory_space<vmem>>
      %dma_start3A_41 = tpu.memref_squeeze %dma_start3A_40 : memref<1x50xi32, #tpu.memory_space<vmem>> -> memref<50xi32, #tpu.memory_space<vmem>>
      %dma_start3A_42 = arith.constant 0 : i32
      %dma_start3A_43 = arith.constant 0 : i32
      %dma_start3A_44 = tpu.memref_slice %arg5[%dma_start3A_42, %dma_start3A_43] : memref<1000000x64xf32, #tpu.memory_space<hbm>> -> memref<1000000x64xf32, #tpu.memory_space<hbm>>
      tpu.enqueue_indirect_dma source(%dma_start3A_44 : memref<1000000x64xf32, #tpu.memory_space<hbm>>) target(%dma_start3A_38 : memref<50x64xf32, #tpu.memory_space<vmem>>) offsets(%dma_start3A_41 : memref<50xi32, #tpu.memory_space<vmem>>) semaphore(%arg13 : memref<!tpu.dma_semaphore, #tpu.memory_space<semaphore_mem>>)
      %mul3A_45 = arith.constant 8 : i32
      %mul3A_46 = arith.muli %add3A_31, %mul3A_45 : i32
      %add3A_47 = arith.constant 1 : i32
      %add3A_48 = arith.addi %mul3A_46, %add3A_47 : i32
      %dma_start3A_49 = arith.constant 64 : i32
      %dma_start3A_50 = arith.constant 0 : i32
      %dma_start3A_51 = tpu.memref_slice %arg9[%dma_start3A_49, %dma_start3A_50] : memref<512x64xf32, #tpu.memory_space<vmem>> -> memref<50x64xf32, #tpu.memory_space<vmem>>
      %dma_start3A_52 = arith.constant 0 : i32
      %dma_start3A_53 = tpu.memref_slice %arg8[%add3A_48, %dma_start3A_52] : memref<512x50xi32, #tpu.memory_space<vmem>> -> memref<1x50xi32, #tpu.memory_space<vmem>>
      %dma_start3A_54 = tpu.memref_squeeze %dma_start3A_53 : memref<1x50xi32, #tpu.memory_space<vmem>> -> memref<50xi32, #tpu.memory_space<vmem>>
      %dma_start3A_55 = arith.constant 0 : i32
      %dma_start3A_56 = arith.constant 0 : i32
      %dma_start3A_57 = tpu.memref_slice %arg5[%dma_start3A_55, %dma_start3A_56] : memref<1000000x64xf32, #tpu.memory_space<hbm>> -> memref<1000000x64xf32, #tpu.memory_space<hbm>>
      tpu.enqueue_indirect_dma source(%dma_start3A_57 : memref<1000000x64xf32, #tpu.memory_space<hbm>>) target(%dma_start3A_51 : memref<50x64xf32, #tpu.memory_space<vmem>>) offsets(%dma_start3A_54 : memref<50xi32, #tpu.memory_space<vmem>>) semaphore(%arg13 : memref<!tpu.dma_semaphore, #tpu.memory_space<semaphore_mem>>)
      %mul3A_58 = arith.constant 8 : i32
      %mul3A_59 = arith.muli %add3A_31, %mul3A_58 : i32
      %add3A_60 = arith.constant 2 : i32
      %add3A_61 = arith.addi %mul3A_59, %add3A_60 : i32
      %dma_start3A_62 = arith.constant 128 : i32
      %dma_start3A_63 = arith.constant 0 : i32
      %dma_start3A_64 = tpu.memref_slice %arg9[%dma_start3A_62, %dma_start3A_63] : memref<512x64xf32, #tpu.memory_space<vmem>> -> memref<50x64xf32, #tpu.memory_space<vmem>>
      %dma_start3A_65 = arith.constant 0 : i32
      %dma_start3A_66 = tpu.memref_slice %arg8[%add3A_61, %dma_start3A_65] : memref<512x50xi32, #tpu.memory_space<vmem>> -> memref<1x50xi32, #tpu.memory_space<vmem>>
      %dma_start3A_67 = tpu.memref_squeeze %dma_start3A_66 : memref<1x50xi32, #tpu.memory_space<vmem>> -> memref<50xi32, #tpu.memory_space<vmem>>
      %dma_start3A_68 = arith.constant 0 : i32
      %dma_start3A_69 = arith.constant 0 : i32
      %dma_start3A_70 = tpu.memref_slice %arg5[%dma_start3A_68, %dma_start3A_69] : memref<1000000x64xf32, #tpu.memory_space<hbm>> -> memref<1000000x64xf32, #tpu.memory_space<hbm>>
      tpu.enqueue_indirect_dma source(%dma_start3A_70 : memref<1000000x64xf32, #tpu.memory_space<hbm>>) target(%dma_start3A_64 : memref<50x64xf32, #tpu.memory_space<vmem>>) offsets(%dma_start3A_67 : memref<50xi32, #tpu.memory_space<vmem>>) semaphore(%arg13 : memref<!tpu.dma_semaphore, #tpu.memory_space<semaphore_mem>>)
      %mul3A_71 = arith.constant 8 : i32
      %mul3A_72 = arith.muli %add3A_31, %mul3A_71 : i32
      %add3A_73 = arith.constant 3 : i32
      %add3A_74 = arith.addi %mul3A_72, %add3A_73 : i32
      %dma_start3A_75 = arith.constant 192 : i32
      %dma_start3A_76 = arith.constant 0 : i32
      %dma_start3A_77 = tpu.memref_slice %arg9[%dma_start3A_75, %dma_start3A_76] : memref<512x64xf32, #tpu.memory_space<vmem>> -> memref<50x64xf32, #tpu.memory_space<vmem>>
      %dma_start3A_78 = arith.constant 0 : i32
      %dma_start3A_79 = tpu.memref_slice %arg8[%add3A_74, %dma_start3A_78] : memref<512x50xi32, #tpu.memory_space<vmem>> -> memref<1x50xi32, #tpu.memory_space<vmem>>
      %dma_start3A_80 = tpu.memref_squeeze %dma_start3A_79 : memref<1x50xi32, #tpu.memory_space<vmem>> -> memref<50xi32, #tpu.memory_space<vmem>>
      %dma_start3A_81 = arith.constant 0 : i32
      %dma_start3A_82 = arith.constant 0 : i32
      %dma_start3A_83 = tpu.memref_slice %arg5[%dma_start3A_81, %dma_start3A_82] : memref<1000000x64xf32, #tpu.memory_space<hbm>> -> memref<1000000x64xf32, #tpu.memory_space<hbm>>
      tpu.enqueue_indirect_dma source(%dma_start3A_83 : memref<1000000x64xf32, #tpu.memory_space<hbm>>) target(%dma_start3A_77 : memref<50x64xf32, #tpu.memory_space<vmem>>) offsets(%dma_start3A_80 : memref<50xi32, #tpu.memory_space<vmem>>) semaphore(%arg13 : memref<!tpu.dma_semaphore, #tpu.memory_space<semaphore_mem>>)
      %mul3A_84 = arith.constant 8 : i32
      %mul3A_85 = arith.muli %add3A_31, %mul3A_84 : i32
      %add3A_86 = arith.constant 4 : i32
      %add3A_87 = arith.addi %mul3A_85, %add3A_86 : i32
      %dma_start3A_88 = arith.constant 256 : i32
      %dma_start3A_89 = arith.constant 0 : i32
      %dma_start3A_90 = tpu.memref_slice %arg9[%dma_start3A_88, %dma_start3A_89] : memref<512x64xf32, #tpu.memory_space<vmem>> -> memref<50x64xf32, #tpu.memory_space<vmem>>
      %dma_start3A_91 = arith.constant 0 : i32
      %dma_start3A_92 = tpu.memref_slice %arg8[%add3A_87, %dma_start3A_91] : memref<512x50xi32, #tpu.memory_space<vmem>> -> memref<1x50xi32, #tpu.memory_space<vmem>>
      %dma_start3A_93 = tpu.memref_squeeze %dma_start3A_92 : memref<1x50xi32, #tpu.memory_space<vmem>> -> memref<50xi32, #tpu.memory_space<vmem>>
      %dma_start3A_94 = arith.constant 0 : i32
      %dma_start3A_95 = arith.constant 0 : i32
      %dma_start3A_96 = tpu.memref_slice %arg5[%dma_start3A_94, %dma_start3A_95] : memref<1000000x64xf32, #tpu.memory_space<hbm>> -> memref<1000000x64xf32, #tpu.memory_space<hbm>>
      tpu.enqueue_indirect_dma source(%dma_start3A_96 : memref<1000000x64xf32, #tpu.memory_space<hbm>>) target(%dma_start3A_90 : memref<50x64xf32, #tpu.memory_space<vmem>>) offsets(%dma_start3A_93 : memref<50xi32, #tpu.memory_space<vmem>>) semaphore(%arg13 : memref<!tpu.dma_semaphore, #tpu.memory_space<semaphore_mem>>)
      %mul3A_97 = arith.constant 8 : i32
      %mul3A_98 = arith.muli %add3A_31, %mul3A_97 : i32
      %add3A_99 = arith.constant 5 : i32
      %add3A_100 = arith.addi %mul3A_98, %add3A_99 : i32
      %dma_start3A_101 = arith.constant 320 : i32
      %dma_start3A_102 = arith.constant 0 : i32
      %dma_start3A_103 = tpu.memref_slice %arg9[%dma_start3A_101, %dma_start3A_102] : memref<512x64xf32, #tpu.memory_space<vmem>> -> memref<50x64xf32, #tpu.memory_space<vmem>>
      %dma_start3A_104 = arith.constant 0 : i32
      %dma_start3A_105 = tpu.memref_slice %arg8[%add3A_100, %dma_start3A_104] : memref<512x50xi32, #tpu.memory_space<vmem>> -> memref<1x50xi32, #tpu.memory_space<vmem>>
      %dma_start3A_106 = tpu.memref_squeeze %dma_start3A_105 : memref<1x50xi32, #tpu.memory_space<vmem>> -> memref<50xi32, #tpu.memory_space<vmem>>
      %dma_start3A_107 = arith.constant 0 : i32
      %dma_start3A_108 = arith.constant 0 : i32
      %dma_start3A_109 = tpu.memref_slice %arg5[%dma_start3A_107, %dma_start3A_108] : memref<1000000x64xf32, #tpu.memory_space<hbm>> -> memref<1000000x64xf32, #tpu.memory_space<hbm>>
      tpu.enqueue_indirect_dma source(%dma_start3A_109 : memref<1000000x64xf32, #tpu.memory_space<hbm>>) target(%dma_start3A_103 : memref<50x64xf32, #tpu.memory_space<vmem>>) offsets(%dma_start3A_106 : memref<50xi32, #tpu.memory_space<vmem>>) semaphore(%arg13 : memref<!tpu.dma_semaphore, #tpu.memory_space<semaphore_mem>>)
      %mul3A_110 = arith.constant 8 : i32
      %mul3A_111 = arith.muli %add3A_31, %mul3A_110 : i32
      %add3A_112 = arith.constant 6 : i32
      %add3A_113 = arith.addi %mul3A_111, %add3A_112 : i32
      %dma_start3A_114 = arith.constant 384 : i32
      %dma_start3A_115 = arith.constant 0 : i32
      %dma_start3A_116 = tpu.memref_slice %arg9[%dma_start3A_114, %dma_start3A_115] : memref<512x64xf32, #tpu.memory_space<vmem>> -> memref<50x64xf32, #tpu.memory_space<vmem>>
      %dma_start3A_117 = arith.constant 0 : i32
      %dma_start3A_118 = tpu.memref_slice %arg8[%add3A_113, %dma_start3A_117] : memref<512x50xi32, #tpu.memory_space<vmem>> -> memref<1x50xi32, #tpu.memory_space<vmem>>
      %dma_start3A_119 = tpu.memref_squeeze %dma_start3A_118 : memref<1x50xi32, #tpu.memory_space<vmem>> -> memref<50xi32, #tpu.memory_space<vmem>>
      %dma_start3A_120 = arith.constant 0 : i32
      %dma_start3A_121 = arith.constant 0 : i32
      %dma_start3A_122 = tpu.memref_slice %arg5[%dma_start3A_120, %dma_start3A_121] : memref<1000000x64xf32, #tpu.memory_space<hbm>> -> memref<1000000x64xf32, #tpu.memory_space<hbm>>
      tpu.enqueue_indirect_dma source(%dma_start3A_122 : memref<1000000x64xf32, #tpu.memory_space<hbm>>) target(%dma_start3A_116 : memref<50x64xf32, #tpu.memory_space<vmem>>) offsets(%dma_start3A_119 : memref<50xi32, #tpu.memory_space<vmem>>) semaphore(%arg13 : memref<!tpu.dma_semaphore, #tpu.memory_space<semaphore_mem>>)
      %mul3A_123 = arith.constant 8 : i32
      %mul3A_124 = arith.muli %add3A_31, %mul3A_123 : i32
      %add3A_125 = arith.constant 7 : i32
      %add3A_126 = arith.addi %mul3A_124, %add3A_125 : i32
      %dma_start3A_127 = arith.constant 448 : i32
      %dma_start3A_128 = arith.constant 0 : i32
      %dma_start3A_129 = tpu.memref_slice %arg9[%dma_start3A_127, %dma_start3A_128] : memref<512x64xf32, #tpu.memory_space<vmem>> -> memref<50x64xf32, #tpu.memory_space<vmem>>
      %dma_start3A_130 = arith.constant 0 : i32
      %dma_start3A_131 = tpu.memref_slice %arg8[%add3A_126, %dma_start3A_130] : memref<512x50xi32, #tpu.memory_space<vmem>> -> memref<1x50xi32, #tpu.memory_space<vmem>>
      %dma_start3A_132 = tpu.memref_squeeze %dma_start3A_131 : memref<1x50xi32, #tpu.memory_space<vmem>> -> memref<50xi32, #tpu.memory_space<vmem>>
      %dma_start3A_133 = arith.constant 0 : i32
      %dma_start3A_134 = arith.constant 0 : i32
      %dma_start3A_135 = tpu.memref_slice %arg5[%dma_start3A_133, %dma_start3A_134] : memref<1000000x64xf32, #tpu.memory_space<hbm>> -> memref<1000000x64xf32, #tpu.memory_space<hbm>>
      tpu.enqueue_indirect_dma source(%dma_start3A_135 : memref<1000000x64xf32, #tpu.memory_space<hbm>>) target(%dma_start3A_129 : memref<50x64xf32, #tpu.memory_space<vmem>>) offsets(%dma_start3A_132 : memref<50xi32, #tpu.memory_space<vmem>>) semaphore(%arg13 : memref<!tpu.dma_semaphore, #tpu.memory_space<semaphore_mem>>)
      %dma_wait3A = tpu.memref_slice %arg7[%mul3A_26] : memref<512xi32, #tpu.memory_space<vmem>> -> memref<16xi32, #tpu.memory_space<vmem>>
      %dma_wait3A_136 = arith.constant 0 : i32
      %dma_wait3A_137 = arith.constant 0 : i32
      %dma_wait3A_138 = tpu.memref_slice %arg4[%dma_wait3A_136, %dma_wait3A_137] : memref<1000000x64xf32, #tpu.memory_space<hbm>> -> memref<1000000x64xf32, #tpu.memory_space<hbm>>
      tpu.wait_indirect_dma semaphore(%arg15 : memref<!tpu.dma_semaphore, #tpu.memory_space<semaphore_mem>>) src(%dma_wait3A_138 : memref<1000000x64xf32, #tpu.memory_space<hbm>>) dst(%arg11 : memref<16x64xf32, #tpu.memory_space<vmem>>)
      %dma_wait3A_139 = arith.constant 0 : i32
      %dma_wait3A_140 = arith.constant 0 : i32
      %dma_wait3A_141 = tpu.memref_slice %arg9[%dma_wait3A_139, %dma_wait3A_140] : memref<512x64xf32, #tpu.memory_space<vmem>> -> memref<50x64xf32, #tpu.memory_space<vmem>>
      %dma_wait3A_142 = arith.constant 0 : i32
      %dma_wait3A_143 = tpu.memref_slice %arg8[%add3A_35, %dma_wait3A_142] : memref<512x50xi32, #tpu.memory_space<vmem>> -> memref<1x50xi32, #tpu.memory_space<vmem>>
      %dma_wait3A_144 = tpu.memref_squeeze %dma_wait3A_143 : memref<1x50xi32, #tpu.memory_space<vmem>> -> memref<50xi32, #tpu.memory_space<vmem>>
      %dma_wait3A_145 = arith.constant 0 : i32
      %dma_wait3A_146 = arith.constant 0 : i32
      %dma_wait3A_147 = tpu.memref_slice %arg5[%dma_wait3A_145, %dma_wait3A_146] : memref<1000000x64xf32, #tpu.memory_space<hbm>> -> memref<1000000x64xf32, #tpu.memory_space<hbm>>
      tpu.wait_indirect_dma semaphore(%arg13 : memref<!tpu.dma_semaphore, #tpu.memory_space<semaphore_mem>>) src(%dma_wait3A_147 : memref<1000000x64xf32, #tpu.memory_space<hbm>>) dst(%dma_wait3A_141 : memref<50x64xf32, #tpu.memory_space<vmem>>)
      %dma_wait3A_148 = arith.constant 64 : i32
      %dma_wait3A_149 = arith.constant 0 : i32
      %dma_wait3A_150 = tpu.memref_slice %arg9[%dma_wait3A_148, %dma_wait3A_149] : memref<512x64xf32, #tpu.memory_space<vmem>> -> memref<50x64xf32, #tpu.memory_space<vmem>>
      %dma_wait3A_151 = arith.constant 0 : i32
      %dma_wait3A_152 = tpu.memref_slice %arg8[%add3A_48, %dma_wait3A_151] : memref<512x50xi32, #tpu.memory_space<vmem>> -> memref<1x50xi32, #tpu.memory_space<vmem>>
      %dma_wait3A_153 = tpu.memref_squeeze %dma_wait3A_152 : memref<1x50xi32, #tpu.memory_space<vmem>> -> memref<50xi32, #tpu.memory_space<vmem>>
      %dma_wait3A_154 = arith.constant 0 : i32
      %dma_wait3A_155 = arith.constant 0 : i32
      %dma_wait3A_156 = tpu.memref_slice %arg5[%dma_wait3A_154, %dma_wait3A_155] : memref<1000000x64xf32, #tpu.memory_space<hbm>> -> memref<1000000x64xf32, #tpu.memory_space<hbm>>
      tpu.wait_indirect_dma semaphore(%arg13 : memref<!tpu.dma_semaphore, #tpu.memory_space<semaphore_mem>>) src(%dma_wait3A_156 : memref<1000000x64xf32, #tpu.memory_space<hbm>>) dst(%dma_wait3A_150 : memref<50x64xf32, #tpu.memory_space<vmem>>)
      %dma_wait3A_157 = arith.constant 128 : i32
      %dma_wait3A_158 = arith.constant 0 : i32
      %dma_wait3A_159 = tpu.memref_slice %arg9[%dma_wait3A_157, %dma_wait3A_158] : memref<512x64xf32, #tpu.memory_space<vmem>> -> memref<50x64xf32, #tpu.memory_space<vmem>>
      %dma_wait3A_160 = arith.constant 0 : i32
      %dma_wait3A_161 = tpu.memref_slice %arg8[%add3A_61, %dma_wait3A_160] : memref<512x50xi32, #tpu.memory_space<vmem>> -> memref<1x50xi32, #tpu.memory_space<vmem>>
      %dma_wait3A_162 = tpu.memref_squeeze %dma_wait3A_161 : memref<1x50xi32, #tpu.memory_space<vmem>> -> memref<50xi32, #tpu.memory_space<vmem>>
      %dma_wait3A_163 = arith.constant 0 : i32
      %dma_wait3A_164 = arith.constant 0 : i32
      %dma_wait3A_165 = tpu.memref_slice %arg5[%dma_wait3A_163, %dma_wait3A_164] : memref<1000000x64xf32, #tpu.memory_space<hbm>> -> memref<1000000x64xf32, #tpu.memory_space<hbm>>
      tpu.wait_indirect_dma semaphore(%arg13 : memref<!tpu.dma_semaphore, #tpu.memory_space<semaphore_mem>>) src(%dma_wait3A_165 : memref<1000000x64xf32, #tpu.memory_space<hbm>>) dst(%dma_wait3A_159 : memref<50x64xf32, #tpu.memory_space<vmem>>)
      %dma_wait3A_166 = arith.constant 192 : i32
      %dma_wait3A_167 = arith.constant 0 : i32
      %dma_wait3A_168 = tpu.memref_slice %arg9[%dma_wait3A_166, %dma_wait3A_167] : memref<512x64xf32, #tpu.memory_space<vmem>> -> memref<50x64xf32, #tpu.memory_space<vmem>>
      %dma_wait3A_169 = arith.constant 0 : i32
      %dma_wait3A_170 = tpu.memref_slice %arg8[%add3A_74, %dma_wait3A_169] : memref<512x50xi32, #tpu.memory_space<vmem>> -> memref<1x50xi32, #tpu.memory_space<vmem>>
      %dma_wait3A_171 = tpu.memref_squeeze %dma_wait3A_170 : memref<1x50xi32, #tpu.memory_space<vmem>> -> memref<50xi32, #tpu.memory_space<vmem>>
      %dma_wait3A_172 = arith.constant 0 : i32
      %dma_wait3A_173 = arith.constant 0 : i32
      %dma_wait3A_174 = tpu.memref_slice %arg5[%dma_wait3A_172, %dma_wait3A_173] : memref<1000000x64xf32, #tpu.memory_space<hbm>> -> memref<1000000x64xf32, #tpu.memory_space<hbm>>
      tpu.wait_indirect_dma semaphore(%arg13 : memref<!tpu.dma_semaphore, #tpu.memory_space<semaphore_mem>>) src(%dma_wait3A_174 : memref<1000000x64xf32, #tpu.memory_space<hbm>>) dst(%dma_wait3A_168 : memref<50x64xf32, #tpu.memory_space<vmem>>)
      %dma_wait3A_175 = arith.constant 256 : i32
      %dma_wait3A_176 = arith.constant 0 : i32
      %dma_wait3A_177 = tpu.memref_slice %arg9[%dma_wait3A_175, %dma_wait3A_176] : memref<512x64xf32, #tpu.memory_space<vmem>> -> memref<50x64xf32, #tpu.memory_space<vmem>>
      %dma_wait3A_178 = arith.constant 0 : i32
      %dma_wait3A_179 = tpu.memref_slice %arg8[%add3A_87, %dma_wait3A_178] : memref<512x50xi32, #tpu.memory_space<vmem>> -> memref<1x50xi32, #tpu.memory_space<vmem>>
      %dma_wait3A_180 = tpu.memref_squeeze %dma_wait3A_179 : memref<1x50xi32, #tpu.memory_space<vmem>> -> memref<50xi32, #tpu.memory_space<vmem>>
      %dma_wait3A_181 = arith.constant 0 : i32
      %dma_wait3A_182 = arith.constant 0 : i32
      %dma_wait3A_183 = tpu.memref_slice %arg5[%dma_wait3A_181, %dma_wait3A_182] : memref<1000000x64xf32, #tpu.memory_space<hbm>> -> memref<1000000x64xf32, #tpu.memory_space<hbm>>
      tpu.wait_indirect_dma semaphore(%arg13 : memref<!tpu.dma_semaphore, #tpu.memory_space<semaphore_mem>>) src(%dma_wait3A_183 : memref<1000000x64xf32, #tpu.memory_space<hbm>>) dst(%dma_wait3A_177 : memref<50x64xf32, #tpu.memory_space<vmem>>)
      %dma_wait3A_184 = arith.constant 320 : i32
      %dma_wait3A_185 = arith.constant 0 : i32
      %dma_wait3A_186 = tpu.memref_slice %arg9[%dma_wait3A_184, %dma_wait3A_185] : memref<512x64xf32, #tpu.memory_space<vmem>> -> memref<50x64xf32, #tpu.memory_space<vmem>>
      %dma_wait3A_187 = arith.constant 0 : i32
      %dma_wait3A_188 = tpu.memref_slice %arg8[%add3A_100, %dma_wait3A_187] : memref<512x50xi32, #tpu.memory_space<vmem>> -> memref<1x50xi32, #tpu.memory_space<vmem>>
      %dma_wait3A_189 = tpu.memref_squeeze %dma_wait3A_188 : memref<1x50xi32, #tpu.memory_space<vmem>> -> memref<50xi32, #tpu.memory_space<vmem>>
      %dma_wait3A_190 = arith.constant 0 : i32
      %dma_wait3A_191 = arith.constant 0 : i32
      %dma_wait3A_192 = tpu.memref_slice %arg5[%dma_wait3A_190, %dma_wait3A_191] : memref<1000000x64xf32, #tpu.memory_space<hbm>> -> memref<1000000x64xf32, #tpu.memory_space<hbm>>
      tpu.wait_indirect_dma semaphore(%arg13 : memref<!tpu.dma_semaphore, #tpu.memory_space<semaphore_mem>>) src(%dma_wait3A_192 : memref<1000000x64xf32, #tpu.memory_space<hbm>>) dst(%dma_wait3A_186 : memref<50x64xf32, #tpu.memory_space<vmem>>)
      %dma_wait3A_193 = arith.constant 384 : i32
      %dma_wait3A_194 = arith.constant 0 : i32
      %dma_wait3A_195 = tpu.memref_slice %arg9[%dma_wait3A_193, %dma_wait3A_194] : memref<512x64xf32, #tpu.memory_space<vmem>> -> memref<50x64xf32, #tpu.memory_space<vmem>>
      %dma_wait3A_196 = arith.constant 0 : i32
      %dma_wait3A_197 = tpu.memref_slice %arg8[%add3A_113, %dma_wait3A_196] : memref<512x50xi32, #tpu.memory_space<vmem>> -> memref<1x50xi32, #tpu.memory_space<vmem>>
      %dma_wait3A_198 = tpu.memref_squeeze %dma_wait3A_197 : memref<1x50xi32, #tpu.memory_space<vmem>> -> memref<50xi32, #tpu.memory_space<vmem>>
      %dma_wait3A_199 = arith.constant 0 : i32
      %dma_wait3A_200 = arith.constant 0 : i32
      %dma_wait3A_201 = tpu.memref_slice %arg5[%dma_wait3A_199, %dma_wait3A_200] : memref<1000000x64xf32, #tpu.memory_space<hbm>> -> memref<1000000x64xf32, #tpu.memory_space<hbm>>
      tpu.wait_indirect_dma semaphore(%arg13 : memref<!tpu.dma_semaphore, #tpu.memory_space<semaphore_mem>>) src(%dma_wait3A_201 : memref<1000000x64xf32, #tpu.memory_space<hbm>>) dst(%dma_wait3A_195 : memref<50x64xf32, #tpu.memory_space<vmem>>)
      %dma_wait3A_202 = arith.constant 448 : i32
      %dma_wait3A_203 = arith.constant 0 : i32
      %dma_wait3A_204 = tpu.memref_slice %arg9[%dma_wait3A_202, %dma_wait3A_203] : memref<512x64xf32, #tpu.memory_space<vmem>> -> memref<50x64xf32, #tpu.memory_space<vmem>>
      %dma_wait3A_205 = arith.constant 0 : i32
      %dma_wait3A_206 = tpu.memref_slice %arg8[%add3A_126, %dma_wait3A_205] : memref<512x50xi32, #tpu.memory_space<vmem>> -> memref<1x50xi32, #tpu.memory_space<vmem>>
      %dma_wait3A_207 = tpu.memref_squeeze %dma_wait3A_206 : memref<1x50xi32, #tpu.memory_space<vmem>> -> memref<50xi32, #tpu.memory_space<vmem>>
      %dma_wait3A_208 = arith.constant 0 : i32
      %dma_wait3A_209 = arith.constant 0 : i32
      %dma_wait3A_210 = tpu.memref_slice %arg5[%dma_wait3A_208, %dma_wait3A_209] : memref<1000000x64xf32, #tpu.memory_space<hbm>> -> memref<1000000x64xf32, #tpu.memory_space<hbm>>
      tpu.wait_indirect_dma semaphore(%arg13 : memref<!tpu.dma_semaphore, #tpu.memory_space<semaphore_mem>>) src(%dma_wait3A_210 : memref<1000000x64xf32, #tpu.memory_space<hbm>>) dst(%dma_wait3A_204 : memref<50x64xf32, #tpu.memory_space<vmem>>)
      %add3A_211 = arith.constant 0 : i32
      %add3A_212 = arith.addi %mul3A_22, %add3A_211 : i32
      %add3A_213 = arith.constant 0 : i32
      %add3A_214 = vector.broadcast %add3A_213 : i32 to vector<16xi32>
      %add3A_215 = arith.addi %add3A_5, %add3A_214 : vector<16xi32>
      %add3A_216 = arith.constant 0 : i32
      %add3A_217 = vector.broadcast %add3A_216 : i32 to vector<16xi32>
      %add3A_218 = arith.addi %add3A_8, %add3A_217 : vector<16xi32>
      %add3A_219 = arith.constant 0 : i32
      %add3A_220 = vector.broadcast %add3A_219 : i32 to vector<16xi32>
      %add3A_221 = arith.addi %add3A_11, %add3A_220 : vector<16xi32>
      %broadcast_in_dim3A = arith.constant 0 : i32
      %broadcast_in_dim3A_222 = vector.broadcast %broadcast_in_dim3A : i32 to vector<16xi32>
      %mul3A_223 = arith.constant 8 : i32
      %mul3A_224 = arith.muli %add3A_212, %mul3A_223 : i32
      %add3A_225 = arith.constant 0 : i32
      %add3A_226 = arith.addi %mul3A_224, %add3A_225 : i32
      %broadcast_in_dim3A_227 = vector.broadcast %add3A_226 : i32 to vector<16xi32>
      %broadcast_in_dim3A_228 = arith.constant 0.000000e+00 : f32
      %broadcast_in_dim3A_229 = vector.broadcast %broadcast_in_dim3A_228 : f32 to vector<16xf32>
      %broadcast_in_dim3A_230 = arith.constant 0.000000e+00 : f32
      %broadcast_in_dim3A_231 = vector.broadcast %broadcast_in_dim3A_230 : f32 to vector<16xf32>
      %broadcast_in_dim3A_232 = arith.constant 0.000000e+00 : f32
      %broadcast_in_dim3A_233 = vector.broadcast %broadcast_in_dim3A_232 : f32 to vector<16xf32>
      %scan3A_234 = arith.constant 0 : i32
      %scan3A_235 = arith.constant 16 : i32
      %scan3A_236 = arith.addi %scan3A_234, %scan3A_235 : i32
      %scan3A_237 = arith.constant 1 : i32
      %scan3A_238:3 = scf.for %scan3A_894 = %scan3A_234 to %scan3A_236 step %scan3A_237 iter_args(%scan3A_895 = %broadcast_in_dim3A_229, %scan3A_896 = %broadcast_in_dim3A_231, %scan3A_897 = %broadcast_in_dim3A_233) -> (vector<16xf32>, vector<16xf32>, vector<16xf32>)  : i32 {
        %mul3A_898 = arith.constant 4 : i32
        %mul3A_899 = arith.muli %scan3A_894, %mul3A_898 : i32
        %add3A_900 = arith.constant 0 : i32
        %add3A_901 = arith.addi %mul3A_899, %add3A_900 : i32
        %add3A_902 = vector.broadcast %add3A_901 : i32 to vector<16xi32>
        %add3A_903 = arith.addi %iota3A, %add3A_902 : vector<16xi32>
        %and3A_904 = arith.constant 63 : i32
        %and3A_905 = vector.broadcast %and3A_904 : i32 to vector<16xi32>
        %and3A_906 = arith.andi %add3A_903, %and3A_905 : vector<16xi32>
        %gather3A = tpu.vector_load_idx %arg11[%broadcast_in_dim3A_222, %and3A_906] : memref<16x64xf32, #tpu.memory_space<vmem>>[vector<16xi32>, vector<16xi32>], vector<16xf32>,
        %gather3A_907 = tpu.vector_load_idx %arg9[%add3A_215, %and3A_906] : memref<512x64xf32, #tpu.memory_space<vmem>>[vector<16xi32>, vector<16xi32>], vector<16xf32>,
        %mul3A_908 = arith.mulf %gather3A_907, %gather3A : vector<16xf32>
        %add3A_909 = arith.addf %scan3A_895, %mul3A_908 : vector<16xf32>
        %gather3A_910 = tpu.vector_load_idx %arg9[%add3A_218, %and3A_906] : memref<512x64xf32, #tpu.memory_space<vmem>>[vector<16xi32>, vector<16xi32>], vector<16xf32>,
        %mul3A_911 = arith.mulf %gather3A_910, %gather3A : vector<16xf32>
        %add3A_912 = arith.addf %scan3A_896, %mul3A_911 : vector<16xf32>
        %gather3A_913 = tpu.vector_load_idx %arg9[%add3A_221, %and3A_906] : memref<512x64xf32, #tpu.memory_space<vmem>>[vector<16xi32>, vector<16xi32>], vector<16xf32>,
        %mul3A_914 = arith.mulf %gather3A_913, %gather3A : vector<16xf32>
        %add3A_915 = arith.addf %scan3A_897, %mul3A_914 : vector<16xf32>
        %mul3A_916 = arith.constant 4 : i32
        %mul3A_917 = arith.muli %scan3A_894, %mul3A_916 : i32
        %add3A_918 = arith.constant 1 : i32
        %add3A_919 = arith.addi %mul3A_917, %add3A_918 : i32
        %add3A_920 = vector.broadcast %add3A_919 : i32 to vector<16xi32>
        %add3A_921 = arith.addi %iota3A, %add3A_920 : vector<16xi32>
        %and3A_922 = arith.constant 63 : i32
        %and3A_923 = vector.broadcast %and3A_922 : i32 to vector<16xi32>
        %and3A_924 = arith.andi %add3A_921, %and3A_923 : vector<16xi32>
        %gather3A_925 = tpu.vector_load_idx %arg11[%broadcast_in_dim3A_222, %and3A_924] : memref<16x64xf32, #tpu.memory_space<vmem>>[vector<16xi32>, vector<16xi32>], vector<16xf32>,
        %gather3A_926 = tpu.vector_load_idx %arg9[%add3A_215, %and3A_924] : memref<512x64xf32, #tpu.memory_space<vmem>>[vector<16xi32>, vector<16xi32>], vector<16xf32>,
        %mul3A_927 = arith.mulf %gather3A_926, %gather3A_925 : vector<16xf32>
        %add3A_928 = arith.addf %add3A_909, %mul3A_927 : vector<16xf32>
        %gather3A_929 = tpu.vector_load_idx %arg9[%add3A_218, %and3A_924] : memref<512x64xf32, #tpu.memory_space<vmem>>[vector<16xi32>, vector<16xi32>], vector<16xf32>,
        %mul3A_930 = arith.mulf %gather3A_929, %gather3A_925 : vector<16xf32>
        %add3A_931 = arith.addf %add3A_912, %mul3A_930 : vector<16xf32>
        %gather3A_932 = tpu.vector_load_idx %arg9[%add3A_221, %and3A_924] : memref<512x64xf32, #tpu.memory_space<vmem>>[vector<16xi32>, vector<16xi32>], vector<16xf32>,
        %mul3A_933 = arith.mulf %gather3A_932, %gather3A_925 : vector<16xf32>
        %add3A_934 = arith.addf %add3A_915, %mul3A_933 : vector<16xf32>
        %mul3A_935 = arith.constant 4 : i32
        %mul3A_936 = arith.muli %scan3A_894, %mul3A_935 : i32
        %add3A_937 = arith.constant 2 : i32
        %add3A_938 = arith.addi %mul3A_936, %add3A_937 : i32
        %add3A_939 = vector.broadcast %add3A_938 : i32 to vector<16xi32>
        %add3A_940 = arith.addi %iota3A, %add3A_939 : vector<16xi32>
        %and3A_941 = arith.constant 63 : i32
        %and3A_942 = vector.broadcast %and3A_941 : i32 to vector<16xi32>
        %and3A_943 = arith.andi %add3A_940, %and3A_942 : vector<16xi32>
        %gather3A_944 = tpu.vector_load_idx %arg11[%broadcast_in_dim3A_222, %and3A_943] : memref<16x64xf32, #tpu.memory_space<vmem>>[vector<16xi32>, vector<16xi32>], vector<16xf32>,
        %gather3A_945 = tpu.vector_load_idx %arg9[%add3A_215, %and3A_943] : memref<512x64xf32, #tpu.memory_space<vmem>>[vector<16xi32>, vector<16xi32>], vector<16xf32>,
        %mul3A_946 = arith.mulf %gather3A_945, %gather3A_944 : vector<16xf32>
        %add3A_947 = arith.addf %add3A_928, %mul3A_946 : vector<16xf32>
        %gather3A_948 = tpu.vector_load_idx %arg9[%add3A_218, %and3A_943] : memref<512x64xf32, #tpu.memory_space<vmem>>[vector<16xi32>, vector<16xi32>], vector<16xf32>,
        %mul3A_949 = arith.mulf %gather3A_948, %gather3A_944 : vector<16xf32>
        %add3A_950 = arith.addf %add3A_931, %mul3A_949 : vector<16xf32>
        %gather3A_951 = tpu.vector_load_idx %arg9[%add3A_221, %and3A_943] : memref<512x64xf32, #tpu.memory_space<vmem>>[vector<16xi32>, vector<16xi32>], vector<16xf32>,
        %mul3A_952 = arith.mulf %gather3A_951, %gather3A_944 : vector<16xf32>
        %add3A_953 = arith.addf %add3A_934, %mul3A_952 : vector<16xf32>
        %mul3A_954 = arith.constant 4 : i32
        %mul3A_955 = arith.muli %scan3A_894, %mul3A_954 : i32
        %add3A_956 = arith.constant 3 : i32
        %add3A_957 = arith.addi %mul3A_955, %add3A_956 : i32
        %add3A_958 = vector.broadcast %add3A_957 : i32 to vector<16xi32>
        %add3A_959 = arith.addi %iota3A, %add3A_958 : vector<16xi32>
        %and3A_960 = arith.constant 63 : i32
        %and3A_961 = vector.broadcast %and3A_960 : i32 to vector<16xi32>
        %and3A_962 = arith.andi %add3A_959, %and3A_961 : vector<16xi32>
        %gather3A_963 = tpu.vector_load_idx %arg11[%broadcast_in_dim3A_222, %and3A_962] : memref<16x64xf32, #tpu.memory_space<vmem>>[vector<16xi32>, vector<16xi32>], vector<16xf32>,
        %gather3A_964 = tpu.vector_load_idx %arg9[%add3A_215, %and3A_962] : memref<512x64xf32, #tpu.memory_space<vmem>>[vector<16xi32>, vector<16xi32>], vector<16xf32>,
        %mul3A_965 = arith.mulf %gather3A_964, %gather3A_963 : vector<16xf32>
        %add3A_966 = arith.addf %add3A_947, %mul3A_965 : vector<16xf32>
        %gather3A_967 = tpu.vector_load_idx %arg9[%add3A_218, %and3A_962] : memref<512x64xf32, #tpu.memory_space<vmem>>[vector<16xi32>, vector<16xi32>], vector<16xf32>,
        %mul3A_968 = arith.mulf %gather3A_967, %gather3A_963 : vector<16xf32>
        %add3A_969 = arith.addf %add3A_950, %mul3A_968 : vector<16xf32>
        %gather3A_970 = tpu.vector_load_idx %arg9[%add3A_221, %and3A_962] : memref<512x64xf32, #tpu.memory_space<vmem>>[vector<16xi32>, vector<16xi32>], vector<16xf32>,
        %mul3A_971 = arith.mulf %gather3A_970, %gather3A_963 : vector<16xf32>
        %add3A_972 = arith.addf %add3A_953, %mul3A_971 : vector<16xf32>
        scf.yield %add3A_966, %add3A_969, %add3A_972 : vector<16xf32>, vector<16xf32>, vector<16xf32>
      }
      %scan3A_239 = arith.constant 16 : i32
      tpu.vector_store_idx %arg12[%add3A_5, %broadcast_in_dim3A_227], %scan3A_238#0 : memref<50x512xf32, #tpu.memory_space<vmem>>[vector<16xi32>, vector<16xi32>], vector<16xf32>,
      tpu.vector_store_idx %arg12[%add3A_8, %broadcast_in_dim3A_227], %scan3A_238#1 : memref<50x512xf32, #tpu.memory_space<vmem>>[vector<16xi32>, vector<16xi32>], vector<16xf32>,
      tpu.vector_store_idx %arg12[%add3A_11, %broadcast_in_dim3A_227], %scan3A_238#2 : memref<50x512xf32, #tpu.memory_space<vmem>>[vector<16xi32>, vector<16xi32>], vector<16xf32>,
      %add3A_240 = arith.constant 64 : i32
      %add3A_241 = vector.broadcast %add3A_240 : i32 to vector<16xi32>
      %add3A_242 = arith.addi %add3A_5, %add3A_241 : vector<16xi32>
      %add3A_243 = arith.constant 64 : i32
      %add3A_244 = vector.broadcast %add3A_243 : i32 to vector<16xi32>
      %add3A_245 = arith.addi %add3A_8, %add3A_244 : vector<16xi32>
      %add3A_246 = arith.constant 64 : i32
      %add3A_247 = vector.broadcast %add3A_246 : i32 to vector<16xi32>
      %add3A_248 = arith.addi %add3A_11, %add3A_247 : vector<16xi32>
      %broadcast_in_dim3A_249 = arith.constant 1 : i32
      %broadcast_in_dim3A_250 = vector.broadcast %broadcast_in_dim3A_249 : i32 to vector<16xi32>
      %mul3A_251 = arith.constant 8 : i32
      %mul3A_252 = arith.muli %add3A_212, %mul3A_251 : i32
      %add3A_253 = arith.constant 1 : i32
      %add3A_254 = arith.addi %mul3A_252, %add3A_253 : i32
      %broadcast_in_dim3A_255 = vector.broadcast %add3A_254 : i32 to vector<16xi32>
      %broadcast_in_dim3A_256 = arith.constant 0.000000e+00 : f32
      %broadcast_in_dim3A_257 = vector.broadcast %broadcast_in_dim3A_256 : f32 to vector<16xf32>
      %broadcast_in_dim3A_258 = arith.constant 0.000000e+00 : f32
      %broadcast_in_dim3A_259 = vector.broadcast %broadcast_in_dim3A_258 : f32 to vector<16xf32>
      %broadcast_in_dim3A_260 = arith.constant 0.000000e+00 : f32
      %broadcast_in_dim3A_261 = vector.broadcast %broadcast_in_dim3A_260 : f32 to vector<16xf32>
      %scan3A_262 = arith.constant 0 : i32
      %scan3A_263 = arith.constant 16 : i32
      %scan3A_264 = arith.addi %scan3A_262, %scan3A_263 : i32
      %scan3A_265 = arith.constant 1 : i32
      %scan3A_266:3 = scf.for %scan3A_894 = %scan3A_262 to %scan3A_264 step %scan3A_265 iter_args(%scan3A_895 = %broadcast_in_dim3A_257, %scan3A_896 = %broadcast_in_dim3A_259, %scan3A_897 = %broadcast_in_dim3A_261) -> (vector<16xf32>, vector<16xf32>, vector<16xf32>)  : i32 {
        %mul3A_898 = arith.constant 4 : i32
        %mul3A_899 = arith.muli %scan3A_894, %mul3A_898 : i32
        %add3A_900 = arith.constant 0 : i32
        %add3A_901 = arith.addi %mul3A_899, %add3A_900 : i32
        %add3A_902 = vector.broadcast %add3A_901 : i32 to vector<16xi32>
        %add3A_903 = arith.addi %iota3A, %add3A_902 : vector<16xi32>
        %and3A_904 = arith.constant 63 : i32
        %and3A_905 = vector.broadcast %and3A_904 : i32 to vector<16xi32>
        %and3A_906 = arith.andi %add3A_903, %and3A_905 : vector<16xi32>
        %gather3A = tpu.vector_load_idx %arg11[%broadcast_in_dim3A_250, %and3A_906] : memref<16x64xf32, #tpu.memory_space<vmem>>[vector<16xi32>, vector<16xi32>], vector<16xf32>,
        %gather3A_907 = tpu.vector_load_idx %arg9[%add3A_242, %and3A_906] : memref<512x64xf32, #tpu.memory_space<vmem>>[vector<16xi32>, vector<16xi32>], vector<16xf32>,
        %mul3A_908 = arith.mulf %gather3A_907, %gather3A : vector<16xf32>
        %add3A_909 = arith.addf %scan3A_895, %mul3A_908 : vector<16xf32>
        %gather3A_910 = tpu.vector_load_idx %arg9[%add3A_245, %and3A_906] : memref<512x64xf32, #tpu.memory_space<vmem>>[vector<16xi32>, vector<16xi32>], vector<16xf32>,
        %mul3A_911 = arith.mulf %gather3A_910, %gather3A : vector<16xf32>
        %add3A_912 = arith.addf %scan3A_896, %mul3A_911 : vector<16xf32>
        %gather3A_913 = tpu.vector_load_idx %arg9[%add3A_248, %and3A_906] : memref<512x64xf32, #tpu.memory_space<vmem>>[vector<16xi32>, vector<16xi32>], vector<16xf32>,
        %mul3A_914 = arith.mulf %gather3A_913, %gather3A : vector<16xf32>
        %add3A_915 = arith.addf %scan3A_897, %mul3A_914 : vector<16xf32>
        %mul3A_916 = arith.constant 4 : i32
        %mul3A_917 = arith.muli %scan3A_894, %mul3A_916 : i32
        %add3A_918 = arith.constant 1 : i32
        %add3A_919 = arith.addi %mul3A_917, %add3A_918 : i32
        %add3A_920 = vector.broadcast %add3A_919 : i32 to vector<16xi32>
        %add3A_921 = arith.addi %iota3A, %add3A_920 : vector<16xi32>
        %and3A_922 = arith.constant 63 : i32
        %and3A_923 = vector.broadcast %and3A_922 : i32 to vector<16xi32>
        %and3A_924 = arith.andi %add3A_921, %and3A_923 : vector<16xi32>
        %gather3A_925 = tpu.vector_load_idx %arg11[%broadcast_in_dim3A_250, %and3A_924] : memref<16x64xf32, #tpu.memory_space<vmem>>[vector<16xi32>, vector<16xi32>], vector<16xf32>,
        %gather3A_926 = tpu.vector_load_idx %arg9[%add3A_242, %and3A_924] : memref<512x64xf32, #tpu.memory_space<vmem>>[vector<16xi32>, vector<16xi32>], vector<16xf32>,
        %mul3A_927 = arith.mulf %gather3A_926, %gather3A_925 : vector<16xf32>
        %add3A_928 = arith.addf %add3A_909, %mul3A_927 : vector<16xf32>
        %gather3A_929 = tpu.vector_load_idx %arg9[%add3A_245, %and3A_924] : memref<512x64xf32, #tpu.memory_space<vmem>>[vector<16xi32>, vector<16xi32>], vector<16xf32>,
        %mul3A_930 = arith.mulf %gather3A_929, %gather3A_925 : vector<16xf32>
        %add3A_931 = arith.addf %add3A_912, %mul3A_930 : vector<16xf32>
        %gather3A_932 = tpu.vector_load_idx %arg9[%add3A_248, %and3A_924] : memref<512x64xf32, #tpu.memory_space<vmem>>[vector<16xi32>, vector<16xi32>], vector<16xf32>,
        %mul3A_933 = arith.mulf %gather3A_932, %gather3A_925 : vector<16xf32>
        %add3A_934 = arith.addf %add3A_915, %mul3A_933 : vector<16xf32>
        %mul3A_935 = arith.constant 4 : i32
        %mul3A_936 = arith.muli %scan3A_894, %mul3A_935 : i32
        %add3A_937 = arith.constant 2 : i32
        %add3A_938 = arith.addi %mul3A_936, %add3A_937 : i32
        %add3A_939 = vector.broadcast %add3A_938 : i32 to vector<16xi32>
        %add3A_940 = arith.addi %iota3A, %add3A_939 : vector<16xi32>
        %and3A_941 = arith.constant 63 : i32
        %and3A_942 = vector.broadcast %and3A_941 : i32 to vector<16xi32>
        %and3A_943 = arith.andi %add3A_940, %and3A_942 : vector<16xi32>
        %gather3A_944 = tpu.vector_load_idx %arg11[%broadcast_in_dim3A_250, %and3A_943] : memref<16x64xf32, #tpu.memory_space<vmem>>[vector<16xi32>, vector<16xi32>], vector<16xf32>,
        %gather3A_945 = tpu.vector_load_idx %arg9[%add3A_242, %and3A_943] : memref<512x64xf32, #tpu.memory_space<vmem>>[vector<16xi32>, vector<16xi32>], vector<16xf32>,
        %mul3A_946 = arith.mulf %gather3A_945, %gather3A_944 : vector<16xf32>
        %add3A_947 = arith.addf %add3A_928, %mul3A_946 : vector<16xf32>
        %gather3A_948 = tpu.vector_load_idx %arg9[%add3A_245, %and3A_943] : memref<512x64xf32, #tpu.memory_space<vmem>>[vector<16xi32>, vector<16xi32>], vector<16xf32>,
        %mul3A_949 = arith.mulf %gather3A_948, %gather3A_944 : vector<16xf32>
        %add3A_950 = arith.addf %add3A_931, %mul3A_949 : vector<16xf32>
        %gather3A_951 = tpu.vector_load_idx %arg9[%add3A_248, %and3A_943] : memref<512x64xf32, #tpu.memory_space<vmem>>[vector<16xi32>, vector<16xi32>], vector<16xf32>,
        %mul3A_952 = arith.mulf %gather3A_951, %gather3A_944 : vector<16xf32>
        %add3A_953 = arith.addf %add3A_934, %mul3A_952 : vector<16xf32>
        %mul3A_954 = arith.constant 4 : i32
        %mul3A_955 = arith.muli %scan3A_894, %mul3A_954 : i32
        %add3A_956 = arith.constant 3 : i32
        %add3A_957 = arith.addi %mul3A_955, %add3A_956 : i32
        %add3A_958 = vector.broadcast %add3A_957 : i32 to vector<16xi32>
        %add3A_959 = arith.addi %iota3A, %add3A_958 : vector<16xi32>
        %and3A_960 = arith.constant 63 : i32
        %and3A_961 = vector.broadcast %and3A_960 : i32 to vector<16xi32>
        %and3A_962 = arith.andi %add3A_959, %and3A_961 : vector<16xi32>
        %gather3A_963 = tpu.vector_load_idx %arg11[%broadcast_in_dim3A_250, %and3A_962] : memref<16x64xf32, #tpu.memory_space<vmem>>[vector<16xi32>, vector<16xi32>], vector<16xf32>,
        %gather3A_964 = tpu.vector_load_idx %arg9[%add3A_242, %and3A_962] : memref<512x64xf32, #tpu.memory_space<vmem>>[vector<16xi32>, vector<16xi32>], vector<16xf32>,
        %mul3A_965 = arith.mulf %gather3A_964, %gather3A_963 : vector<16xf32>
        %add3A_966 = arith.addf %add3A_947, %mul3A_965 : vector<16xf32>
        %gather3A_967 = tpu.vector_load_idx %arg9[%add3A_245, %and3A_962] : memref<512x64xf32, #tpu.memory_space<vmem>>[vector<16xi32>, vector<16xi32>], vector<16xf32>,
        %mul3A_968 = arith.mulf %gather3A_967, %gather3A_963 : vector<16xf32>
        %add3A_969 = arith.addf %add3A_950, %mul3A_968 : vector<16xf32>
        %gather3A_970 = tpu.vector_load_idx %arg9[%add3A_248, %and3A_962] : memref<512x64xf32, #tpu.memory_space<vmem>>[vector<16xi32>, vector<16xi32>], vector<16xf32>,
        %mul3A_971 = arith.mulf %gather3A_970, %gather3A_963 : vector<16xf32>
        %add3A_972 = arith.addf %add3A_953, %mul3A_971 : vector<16xf32>
        scf.yield %add3A_966, %add3A_969, %add3A_972 : vector<16xf32>, vector<16xf32>, vector<16xf32>
      }
      %scan3A_267 = arith.constant 16 : i32
      tpu.vector_store_idx %arg12[%add3A_5, %broadcast_in_dim3A_255], %scan3A_266#0 : memref<50x512xf32, #tpu.memory_space<vmem>>[vector<16xi32>, vector<16xi32>], vector<16xf32>,
      tpu.vector_store_idx %arg12[%add3A_8, %broadcast_in_dim3A_255], %scan3A_266#1 : memref<50x512xf32, #tpu.memory_space<vmem>>[vector<16xi32>, vector<16xi32>], vector<16xf32>,
      tpu.vector_store_idx %arg12[%add3A_11, %broadcast_in_dim3A_255], %scan3A_266#2 : memref<50x512xf32, #tpu.memory_space<vmem>>[vector<16xi32>, vector<16xi32>], vector<16xf32>,
      %add3A_268 = arith.constant 128 : i32
      %add3A_269 = vector.broadcast %add3A_268 : i32 to vector<16xi32>
      %add3A_270 = arith.addi %add3A_5, %add3A_269 : vector<16xi32>
      %add3A_271 = arith.constant 128 : i32
      %add3A_272 = vector.broadcast %add3A_271 : i32 to vector<16xi32>
      %add3A_273 = arith.addi %add3A_8, %add3A_272 : vector<16xi32>
      %add3A_274 = arith.constant 128 : i32
      %add3A_275 = vector.broadcast %add3A_274 : i32 to vector<16xi32>
      %add3A_276 = arith.addi %add3A_11, %add3A_275 : vector<16xi32>
      %broadcast_in_dim3A_277 = arith.constant 2 : i32
      %broadcast_in_dim3A_278 = vector.broadcast %broadcast_in_dim3A_277 : i32 to vector<16xi32>
      %mul3A_279 = arith.constant 8 : i32
      %mul3A_280 = arith.muli %add3A_212, %mul3A_279 : i32
      %add3A_281 = arith.constant 2 : i32
      %add3A_282 = arith.addi %mul3A_280, %add3A_281 : i32
      %broadcast_in_dim3A_283 = vector.broadcast %add3A_282 : i32 to vector<16xi32>
      %broadcast_in_dim3A_284 = arith.constant 0.000000e+00 : f32
      %broadcast_in_dim3A_285 = vector.broadcast %broadcast_in_dim3A_284 : f32 to vector<16xf32>
      %broadcast_in_dim3A_286 = arith.constant 0.000000e+00 : f32
      %broadcast_in_dim3A_287 = vector.broadcast %broadcast_in_dim3A_286 : f32 to vector<16xf32>
      %broadcast_in_dim3A_288 = arith.constant 0.000000e+00 : f32
      %broadcast_in_dim3A_289 = vector.broadcast %broadcast_in_dim3A_288 : f32 to vector<16xf32>
      %scan3A_290 = arith.constant 0 : i32
      %scan3A_291 = arith.constant 16 : i32
      %scan3A_292 = arith.addi %scan3A_290, %scan3A_291 : i32
      %scan3A_293 = arith.constant 1 : i32
      %scan3A_294:3 = scf.for %scan3A_894 = %scan3A_290 to %scan3A_292 step %scan3A_293 iter_args(%scan3A_895 = %broadcast_in_dim3A_285, %scan3A_896 = %broadcast_in_dim3A_287, %scan3A_897 = %broadcast_in_dim3A_289) -> (vector<16xf32>, vector<16xf32>, vector<16xf32>)  : i32 {
        %mul3A_898 = arith.constant 4 : i32
        %mul3A_899 = arith.muli %scan3A_894, %mul3A_898 : i32
        %add3A_900 = arith.constant 0 : i32
        %add3A_901 = arith.addi %mul3A_899, %add3A_900 : i32
        %add3A_902 = vector.broadcast %add3A_901 : i32 to vector<16xi32>
        %add3A_903 = arith.addi %iota3A, %add3A_902 : vector<16xi32>
        %and3A_904 = arith.constant 63 : i32
        %and3A_905 = vector.broadcast %and3A_904 : i32 to vector<16xi32>
        %and3A_906 = arith.andi %add3A_903, %and3A_905 : vector<16xi32>
        %gather3A = tpu.vector_load_idx %arg11[%broadcast_in_dim3A_278, %and3A_906] : memref<16x64xf32, #tpu.memory_space<vmem>>[vector<16xi32>, vector<16xi32>], vector<16xf32>,
        %gather3A_907 = tpu.vector_load_idx %arg9[%add3A_270, %and3A_906] : memref<512x64xf32, #tpu.memory_space<vmem>>[vector<16xi32>, vector<16xi32>], vector<16xf32>,
        %mul3A_908 = arith.mulf %gather3A_907, %gather3A : vector<16xf32>
        %add3A_909 = arith.addf %scan3A_895, %mul3A_908 : vector<16xf32>
        %gather3A_910 = tpu.vector_load_idx %arg9[%add3A_273, %and3A_906] : memref<512x64xf32, #tpu.memory_space<vmem>>[vector<16xi32>, vector<16xi32>], vector<16xf32>,
        %mul3A_911 = arith.mulf %gather3A_910, %gather3A : vector<16xf32>
        %add3A_912 = arith.addf %scan3A_896, %mul3A_911 : vector<16xf32>
        %gather3A_913 = tpu.vector_load_idx %arg9[%add3A_276, %and3A_906] : memref<512x64xf32, #tpu.memory_space<vmem>>[vector<16xi32>, vector<16xi32>], vector<16xf32>,
        %mul3A_914 = arith.mulf %gather3A_913, %gather3A : vector<16xf32>
        %add3A_915 = arith.addf %scan3A_897, %mul3A_914 : vector<16xf32>
        %mul3A_916 = arith.constant 4 : i32
        %mul3A_917 = arith.muli %scan3A_894, %mul3A_916 : i32
        %add3A_918 = arith.constant 1 : i32
        %add3A_919 = arith.addi %mul3A_917, %add3A_918 : i32
        %add3A_920 = vector.broadcast %add3A_919 : i32 to vector<16xi32>
        %add3A_921 = arith.addi %iota3A, %add3A_920 : vector<16xi32>
        %and3A_922 = arith.constant 63 : i32
        %and3A_923 = vector.broadcast %and3A_922 : i32 to vector<16xi32>
        %and3A_924 = arith.andi %add3A_921, %and3A_923 : vector<16xi32>
        %gather3A_925 = tpu.vector_load_idx %arg11[%broadcast_in_dim3A_278, %and3A_924] : memref<16x64xf32, #tpu.memory_space<vmem>>[vector<16xi32>, vector<16xi32>], vector<16xf32>,
        %gather3A_926 = tpu.vector_load_idx %arg9[%add3A_270, %and3A_924] : memref<512x64xf32, #tpu.memory_space<vmem>>[vector<16xi32>, vector<16xi32>], vector<16xf32>,
        %mul3A_927 = arith.mulf %gather3A_926, %gather3A_925 : vector<16xf32>
        %add3A_928 = arith.addf %add3A_909, %mul3A_927 : vector<16xf32>
        %gather3A_929 = tpu.vector_load_idx %arg9[%add3A_273, %and3A_924] : memref<512x64xf32, #tpu.memory_space<vmem>>[vector<16xi32>, vector<16xi32>], vector<16xf32>,
        %mul3A_930 = arith.mulf %gather3A_929, %gather3A_925 : vector<16xf32>
        %add3A_931 = arith.addf %add3A_912, %mul3A_930 : vector<16xf32>
        %gather3A_932 = tpu.vector_load_idx %arg9[%add3A_276, %and3A_924] : memref<512x64xf32, #tpu.memory_space<vmem>>[vector<16xi32>, vector<16xi32>], vector<16xf32>,
        %mul3A_933 = arith.mulf %gather3A_932, %gather3A_925 : vector<16xf32>
        %add3A_934 = arith.addf %add3A_915, %mul3A_933 : vector<16xf32>
        %mul3A_935 = arith.constant 4 : i32
        %mul3A_936 = arith.muli %scan3A_894, %mul3A_935 : i32
        %add3A_937 = arith.constant 2 : i32
        %add3A_938 = arith.addi %mul3A_936, %add3A_937 : i32
        %add3A_939 = vector.broadcast %add3A_938 : i32 to vector<16xi32>
        %add3A_940 = arith.addi %iota3A, %add3A_939 : vector<16xi32>
        %and3A_941 = arith.constant 63 : i32
        %and3A_942 = vector.broadcast %and3A_941 : i32 to vector<16xi32>
        %and3A_943 = arith.andi %add3A_940, %and3A_942 : vector<16xi32>
        %gather3A_944 = tpu.vector_load_idx %arg11[%broadcast_in_dim3A_278, %and3A_943] : memref<16x64xf32, #tpu.memory_space<vmem>>[vector<16xi32>, vector<16xi32>], vector<16xf32>,
        %gather3A_945 = tpu.vector_load_idx %arg9[%add3A_270, %and3A_943] : memref<512x64xf32, #tpu.memory_space<vmem>>[vector<16xi32>, vector<16xi32>], vector<16xf32>,
        %mul3A_946 = arith.mulf %gather3A_945, %gather3A_944 : vector<16xf32>
        %add3A_947 = arith.addf %add3A_928, %mul3A_946 : vector<16xf32>
        %gather3A_948 = tpu.vector_load_idx %arg9[%add3A_273, %and3A_943] : memref<512x64xf32, #tpu.memory_space<vmem>>[vector<16xi32>, vector<16xi32>], vector<16xf32>,
        %mul3A_949 = arith.mulf %gather3A_948, %gather3A_944 : vector<16xf32>
        %add3A_950 = arith.addf %add3A_931, %mul3A_949 : vector<16xf32>
        %gather3A_951 = tpu.vector_load_idx %arg9[%add3A_276, %and3A_943] : memref<512x64xf32, #tpu.memory_space<vmem>>[vector<16xi32>, vector<16xi32>], vector<16xf32>,
        %mul3A_952 = arith.mulf %gather3A_951, %gather3A_944 : vector<16xf32>
        %add3A_953 = arith.addf %add3A_934, %mul3A_952 : vector<16xf32>
        %mul3A_954 = arith.constant 4 : i32
        %mul3A_955 = arith.muli %scan3A_894, %mul3A_954 : i32
        %add3A_956 = arith.constant 3 : i32
        %add3A_957 = arith.addi %mul3A_955, %add3A_956 : i32
        %add3A_958 = vector.broadcast %add3A_957 : i32 to vector<16xi32>
        %add3A_959 = arith.addi %iota3A, %add3A_958 : vector<16xi32>
        %and3A_960 = arith.constant 63 : i32
        %and3A_961 = vector.broadcast %and3A_960 : i32 to vector<16xi32>
        %and3A_962 = arith.andi %add3A_959, %and3A_961 : vector<16xi32>
        %gather3A_963 = tpu.vector_load_idx %arg11[%broadcast_in_dim3A_278, %and3A_962] : memref<16x64xf32, #tpu.memory_space<vmem>>[vector<16xi32>, vector<16xi32>], vector<16xf32>,
        %gather3A_964 = tpu.vector_load_idx %arg9[%add3A_270, %and3A_962] : memref<512x64xf32, #tpu.memory_space<vmem>>[vector<16xi32>, vector<16xi32>], vector<16xf32>,
        %mul3A_965 = arith.mulf %gather3A_964, %gather3A_963 : vector<16xf32>
        %add3A_966 = arith.addf %add3A_947, %mul3A_965 : vector<16xf32>
        %gather3A_967 = tpu.vector_load_idx %arg9[%add3A_273, %and3A_962] : memref<512x64xf32, #tpu.memory_space<vmem>>[vector<16xi32>, vector<16xi32>], vector<16xf32>,
        %mul3A_968 = arith.mulf %gather3A_967, %gather3A_963 : vector<16xf32>
        %add3A_969 = arith.addf %add3A_950, %mul3A_968 : vector<16xf32>
        %gather3A_970 = tpu.vector_load_idx %arg9[%add3A_276, %and3A_962] : memref<512x64xf32, #tpu.memory_space<vmem>>[vector<16xi32>, vector<16xi32>], vector<16xf32>,
        %mul3A_971 = arith.mulf %gather3A_970, %gather3A_963 : vector<16xf32>
        %add3A_972 = arith.addf %add3A_953, %mul3A_971 : vector<16xf32>
        scf.yield %add3A_966, %add3A_969, %add3A_972 : vector<16xf32>, vector<16xf32>, vector<16xf32>
      }
      %scan3A_295 = arith.constant 16 : i32
      tpu.vector_store_idx %arg12[%add3A_5, %broadcast_in_dim3A_283], %scan3A_294#0 : memref<50x512xf32, #tpu.memory_space<vmem>>[vector<16xi32>, vector<16xi32>], vector<16xf32>,
      tpu.vector_store_idx %arg12[%add3A_8, %broadcast_in_dim3A_283], %scan3A_294#1 : memref<50x512xf32, #tpu.memory_space<vmem>>[vector<16xi32>, vector<16xi32>], vector<16xf32>,
      tpu.vector_store_idx %arg12[%add3A_11, %broadcast_in_dim3A_283], %scan3A_294#2 : memref<50x512xf32, #tpu.memory_space<vmem>>[vector<16xi32>, vector<16xi32>], vector<16xf32>,
      %add3A_296 = arith.constant 192 : i32
      %add3A_297 = vector.broadcast %add3A_296 : i32 to vector<16xi32>
      %add3A_298 = arith.addi %add3A_5, %add3A_297 : vector<16xi32>
      %add3A_299 = arith.constant 192 : i32
      %add3A_300 = vector.broadcast %add3A_299 : i32 to vector<16xi32>
      %add3A_301 = arith.addi %add3A_8, %add3A_300 : vector<16xi32>
      %add3A_302 = arith.constant 192 : i32
      %add3A_303 = vector.broadcast %add3A_302 : i32 to vector<16xi32>
      %add3A_304 = arith.addi %add3A_11, %add3A_303 : vector<16xi32>
      %broadcast_in_dim3A_305 = arith.constant 3 : i32
      %broadcast_in_dim3A_306 = vector.broadcast %broadcast_in_dim3A_305 : i32 to vector<16xi32>
      %mul3A_307 = arith.constant 8 : i32
      %mul3A_308 = arith.muli %add3A_212, %mul3A_307 : i32
      %add3A_309 = arith.constant 3 : i32
      %add3A_310 = arith.addi %mul3A_308, %add3A_309 : i32
      %broadcast_in_dim3A_311 = vector.broadcast %add3A_310 : i32 to vector<16xi32>
      %broadcast_in_dim3A_312 = arith.constant 0.000000e+00 : f32
      %broadcast_in_dim3A_313 = vector.broadcast %broadcast_in_dim3A_312 : f32 to vector<16xf32>
      %broadcast_in_dim3A_314 = arith.constant 0.000000e+00 : f32
      %broadcast_in_dim3A_315 = vector.broadcast %broadcast_in_dim3A_314 : f32 to vector<16xf32>
      %broadcast_in_dim3A_316 = arith.constant 0.000000e+00 : f32
      %broadcast_in_dim3A_317 = vector.broadcast %broadcast_in_dim3A_316 : f32 to vector<16xf32>
      %scan3A_318 = arith.constant 0 : i32
      %scan3A_319 = arith.constant 16 : i32
      %scan3A_320 = arith.addi %scan3A_318, %scan3A_319 : i32
      %scan3A_321 = arith.constant 1 : i32
      %scan3A_322:3 = scf.for %scan3A_894 = %scan3A_318 to %scan3A_320 step %scan3A_321 iter_args(%scan3A_895 = %broadcast_in_dim3A_313, %scan3A_896 = %broadcast_in_dim3A_315, %scan3A_897 = %broadcast_in_dim3A_317) -> (vector<16xf32>, vector<16xf32>, vector<16xf32>)  : i32 {
        %mul3A_898 = arith.constant 4 : i32
        %mul3A_899 = arith.muli %scan3A_894, %mul3A_898 : i32
        %add3A_900 = arith.constant 0 : i32
        %add3A_901 = arith.addi %mul3A_899, %add3A_900 : i32
        %add3A_902 = vector.broadcast %add3A_901 : i32 to vector<16xi32>
        %add3A_903 = arith.addi %iota3A, %add3A_902 : vector<16xi32>
        %and3A_904 = arith.constant 63 : i32
        %and3A_905 = vector.broadcast %and3A_904 : i32 to vector<16xi32>
        %and3A_906 = arith.andi %add3A_903, %and3A_905 : vector<16xi32>
        %gather3A = tpu.vector_load_idx %arg11[%broadcast_in_dim3A_306, %and3A_906] : memref<16x64xf32, #tpu.memory_space<vmem>>[vector<16xi32>, vector<16xi32>], vector<16xf32>,
        %gather3A_907 = tpu.vector_load_idx %arg9[%add3A_298, %and3A_906] : memref<512x64xf32, #tpu.memory_space<vmem>>[vector<16xi32>, vector<16xi32>], vector<16xf32>,
        %mul3A_908 = arith.mulf %gather3A_907, %gather3A : vector<16xf32>
        %add3A_909 = arith.addf %scan3A_895, %mul3A_908 : vector<16xf32>
        %gather3A_910 = tpu.vector_load_idx %arg9[%add3A_301, %and3A_906] : memref<512x64xf32, #tpu.memory_space<vmem>>[vector<16xi32>, vector<16xi32>], vector<16xf32>,
        %mul3A_911 = arith.mulf %gather3A_910, %gather3A : vector<16xf32>
        %add3A_912 = arith.addf %scan3A_896, %mul3A_911 : vector<16xf32>
        %gather3A_913 = tpu.vector_load_idx %arg9[%add3A_304, %and3A_906] : memref<512x64xf32, #tpu.memory_space<vmem>>[vector<16xi32>, vector<16xi32>], vector<16xf32>,
        %mul3A_914 = arith.mulf %gather3A_913, %gather3A : vector<16xf32>
        %add3A_915 = arith.addf %scan3A_897, %mul3A_914 : vector<16xf32>
        %mul3A_916 = arith.constant 4 : i32
        %mul3A_917 = arith.muli %scan3A_894, %mul3A_916 : i32
        %add3A_918 = arith.constant 1 : i32
        %add3A_919 = arith.addi %mul3A_917, %add3A_918 : i32
        %add3A_920 = vector.broadcast %add3A_919 : i32 to vector<16xi32>
        %add3A_921 = arith.addi %iota3A, %add3A_920 : vector<16xi32>
        %and3A_922 = arith.constant 63 : i32
        %and3A_923 = vector.broadcast %and3A_922 : i32 to vector<16xi32>
        %and3A_924 = arith.andi %add3A_921, %and3A_923 : vector<16xi32>
        %gather3A_925 = tpu.vector_load_idx %arg11[%broadcast_in_dim3A_306, %and3A_924] : memref<16x64xf32, #tpu.memory_space<vmem>>[vector<16xi32>, vector<16xi32>], vector<16xf32>,
        %gather3A_926 = tpu.vector_load_idx %arg9[%add3A_298, %and3A_924] : memref<512x64xf32, #tpu.memory_space<vmem>>[vector<16xi32>, vector<16xi32>], vector<16xf32>,
        %mul3A_927 = arith.mulf %gather3A_926, %gather3A_925 : vector<16xf32>
        %add3A_928 = arith.addf %add3A_909, %mul3A_927 : vector<16xf32>
        %gather3A_929 = tpu.vector_load_idx %arg9[%add3A_301, %and3A_924] : memref<512x64xf32, #tpu.memory_space<vmem>>[vector<16xi32>, vector<16xi32>], vector<16xf32>,
        %mul3A_930 = arith.mulf %gather3A_929, %gather3A_925 : vector<16xf32>
        %add3A_931 = arith.addf %add3A_912, %mul3A_930 : vector<16xf32>
        %gather3A_932 = tpu.vector_load_idx %arg9[%add3A_304, %and3A_924] : memref<512x64xf32, #tpu.memory_space<vmem>>[vector<16xi32>, vector<16xi32>], vector<16xf32>,
        %mul3A_933 = arith.mulf %gather3A_932, %gather3A_925 : vector<16xf32>
        %add3A_934 = arith.addf %add3A_915, %mul3A_933 : vector<16xf32>
        %mul3A_935 = arith.constant 4 : i32
        %mul3A_936 = arith.muli %scan3A_894, %mul3A_935 : i32
        %add3A_937 = arith.constant 2 : i32
        %add3A_938 = arith.addi %mul3A_936, %add3A_937 : i32
        %add3A_939 = vector.broadcast %add3A_938 : i32 to vector<16xi32>
        %add3A_940 = arith.addi %iota3A, %add3A_939 : vector<16xi32>
        %and3A_941 = arith.constant 63 : i32
        %and3A_942 = vector.broadcast %and3A_941 : i32 to vector<16xi32>
        %and3A_943 = arith.andi %add3A_940, %and3A_942 : vector<16xi32>
        %gather3A_944 = tpu.vector_load_idx %arg11[%broadcast_in_dim3A_306, %and3A_943] : memref<16x64xf32, #tpu.memory_space<vmem>>[vector<16xi32>, vector<16xi32>], vector<16xf32>,
        %gather3A_945 = tpu.vector_load_idx %arg9[%add3A_298, %and3A_943] : memref<512x64xf32, #tpu.memory_space<vmem>>[vector<16xi32>, vector<16xi32>], vector<16xf32>,
        %mul3A_946 = arith.mulf %gather3A_945, %gather3A_944 : vector<16xf32>
        %add3A_947 = arith.addf %add3A_928, %mul3A_946 : vector<16xf32>
        %gather3A_948 = tpu.vector_load_idx %arg9[%add3A_301, %and3A_943] : memref<512x64xf32, #tpu.memory_space<vmem>>[vector<16xi32>, vector<16xi32>], vector<16xf32>,
        %mul3A_949 = arith.mulf %gather3A_948, %gather3A_944 : vector<16xf32>
        %add3A_950 = arith.addf %add3A_931, %mul3A_949 : vector<16xf32>
        %gather3A_951 = tpu.vector_load_idx %arg9[%add3A_304, %and3A_943] : memref<512x64xf32, #tpu.memory_space<vmem>>[vector<16xi32>, vector<16xi32>], vector<16xf32>,
        %mul3A_952 = arith.mulf %gather3A_951, %gather3A_944 : vector<16xf32>
        %add3A_953 = arith.addf %add3A_934, %mul3A_952 : vector<16xf32>
        %mul3A_954 = arith.constant 4 : i32
        %mul3A_955 = arith.muli %scan3A_894, %mul3A_954 : i32
        %add3A_956 = arith.constant 3 : i32
        %add3A_957 = arith.addi %mul3A_955, %add3A_956 : i32
        %add3A_958 = vector.broadcast %add3A_957 : i32 to vector<16xi32>
        %add3A_959 = arith.addi %iota3A, %add3A_958 : vector<16xi32>
        %and3A_960 = arith.constant 63 : i32
        %and3A_961 = vector.broadcast %and3A_960 : i32 to vector<16xi32>
        %and3A_962 = arith.andi %add3A_959, %and3A_961 : vector<16xi32>
        %gather3A_963 = tpu.vector_load_idx %arg11[%broadcast_in_dim3A_306, %and3A_962] : memref<16x64xf32, #tpu.memory_space<vmem>>[vector<16xi32>, vector<16xi32>], vector<16xf32>,
        %gather3A_964 = tpu.vector_load_idx %arg9[%add3A_298, %and3A_962] : memref<512x64xf32, #tpu.memory_space<vmem>>[vector<16xi32>, vector<16xi32>], vector<16xf32>,
        %mul3A_965 = arith.mulf %gather3A_964, %gather3A_963 : vector<16xf32>
        %add3A_966 = arith.addf %add3A_947, %mul3A_965 : vector<16xf32>
        %gather3A_967 = tpu.vector_load_idx %arg9[%add3A_301, %and3A_962] : memref<512x64xf32, #tpu.memory_space<vmem>>[vector<16xi32>, vector<16xi32>], vector<16xf32>,
        %mul3A_968 = arith.mulf %gather3A_967, %gather3A_963 : vector<16xf32>
        %add3A_969 = arith.addf %add3A_950, %mul3A_968 : vector<16xf32>
        %gather3A_970 = tpu.vector_load_idx %arg9[%add3A_304, %and3A_962] : memref<512x64xf32, #tpu.memory_space<vmem>>[vector<16xi32>, vector<16xi32>], vector<16xf32>,
        %mul3A_971 = arith.mulf %gather3A_970, %gather3A_963 : vector<16xf32>
        %add3A_972 = arith.addf %add3A_953, %mul3A_971 : vector<16xf32>
        scf.yield %add3A_966, %add3A_969, %add3A_972 : vector<16xf32>, vector<16xf32>, vector<16xf32>
      }
      %scan3A_323 = arith.constant 16 : i32
      tpu.vector_store_idx %arg12[%add3A_5, %broadcast_in_dim3A_311], %scan3A_322#0 : memref<50x512xf32, #tpu.memory_space<vmem>>[vector<16xi32>, vector<16xi32>], vector<16xf32>,
      tpu.vector_store_idx %arg12[%add3A_8, %broadcast_in_dim3A_311], %scan3A_322#1 : memref<50x512xf32, #tpu.memory_space<vmem>>[vector<16xi32>, vector<16xi32>], vector<16xf32>,
      tpu.vector_store_idx %arg12[%add3A_11, %broadcast_in_dim3A_311], %scan3A_322#2 : memref<50x512xf32, #tpu.memory_space<vmem>>[vector<16xi32>, vector<16xi32>], vector<16xf32>,
      %add3A_324 = arith.constant 256 : i32
      %add3A_325 = vector.broadcast %add3A_324 : i32 to vector<16xi32>
      %add3A_326 = arith.addi %add3A_5, %add3A_325 : vector<16xi32>
      %add3A_327 = arith.constant 256 : i32
      %add3A_328 = vector.broadcast %add3A_327 : i32 to vector<16xi32>
      %add3A_329 = arith.addi %add3A_8, %add3A_328 : vector<16xi32>
      %add3A_330 = arith.constant 256 : i32
      %add3A_331 = vector.broadcast %add3A_330 : i32 to vector<16xi32>
      %add3A_332 = arith.addi %add3A_11, %add3A_331 : vector<16xi32>
      %broadcast_in_dim3A_333 = arith.constant 4 : i32
      %broadcast_in_dim3A_334 = vector.broadcast %broadcast_in_dim3A_333 : i32 to vector<16xi32>
      %mul3A_335 = arith.constant 8 : i32
      %mul3A_336 = arith.muli %add3A_212, %mul3A_335 : i32
      %add3A_337 = arith.constant 4 : i32
      %add3A_338 = arith.addi %mul3A_336, %add3A_337 : i32
      %broadcast_in_dim3A_339 = vector.broadcast %add3A_338 : i32 to vector<16xi32>
      %broadcast_in_dim3A_340 = arith.constant 0.000000e+00 : f32
      %broadcast_in_dim3A_341 = vector.broadcast %broadcast_in_dim3A_340 : f32 to vector<16xf32>
      %broadcast_in_dim3A_342 = arith.constant 0.000000e+00 : f32
      %broadcast_in_dim3A_343 = vector.broadcast %broadcast_in_dim3A_342 : f32 to vector<16xf32>
      %broadcast_in_dim3A_344 = arith.constant 0.000000e+00 : f32
      %broadcast_in_dim3A_345 = vector.broadcast %broadcast_in_dim3A_344 : f32 to vector<16xf32>
      %scan3A_346 = arith.constant 0 : i32
      %scan3A_347 = arith.constant 16 : i32
      %scan3A_348 = arith.addi %scan3A_346, %scan3A_347 : i32
      %scan3A_349 = arith.constant 1 : i32
      %scan3A_350:3 = scf.for %scan3A_894 = %scan3A_346 to %scan3A_348 step %scan3A_349 iter_args(%scan3A_895 = %broadcast_in_dim3A_341, %scan3A_896 = %broadcast_in_dim3A_343, %scan3A_897 = %broadcast_in_dim3A_345) -> (vector<16xf32>, vector<16xf32>, vector<16xf32>)  : i32 {
        %mul3A_898 = arith.constant 4 : i32
        %mul3A_899 = arith.muli %scan3A_894, %mul3A_898 : i32
        %add3A_900 = arith.constant 0 : i32
        %add3A_901 = arith.addi %mul3A_899, %add3A_900 : i32
        %add3A_902 = vector.broadcast %add3A_901 : i32 to vector<16xi32>
        %add3A_903 = arith.addi %iota3A, %add3A_902 : vector<16xi32>
        %and3A_904 = arith.constant 63 : i32
        %and3A_905 = vector.broadcast %and3A_904 : i32 to vector<16xi32>
        %and3A_906 = arith.andi %add3A_903, %and3A_905 : vector<16xi32>
        %gather3A = tpu.vector_load_idx %arg11[%broadcast_in_dim3A_334, %and3A_906] : memref<16x64xf32, #tpu.memory_space<vmem>>[vector<16xi32>, vector<16xi32>], vector<16xf32>,
        %gather3A_907 = tpu.vector_load_idx %arg9[%add3A_326, %and3A_906] : memref<512x64xf32, #tpu.memory_space<vmem>>[vector<16xi32>, vector<16xi32>], vector<16xf32>,
        %mul3A_908 = arith.mulf %gather3A_907, %gather3A : vector<16xf32>
        %add3A_909 = arith.addf %scan3A_895, %mul3A_908 : vector<16xf32>
        %gather3A_910 = tpu.vector_load_idx %arg9[%add3A_329, %and3A_906] : memref<512x64xf32, #tpu.memory_space<vmem>>[vector<16xi32>, vector<16xi32>], vector<16xf32>,
        %mul3A_911 = arith.mulf %gather3A_910, %gather3A : vector<16xf32>
        %add3A_912 = arith.addf %scan3A_896, %mul3A_911 : vector<16xf32>
        %gather3A_913 = tpu.vector_load_idx %arg9[%add3A_332, %and3A_906] : memref<512x64xf32, #tpu.memory_space<vmem>>[vector<16xi32>, vector<16xi32>], vector<16xf32>,
        %mul3A_914 = arith.mulf %gather3A_913, %gather3A : vector<16xf32>
        %add3A_915 = arith.addf %scan3A_897, %mul3A_914 : vector<16xf32>
        %mul3A_916 = arith.constant 4 : i32
        %mul3A_917 = arith.muli %scan3A_894, %mul3A_916 : i32
        %add3A_918 = arith.constant 1 : i32
        %add3A_919 = arith.addi %mul3A_917, %add3A_918 : i32
        %add3A_920 = vector.broadcast %add3A_919 : i32 to vector<16xi32>
        %add3A_921 = arith.addi %iota3A, %add3A_920 : vector<16xi32>
        %and3A_922 = arith.constant 63 : i32
        %and3A_923 = vector.broadcast %and3A_922 : i32 to vector<16xi32>
        %and3A_924 = arith.andi %add3A_921, %and3A_923 : vector<16xi32>
        %gather3A_925 = tpu.vector_load_idx %arg11[%broadcast_in_dim3A_334, %and3A_924] : memref<16x64xf32, #tpu.memory_space<vmem>>[vector<16xi32>, vector<16xi32>], vector<16xf32>,
        %gather3A_926 = tpu.vector_load_idx %arg9[%add3A_326, %and3A_924] : memref<512x64xf32, #tpu.memory_space<vmem>>[vector<16xi32>, vector<16xi32>], vector<16xf32>,
        %mul3A_927 = arith.mulf %gather3A_926, %gather3A_925 : vector<16xf32>
        %add3A_928 = arith.addf %add3A_909, %mul3A_927 : vector<16xf32>
        %gather3A_929 = tpu.vector_load_idx %arg9[%add3A_329, %and3A_924] : memref<512x64xf32, #tpu.memory_space<vmem>>[vector<16xi32>, vector<16xi32>], vector<16xf32>,
        %mul3A_930 = arith.mulf %gather3A_929, %gather3A_925 : vector<16xf32>
        %add3A_931 = arith.addf %add3A_912, %mul3A_930 : vector<16xf32>
        %gather3A_932 = tpu.vector_load_idx %arg9[%add3A_332, %and3A_924] : memref<512x64xf32, #tpu.memory_space<vmem>>[vector<16xi32>, vector<16xi32>], vector<16xf32>,
        %mul3A_933 = arith.mulf %gather3A_932, %gather3A_925 : vector<16xf32>
        %add3A_934 = arith.addf %add3A_915, %mul3A_933 : vector<16xf32>
        %mul3A_935 = arith.constant 4 : i32
        %mul3A_936 = arith.muli %scan3A_894, %mul3A_935 : i32
        %add3A_937 = arith.constant 2 : i32
        %add3A_938 = arith.addi %mul3A_936, %add3A_937 : i32
        %add3A_939 = vector.broadcast %add3A_938 : i32 to vector<16xi32>
        %add3A_940 = arith.addi %iota3A, %add3A_939 : vector<16xi32>
        %and3A_941 = arith.constant 63 : i32
        %and3A_942 = vector.broadcast %and3A_941 : i32 to vector<16xi32>
        %and3A_943 = arith.andi %add3A_940, %and3A_942 : vector<16xi32>
        %gather3A_944 = tpu.vector_load_idx %arg11[%broadcast_in_dim3A_334, %and3A_943] : memref<16x64xf32, #tpu.memory_space<vmem>>[vector<16xi32>, vector<16xi32>], vector<16xf32>,
        %gather3A_945 = tpu.vector_load_idx %arg9[%add3A_326, %and3A_943] : memref<512x64xf32, #tpu.memory_space<vmem>>[vector<16xi32>, vector<16xi32>], vector<16xf32>,
        %mul3A_946 = arith.mulf %gather3A_945, %gather3A_944 : vector<16xf32>
        %add3A_947 = arith.addf %add3A_928, %mul3A_946 : vector<16xf32>
        %gather3A_948 = tpu.vector_load_idx %arg9[%add3A_329, %and3A_943] : memref<512x64xf32, #tpu.memory_space<vmem>>[vector<16xi32>, vector<16xi32>], vector<16xf32>,
        %mul3A_949 = arith.mulf %gather3A_948, %gather3A_944 : vector<16xf32>
        %add3A_950 = arith.addf %add3A_931, %mul3A_949 : vector<16xf32>
        %gather3A_951 = tpu.vector_load_idx %arg9[%add3A_332, %and3A_943] : memref<512x64xf32, #tpu.memory_space<vmem>>[vector<16xi32>, vector<16xi32>], vector<16xf32>,
        %mul3A_952 = arith.mulf %gather3A_951, %gather3A_944 : vector<16xf32>
        %add3A_953 = arith.addf %add3A_934, %mul3A_952 : vector<16xf32>
        %mul3A_954 = arith.constant 4 : i32
        %mul3A_955 = arith.muli %scan3A_894, %mul3A_954 : i32
        %add3A_956 = arith.constant 3 : i32
        %add3A_957 = arith.addi %mul3A_955, %add3A_956 : i32
        %add3A_958 = vector.broadcast %add3A_957 : i32 to vector<16xi32>
        %add3A_959 = arith.addi %iota3A, %add3A_958 : vector<16xi32>
        %and3A_960 = arith.constant 63 : i32
        %and3A_961 = vector.broadcast %and3A_960 : i32 to vector<16xi32>
        %and3A_962 = arith.andi %add3A_959, %and3A_961 : vector<16xi32>
        %gather3A_963 = tpu.vector_load_idx %arg11[%broadcast_in_dim3A_334, %and3A_962] : memref<16x64xf32, #tpu.memory_space<vmem>>[vector<16xi32>, vector<16xi32>], vector<16xf32>,
        %gather3A_964 = tpu.vector_load_idx %arg9[%add3A_326, %and3A_962] : memref<512x64xf32, #tpu.memory_space<vmem>>[vector<16xi32>, vector<16xi32>], vector<16xf32>,
        %mul3A_965 = arith.mulf %gather3A_964, %gather3A_963 : vector<16xf32>
        %add3A_966 = arith.addf %add3A_947, %mul3A_965 : vector<16xf32>
        %gather3A_967 = tpu.vector_load_idx %arg9[%add3A_329, %and3A_962] : memref<512x64xf32, #tpu.memory_space<vmem>>[vector<16xi32>, vector<16xi32>], vector<16xf32>,
        %mul3A_968 = arith.mulf %gather3A_967, %gather3A_963 : vector<16xf32>
        %add3A_969 = arith.addf %add3A_950, %mul3A_968 : vector<16xf32>
        %gather3A_970 = tpu.vector_load_idx %arg9[%add3A_332, %and3A_962] : memref<512x64xf32, #tpu.memory_space<vmem>>[vector<16xi32>, vector<16xi32>], vector<16xf32>,
        %mul3A_971 = arith.mulf %gather3A_970, %gather3A_963 : vector<16xf32>
        %add3A_972 = arith.addf %add3A_953, %mul3A_971 : vector<16xf32>
        scf.yield %add3A_966, %add3A_969, %add3A_972 : vector<16xf32>, vector<16xf32>, vector<16xf32>
      }
      %scan3A_351 = arith.constant 16 : i32
      tpu.vector_store_idx %arg12[%add3A_5, %broadcast_in_dim3A_339], %scan3A_350#0 : memref<50x512xf32, #tpu.memory_space<vmem>>[vector<16xi32>, vector<16xi32>], vector<16xf32>,
      tpu.vector_store_idx %arg12[%add3A_8, %broadcast_in_dim3A_339], %scan3A_350#1 : memref<50x512xf32, #tpu.memory_space<vmem>>[vector<16xi32>, vector<16xi32>], vector<16xf32>,
      tpu.vector_store_idx %arg12[%add3A_11, %broadcast_in_dim3A_339], %scan3A_350#2 : memref<50x512xf32, #tpu.memory_space<vmem>>[vector<16xi32>, vector<16xi32>], vector<16xf32>,
      %add3A_352 = arith.constant 320 : i32
      %add3A_353 = vector.broadcast %add3A_352 : i32 to vector<16xi32>
      %add3A_354 = arith.addi %add3A_5, %add3A_353 : vector<16xi32>
      %add3A_355 = arith.constant 320 : i32
      %add3A_356 = vector.broadcast %add3A_355 : i32 to vector<16xi32>
      %add3A_357 = arith.addi %add3A_8, %add3A_356 : vector<16xi32>
      %add3A_358 = arith.constant 320 : i32
      %add3A_359 = vector.broadcast %add3A_358 : i32 to vector<16xi32>
      %add3A_360 = arith.addi %add3A_11, %add3A_359 : vector<16xi32>
      %broadcast_in_dim3A_361 = arith.constant 5 : i32
      %broadcast_in_dim3A_362 = vector.broadcast %broadcast_in_dim3A_361 : i32 to vector<16xi32>
      %mul3A_363 = arith.constant 8 : i32
      %mul3A_364 = arith.muli %add3A_212, %mul3A_363 : i32
      %add3A_365 = arith.constant 5 : i32
      %add3A_366 = arith.addi %mul3A_364, %add3A_365 : i32
      %broadcast_in_dim3A_367 = vector.broadcast %add3A_366 : i32 to vector<16xi32>
      %broadcast_in_dim3A_368 = arith.constant 0.000000e+00 : f32
      %broadcast_in_dim3A_369 = vector.broadcast %broadcast_in_dim3A_368 : f32 to vector<16xf32>
      %broadcast_in_dim3A_370 = arith.constant 0.000000e+00 : f32
      %broadcast_in_dim3A_371 = vector.broadcast %broadcast_in_dim3A_370 : f32 to vector<16xf32>
      %broadcast_in_dim3A_372 = arith.constant 0.000000e+00 : f32
      %broadcast_in_dim3A_373 = vector.broadcast %broadcast_in_dim3A_372 : f32 to vector<16xf32>
      %scan3A_374 = arith.constant 0 : i32
      %scan3A_375 = arith.constant 16 : i32
      %scan3A_376 = arith.addi %scan3A_374, %scan3A_375 : i32
      %scan3A_377 = arith.constant 1 : i32
      %scan3A_378:3 = scf.for %scan3A_894 = %scan3A_374 to %scan3A_376 step %scan3A_377 iter_args(%scan3A_895 = %broadcast_in_dim3A_369, %scan3A_896 = %broadcast_in_dim3A_371, %scan3A_897 = %broadcast_in_dim3A_373) -> (vector<16xf32>, vector<16xf32>, vector<16xf32>)  : i32 {
        %mul3A_898 = arith.constant 4 : i32
        %mul3A_899 = arith.muli %scan3A_894, %mul3A_898 : i32
        %add3A_900 = arith.constant 0 : i32
        %add3A_901 = arith.addi %mul3A_899, %add3A_900 : i32
        %add3A_902 = vector.broadcast %add3A_901 : i32 to vector<16xi32>
        %add3A_903 = arith.addi %iota3A, %add3A_902 : vector<16xi32>
        %and3A_904 = arith.constant 63 : i32
        %and3A_905 = vector.broadcast %and3A_904 : i32 to vector<16xi32>
        %and3A_906 = arith.andi %add3A_903, %and3A_905 : vector<16xi32>
        %gather3A = tpu.vector_load_idx %arg11[%broadcast_in_dim3A_362, %and3A_906] : memref<16x64xf32, #tpu.memory_space<vmem>>[vector<16xi32>, vector<16xi32>], vector<16xf32>,
        %gather3A_907 = tpu.vector_load_idx %arg9[%add3A_354, %and3A_906] : memref<512x64xf32, #tpu.memory_space<vmem>>[vector<16xi32>, vector<16xi32>], vector<16xf32>,
        %mul3A_908 = arith.mulf %gather3A_907, %gather3A : vector<16xf32>
        %add3A_909 = arith.addf %scan3A_895, %mul3A_908 : vector<16xf32>
        %gather3A_910 = tpu.vector_load_idx %arg9[%add3A_357, %and3A_906] : memref<512x64xf32, #tpu.memory_space<vmem>>[vector<16xi32>, vector<16xi32>], vector<16xf32>,
        %mul3A_911 = arith.mulf %gather3A_910, %gather3A : vector<16xf32>
        %add3A_912 = arith.addf %scan3A_896, %mul3A_911 : vector<16xf32>
        %gather3A_913 = tpu.vector_load_idx %arg9[%add3A_360, %and3A_906] : memref<512x64xf32, #tpu.memory_space<vmem>>[vector<16xi32>, vector<16xi32>], vector<16xf32>,
        %mul3A_914 = arith.mulf %gather3A_913, %gather3A : vector<16xf32>
        %add3A_915 = arith.addf %scan3A_897, %mul3A_914 : vector<16xf32>
        %mul3A_916 = arith.constant 4 : i32
        %mul3A_917 = arith.muli %scan3A_894, %mul3A_916 : i32
        %add3A_918 = arith.constant 1 : i32
        %add3A_919 = arith.addi %mul3A_917, %add3A_918 : i32
        %add3A_920 = vector.broadcast %add3A_919 : i32 to vector<16xi32>
        %add3A_921 = arith.addi %iota3A, %add3A_920 : vector<16xi32>
        %and3A_922 = arith.constant 63 : i32
        %and3A_923 = vector.broadcast %and3A_922 : i32 to vector<16xi32>
        %and3A_924 = arith.andi %add3A_921, %and3A_923 : vector<16xi32>
        %gather3A_925 = tpu.vector_load_idx %arg11[%broadcast_in_dim3A_362, %and3A_924] : memref<16x64xf32, #tpu.memory_space<vmem>>[vector<16xi32>, vector<16xi32>], vector<16xf32>,
        %gather3A_926 = tpu.vector_load_idx %arg9[%add3A_354, %and3A_924] : memref<512x64xf32, #tpu.memory_space<vmem>>[vector<16xi32>, vector<16xi32>], vector<16xf32>,
        %mul3A_927 = arith.mulf %gather3A_926, %gather3A_925 : vector<16xf32>
        %add3A_928 = arith.addf %add3A_909, %mul3A_927 : vector<16xf32>
        %gather3A_929 = tpu.vector_load_idx %arg9[%add3A_357, %and3A_924] : memref<512x64xf32, #tpu.memory_space<vmem>>[vector<16xi32>, vector<16xi32>], vector<16xf32>,
        %mul3A_930 = arith.mulf %gather3A_929, %gather3A_925 : vector<16xf32>
        %add3A_931 = arith.addf %add3A_912, %mul3A_930 : vector<16xf32>
        %gather3A_932 = tpu.vector_load_idx %arg9[%add3A_360, %and3A_924] : memref<512x64xf32, #tpu.memory_space<vmem>>[vector<16xi32>, vector<16xi32>], vector<16xf32>,
        %mul3A_933 = arith.mulf %gather3A_932, %gather3A_925 : vector<16xf32>
        %add3A_934 = arith.addf %add3A_915, %mul3A_933 : vector<16xf32>
        %mul3A_935 = arith.constant 4 : i32
        %mul3A_936 = arith.muli %scan3A_894, %mul3A_935 : i32
        %add3A_937 = arith.constant 2 : i32
        %add3A_938 = arith.addi %mul3A_936, %add3A_937 : i32
        %add3A_939 = vector.broadcast %add3A_938 : i32 to vector<16xi32>
        %add3A_940 = arith.addi %iota3A, %add3A_939 : vector<16xi32>
        %and3A_941 = arith.constant 63 : i32
        %and3A_942 = vector.broadcast %and3A_941 : i32 to vector<16xi32>
        %and3A_943 = arith.andi %add3A_940, %and3A_942 : vector<16xi32>
        %gather3A_944 = tpu.vector_load_idx %arg11[%broadcast_in_dim3A_362, %and3A_943] : memref<16x64xf32, #tpu.memory_space<vmem>>[vector<16xi32>, vector<16xi32>], vector<16xf32>,
        %gather3A_945 = tpu.vector_load_idx %arg9[%add3A_354, %and3A_943] : memref<512x64xf32, #tpu.memory_space<vmem>>[vector<16xi32>, vector<16xi32>], vector<16xf32>,
        %mul3A_946 = arith.mulf %gather3A_945, %gather3A_944 : vector<16xf32>
        %add3A_947 = arith.addf %add3A_928, %mul3A_946 : vector<16xf32>
        %gather3A_948 = tpu.vector_load_idx %arg9[%add3A_357, %and3A_943] : memref<512x64xf32, #tpu.memory_space<vmem>>[vector<16xi32>, vector<16xi32>], vector<16xf32>,
        %mul3A_949 = arith.mulf %gather3A_948, %gather3A_944 : vector<16xf32>
        %add3A_950 = arith.addf %add3A_931, %mul3A_949 : vector<16xf32>
        %gather3A_951 = tpu.vector_load_idx %arg9[%add3A_360, %and3A_943] : memref<512x64xf32, #tpu.memory_space<vmem>>[vector<16xi32>, vector<16xi32>], vector<16xf32>,
        %mul3A_952 = arith.mulf %gather3A_951, %gather3A_944 : vector<16xf32>
        %add3A_953 = arith.addf %add3A_934, %mul3A_952 : vector<16xf32>
        %mul3A_954 = arith.constant 4 : i32
        %mul3A_955 = arith.muli %scan3A_894, %mul3A_954 : i32
        %add3A_956 = arith.constant 3 : i32
        %add3A_957 = arith.addi %mul3A_955, %add3A_956 : i32
        %add3A_958 = vector.broadcast %add3A_957 : i32 to vector<16xi32>
        %add3A_959 = arith.addi %iota3A, %add3A_958 : vector<16xi32>
        %and3A_960 = arith.constant 63 : i32
        %and3A_961 = vector.broadcast %and3A_960 : i32 to vector<16xi32>
        %and3A_962 = arith.andi %add3A_959, %and3A_961 : vector<16xi32>
        %gather3A_963 = tpu.vector_load_idx %arg11[%broadcast_in_dim3A_362, %and3A_962] : memref<16x64xf32, #tpu.memory_space<vmem>>[vector<16xi32>, vector<16xi32>], vector<16xf32>,
        %gather3A_964 = tpu.vector_load_idx %arg9[%add3A_354, %and3A_962] : memref<512x64xf32, #tpu.memory_space<vmem>>[vector<16xi32>, vector<16xi32>], vector<16xf32>,
        %mul3A_965 = arith.mulf %gather3A_964, %gather3A_963 : vector<16xf32>
        %add3A_966 = arith.addf %add3A_947, %mul3A_965 : vector<16xf32>
        %gather3A_967 = tpu.vector_load_idx %arg9[%add3A_357, %and3A_962] : memref<512x64xf32, #tpu.memory_space<vmem>>[vector<16xi32>, vector<16xi32>], vector<16xf32>,
        %mul3A_968 = arith.mulf %gather3A_967, %gather3A_963 : vector<16xf32>
        %add3A_969 = arith.addf %add3A_950, %mul3A_968 : vector<16xf32>
        %gather3A_970 = tpu.vector_load_idx %arg9[%add3A_360, %and3A_962] : memref<512x64xf32, #tpu.memory_space<vmem>>[vector<16xi32>, vector<16xi32>], vector<16xf32>,
        %mul3A_971 = arith.mulf %gather3A_970, %gather3A_963 : vector<16xf32>
        %add3A_972 = arith.addf %add3A_953, %mul3A_971 : vector<16xf32>
        scf.yield %add3A_966, %add3A_969, %add3A_972 : vector<16xf32>, vector<16xf32>, vector<16xf32>
      }
      %scan3A_379 = arith.constant 16 : i32
      tpu.vector_store_idx %arg12[%add3A_5, %broadcast_in_dim3A_367], %scan3A_378#0 : memref<50x512xf32, #tpu.memory_space<vmem>>[vector<16xi32>, vector<16xi32>], vector<16xf32>,
      tpu.vector_store_idx %arg12[%add3A_8, %broadcast_in_dim3A_367], %scan3A_378#1 : memref<50x512xf32, #tpu.memory_space<vmem>>[vector<16xi32>, vector<16xi32>], vector<16xf32>,
      tpu.vector_store_idx %arg12[%add3A_11, %broadcast_in_dim3A_367], %scan3A_378#2 : memref<50x512xf32, #tpu.memory_space<vmem>>[vector<16xi32>, vector<16xi32>], vector<16xf32>,
      %add3A_380 = arith.constant 384 : i32
      %add3A_381 = vector.broadcast %add3A_380 : i32 to vector<16xi32>
      %add3A_382 = arith.addi %add3A_5, %add3A_381 : vector<16xi32>
      %add3A_383 = arith.constant 384 : i32
      %add3A_384 = vector.broadcast %add3A_383 : i32 to vector<16xi32>
      %add3A_385 = arith.addi %add3A_8, %add3A_384 : vector<16xi32>
      %add3A_386 = arith.constant 384 : i32
      %add3A_387 = vector.broadcast %add3A_386 : i32 to vector<16xi32>
      %add3A_388 = arith.addi %add3A_11, %add3A_387 : vector<16xi32>
      %broadcast_in_dim3A_389 = arith.constant 6 : i32
      %broadcast_in_dim3A_390 = vector.broadcast %broadcast_in_dim3A_389 : i32 to vector<16xi32>
      %mul3A_391 = arith.constant 8 : i32
      %mul3A_392 = arith.muli %add3A_212, %mul3A_391 : i32
      %add3A_393 = arith.constant 6 : i32
      %add3A_394 = arith.addi %mul3A_392, %add3A_393 : i32
      %broadcast_in_dim3A_395 = vector.broadcast %add3A_394 : i32 to vector<16xi32>
      %broadcast_in_dim3A_396 = arith.constant 0.000000e+00 : f32
      %broadcast_in_dim3A_397 = vector.broadcast %broadcast_in_dim3A_396 : f32 to vector<16xf32>
      %broadcast_in_dim3A_398 = arith.constant 0.000000e+00 : f32
      %broadcast_in_dim3A_399 = vector.broadcast %broadcast_in_dim3A_398 : f32 to vector<16xf32>
      %broadcast_in_dim3A_400 = arith.constant 0.000000e+00 : f32
      %broadcast_in_dim3A_401 = vector.broadcast %broadcast_in_dim3A_400 : f32 to vector<16xf32>
      %scan3A_402 = arith.constant 0 : i32
      %scan3A_403 = arith.constant 16 : i32
      %scan3A_404 = arith.addi %scan3A_402, %scan3A_403 : i32
      %scan3A_405 = arith.constant 1 : i32
      %scan3A_406:3 = scf.for %scan3A_894 = %scan3A_402 to %scan3A_404 step %scan3A_405 iter_args(%scan3A_895 = %broadcast_in_dim3A_397, %scan3A_896 = %broadcast_in_dim3A_399, %scan3A_897 = %broadcast_in_dim3A_401) -> (vector<16xf32>, vector<16xf32>, vector<16xf32>)  : i32 {
        %mul3A_898 = arith.constant 4 : i32
        %mul3A_899 = arith.muli %scan3A_894, %mul3A_898 : i32
        %add3A_900 = arith.constant 0 : i32
        %add3A_901 = arith.addi %mul3A_899, %add3A_900 : i32
        %add3A_902 = vector.broadcast %add3A_901 : i32 to vector<16xi32>
        %add3A_903 = arith.addi %iota3A, %add3A_902 : vector<16xi32>
        %and3A_904 = arith.constant 63 : i32
        %and3A_905 = vector.broadcast %and3A_904 : i32 to vector<16xi32>
        %and3A_906 = arith.andi %add3A_903, %and3A_905 : vector<16xi32>
        %gather3A = tpu.vector_load_idx %arg11[%broadcast_in_dim3A_390, %and3A_906] : memref<16x64xf32, #tpu.memory_space<vmem>>[vector<16xi32>, vector<16xi32>], vector<16xf32>,
        %gather3A_907 = tpu.vector_load_idx %arg9[%add3A_382, %and3A_906] : memref<512x64xf32, #tpu.memory_space<vmem>>[vector<16xi32>, vector<16xi32>], vector<16xf32>,
        %mul3A_908 = arith.mulf %gather3A_907, %gather3A : vector<16xf32>
        %add3A_909 = arith.addf %scan3A_895, %mul3A_908 : vector<16xf32>
        %gather3A_910 = tpu.vector_load_idx %arg9[%add3A_385, %and3A_906] : memref<512x64xf32, #tpu.memory_space<vmem>>[vector<16xi32>, vector<16xi32>], vector<16xf32>,
        %mul3A_911 = arith.mulf %gather3A_910, %gather3A : vector<16xf32>
        %add3A_912 = arith.addf %scan3A_896, %mul3A_911 : vector<16xf32>
        %gather3A_913 = tpu.vector_load_idx %arg9[%add3A_388, %and3A_906] : memref<512x64xf32, #tpu.memory_space<vmem>>[vector<16xi32>, vector<16xi32>], vector<16xf32>,
        %mul3A_914 = arith.mulf %gather3A_913, %gather3A : vector<16xf32>
        %add3A_915 = arith.addf %scan3A_897, %mul3A_914 : vector<16xf32>
        %mul3A_916 = arith.constant 4 : i32
        %mul3A_917 = arith.muli %scan3A_894, %mul3A_916 : i32
        %add3A_918 = arith.constant 1 : i32
        %add3A_919 = arith.addi %mul3A_917, %add3A_918 : i32
        %add3A_920 = vector.broadcast %add3A_919 : i32 to vector<16xi32>
        %add3A_921 = arith.addi %iota3A, %add3A_920 : vector<16xi32>
        %and3A_922 = arith.constant 63 : i32
        %and3A_923 = vector.broadcast %and3A_922 : i32 to vector<16xi32>
        %and3A_924 = arith.andi %add3A_921, %and3A_923 : vector<16xi32>
        %gather3A_925 = tpu.vector_load_idx %arg11[%broadcast_in_dim3A_390, %and3A_924] : memref<16x64xf32, #tpu.memory_space<vmem>>[vector<16xi32>, vector<16xi32>], vector<16xf32>,
        %gather3A_926 = tpu.vector_load_idx %arg9[%add3A_382, %and3A_924] : memref<512x64xf32, #tpu.memory_space<vmem>>[vector<16xi32>, vector<16xi32>], vector<16xf32>,
        %mul3A_927 = arith.mulf %gather3A_926, %gather3A_925 : vector<16xf32>
        %add3A_928 = arith.addf %add3A_909, %mul3A_927 : vector<16xf32>
        %gather3A_929 = tpu.vector_load_idx %arg9[%add3A_385, %and3A_924] : memref<512x64xf32, #tpu.memory_space<vmem>>[vector<16xi32>, vector<16xi32>], vector<16xf32>,
        %mul3A_930 = arith.mulf %gather3A_929, %gather3A_925 : vector<16xf32>
        %add3A_931 = arith.addf %add3A_912, %mul3A_930 : vector<16xf32>
        %gather3A_932 = tpu.vector_load_idx %arg9[%add3A_388, %and3A_924] : memref<512x64xf32, #tpu.memory_space<vmem>>[vector<16xi32>, vector<16xi32>], vector<16xf32>,
        %mul3A_933 = arith.mulf %gather3A_932, %gather3A_925 : vector<16xf32>
        %add3A_934 = arith.addf %add3A_915, %mul3A_933 : vector<16xf32>
        %mul3A_935 = arith.constant 4 : i32
        %mul3A_936 = arith.muli %scan3A_894, %mul3A_935 : i32
        %add3A_937 = arith.constant 2 : i32
        %add3A_938 = arith.addi %mul3A_936, %add3A_937 : i32
        %add3A_939 = vector.broadcast %add3A_938 : i32 to vector<16xi32>
        %add3A_940 = arith.addi %iota3A, %add3A_939 : vector<16xi32>
        %and3A_941 = arith.constant 63 : i32
        %and3A_942 = vector.broadcast %and3A_941 : i32 to vector<16xi32>
        %and3A_943 = arith.andi %add3A_940, %and3A_942 : vector<16xi32>
        %gather3A_944 = tpu.vector_load_idx %arg11[%broadcast_in_dim3A_390, %and3A_943] : memref<16x64xf32, #tpu.memory_space<vmem>>[vector<16xi32>, vector<16xi32>], vector<16xf32>,
        %gather3A_945 = tpu.vector_load_idx %arg9[%add3A_382, %and3A_943] : memref<512x64xf32, #tpu.memory_space<vmem>>[vector<16xi32>, vector<16xi32>], vector<16xf32>,
        %mul3A_946 = arith.mulf %gather3A_945, %gather3A_944 : vector<16xf32>
        %add3A_947 = arith.addf %add3A_928, %mul3A_946 : vector<16xf32>
        %gather3A_948 = tpu.vector_load_idx %arg9[%add3A_385, %and3A_943] : memref<512x64xf32, #tpu.memory_space<vmem>>[vector<16xi32>, vector<16xi32>], vector<16xf32>,
        %mul3A_949 = arith.mulf %gather3A_948, %gather3A_944 : vector<16xf32>
        %add3A_950 = arith.addf %add3A_931, %mul3A_949 : vector<16xf32>
        %gather3A_951 = tpu.vector_load_idx %arg9[%add3A_388, %and3A_943] : memref<512x64xf32, #tpu.memory_space<vmem>>[vector<16xi32>, vector<16xi32>], vector<16xf32>,
        %mul3A_952 = arith.mulf %gather3A_951, %gather3A_944 : vector<16xf32>
        %add3A_953 = arith.addf %add3A_934, %mul3A_952 : vector<16xf32>
        %mul3A_954 = arith.constant 4 : i32
        %mul3A_955 = arith.muli %scan3A_894, %mul3A_954 : i32
        %add3A_956 = arith.constant 3 : i32
        %add3A_957 = arith.addi %mul3A_955, %add3A_956 : i32
        %add3A_958 = vector.broadcast %add3A_957 : i32 to vector<16xi32>
        %add3A_959 = arith.addi %iota3A, %add3A_958 : vector<16xi32>
        %and3A_960 = arith.constant 63 : i32
        %and3A_961 = vector.broadcast %and3A_960 : i32 to vector<16xi32>
        %and3A_962 = arith.andi %add3A_959, %and3A_961 : vector<16xi32>
        %gather3A_963 = tpu.vector_load_idx %arg11[%broadcast_in_dim3A_390, %and3A_962] : memref<16x64xf32, #tpu.memory_space<vmem>>[vector<16xi32>, vector<16xi32>], vector<16xf32>,
        %gather3A_964 = tpu.vector_load_idx %arg9[%add3A_382, %and3A_962] : memref<512x64xf32, #tpu.memory_space<vmem>>[vector<16xi32>, vector<16xi32>], vector<16xf32>,
        %mul3A_965 = arith.mulf %gather3A_964, %gather3A_963 : vector<16xf32>
        %add3A_966 = arith.addf %add3A_947, %mul3A_965 : vector<16xf32>
        %gather3A_967 = tpu.vector_load_idx %arg9[%add3A_385, %and3A_962] : memref<512x64xf32, #tpu.memory_space<vmem>>[vector<16xi32>, vector<16xi32>], vector<16xf32>,
        %mul3A_968 = arith.mulf %gather3A_967, %gather3A_963 : vector<16xf32>
        %add3A_969 = arith.addf %add3A_950, %mul3A_968 : vector<16xf32>
        %gather3A_970 = tpu.vector_load_idx %arg9[%add3A_388, %and3A_962] : memref<512x64xf32, #tpu.memory_space<vmem>>[vector<16xi32>, vector<16xi32>], vector<16xf32>,
        %mul3A_971 = arith.mulf %gather3A_970, %gather3A_963 : vector<16xf32>
        %add3A_972 = arith.addf %add3A_953, %mul3A_971 : vector<16xf32>
        scf.yield %add3A_966, %add3A_969, %add3A_972 : vector<16xf32>, vector<16xf32>, vector<16xf32>
      }
      %scan3A_407 = arith.constant 16 : i32
      tpu.vector_store_idx %arg12[%add3A_5, %broadcast_in_dim3A_395], %scan3A_406#0 : memref<50x512xf32, #tpu.memory_space<vmem>>[vector<16xi32>, vector<16xi32>], vector<16xf32>,
      tpu.vector_store_idx %arg12[%add3A_8, %broadcast_in_dim3A_395], %scan3A_406#1 : memref<50x512xf32, #tpu.memory_space<vmem>>[vector<16xi32>, vector<16xi32>], vector<16xf32>,
      tpu.vector_store_idx %arg12[%add3A_11, %broadcast_in_dim3A_395], %scan3A_406#2 : memref<50x512xf32, #tpu.memory_space<vmem>>[vector<16xi32>, vector<16xi32>], vector<16xf32>,
      %add3A_408 = arith.constant 448 : i32
      %add3A_409 = vector.broadcast %add3A_408 : i32 to vector<16xi32>
      %add3A_410 = arith.addi %add3A_5, %add3A_409 : vector<16xi32>
      %add3A_411 = arith.constant 448 : i32
      %add3A_412 = vector.broadcast %add3A_411 : i32 to vector<16xi32>
      %add3A_413 = arith.addi %add3A_8, %add3A_412 : vector<16xi32>
      %add3A_414 = arith.constant 448 : i32
      %add3A_415 = vector.broadcast %add3A_414 : i32 to vector<16xi32>
      %add3A_416 = arith.addi %add3A_11, %add3A_415 : vector<16xi32>
      %broadcast_in_dim3A_417 = arith.constant 7 : i32
      %broadcast_in_dim3A_418 = vector.broadcast %broadcast_in_dim3A_417 : i32 to vector<16xi32>
      %mul3A_419 = arith.constant 8 : i32
      %mul3A_420 = arith.muli %add3A_212, %mul3A_419 : i32
      %add3A_421 = arith.constant 7 : i32
      %add3A_422 = arith.addi %mul3A_420, %add3A_421 : i32
      %broadcast_in_dim3A_423 = vector.broadcast %add3A_422 : i32 to vector<16xi32>
      %broadcast_in_dim3A_424 = arith.constant 0.000000e+00 : f32
      %broadcast_in_dim3A_425 = vector.broadcast %broadcast_in_dim3A_424 : f32 to vector<16xf32>
      %broadcast_in_dim3A_426 = arith.constant 0.000000e+00 : f32
      %broadcast_in_dim3A_427 = vector.broadcast %broadcast_in_dim3A_426 : f32 to vector<16xf32>
      %broadcast_in_dim3A_428 = arith.constant 0.000000e+00 : f32
      %broadcast_in_dim3A_429 = vector.broadcast %broadcast_in_dim3A_428 : f32 to vector<16xf32>
      %scan3A_430 = arith.constant 0 : i32
      %scan3A_431 = arith.constant 16 : i32
      %scan3A_432 = arith.addi %scan3A_430, %scan3A_431 : i32
      %scan3A_433 = arith.constant 1 : i32
      %scan3A_434:3 = scf.for %scan3A_894 = %scan3A_430 to %scan3A_432 step %scan3A_433 iter_args(%scan3A_895 = %broadcast_in_dim3A_425, %scan3A_896 = %broadcast_in_dim3A_427, %scan3A_897 = %broadcast_in_dim3A_429) -> (vector<16xf32>, vector<16xf32>, vector<16xf32>)  : i32 {
        %mul3A_898 = arith.constant 4 : i32
        %mul3A_899 = arith.muli %scan3A_894, %mul3A_898 : i32
        %add3A_900 = arith.constant 0 : i32
        %add3A_901 = arith.addi %mul3A_899, %add3A_900 : i32
        %add3A_902 = vector.broadcast %add3A_901 : i32 to vector<16xi32>
        %add3A_903 = arith.addi %iota3A, %add3A_902 : vector<16xi32>
        %and3A_904 = arith.constant 63 : i32
        %and3A_905 = vector.broadcast %and3A_904 : i32 to vector<16xi32>
        %and3A_906 = arith.andi %add3A_903, %and3A_905 : vector<16xi32>
        %gather3A = tpu.vector_load_idx %arg11[%broadcast_in_dim3A_418, %and3A_906] : memref<16x64xf32, #tpu.memory_space<vmem>>[vector<16xi32>, vector<16xi32>], vector<16xf32>,
        %gather3A_907 = tpu.vector_load_idx %arg9[%add3A_410, %and3A_906] : memref<512x64xf32, #tpu.memory_space<vmem>>[vector<16xi32>, vector<16xi32>], vector<16xf32>,
        %mul3A_908 = arith.mulf %gather3A_907, %gather3A : vector<16xf32>
        %add3A_909 = arith.addf %scan3A_895, %mul3A_908 : vector<16xf32>
        %gather3A_910 = tpu.vector_load_idx %arg9[%add3A_413, %and3A_906] : memref<512x64xf32, #tpu.memory_space<vmem>>[vector<16xi32>, vector<16xi32>], vector<16xf32>,
        %mul3A_911 = arith.mulf %gather3A_910, %gather3A : vector<16xf32>
        %add3A_912 = arith.addf %scan3A_896, %mul3A_911 : vector<16xf32>
        %gather3A_913 = tpu.vector_load_idx %arg9[%add3A_416, %and3A_906] : memref<512x64xf32, #tpu.memory_space<vmem>>[vector<16xi32>, vector<16xi32>], vector<16xf32>,
        %mul3A_914 = arith.mulf %gather3A_913, %gather3A : vector<16xf32>
        %add3A_915 = arith.addf %scan3A_897, %mul3A_914 : vector<16xf32>
        %mul3A_916 = arith.constant 4 : i32
        %mul3A_917 = arith.muli %scan3A_894, %mul3A_916 : i32
        %add3A_918 = arith.constant 1 : i32
        %add3A_919 = arith.addi %mul3A_917, %add3A_918 : i32
        %add3A_920 = vector.broadcast %add3A_919 : i32 to vector<16xi32>
        %add3A_921 = arith.addi %iota3A, %add3A_920 : vector<16xi32>
        %and3A_922 = arith.constant 63 : i32
        %and3A_923 = vector.broadcast %and3A_922 : i32 to vector<16xi32>
        %and3A_924 = arith.andi %add3A_921, %and3A_923 : vector<16xi32>
        %gather3A_925 = tpu.vector_load_idx %arg11[%broadcast_in_dim3A_418, %and3A_924] : memref<16x64xf32, #tpu.memory_space<vmem>>[vector<16xi32>, vector<16xi32>], vector<16xf32>,
        %gather3A_926 = tpu.vector_load_idx %arg9[%add3A_410, %and3A_924] : memref<512x64xf32, #tpu.memory_space<vmem>>[vector<16xi32>, vector<16xi32>], vector<16xf32>,
        %mul3A_927 = arith.mulf %gather3A_926, %gather3A_925 : vector<16xf32>
        %add3A_928 = arith.addf %add3A_909, %mul3A_927 : vector<16xf32>
        %gather3A_929 = tpu.vector_load_idx %arg9[%add3A_413, %and3A_924] : memref<512x64xf32, #tpu.memory_space<vmem>>[vector<16xi32>, vector<16xi32>], vector<16xf32>,
        %mul3A_930 = arith.mulf %gather3A_929, %gather3A_925 : vector<16xf32>
        %add3A_931 = arith.addf %add3A_912, %mul3A_930 : vector<16xf32>
        %gather3A_932 = tpu.vector_load_idx %arg9[%add3A_416, %and3A_924] : memref<512x64xf32, #tpu.memory_space<vmem>>[vector<16xi32>, vector<16xi32>], vector<16xf32>,
        %mul3A_933 = arith.mulf %gather3A_932, %gather3A_925 : vector<16xf32>
        %add3A_934 = arith.addf %add3A_915, %mul3A_933 : vector<16xf32>
        %mul3A_935 = arith.constant 4 : i32
        %mul3A_936 = arith.muli %scan3A_894, %mul3A_935 : i32
        %add3A_937 = arith.constant 2 : i32
        %add3A_938 = arith.addi %mul3A_936, %add3A_937 : i32
        %add3A_939 = vector.broadcast %add3A_938 : i32 to vector<16xi32>
        %add3A_940 = arith.addi %iota3A, %add3A_939 : vector<16xi32>
        %and3A_941 = arith.constant 63 : i32
        %and3A_942 = vector.broadcast %and3A_941 : i32 to vector<16xi32>
        %and3A_943 = arith.andi %add3A_940, %and3A_942 : vector<16xi32>
        %gather3A_944 = tpu.vector_load_idx %arg11[%broadcast_in_dim3A_418, %and3A_943] : memref<16x64xf32, #tpu.memory_space<vmem>>[vector<16xi32>, vector<16xi32>], vector<16xf32>,
        %gather3A_945 = tpu.vector_load_idx %arg9[%add3A_410, %and3A_943] : memref<512x64xf32, #tpu.memory_space<vmem>>[vector<16xi32>, vector<16xi32>], vector<16xf32>,
        %mul3A_946 = arith.mulf %gather3A_945, %gather3A_944 : vector<16xf32>
        %add3A_947 = arith.addf %add3A_928, %mul3A_946 : vector<16xf32>
        %gather3A_948 = tpu.vector_load_idx %arg9[%add3A_413, %and3A_943] : memref<512x64xf32, #tpu.memory_space<vmem>>[vector<16xi32>, vector<16xi32>], vector<16xf32>,
        %mul3A_949 = arith.mulf %gather3A_948, %gather3A_944 : vector<16xf32>
        %add3A_950 = arith.addf %add3A_931, %mul3A_949 : vector<16xf32>
        %gather3A_951 = tpu.vector_load_idx %arg9[%add3A_416, %and3A_943] : memref<512x64xf32, #tpu.memory_space<vmem>>[vector<16xi32>, vector<16xi32>], vector<16xf32>,
        %mul3A_952 = arith.mulf %gather3A_951, %gather3A_944 : vector<16xf32>
        %add3A_953 = arith.addf %add3A_934, %mul3A_952 : vector<16xf32>
        %mul3A_954 = arith.constant 4 : i32
        %mul3A_955 = arith.muli %scan3A_894, %mul3A_954 : i32
        %add3A_956 = arith.constant 3 : i32
        %add3A_957 = arith.addi %mul3A_955, %add3A_956 : i32
        %add3A_958 = vector.broadcast %add3A_957 : i32 to vector<16xi32>
        %add3A_959 = arith.addi %iota3A, %add3A_958 : vector<16xi32>
        %and3A_960 = arith.constant 63 : i32
        %and3A_961 = vector.broadcast %and3A_960 : i32 to vector<16xi32>
        %and3A_962 = arith.andi %add3A_959, %and3A_961 : vector<16xi32>
        %gather3A_963 = tpu.vector_load_idx %arg11[%broadcast_in_dim3A_418, %and3A_962] : memref<16x64xf32, #tpu.memory_space<vmem>>[vector<16xi32>, vector<16xi32>], vector<16xf32>,
        %gather3A_964 = tpu.vector_load_idx %arg9[%add3A_410, %and3A_962] : memref<512x64xf32, #tpu.memory_space<vmem>>[vector<16xi32>, vector<16xi32>], vector<16xf32>,
        %mul3A_965 = arith.mulf %gather3A_964, %gather3A_963 : vector<16xf32>
        %add3A_966 = arith.addf %add3A_947, %mul3A_965 : vector<16xf32>
        %gather3A_967 = tpu.vector_load_idx %arg9[%add3A_413, %and3A_962] : memref<512x64xf32, #tpu.memory_space<vmem>>[vector<16xi32>, vector<16xi32>], vector<16xf32>,
        %mul3A_968 = arith.mulf %gather3A_967, %gather3A_963 : vector<16xf32>
        %add3A_969 = arith.addf %add3A_950, %mul3A_968 : vector<16xf32>
        %gather3A_970 = tpu.vector_load_idx %arg9[%add3A_416, %and3A_962] : memref<512x64xf32, #tpu.memory_space<vmem>>[vector<16xi32>, vector<16xi32>], vector<16xf32>,
        %mul3A_971 = arith.mulf %gather3A_970, %gather3A_963 : vector<16xf32>
        %add3A_972 = arith.addf %add3A_953, %mul3A_971 : vector<16xf32>
        scf.yield %add3A_966, %add3A_969, %add3A_972 : vector<16xf32>, vector<16xf32>, vector<16xf32>
      }
      %scan3A_435 = arith.constant 16 : i32
      tpu.vector_store_idx %arg12[%add3A_5, %broadcast_in_dim3A_423], %scan3A_434#0 : memref<50x512xf32, #tpu.memory_space<vmem>>[vector<16xi32>, vector<16xi32>], vector<16xf32>,
      tpu.vector_store_idx %arg12[%add3A_8, %broadcast_in_dim3A_423], %scan3A_434#1 : memref<50x512xf32, #tpu.memory_space<vmem>>[vector<16xi32>, vector<16xi32>], vector<16xf32>,
      tpu.vector_store_idx %arg12[%add3A_11, %broadcast_in_dim3A_423], %scan3A_434#2 : memref<50x512xf32, #tpu.memory_space<vmem>>[vector<16xi32>, vector<16xi32>], vector<16xf32>,
      %shift_right_arithmetic3A = arith.constant 1 : i32
      %shift_right_arithmetic3A_436 = vector.broadcast %shift_right_arithmetic3A : i32 to vector<16xi32>
      %shift_right_arithmetic3A_437 = arith.shrsi %iota3A, %shift_right_arithmetic3A_436 : vector<16xi32>
      %and3A = arith.constant 1 : i32
      %and3A_438 = vector.broadcast %and3A : i32 to vector<16xi32>
      %and3A_439 = arith.andi %iota3A, %and3A_438 : vector<16xi32>
      %add3A_440 = arith.constant 48 : i32
      %add3A_441 = vector.broadcast %add3A_440 : i32 to vector<16xi32>
      %add3A_442 = arith.addi %add3A_441, %and3A_439 : vector<16xi32>
      %mul3A_443 = arith.constant 64 : i32
      %mul3A_444 = vector.broadcast %mul3A_443 : i32 to vector<16xi32>
      %mul3A_445 = arith.muli %shift_right_arithmetic3A_437, %mul3A_444 : vector<16xi32>
      %add3A_446 = arith.addi %mul3A_445, %add3A_442 : vector<16xi32>
      %add3A_447 = arith.constant 0 : i32
      %add3A_448 = vector.broadcast %add3A_447 : i32 to vector<16xi32>
      %add3A_449 = arith.addi %shift_right_arithmetic3A_437, %add3A_448 : vector<16xi32>
      %broadcast_in_dim3A_450 = arith.constant 0.000000e+00 : f32
      %broadcast_in_dim3A_451 = vector.broadcast %broadcast_in_dim3A_450 : f32 to vector<16xf32>
      %scan3A_452 = arith.constant 0 : i32
      %scan3A_453 = arith.constant 16 : i32
      %scan3A_454 = arith.addi %scan3A_452, %scan3A_453 : i32
      %scan3A_455 = arith.constant 1 : i32
      %scan3A_456 = scf.for %scan3A_894 = %scan3A_452 to %scan3A_454 step %scan3A_455 iter_args(%scan3A_895 = %broadcast_in_dim3A_451) -> (vector<16xf32>)  : i32 {
        %mul3A_896 = arith.constant 4 : i32
        %mul3A_897 = arith.muli %scan3A_894, %mul3A_896 : i32
        %add3A_898 = arith.constant 0 : i32
        %add3A_899 = arith.addi %mul3A_897, %add3A_898 : i32
        %add3A_900 = vector.broadcast %add3A_899 : i32 to vector<16xi32>
        %add3A_901 = arith.addi %iota3A, %add3A_900 : vector<16xi32>
        %and3A_902 = arith.constant 63 : i32
        %and3A_903 = vector.broadcast %and3A_902 : i32 to vector<16xi32>
        %and3A_904 = arith.andi %add3A_901, %and3A_903 : vector<16xi32>
        %gather3A = tpu.vector_load_idx %arg11[%add3A_449, %and3A_904] : memref<16x64xf32, #tpu.memory_space<vmem>>[vector<16xi32>, vector<16xi32>], vector<16xf32>,
        %gather3A_905 = tpu.vector_load_idx %arg9[%add3A_446, %and3A_904] : memref<512x64xf32, #tpu.memory_space<vmem>>[vector<16xi32>, vector<16xi32>], vector<16xf32>,
        %mul3A_906 = arith.mulf %gather3A_905, %gather3A : vector<16xf32>
        %add3A_907 = arith.addf %scan3A_895, %mul3A_906 : vector<16xf32>
        %mul3A_908 = arith.constant 4 : i32
        %mul3A_909 = arith.muli %scan3A_894, %mul3A_908 : i32
        %add3A_910 = arith.constant 1 : i32
        %add3A_911 = arith.addi %mul3A_909, %add3A_910 : i32
        %add3A_912 = vector.broadcast %add3A_911 : i32 to vector<16xi32>
        %add3A_913 = arith.addi %iota3A, %add3A_912 : vector<16xi32>
        %and3A_914 = arith.constant 63 : i32
        %and3A_915 = vector.broadcast %and3A_914 : i32 to vector<16xi32>
        %and3A_916 = arith.andi %add3A_913, %and3A_915 : vector<16xi32>
        %gather3A_917 = tpu.vector_load_idx %arg11[%add3A_449, %and3A_916] : memref<16x64xf32, #tpu.memory_space<vmem>>[vector<16xi32>, vector<16xi32>], vector<16xf32>,
        %gather3A_918 = tpu.vector_load_idx %arg9[%add3A_446, %and3A_916] : memref<512x64xf32, #tpu.memory_space<vmem>>[vector<16xi32>, vector<16xi32>], vector<16xf32>,
        %mul3A_919 = arith.mulf %gather3A_918, %gather3A_917 : vector<16xf32>
        %add3A_920 = arith.addf %add3A_907, %mul3A_919 : vector<16xf32>
        %mul3A_921 = arith.constant 4 : i32
        %mul3A_922 = arith.muli %scan3A_894, %mul3A_921 : i32
        %add3A_923 = arith.constant 2 : i32
        %add3A_924 = arith.addi %mul3A_922, %add3A_923 : i32
        %add3A_925 = vector.broadcast %add3A_924 : i32 to vector<16xi32>
        %add3A_926 = arith.addi %iota3A, %add3A_925 : vector<16xi32>
        %and3A_927 = arith.constant 63 : i32
        %and3A_928 = vector.broadcast %and3A_927 : i32 to vector<16xi32>
        %and3A_929 = arith.andi %add3A_926, %and3A_928 : vector<16xi32>
        %gather3A_930 = tpu.vector_load_idx %arg11[%add3A_449, %and3A_929] : memref<16x64xf32, #tpu.memory_space<vmem>>[vector<16xi32>, vector<16xi32>], vector<16xf32>,
        %gather3A_931 = tpu.vector_load_idx %arg9[%add3A_446, %and3A_929] : memref<512x64xf32, #tpu.memory_space<vmem>>[vector<16xi32>, vector<16xi32>], vector<16xf32>,
        %mul3A_932 = arith.mulf %gather3A_931, %gather3A_930 : vector<16xf32>
        %add3A_933 = arith.addf %add3A_920, %mul3A_932 : vector<16xf32>
        %mul3A_934 = arith.constant 4 : i32
        %mul3A_935 = arith.muli %scan3A_894, %mul3A_934 : i32
        %add3A_936 = arith.constant 3 : i32
        %add3A_937 = arith.addi %mul3A_935, %add3A_936 : i32
        %add3A_938 = vector.broadcast %add3A_937 : i32 to vector<16xi32>
        %add3A_939 = arith.addi %iota3A, %add3A_938 : vector<16xi32>
        %and3A_940 = arith.constant 63 : i32
        %and3A_941 = vector.broadcast %and3A_940 : i32 to vector<16xi32>
        %and3A_942 = arith.andi %add3A_939, %and3A_941 : vector<16xi32>
        %gather3A_943 = tpu.vector_load_idx %arg11[%add3A_449, %and3A_942] : memref<16x64xf32, #tpu.memory_space<vmem>>[vector<16xi32>, vector<16xi32>], vector<16xf32>,
        %gather3A_944 = tpu.vector_load_idx %arg9[%add3A_446, %and3A_942] : memref<512x64xf32, #tpu.memory_space<vmem>>[vector<16xi32>, vector<16xi32>], vector<16xf32>,
        %mul3A_945 = arith.mulf %gather3A_944, %gather3A_943 : vector<16xf32>
        %add3A_946 = arith.addf %add3A_933, %mul3A_945 : vector<16xf32>
        scf.yield %add3A_946 : vector<16xf32>
      }
      %scan3A_457 = arith.constant 16 : i32
      %mul3A_458 = arith.constant 8 : i32
      %mul3A_459 = arith.muli %add3A_212, %mul3A_458 : i32
      %broadcast_in_dim3A_460 = vector.broadcast %mul3A_459 : i32 to vector<16xi32>
      %add3A_461 = arith.addi %broadcast_in_dim3A_460, %shift_right_arithmetic3A_437 : vector<16xi32>
      tpu.vector_store_idx %arg12[%add3A_442, %add3A_461], %scan3A_456 : memref<50x512xf32, #tpu.memory_space<vmem>>[vector<16xi32>, vector<16xi32>], vector<16xf32>,
      %add3A_462 = arith.constant 1 : i32
      %add3A_463 = arith.addi %mul3A_22, %add3A_462 : i32
      %mul3A_464 = arith.constant 8 : i32
      %mul3A_465 = arith.muli %add3A_463, %mul3A_464 : i32
      %add3A_466 = arith.constant 0 : i32
      %add3A_467 = arith.addi %mul3A_465, %add3A_466 : i32
      %dma_start3A_468 = arith.constant 0 : i32
      %dma_start3A_469 = arith.constant 0 : i32
      %dma_start3A_470 = tpu.memref_slice %arg10[%dma_start3A_468, %dma_start3A_469] : memref<512x64xf32, #tpu.memory_space<vmem>> -> memref<50x64xf32, #tpu.memory_space<vmem>>
      %dma_start3A_471 = arith.constant 0 : i32
      %dma_start3A_472 = tpu.memref_slice %arg8[%add3A_467, %dma_start3A_471] : memref<512x50xi32, #tpu.memory_space<vmem>> -> memref<1x50xi32, #tpu.memory_space<vmem>>
      %dma_start3A_473 = tpu.memref_squeeze %dma_start3A_472 : memref<1x50xi32, #tpu.memory_space<vmem>> -> memref<50xi32, #tpu.memory_space<vmem>>
      %dma_start3A_474 = arith.constant 0 : i32
      %dma_start3A_475 = arith.constant 0 : i32
      %dma_start3A_476 = tpu.memref_slice %arg5[%dma_start3A_474, %dma_start3A_475] : memref<1000000x64xf32, #tpu.memory_space<hbm>> -> memref<1000000x64xf32, #tpu.memory_space<hbm>>
      tpu.enqueue_indirect_dma source(%dma_start3A_476 : memref<1000000x64xf32, #tpu.memory_space<hbm>>) target(%dma_start3A_470 : memref<50x64xf32, #tpu.memory_space<vmem>>) offsets(%dma_start3A_473 : memref<50xi32, #tpu.memory_space<vmem>>) semaphore(%arg14 : memref<!tpu.dma_semaphore, #tpu.memory_space<semaphore_mem>>)
      %mul3A_477 = arith.constant 8 : i32
      %mul3A_478 = arith.muli %add3A_463, %mul3A_477 : i32
      %add3A_479 = arith.constant 1 : i32
      %add3A_480 = arith.addi %mul3A_478, %add3A_479 : i32
      %dma_start3A_481 = arith.constant 64 : i32
      %dma_start3A_482 = arith.constant 0 : i32
      %dma_start3A_483 = tpu.memref_slice %arg10[%dma_start3A_481, %dma_start3A_482] : memref<512x64xf32, #tpu.memory_space<vmem>> -> memref<50x64xf32, #tpu.memory_space<vmem>>
      %dma_start3A_484 = arith.constant 0 : i32
      %dma_start3A_485 = tpu.memref_slice %arg8[%add3A_480, %dma_start3A_484] : memref<512x50xi32, #tpu.memory_space<vmem>> -> memref<1x50xi32, #tpu.memory_space<vmem>>
      %dma_start3A_486 = tpu.memref_squeeze %dma_start3A_485 : memref<1x50xi32, #tpu.memory_space<vmem>> -> memref<50xi32, #tpu.memory_space<vmem>>
      %dma_start3A_487 = arith.constant 0 : i32
      %dma_start3A_488 = arith.constant 0 : i32
      %dma_start3A_489 = tpu.memref_slice %arg5[%dma_start3A_487, %dma_start3A_488] : memref<1000000x64xf32, #tpu.memory_space<hbm>> -> memref<1000000x64xf32, #tpu.memory_space<hbm>>
      tpu.enqueue_indirect_dma source(%dma_start3A_489 : memref<1000000x64xf32, #tpu.memory_space<hbm>>) target(%dma_start3A_483 : memref<50x64xf32, #tpu.memory_space<vmem>>) offsets(%dma_start3A_486 : memref<50xi32, #tpu.memory_space<vmem>>) semaphore(%arg14 : memref<!tpu.dma_semaphore, #tpu.memory_space<semaphore_mem>>)
      %mul3A_490 = arith.constant 8 : i32
      %mul3A_491 = arith.muli %add3A_463, %mul3A_490 : i32
      %add3A_492 = arith.constant 2 : i32
      %add3A_493 = arith.addi %mul3A_491, %add3A_492 : i32
      %dma_start3A_494 = arith.constant 128 : i32
      %dma_start3A_495 = arith.constant 0 : i32
      %dma_start3A_496 = tpu.memref_slice %arg10[%dma_start3A_494, %dma_start3A_495] : memref<512x64xf32, #tpu.memory_space<vmem>> -> memref<50x64xf32, #tpu.memory_space<vmem>>
      %dma_start3A_497 = arith.constant 0 : i32
      %dma_start3A_498 = tpu.memref_slice %arg8[%add3A_493, %dma_start3A_497] : memref<512x50xi32, #tpu.memory_space<vmem>> -> memref<1x50xi32, #tpu.memory_space<vmem>>
      %dma_start3A_499 = tpu.memref_squeeze %dma_start3A_498 : memref<1x50xi32, #tpu.memory_space<vmem>> -> memref<50xi32, #tpu.memory_space<vmem>>
      %dma_start3A_500 = arith.constant 0 : i32
      %dma_start3A_501 = arith.constant 0 : i32
      %dma_start3A_502 = tpu.memref_slice %arg5[%dma_start3A_500, %dma_start3A_501] : memref<1000000x64xf32, #tpu.memory_space<hbm>> -> memref<1000000x64xf32, #tpu.memory_space<hbm>>
      tpu.enqueue_indirect_dma source(%dma_start3A_502 : memref<1000000x64xf32, #tpu.memory_space<hbm>>) target(%dma_start3A_496 : memref<50x64xf32, #tpu.memory_space<vmem>>) offsets(%dma_start3A_499 : memref<50xi32, #tpu.memory_space<vmem>>) semaphore(%arg14 : memref<!tpu.dma_semaphore, #tpu.memory_space<semaphore_mem>>)
      %mul3A_503 = arith.constant 8 : i32
      %mul3A_504 = arith.muli %add3A_463, %mul3A_503 : i32
      %add3A_505 = arith.constant 3 : i32
      %add3A_506 = arith.addi %mul3A_504, %add3A_505 : i32
      %dma_start3A_507 = arith.constant 192 : i32
      %dma_start3A_508 = arith.constant 0 : i32
      %dma_start3A_509 = tpu.memref_slice %arg10[%dma_start3A_507, %dma_start3A_508] : memref<512x64xf32, #tpu.memory_space<vmem>> -> memref<50x64xf32, #tpu.memory_space<vmem>>
      %dma_start3A_510 = arith.constant 0 : i32
      %dma_start3A_511 = tpu.memref_slice %arg8[%add3A_506, %dma_start3A_510] : memref<512x50xi32, #tpu.memory_space<vmem>> -> memref<1x50xi32, #tpu.memory_space<vmem>>
      %dma_start3A_512 = tpu.memref_squeeze %dma_start3A_511 : memref<1x50xi32, #tpu.memory_space<vmem>> -> memref<50xi32, #tpu.memory_space<vmem>>
      %dma_start3A_513 = arith.constant 0 : i32
      %dma_start3A_514 = arith.constant 0 : i32
      %dma_start3A_515 = tpu.memref_slice %arg5[%dma_start3A_513, %dma_start3A_514] : memref<1000000x64xf32, #tpu.memory_space<hbm>> -> memref<1000000x64xf32, #tpu.memory_space<hbm>>
      tpu.enqueue_indirect_dma source(%dma_start3A_515 : memref<1000000x64xf32, #tpu.memory_space<hbm>>) target(%dma_start3A_509 : memref<50x64xf32, #tpu.memory_space<vmem>>) offsets(%dma_start3A_512 : memref<50xi32, #tpu.memory_space<vmem>>) semaphore(%arg14 : memref<!tpu.dma_semaphore, #tpu.memory_space<semaphore_mem>>)
      %mul3A_516 = arith.constant 8 : i32
      %mul3A_517 = arith.muli %add3A_463, %mul3A_516 : i32
      %add3A_518 = arith.constant 4 : i32
      %add3A_519 = arith.addi %mul3A_517, %add3A_518 : i32
      %dma_start3A_520 = arith.constant 256 : i32
      %dma_start3A_521 = arith.constant 0 : i32
      %dma_start3A_522 = tpu.memref_slice %arg10[%dma_start3A_520, %dma_start3A_521] : memref<512x64xf32, #tpu.memory_space<vmem>> -> memref<50x64xf32, #tpu.memory_space<vmem>>
      %dma_start3A_523 = arith.constant 0 : i32
      %dma_start3A_524 = tpu.memref_slice %arg8[%add3A_519, %dma_start3A_523] : memref<512x50xi32, #tpu.memory_space<vmem>> -> memref<1x50xi32, #tpu.memory_space<vmem>>
      %dma_start3A_525 = tpu.memref_squeeze %dma_start3A_524 : memref<1x50xi32, #tpu.memory_space<vmem>> -> memref<50xi32, #tpu.memory_space<vmem>>
      %dma_start3A_526 = arith.constant 0 : i32
      %dma_start3A_527 = arith.constant 0 : i32
      %dma_start3A_528 = tpu.memref_slice %arg5[%dma_start3A_526, %dma_start3A_527] : memref<1000000x64xf32, #tpu.memory_space<hbm>> -> memref<1000000x64xf32, #tpu.memory_space<hbm>>
      tpu.enqueue_indirect_dma source(%dma_start3A_528 : memref<1000000x64xf32, #tpu.memory_space<hbm>>) target(%dma_start3A_522 : memref<50x64xf32, #tpu.memory_space<vmem>>) offsets(%dma_start3A_525 : memref<50xi32, #tpu.memory_space<vmem>>) semaphore(%arg14 : memref<!tpu.dma_semaphore, #tpu.memory_space<semaphore_mem>>)
      %mul3A_529 = arith.constant 8 : i32
      %mul3A_530 = arith.muli %add3A_463, %mul3A_529 : i32
      %add3A_531 = arith.constant 5 : i32
      %add3A_532 = arith.addi %mul3A_530, %add3A_531 : i32
      %dma_start3A_533 = arith.constant 320 : i32
      %dma_start3A_534 = arith.constant 0 : i32
      %dma_start3A_535 = tpu.memref_slice %arg10[%dma_start3A_533, %dma_start3A_534] : memref<512x64xf32, #tpu.memory_space<vmem>> -> memref<50x64xf32, #tpu.memory_space<vmem>>
      %dma_start3A_536 = arith.constant 0 : i32
      %dma_start3A_537 = tpu.memref_slice %arg8[%add3A_532, %dma_start3A_536] : memref<512x50xi32, #tpu.memory_space<vmem>> -> memref<1x50xi32, #tpu.memory_space<vmem>>
      %dma_start3A_538 = tpu.memref_squeeze %dma_start3A_537 : memref<1x50xi32, #tpu.memory_space<vmem>> -> memref<50xi32, #tpu.memory_space<vmem>>
      %dma_start3A_539 = arith.constant 0 : i32
      %dma_start3A_540 = arith.constant 0 : i32
      %dma_start3A_541 = tpu.memref_slice %arg5[%dma_start3A_539, %dma_start3A_540] : memref<1000000x64xf32, #tpu.memory_space<hbm>> -> memref<1000000x64xf32, #tpu.memory_space<hbm>>
      tpu.enqueue_indirect_dma source(%dma_start3A_541 : memref<1000000x64xf32, #tpu.memory_space<hbm>>) target(%dma_start3A_535 : memref<50x64xf32, #tpu.memory_space<vmem>>) offsets(%dma_start3A_538 : memref<50xi32, #tpu.memory_space<vmem>>) semaphore(%arg14 : memref<!tpu.dma_semaphore, #tpu.memory_space<semaphore_mem>>)
      %mul3A_542 = arith.constant 8 : i32
      %mul3A_543 = arith.muli %add3A_463, %mul3A_542 : i32
      %add3A_544 = arith.constant 6 : i32
      %add3A_545 = arith.addi %mul3A_543, %add3A_544 : i32
      %dma_start3A_546 = arith.constant 384 : i32
      %dma_start3A_547 = arith.constant 0 : i32
      %dma_start3A_548 = tpu.memref_slice %arg10[%dma_start3A_546, %dma_start3A_547] : memref<512x64xf32, #tpu.memory_space<vmem>> -> memref<50x64xf32, #tpu.memory_space<vmem>>
      %dma_start3A_549 = arith.constant 0 : i32
      %dma_start3A_550 = tpu.memref_slice %arg8[%add3A_545, %dma_start3A_549] : memref<512x50xi32, #tpu.memory_space<vmem>> -> memref<1x50xi32, #tpu.memory_space<vmem>>
      %dma_start3A_551 = tpu.memref_squeeze %dma_start3A_550 : memref<1x50xi32, #tpu.memory_space<vmem>> -> memref<50xi32, #tpu.memory_space<vmem>>
      %dma_start3A_552 = arith.constant 0 : i32
      %dma_start3A_553 = arith.constant 0 : i32
      %dma_start3A_554 = tpu.memref_slice %arg5[%dma_start3A_552, %dma_start3A_553] : memref<1000000x64xf32, #tpu.memory_space<hbm>> -> memref<1000000x64xf32, #tpu.memory_space<hbm>>
      tpu.enqueue_indirect_dma source(%dma_start3A_554 : memref<1000000x64xf32, #tpu.memory_space<hbm>>) target(%dma_start3A_548 : memref<50x64xf32, #tpu.memory_space<vmem>>) offsets(%dma_start3A_551 : memref<50xi32, #tpu.memory_space<vmem>>) semaphore(%arg14 : memref<!tpu.dma_semaphore, #tpu.memory_space<semaphore_mem>>)
      %mul3A_555 = arith.constant 8 : i32
      %mul3A_556 = arith.muli %add3A_463, %mul3A_555 : i32
      %add3A_557 = arith.constant 7 : i32
      %add3A_558 = arith.addi %mul3A_556, %add3A_557 : i32
      %dma_start3A_559 = arith.constant 448 : i32
      %dma_start3A_560 = arith.constant 0 : i32
      %dma_start3A_561 = tpu.memref_slice %arg10[%dma_start3A_559, %dma_start3A_560] : memref<512x64xf32, #tpu.memory_space<vmem>> -> memref<50x64xf32, #tpu.memory_space<vmem>>
      %dma_start3A_562 = arith.constant 0 : i32
      %dma_start3A_563 = tpu.memref_slice %arg8[%add3A_558, %dma_start3A_562] : memref<512x50xi32, #tpu.memory_space<vmem>> -> memref<1x50xi32, #tpu.memory_space<vmem>>
      %dma_start3A_564 = tpu.memref_squeeze %dma_start3A_563 : memref<1x50xi32, #tpu.memory_space<vmem>> -> memref<50xi32, #tpu.memory_space<vmem>>
      %dma_start3A_565 = arith.constant 0 : i32
      %dma_start3A_566 = arith.constant 0 : i32
      %dma_start3A_567 = tpu.memref_slice %arg5[%dma_start3A_565, %dma_start3A_566] : memref<1000000x64xf32, #tpu.memory_space<hbm>> -> memref<1000000x64xf32, #tpu.memory_space<hbm>>
      tpu.enqueue_indirect_dma source(%dma_start3A_567 : memref<1000000x64xf32, #tpu.memory_space<hbm>>) target(%dma_start3A_561 : memref<50x64xf32, #tpu.memory_space<vmem>>) offsets(%dma_start3A_564 : memref<50xi32, #tpu.memory_space<vmem>>) semaphore(%arg14 : memref<!tpu.dma_semaphore, #tpu.memory_space<semaphore_mem>>)
      %dma_wait3A_568 = arith.constant 0 : i32
      %dma_wait3A_569 = arith.constant 0 : i32
      %dma_wait3A_570 = tpu.memref_slice %arg10[%dma_wait3A_568, %dma_wait3A_569] : memref<512x64xf32, #tpu.memory_space<vmem>> -> memref<50x64xf32, #tpu.memory_space<vmem>>
      %dma_wait3A_571 = arith.constant 0 : i32
      %dma_wait3A_572 = tpu.memref_slice %arg8[%add3A_467, %dma_wait3A_571] : memref<512x50xi32, #tpu.memory_space<vmem>> -> memref<1x50xi32, #tpu.memory_space<vmem>>
      %dma_wait3A_573 = tpu.memref_squeeze %dma_wait3A_572 : memref<1x50xi32, #tpu.memory_space<vmem>> -> memref<50xi32, #tpu.memory_space<vmem>>
      %dma_wait3A_574 = arith.constant 0 : i32
      %dma_wait3A_575 = arith.constant 0 : i32
      %dma_wait3A_576 = tpu.memref_slice %arg5[%dma_wait3A_574, %dma_wait3A_575] : memref<1000000x64xf32, #tpu.memory_space<hbm>> -> memref<1000000x64xf32, #tpu.memory_space<hbm>>
      tpu.wait_indirect_dma semaphore(%arg14 : memref<!tpu.dma_semaphore, #tpu.memory_space<semaphore_mem>>) src(%dma_wait3A_576 : memref<1000000x64xf32, #tpu.memory_space<hbm>>) dst(%dma_wait3A_570 : memref<50x64xf32, #tpu.memory_space<vmem>>)
      %dma_wait3A_577 = arith.constant 64 : i32
      %dma_wait3A_578 = arith.constant 0 : i32
      %dma_wait3A_579 = tpu.memref_slice %arg10[%dma_wait3A_577, %dma_wait3A_578] : memref<512x64xf32, #tpu.memory_space<vmem>> -> memref<50x64xf32, #tpu.memory_space<vmem>>
      %dma_wait3A_580 = arith.constant 0 : i32
      %dma_wait3A_581 = tpu.memref_slice %arg8[%add3A_480, %dma_wait3A_580] : memref<512x50xi32, #tpu.memory_space<vmem>> -> memref<1x50xi32, #tpu.memory_space<vmem>>
      %dma_wait3A_582 = tpu.memref_squeeze %dma_wait3A_581 : memref<1x50xi32, #tpu.memory_space<vmem>> -> memref<50xi32, #tpu.memory_space<vmem>>
      %dma_wait3A_583 = arith.constant 0 : i32
      %dma_wait3A_584 = arith.constant 0 : i32
      %dma_wait3A_585 = tpu.memref_slice %arg5[%dma_wait3A_583, %dma_wait3A_584] : memref<1000000x64xf32, #tpu.memory_space<hbm>> -> memref<1000000x64xf32, #tpu.memory_space<hbm>>
      tpu.wait_indirect_dma semaphore(%arg14 : memref<!tpu.dma_semaphore, #tpu.memory_space<semaphore_mem>>) src(%dma_wait3A_585 : memref<1000000x64xf32, #tpu.memory_space<hbm>>) dst(%dma_wait3A_579 : memref<50x64xf32, #tpu.memory_space<vmem>>)
      %dma_wait3A_586 = arith.constant 128 : i32
      %dma_wait3A_587 = arith.constant 0 : i32
      %dma_wait3A_588 = tpu.memref_slice %arg10[%dma_wait3A_586, %dma_wait3A_587] : memref<512x64xf32, #tpu.memory_space<vmem>> -> memref<50x64xf32, #tpu.memory_space<vmem>>
      %dma_wait3A_589 = arith.constant 0 : i32
      %dma_wait3A_590 = tpu.memref_slice %arg8[%add3A_493, %dma_wait3A_589] : memref<512x50xi32, #tpu.memory_space<vmem>> -> memref<1x50xi32, #tpu.memory_space<vmem>>
      %dma_wait3A_591 = tpu.memref_squeeze %dma_wait3A_590 : memref<1x50xi32, #tpu.memory_space<vmem>> -> memref<50xi32, #tpu.memory_space<vmem>>
      %dma_wait3A_592 = arith.constant 0 : i32
      %dma_wait3A_593 = arith.constant 0 : i32
      %dma_wait3A_594 = tpu.memref_slice %arg5[%dma_wait3A_592, %dma_wait3A_593] : memref<1000000x64xf32, #tpu.memory_space<hbm>> -> memref<1000000x64xf32, #tpu.memory_space<hbm>>
      tpu.wait_indirect_dma semaphore(%arg14 : memref<!tpu.dma_semaphore, #tpu.memory_space<semaphore_mem>>) src(%dma_wait3A_594 : memref<1000000x64xf32, #tpu.memory_space<hbm>>) dst(%dma_wait3A_588 : memref<50x64xf32, #tpu.memory_space<vmem>>)
      %dma_wait3A_595 = arith.constant 192 : i32
      %dma_wait3A_596 = arith.constant 0 : i32
      %dma_wait3A_597 = tpu.memref_slice %arg10[%dma_wait3A_595, %dma_wait3A_596] : memref<512x64xf32, #tpu.memory_space<vmem>> -> memref<50x64xf32, #tpu.memory_space<vmem>>
      %dma_wait3A_598 = arith.constant 0 : i32
      %dma_wait3A_599 = tpu.memref_slice %arg8[%add3A_506, %dma_wait3A_598] : memref<512x50xi32, #tpu.memory_space<vmem>> -> memref<1x50xi32, #tpu.memory_space<vmem>>
      %dma_wait3A_600 = tpu.memref_squeeze %dma_wait3A_599 : memref<1x50xi32, #tpu.memory_space<vmem>> -> memref<50xi32, #tpu.memory_space<vmem>>
      %dma_wait3A_601 = arith.constant 0 : i32
      %dma_wait3A_602 = arith.constant 0 : i32
      %dma_wait3A_603 = tpu.memref_slice %arg5[%dma_wait3A_601, %dma_wait3A_602] : memref<1000000x64xf32, #tpu.memory_space<hbm>> -> memref<1000000x64xf32, #tpu.memory_space<hbm>>
      tpu.wait_indirect_dma semaphore(%arg14 : memref<!tpu.dma_semaphore, #tpu.memory_space<semaphore_mem>>) src(%dma_wait3A_603 : memref<1000000x64xf32, #tpu.memory_space<hbm>>) dst(%dma_wait3A_597 : memref<50x64xf32, #tpu.memory_space<vmem>>)
      %dma_wait3A_604 = arith.constant 256 : i32
      %dma_wait3A_605 = arith.constant 0 : i32
      %dma_wait3A_606 = tpu.memref_slice %arg10[%dma_wait3A_604, %dma_wait3A_605] : memref<512x64xf32, #tpu.memory_space<vmem>> -> memref<50x64xf32, #tpu.memory_space<vmem>>
      %dma_wait3A_607 = arith.constant 0 : i32
      %dma_wait3A_608 = tpu.memref_slice %arg8[%add3A_519, %dma_wait3A_607] : memref<512x50xi32, #tpu.memory_space<vmem>> -> memref<1x50xi32, #tpu.memory_space<vmem>>
      %dma_wait3A_609 = tpu.memref_squeeze %dma_wait3A_608 : memref<1x50xi32, #tpu.memory_space<vmem>> -> memref<50xi32, #tpu.memory_space<vmem>>
      %dma_wait3A_610 = arith.constant 0 : i32
      %dma_wait3A_611 = arith.constant 0 : i32
      %dma_wait3A_612 = tpu.memref_slice %arg5[%dma_wait3A_610, %dma_wait3A_611] : memref<1000000x64xf32, #tpu.memory_space<hbm>> -> memref<1000000x64xf32, #tpu.memory_space<hbm>>
      tpu.wait_indirect_dma semaphore(%arg14 : memref<!tpu.dma_semaphore, #tpu.memory_space<semaphore_mem>>) src(%dma_wait3A_612 : memref<1000000x64xf32, #tpu.memory_space<hbm>>) dst(%dma_wait3A_606 : memref<50x64xf32, #tpu.memory_space<vmem>>)
      %dma_wait3A_613 = arith.constant 320 : i32
      %dma_wait3A_614 = arith.constant 0 : i32
      %dma_wait3A_615 = tpu.memref_slice %arg10[%dma_wait3A_613, %dma_wait3A_614] : memref<512x64xf32, #tpu.memory_space<vmem>> -> memref<50x64xf32, #tpu.memory_space<vmem>>
      %dma_wait3A_616 = arith.constant 0 : i32
      %dma_wait3A_617 = tpu.memref_slice %arg8[%add3A_532, %dma_wait3A_616] : memref<512x50xi32, #tpu.memory_space<vmem>> -> memref<1x50xi32, #tpu.memory_space<vmem>>
      %dma_wait3A_618 = tpu.memref_squeeze %dma_wait3A_617 : memref<1x50xi32, #tpu.memory_space<vmem>> -> memref<50xi32, #tpu.memory_space<vmem>>
      %dma_wait3A_619 = arith.constant 0 : i32
      %dma_wait3A_620 = arith.constant 0 : i32
      %dma_wait3A_621 = tpu.memref_slice %arg5[%dma_wait3A_619, %dma_wait3A_620] : memref<1000000x64xf32, #tpu.memory_space<hbm>> -> memref<1000000x64xf32, #tpu.memory_space<hbm>>
      tpu.wait_indirect_dma semaphore(%arg14 : memref<!tpu.dma_semaphore, #tpu.memory_space<semaphore_mem>>) src(%dma_wait3A_621 : memref<1000000x64xf32, #tpu.memory_space<hbm>>) dst(%dma_wait3A_615 : memref<50x64xf32, #tpu.memory_space<vmem>>)
      %dma_wait3A_622 = arith.constant 384 : i32
      %dma_wait3A_623 = arith.constant 0 : i32
      %dma_wait3A_624 = tpu.memref_slice %arg10[%dma_wait3A_622, %dma_wait3A_623] : memref<512x64xf32, #tpu.memory_space<vmem>> -> memref<50x64xf32, #tpu.memory_space<vmem>>
      %dma_wait3A_625 = arith.constant 0 : i32
      %dma_wait3A_626 = tpu.memref_slice %arg8[%add3A_545, %dma_wait3A_625] : memref<512x50xi32, #tpu.memory_space<vmem>> -> memref<1x50xi32, #tpu.memory_space<vmem>>
      %dma_wait3A_627 = tpu.memref_squeeze %dma_wait3A_626 : memref<1x50xi32, #tpu.memory_space<vmem>> -> memref<50xi32, #tpu.memory_space<vmem>>
      %dma_wait3A_628 = arith.constant 0 : i32
      %dma_wait3A_629 = arith.constant 0 : i32
      %dma_wait3A_630 = tpu.memref_slice %arg5[%dma_wait3A_628, %dma_wait3A_629] : memref<1000000x64xf32, #tpu.memory_space<hbm>> -> memref<1000000x64xf32, #tpu.memory_space<hbm>>
      tpu.wait_indirect_dma semaphore(%arg14 : memref<!tpu.dma_semaphore, #tpu.memory_space<semaphore_mem>>) src(%dma_wait3A_630 : memref<1000000x64xf32, #tpu.memory_space<hbm>>) dst(%dma_wait3A_624 : memref<50x64xf32, #tpu.memory_space<vmem>>)
      %dma_wait3A_631 = arith.constant 448 : i32
      %dma_wait3A_632 = arith.constant 0 : i32
      %dma_wait3A_633 = tpu.memref_slice %arg10[%dma_wait3A_631, %dma_wait3A_632] : memref<512x64xf32, #tpu.memory_space<vmem>> -> memref<50x64xf32, #tpu.memory_space<vmem>>
      %dma_wait3A_634 = arith.constant 0 : i32
      %dma_wait3A_635 = tpu.memref_slice %arg8[%add3A_558, %dma_wait3A_634] : memref<512x50xi32, #tpu.memory_space<vmem>> -> memref<1x50xi32, #tpu.memory_space<vmem>>
      %dma_wait3A_636 = tpu.memref_squeeze %dma_wait3A_635 : memref<1x50xi32, #tpu.memory_space<vmem>> -> memref<50xi32, #tpu.memory_space<vmem>>
      %dma_wait3A_637 = arith.constant 0 : i32
      %dma_wait3A_638 = arith.constant 0 : i32
      %dma_wait3A_639 = tpu.memref_slice %arg5[%dma_wait3A_637, %dma_wait3A_638] : memref<1000000x64xf32, #tpu.memory_space<hbm>> -> memref<1000000x64xf32, #tpu.memory_space<hbm>>
      tpu.wait_indirect_dma semaphore(%arg14 : memref<!tpu.dma_semaphore, #tpu.memory_space<semaphore_mem>>) src(%dma_wait3A_639 : memref<1000000x64xf32, #tpu.memory_space<hbm>>) dst(%dma_wait3A_633 : memref<50x64xf32, #tpu.memory_space<vmem>>)
      %add3A_640 = arith.constant 1 : i32
      %add3A_641 = arith.addi %mul3A_22, %add3A_640 : i32
      %add3A_642 = arith.constant 0 : i32
      %add3A_643 = vector.broadcast %add3A_642 : i32 to vector<16xi32>
      %add3A_644 = arith.addi %add3A_5, %add3A_643 : vector<16xi32>
      %add3A_645 = arith.constant 0 : i32
      %add3A_646 = vector.broadcast %add3A_645 : i32 to vector<16xi32>
      %add3A_647 = arith.addi %add3A_8, %add3A_646 : vector<16xi32>
      %add3A_648 = arith.constant 0 : i32
      %add3A_649 = vector.broadcast %add3A_648 : i32 to vector<16xi32>
      %add3A_650 = arith.addi %add3A_11, %add3A_649 : vector<16xi32>
      %broadcast_in_dim3A_651 = arith.constant 8 : i32
      %broadcast_in_dim3A_652 = vector.broadcast %broadcast_in_dim3A_651 : i32 to vector<16xi32>
      %mul3A_653 = arith.constant 8 : i32
      %mul3A_654 = arith.muli %add3A_641, %mul3A_653 : i32
      %add3A_655 = arith.constant 0 : i32
      %add3A_656 = arith.addi %mul3A_654, %add3A_655 : i32
      %broadcast_in_dim3A_657 = vector.broadcast %add3A_656 : i32 to vector<16xi32>
      %broadcast_in_dim3A_658 = arith.constant 0.000000e+00 : f32
      %broadcast_in_dim3A_659 = vector.broadcast %broadcast_in_dim3A_658 : f32 to vector<16xf32>
      %broadcast_in_dim3A_660 = arith.constant 0.000000e+00 : f32
      %broadcast_in_dim3A_661 = vector.broadcast %broadcast_in_dim3A_660 : f32 to vector<16xf32>
      %broadcast_in_dim3A_662 = arith.constant 0.000000e+00 : f32
      %broadcast_in_dim3A_663 = vector.broadcast %broadcast_in_dim3A_662 : f32 to vector<16xf32>
      %scan3A_664 = arith.constant 0 : i32
      %scan3A_665 = arith.constant 16 : i32
      %scan3A_666 = arith.addi %scan3A_664, %scan3A_665 : i32
      %scan3A_667 = arith.constant 1 : i32
      %scan3A_668:3 = scf.for %scan3A_894 = %scan3A_664 to %scan3A_666 step %scan3A_667 iter_args(%scan3A_895 = %broadcast_in_dim3A_659, %scan3A_896 = %broadcast_in_dim3A_661, %scan3A_897 = %broadcast_in_dim3A_663) -> (vector<16xf32>, vector<16xf32>, vector<16xf32>)  : i32 {
        %mul3A_898 = arith.constant 4 : i32
        %mul3A_899 = arith.muli %scan3A_894, %mul3A_898 : i32
        %add3A_900 = arith.constant 0 : i32
        %add3A_901 = arith.addi %mul3A_899, %add3A_900 : i32
        %add3A_902 = vector.broadcast %add3A_901 : i32 to vector<16xi32>
        %add3A_903 = arith.addi %iota3A, %add3A_902 : vector<16xi32>
        %and3A_904 = arith.constant 63 : i32
        %and3A_905 = vector.broadcast %and3A_904 : i32 to vector<16xi32>
        %and3A_906 = arith.andi %add3A_903, %and3A_905 : vector<16xi32>
        %gather3A = tpu.vector_load_idx %arg11[%broadcast_in_dim3A_652, %and3A_906] : memref<16x64xf32, #tpu.memory_space<vmem>>[vector<16xi32>, vector<16xi32>], vector<16xf32>,
        %gather3A_907 = tpu.vector_load_idx %arg10[%add3A_644, %and3A_906] : memref<512x64xf32, #tpu.memory_space<vmem>>[vector<16xi32>, vector<16xi32>], vector<16xf32>,
        %mul3A_908 = arith.mulf %gather3A_907, %gather3A : vector<16xf32>
        %add3A_909 = arith.addf %scan3A_895, %mul3A_908 : vector<16xf32>
        %gather3A_910 = tpu.vector_load_idx %arg10[%add3A_647, %and3A_906] : memref<512x64xf32, #tpu.memory_space<vmem>>[vector<16xi32>, vector<16xi32>], vector<16xf32>,
        %mul3A_911 = arith.mulf %gather3A_910, %gather3A : vector<16xf32>
        %add3A_912 = arith.addf %scan3A_896, %mul3A_911 : vector<16xf32>
        %gather3A_913 = tpu.vector_load_idx %arg10[%add3A_650, %and3A_906] : memref<512x64xf32, #tpu.memory_space<vmem>>[vector<16xi32>, vector<16xi32>], vector<16xf32>,
        %mul3A_914 = arith.mulf %gather3A_913, %gather3A : vector<16xf32>
        %add3A_915 = arith.addf %scan3A_897, %mul3A_914 : vector<16xf32>
        %mul3A_916 = arith.constant 4 : i32
        %mul3A_917 = arith.muli %scan3A_894, %mul3A_916 : i32
        %add3A_918 = arith.constant 1 : i32
        %add3A_919 = arith.addi %mul3A_917, %add3A_918 : i32
        %add3A_920 = vector.broadcast %add3A_919 : i32 to vector<16xi32>
        %add3A_921 = arith.addi %iota3A, %add3A_920 : vector<16xi32>
        %and3A_922 = arith.constant 63 : i32
        %and3A_923 = vector.broadcast %and3A_922 : i32 to vector<16xi32>
        %and3A_924 = arith.andi %add3A_921, %and3A_923 : vector<16xi32>
        %gather3A_925 = tpu.vector_load_idx %arg11[%broadcast_in_dim3A_652, %and3A_924] : memref<16x64xf32, #tpu.memory_space<vmem>>[vector<16xi32>, vector<16xi32>], vector<16xf32>,
        %gather3A_926 = tpu.vector_load_idx %arg10[%add3A_644, %and3A_924] : memref<512x64xf32, #tpu.memory_space<vmem>>[vector<16xi32>, vector<16xi32>], vector<16xf32>,
        %mul3A_927 = arith.mulf %gather3A_926, %gather3A_925 : vector<16xf32>
        %add3A_928 = arith.addf %add3A_909, %mul3A_927 : vector<16xf32>
        %gather3A_929 = tpu.vector_load_idx %arg10[%add3A_647, %and3A_924] : memref<512x64xf32, #tpu.memory_space<vmem>>[vector<16xi32>, vector<16xi32>], vector<16xf32>,
        %mul3A_930 = arith.mulf %gather3A_929, %gather3A_925 : vector<16xf32>
        %add3A_931 = arith.addf %add3A_912, %mul3A_930 : vector<16xf32>
        %gather3A_932 = tpu.vector_load_idx %arg10[%add3A_650, %and3A_924] : memref<512x64xf32, #tpu.memory_space<vmem>>[vector<16xi32>, vector<16xi32>], vector<16xf32>,
        %mul3A_933 = arith.mulf %gather3A_932, %gather3A_925 : vector<16xf32>
        %add3A_934 = arith.addf %add3A_915, %mul3A_933 : vector<16xf32>
        %mul3A_935 = arith.constant 4 : i32
        %mul3A_936 = arith.muli %scan3A_894, %mul3A_935 : i32
        %add3A_937 = arith.constant 2 : i32
        %add3A_938 = arith.addi %mul3A_936, %add3A_937 : i32
        %add3A_939 = vector.broadcast %add3A_938 : i32 to vector<16xi32>
        %add3A_940 = arith.addi %iota3A, %add3A_939 : vector<16xi32>
        %and3A_941 = arith.constant 63 : i32
        %and3A_942 = vector.broadcast %and3A_941 : i32 to vector<16xi32>
        %and3A_943 = arith.andi %add3A_940, %and3A_942 : vector<16xi32>
        %gather3A_944 = tpu.vector_load_idx %arg11[%broadcast_in_dim3A_652, %and3A_943] : memref<16x64xf32, #tpu.memory_space<vmem>>[vector<16xi32>, vector<16xi32>], vector<16xf32>,
        %gather3A_945 = tpu.vector_load_idx %arg10[%add3A_644, %and3A_943] : memref<512x64xf32, #tpu.memory_space<vmem>>[vector<16xi32>, vector<16xi32>], vector<16xf32>,
        %mul3A_946 = arith.mulf %gather3A_945, %gather3A_944 : vector<16xf32>
        %add3A_947 = arith.addf %add3A_928, %mul3A_946 : vector<16xf32>
        %gather3A_948 = tpu.vector_load_idx %arg10[%add3A_647, %and3A_943] : memref<512x64xf32, #tpu.memory_space<vmem>>[vector<16xi32>, vector<16xi32>], vector<16xf32>,
        %mul3A_949 = arith.mulf %gather3A_948, %gather3A_944 : vector<16xf32>
        %add3A_950 = arith.addf %add3A_931, %mul3A_949 : vector<16xf32>
        %gather3A_951 = tpu.vector_load_idx %arg10[%add3A_650, %and3A_943] : memref<512x64xf32, #tpu.memory_space<vmem>>[vector<16xi32>, vector<16xi32>], vector<16xf32>,
        %mul3A_952 = arith.mulf %gather3A_951, %gather3A_944 : vector<16xf32>
        %add3A_953 = arith.addf %add3A_934, %mul3A_952 : vector<16xf32>
        %mul3A_954 = arith.constant 4 : i32
        %mul3A_955 = arith.muli %scan3A_894, %mul3A_954 : i32
        %add3A_956 = arith.constant 3 : i32
        %add3A_957 = arith.addi %mul3A_955, %add3A_956 : i32
        %add3A_958 = vector.broadcast %add3A_957 : i32 to vector<16xi32>
        %add3A_959 = arith.addi %iota3A, %add3A_958 : vector<16xi32>
        %and3A_960 = arith.constant 63 : i32
        %and3A_961 = vector.broadcast %and3A_960 : i32 to vector<16xi32>
        %and3A_962 = arith.andi %add3A_959, %and3A_961 : vector<16xi32>
        %gather3A_963 = tpu.vector_load_idx %arg11[%broadcast_in_dim3A_652, %and3A_962] : memref<16x64xf32, #tpu.memory_space<vmem>>[vector<16xi32>, vector<16xi32>], vector<16xf32>,
        %gather3A_964 = tpu.vector_load_idx %arg10[%add3A_644, %and3A_962] : memref<512x64xf32, #tpu.memory_space<vmem>>[vector<16xi32>, vector<16xi32>], vector<16xf32>,
        %mul3A_965 = arith.mulf %gather3A_964, %gather3A_963 : vector<16xf32>
        %add3A_966 = arith.addf %add3A_947, %mul3A_965 : vector<16xf32>
        %gather3A_967 = tpu.vector_load_idx %arg10[%add3A_647, %and3A_962] : memref<512x64xf32, #tpu.memory_space<vmem>>[vector<16xi32>, vector<16xi32>], vector<16xf32>,
        %mul3A_968 = arith.mulf %gather3A_967, %gather3A_963 : vector<16xf32>
        %add3A_969 = arith.addf %add3A_950, %mul3A_968 : vector<16xf32>
        %gather3A_970 = tpu.vector_load_idx %arg10[%add3A_650, %and3A_962] : memref<512x64xf32, #tpu.memory_space<vmem>>[vector<16xi32>, vector<16xi32>], vector<16xf32>,
        %mul3A_971 = arith.mulf %gather3A_970, %gather3A_963 : vector<16xf32>
        %add3A_972 = arith.addf %add3A_953, %mul3A_971 : vector<16xf32>
        scf.yield %add3A_966, %add3A_969, %add3A_972 : vector<16xf32>, vector<16xf32>, vector<16xf32>
      }
      %scan3A_669 = arith.constant 16 : i32
      tpu.vector_store_idx %arg12[%add3A_5, %broadcast_in_dim3A_657], %scan3A_668#0 : memref<50x512xf32, #tpu.memory_space<vmem>>[vector<16xi32>, vector<16xi32>], vector<16xf32>,
      tpu.vector_store_idx %arg12[%add3A_8, %broadcast_in_dim3A_657], %scan3A_668#1 : memref<50x512xf32, #tpu.memory_space<vmem>>[vector<16xi32>, vector<16xi32>], vector<16xf32>,
      tpu.vector_store_idx %arg12[%add3A_11, %broadcast_in_dim3A_657], %scan3A_668#2 : memref<50x512xf32, #tpu.memory_space<vmem>>[vector<16xi32>, vector<16xi32>], vector<16xf32>,
      %add3A_670 = arith.constant 64 : i32
      %add3A_671 = vector.broadcast %add3A_670 : i32 to vector<16xi32>
      %add3A_672 = arith.addi %add3A_5, %add3A_671 : vector<16xi32>
      %add3A_673 = arith.constant 64 : i32
      %add3A_674 = vector.broadcast %add3A_673 : i32 to vector<16xi32>
      %add3A_675 = arith.addi %add3A_8, %add3A_674 : vector<16xi32>
      %add3A_676 = arith.constant 64 : i32
      %add3A_677 = vector.broadcast %add3A_676 : i32 to vector<16xi32>
      %add3A_678 = arith.addi %add3A_11, %add3A_677 : vector<16xi32>
      %broadcast_in_dim3A_679 = arith.constant 9 : i32
      %broadcast_in_dim3A_680 = vector.broadcast %broadcast_in_dim3A_679 : i32 to vector<16xi32>
      %mul3A_681 = arith.constant 8 : i32
      %mul3A_682 = arith.muli %add3A_641, %mul3A_681 : i32
      %add3A_683 = arith.constant 1 : i32
      %add3A_684 = arith.addi %mul3A_682, %add3A_683 : i32
      %broadcast_in_dim3A_685 = vector.broadcast %add3A_684 : i32 to vector<16xi32>
      %broadcast_in_dim3A_686 = arith.constant 0.000000e+00 : f32
      %broadcast_in_dim3A_687 = vector.broadcast %broadcast_in_dim3A_686 : f32 to vector<16xf32>
      %broadcast_in_dim3A_688 = arith.constant 0.000000e+00 : f32
      %broadcast_in_dim3A_689 = vector.broadcast %broadcast_in_dim3A_688 : f32 to vector<16xf32>
      %broadcast_in_dim3A_690 = arith.constant 0.000000e+00 : f32
      %broadcast_in_dim3A_691 = vector.broadcast %broadcast_in_dim3A_690 : f32 to vector<16xf32>
      %scan3A_692 = arith.constant 0 : i32
      %scan3A_693 = arith.constant 16 : i32
      %scan3A_694 = arith.addi %scan3A_692, %scan3A_693 : i32
      %scan3A_695 = arith.constant 1 : i32
      %scan3A_696:3 = scf.for %scan3A_894 = %scan3A_692 to %scan3A_694 step %scan3A_695 iter_args(%scan3A_895 = %broadcast_in_dim3A_687, %scan3A_896 = %broadcast_in_dim3A_689, %scan3A_897 = %broadcast_in_dim3A_691) -> (vector<16xf32>, vector<16xf32>, vector<16xf32>)  : i32 {
        %mul3A_898 = arith.constant 4 : i32
        %mul3A_899 = arith.muli %scan3A_894, %mul3A_898 : i32
        %add3A_900 = arith.constant 0 : i32
        %add3A_901 = arith.addi %mul3A_899, %add3A_900 : i32
        %add3A_902 = vector.broadcast %add3A_901 : i32 to vector<16xi32>
        %add3A_903 = arith.addi %iota3A, %add3A_902 : vector<16xi32>
        %and3A_904 = arith.constant 63 : i32
        %and3A_905 = vector.broadcast %and3A_904 : i32 to vector<16xi32>
        %and3A_906 = arith.andi %add3A_903, %and3A_905 : vector<16xi32>
        %gather3A = tpu.vector_load_idx %arg11[%broadcast_in_dim3A_680, %and3A_906] : memref<16x64xf32, #tpu.memory_space<vmem>>[vector<16xi32>, vector<16xi32>], vector<16xf32>,
        %gather3A_907 = tpu.vector_load_idx %arg10[%add3A_672, %and3A_906] : memref<512x64xf32, #tpu.memory_space<vmem>>[vector<16xi32>, vector<16xi32>], vector<16xf32>,
        %mul3A_908 = arith.mulf %gather3A_907, %gather3A : vector<16xf32>
        %add3A_909 = arith.addf %scan3A_895, %mul3A_908 : vector<16xf32>
        %gather3A_910 = tpu.vector_load_idx %arg10[%add3A_675, %and3A_906] : memref<512x64xf32, #tpu.memory_space<vmem>>[vector<16xi32>, vector<16xi32>], vector<16xf32>,
        %mul3A_911 = arith.mulf %gather3A_910, %gather3A : vector<16xf32>
        %add3A_912 = arith.addf %scan3A_896, %mul3A_911 : vector<16xf32>
        %gather3A_913 = tpu.vector_load_idx %arg10[%add3A_678, %and3A_906] : memref<512x64xf32, #tpu.memory_space<vmem>>[vector<16xi32>, vector<16xi32>], vector<16xf32>,
        %mul3A_914 = arith.mulf %gather3A_913, %gather3A : vector<16xf32>
        %add3A_915 = arith.addf %scan3A_897, %mul3A_914 : vector<16xf32>
        %mul3A_916 = arith.constant 4 : i32
        %mul3A_917 = arith.muli %scan3A_894, %mul3A_916 : i32
        %add3A_918 = arith.constant 1 : i32
        %add3A_919 = arith.addi %mul3A_917, %add3A_918 : i32
        %add3A_920 = vector.broadcast %add3A_919 : i32 to vector<16xi32>
        %add3A_921 = arith.addi %iota3A, %add3A_920 : vector<16xi32>
        %and3A_922 = arith.constant 63 : i32
        %and3A_923 = vector.broadcast %and3A_922 : i32 to vector<16xi32>
        %and3A_924 = arith.andi %add3A_921, %and3A_923 : vector<16xi32>
        %gather3A_925 = tpu.vector_load_idx %arg11[%broadcast_in_dim3A_680, %and3A_924] : memref<16x64xf32, #tpu.memory_space<vmem>>[vector<16xi32>, vector<16xi32>], vector<16xf32>,
        %gather3A_926 = tpu.vector_load_idx %arg10[%add3A_672, %and3A_924] : memref<512x64xf32, #tpu.memory_space<vmem>>[vector<16xi32>, vector<16xi32>], vector<16xf32>,
        %mul3A_927 = arith.mulf %gather3A_926, %gather3A_925 : vector<16xf32>
        %add3A_928 = arith.addf %add3A_909, %mul3A_927 : vector<16xf32>
        %gather3A_929 = tpu.vector_load_idx %arg10[%add3A_675, %and3A_924] : memref<512x64xf32, #tpu.memory_space<vmem>>[vector<16xi32>, vector<16xi32>], vector<16xf32>,
        %mul3A_930 = arith.mulf %gather3A_929, %gather3A_925 : vector<16xf32>
        %add3A_931 = arith.addf %add3A_912, %mul3A_930 : vector<16xf32>
        %gather3A_932 = tpu.vector_load_idx %arg10[%add3A_678, %and3A_924] : memref<512x64xf32, #tpu.memory_space<vmem>>[vector<16xi32>, vector<16xi32>], vector<16xf32>,
        %mul3A_933 = arith.mulf %gather3A_932, %gather3A_925 : vector<16xf32>
        %add3A_934 = arith.addf %add3A_915, %mul3A_933 : vector<16xf32>
        %mul3A_935 = arith.constant 4 : i32
        %mul3A_936 = arith.muli %scan3A_894, %mul3A_935 : i32
        %add3A_937 = arith.constant 2 : i32
        %add3A_938 = arith.addi %mul3A_936, %add3A_937 : i32
        %add3A_939 = vector.broadcast %add3A_938 : i32 to vector<16xi32>
        %add3A_940 = arith.addi %iota3A, %add3A_939 : vector<16xi32>
        %and3A_941 = arith.constant 63 : i32
        %and3A_942 = vector.broadcast %and3A_941 : i32 to vector<16xi32>
        %and3A_943 = arith.andi %add3A_940, %and3A_942 : vector<16xi32>
        %gather3A_944 = tpu.vector_load_idx %arg11[%broadcast_in_dim3A_680, %and3A_943] : memref<16x64xf32, #tpu.memory_space<vmem>>[vector<16xi32>, vector<16xi32>], vector<16xf32>,
        %gather3A_945 = tpu.vector_load_idx %arg10[%add3A_672, %and3A_943] : memref<512x64xf32, #tpu.memory_space<vmem>>[vector<16xi32>, vector<16xi32>], vector<16xf32>,
        %mul3A_946 = arith.mulf %gather3A_945, %gather3A_944 : vector<16xf32>
        %add3A_947 = arith.addf %add3A_928, %mul3A_946 : vector<16xf32>
        %gather3A_948 = tpu.vector_load_idx %arg10[%add3A_675, %and3A_943] : memref<512x64xf32, #tpu.memory_space<vmem>>[vector<16xi32>, vector<16xi32>], vector<16xf32>,
        %mul3A_949 = arith.mulf %gather3A_948, %gather3A_944 : vector<16xf32>
        %add3A_950 = arith.addf %add3A_931, %mul3A_949 : vector<16xf32>
        %gather3A_951 = tpu.vector_load_idx %arg10[%add3A_678, %and3A_943] : memref<512x64xf32, #tpu.memory_space<vmem>>[vector<16xi32>, vector<16xi32>], vector<16xf32>,
        %mul3A_952 = arith.mulf %gather3A_951, %gather3A_944 : vector<16xf32>
        %add3A_953 = arith.addf %add3A_934, %mul3A_952 : vector<16xf32>
        %mul3A_954 = arith.constant 4 : i32
        %mul3A_955 = arith.muli %scan3A_894, %mul3A_954 : i32
        %add3A_956 = arith.constant 3 : i32
        %add3A_957 = arith.addi %mul3A_955, %add3A_956 : i32
        %add3A_958 = vector.broadcast %add3A_957 : i32 to vector<16xi32>
        %add3A_959 = arith.addi %iota3A, %add3A_958 : vector<16xi32>
        %and3A_960 = arith.constant 63 : i32
        %and3A_961 = vector.broadcast %and3A_960 : i32 to vector<16xi32>
        %and3A_962 = arith.andi %add3A_959, %and3A_961 : vector<16xi32>
        %gather3A_963 = tpu.vector_load_idx %arg11[%broadcast_in_dim3A_680, %and3A_962] : memref<16x64xf32, #tpu.memory_space<vmem>>[vector<16xi32>, vector<16xi32>], vector<16xf32>,
        %gather3A_964 = tpu.vector_load_idx %arg10[%add3A_672, %and3A_962] : memref<512x64xf32, #tpu.memory_space<vmem>>[vector<16xi32>, vector<16xi32>], vector<16xf32>,
        %mul3A_965 = arith.mulf %gather3A_964, %gather3A_963 : vector<16xf32>
        %add3A_966 = arith.addf %add3A_947, %mul3A_965 : vector<16xf32>
        %gather3A_967 = tpu.vector_load_idx %arg10[%add3A_675, %and3A_962] : memref<512x64xf32, #tpu.memory_space<vmem>>[vector<16xi32>, vector<16xi32>], vector<16xf32>,
        %mul3A_968 = arith.mulf %gather3A_967, %gather3A_963 : vector<16xf32>
        %add3A_969 = arith.addf %add3A_950, %mul3A_968 : vector<16xf32>
        %gather3A_970 = tpu.vector_load_idx %arg10[%add3A_678, %and3A_962] : memref<512x64xf32, #tpu.memory_space<vmem>>[vector<16xi32>, vector<16xi32>], vector<16xf32>,
        %mul3A_971 = arith.mulf %gather3A_970, %gather3A_963 : vector<16xf32>
        %add3A_972 = arith.addf %add3A_953, %mul3A_971 : vector<16xf32>
        scf.yield %add3A_966, %add3A_969, %add3A_972 : vector<16xf32>, vector<16xf32>, vector<16xf32>
      }
      %scan3A_697 = arith.constant 16 : i32
      tpu.vector_store_idx %arg12[%add3A_5, %broadcast_in_dim3A_685], %scan3A_696#0 : memref<50x512xf32, #tpu.memory_space<vmem>>[vector<16xi32>, vector<16xi32>], vector<16xf32>,
      tpu.vector_store_idx %arg12[%add3A_8, %broadcast_in_dim3A_685], %scan3A_696#1 : memref<50x512xf32, #tpu.memory_space<vmem>>[vector<16xi32>, vector<16xi32>], vector<16xf32>,
      tpu.vector_store_idx %arg12[%add3A_11, %broadcast_in_dim3A_685], %scan3A_696#2 : memref<50x512xf32, #tpu.memory_space<vmem>>[vector<16xi32>, vector<16xi32>], vector<16xf32>,
      %add3A_698 = arith.constant 128 : i32
      %add3A_699 = vector.broadcast %add3A_698 : i32 to vector<16xi32>
      %add3A_700 = arith.addi %add3A_5, %add3A_699 : vector<16xi32>
      %add3A_701 = arith.constant 128 : i32
      %add3A_702 = vector.broadcast %add3A_701 : i32 to vector<16xi32>
      %add3A_703 = arith.addi %add3A_8, %add3A_702 : vector<16xi32>
      %add3A_704 = arith.constant 128 : i32
      %add3A_705 = vector.broadcast %add3A_704 : i32 to vector<16xi32>
      %add3A_706 = arith.addi %add3A_11, %add3A_705 : vector<16xi32>
      %broadcast_in_dim3A_707 = arith.constant 10 : i32
      %broadcast_in_dim3A_708 = vector.broadcast %broadcast_in_dim3A_707 : i32 to vector<16xi32>
      %mul3A_709 = arith.constant 8 : i32
      %mul3A_710 = arith.muli %add3A_641, %mul3A_709 : i32
      %add3A_711 = arith.constant 2 : i32
      %add3A_712 = arith.addi %mul3A_710, %add3A_711 : i32
      %broadcast_in_dim3A_713 = vector.broadcast %add3A_712 : i32 to vector<16xi32>
      %broadcast_in_dim3A_714 = arith.constant 0.000000e+00 : f32
      %broadcast_in_dim3A_715 = vector.broadcast %broadcast_in_dim3A_714 : f32 to vector<16xf32>
      %broadcast_in_dim3A_716 = arith.constant 0.000000e+00 : f32
      %broadcast_in_dim3A_717 = vector.broadcast %broadcast_in_dim3A_716 : f32 to vector<16xf32>
      %broadcast_in_dim3A_718 = arith.constant 0.000000e+00 : f32
      %broadcast_in_dim3A_719 = vector.broadcast %broadcast_in_dim3A_718 : f32 to vector<16xf32>
      %scan3A_720 = arith.constant 0 : i32
      %scan3A_721 = arith.constant 16 : i32
      %scan3A_722 = arith.addi %scan3A_720, %scan3A_721 : i32
      %scan3A_723 = arith.constant 1 : i32
      %scan3A_724:3 = scf.for %scan3A_894 = %scan3A_720 to %scan3A_722 step %scan3A_723 iter_args(%scan3A_895 = %broadcast_in_dim3A_715, %scan3A_896 = %broadcast_in_dim3A_717, %scan3A_897 = %broadcast_in_dim3A_719) -> (vector<16xf32>, vector<16xf32>, vector<16xf32>)  : i32 {
        %mul3A_898 = arith.constant 4 : i32
        %mul3A_899 = arith.muli %scan3A_894, %mul3A_898 : i32
        %add3A_900 = arith.constant 0 : i32
        %add3A_901 = arith.addi %mul3A_899, %add3A_900 : i32
        %add3A_902 = vector.broadcast %add3A_901 : i32 to vector<16xi32>
        %add3A_903 = arith.addi %iota3A, %add3A_902 : vector<16xi32>
        %and3A_904 = arith.constant 63 : i32
        %and3A_905 = vector.broadcast %and3A_904 : i32 to vector<16xi32>
        %and3A_906 = arith.andi %add3A_903, %and3A_905 : vector<16xi32>
        %gather3A = tpu.vector_load_idx %arg11[%broadcast_in_dim3A_708, %and3A_906] : memref<16x64xf32, #tpu.memory_space<vmem>>[vector<16xi32>, vector<16xi32>], vector<16xf32>,
        %gather3A_907 = tpu.vector_load_idx %arg10[%add3A_700, %and3A_906] : memref<512x64xf32, #tpu.memory_space<vmem>>[vector<16xi32>, vector<16xi32>], vector<16xf32>,
        %mul3A_908 = arith.mulf %gather3A_907, %gather3A : vector<16xf32>
        %add3A_909 = arith.addf %scan3A_895, %mul3A_908 : vector<16xf32>
        %gather3A_910 = tpu.vector_load_idx %arg10[%add3A_703, %and3A_906] : memref<512x64xf32, #tpu.memory_space<vmem>>[vector<16xi32>, vector<16xi32>], vector<16xf32>,
        %mul3A_911 = arith.mulf %gather3A_910, %gather3A : vector<16xf32>
        %add3A_912 = arith.addf %scan3A_896, %mul3A_911 : vector<16xf32>
        %gather3A_913 = tpu.vector_load_idx %arg10[%add3A_706, %and3A_906] : memref<512x64xf32, #tpu.memory_space<vmem>>[vector<16xi32>, vector<16xi32>], vector<16xf32>,
        %mul3A_914 = arith.mulf %gather3A_913, %gather3A : vector<16xf32>
        %add3A_915 = arith.addf %scan3A_897, %mul3A_914 : vector<16xf32>
        %mul3A_916 = arith.constant 4 : i32
        %mul3A_917 = arith.muli %scan3A_894, %mul3A_916 : i32
        %add3A_918 = arith.constant 1 : i32
        %add3A_919 = arith.addi %mul3A_917, %add3A_918 : i32
        %add3A_920 = vector.broadcast %add3A_919 : i32 to vector<16xi32>
        %add3A_921 = arith.addi %iota3A, %add3A_920 : vector<16xi32>
        %and3A_922 = arith.constant 63 : i32
        %and3A_923 = vector.broadcast %and3A_922 : i32 to vector<16xi32>
        %and3A_924 = arith.andi %add3A_921, %and3A_923 : vector<16xi32>
        %gather3A_925 = tpu.vector_load_idx %arg11[%broadcast_in_dim3A_708, %and3A_924] : memref<16x64xf32, #tpu.memory_space<vmem>>[vector<16xi32>, vector<16xi32>], vector<16xf32>,
        %gather3A_926 = tpu.vector_load_idx %arg10[%add3A_700, %and3A_924] : memref<512x64xf32, #tpu.memory_space<vmem>>[vector<16xi32>, vector<16xi32>], vector<16xf32>,
        %mul3A_927 = arith.mulf %gather3A_926, %gather3A_925 : vector<16xf32>
        %add3A_928 = arith.addf %add3A_909, %mul3A_927 : vector<16xf32>
        %gather3A_929 = tpu.vector_load_idx %arg10[%add3A_703, %and3A_924] : memref<512x64xf32, #tpu.memory_space<vmem>>[vector<16xi32>, vector<16xi32>], vector<16xf32>,
        %mul3A_930 = arith.mulf %gather3A_929, %gather3A_925 : vector<16xf32>
        %add3A_931 = arith.addf %add3A_912, %mul3A_930 : vector<16xf32>
        %gather3A_932 = tpu.vector_load_idx %arg10[%add3A_706, %and3A_924] : memref<512x64xf32, #tpu.memory_space<vmem>>[vector<16xi32>, vector<16xi32>], vector<16xf32>,
        %mul3A_933 = arith.mulf %gather3A_932, %gather3A_925 : vector<16xf32>
        %add3A_934 = arith.addf %add3A_915, %mul3A_933 : vector<16xf32>
        %mul3A_935 = arith.constant 4 : i32
        %mul3A_936 = arith.muli %scan3A_894, %mul3A_935 : i32
        %add3A_937 = arith.constant 2 : i32
        %add3A_938 = arith.addi %mul3A_936, %add3A_937 : i32
        %add3A_939 = vector.broadcast %add3A_938 : i32 to vector<16xi32>
        %add3A_940 = arith.addi %iota3A, %add3A_939 : vector<16xi32>
        %and3A_941 = arith.constant 63 : i32
        %and3A_942 = vector.broadcast %and3A_941 : i32 to vector<16xi32>
        %and3A_943 = arith.andi %add3A_940, %and3A_942 : vector<16xi32>
        %gather3A_944 = tpu.vector_load_idx %arg11[%broadcast_in_dim3A_708, %and3A_943] : memref<16x64xf32, #tpu.memory_space<vmem>>[vector<16xi32>, vector<16xi32>], vector<16xf32>,
        %gather3A_945 = tpu.vector_load_idx %arg10[%add3A_700, %and3A_943] : memref<512x64xf32, #tpu.memory_space<vmem>>[vector<16xi32>, vector<16xi32>], vector<16xf32>,
        %mul3A_946 = arith.mulf %gather3A_945, %gather3A_944 : vector<16xf32>
        %add3A_947 = arith.addf %add3A_928, %mul3A_946 : vector<16xf32>
        %gather3A_948 = tpu.vector_load_idx %arg10[%add3A_703, %and3A_943] : memref<512x64xf32, #tpu.memory_space<vmem>>[vector<16xi32>, vector<16xi32>], vector<16xf32>,
        %mul3A_949 = arith.mulf %gather3A_948, %gather3A_944 : vector<16xf32>
        %add3A_950 = arith.addf %add3A_931, %mul3A_949 : vector<16xf32>
        %gather3A_951 = tpu.vector_load_idx %arg10[%add3A_706, %and3A_943] : memref<512x64xf32, #tpu.memory_space<vmem>>[vector<16xi32>, vector<16xi32>], vector<16xf32>,
        %mul3A_952 = arith.mulf %gather3A_951, %gather3A_944 : vector<16xf32>
        %add3A_953 = arith.addf %add3A_934, %mul3A_952 : vector<16xf32>
        %mul3A_954 = arith.constant 4 : i32
        %mul3A_955 = arith.muli %scan3A_894, %mul3A_954 : i32
        %add3A_956 = arith.constant 3 : i32
        %add3A_957 = arith.addi %mul3A_955, %add3A_956 : i32
        %add3A_958 = vector.broadcast %add3A_957 : i32 to vector<16xi32>
        %add3A_959 = arith.addi %iota3A, %add3A_958 : vector<16xi32>
        %and3A_960 = arith.constant 63 : i32
        %and3A_961 = vector.broadcast %and3A_960 : i32 to vector<16xi32>
        %and3A_962 = arith.andi %add3A_959, %and3A_961 : vector<16xi32>
        %gather3A_963 = tpu.vector_load_idx %arg11[%broadcast_in_dim3A_708, %and3A_962] : memref<16x64xf32, #tpu.memory_space<vmem>>[vector<16xi32>, vector<16xi32>], vector<16xf32>,
        %gather3A_964 = tpu.vector_load_idx %arg10[%add3A_700, %and3A_962] : memref<512x64xf32, #tpu.memory_space<vmem>>[vector<16xi32>, vector<16xi32>], vector<16xf32>,
        %mul3A_965 = arith.mulf %gather3A_964, %gather3A_963 : vector<16xf32>
        %add3A_966 = arith.addf %add3A_947, %mul3A_965 : vector<16xf32>
        %gather3A_967 = tpu.vector_load_idx %arg10[%add3A_703, %and3A_962] : memref<512x64xf32, #tpu.memory_space<vmem>>[vector<16xi32>, vector<16xi32>], vector<16xf32>,
        %mul3A_968 = arith.mulf %gather3A_967, %gather3A_963 : vector<16xf32>
        %add3A_969 = arith.addf %add3A_950, %mul3A_968 : vector<16xf32>
        %gather3A_970 = tpu.vector_load_idx %arg10[%add3A_706, %and3A_962] : memref<512x64xf32, #tpu.memory_space<vmem>>[vector<16xi32>, vector<16xi32>], vector<16xf32>,
        %mul3A_971 = arith.mulf %gather3A_970, %gather3A_963 : vector<16xf32>
        %add3A_972 = arith.addf %add3A_953, %mul3A_971 : vector<16xf32>
        scf.yield %add3A_966, %add3A_969, %add3A_972 : vector<16xf32>, vector<16xf32>, vector<16xf32>
      }
      %scan3A_725 = arith.constant 16 : i32
      tpu.vector_store_idx %arg12[%add3A_5, %broadcast_in_dim3A_713], %scan3A_724#0 : memref<50x512xf32, #tpu.memory_space<vmem>>[vector<16xi32>, vector<16xi32>], vector<16xf32>,
      tpu.vector_store_idx %arg12[%add3A_8, %broadcast_in_dim3A_713], %scan3A_724#1 : memref<50x512xf32, #tpu.memory_space<vmem>>[vector<16xi32>, vector<16xi32>], vector<16xf32>,
      tpu.vector_store_idx %arg12[%add3A_11, %broadcast_in_dim3A_713], %scan3A_724#2 : memref<50x512xf32, #tpu.memory_space<vmem>>[vector<16xi32>, vector<16xi32>], vector<16xf32>,
      %add3A_726 = arith.constant 192 : i32
      %add3A_727 = vector.broadcast %add3A_726 : i32 to vector<16xi32>
      %add3A_728 = arith.addi %add3A_5, %add3A_727 : vector<16xi32>
      %add3A_729 = arith.constant 192 : i32
      %add3A_730 = vector.broadcast %add3A_729 : i32 to vector<16xi32>
      %add3A_731 = arith.addi %add3A_8, %add3A_730 : vector<16xi32>
      %add3A_732 = arith.constant 192 : i32
      %add3A_733 = vector.broadcast %add3A_732 : i32 to vector<16xi32>
      %add3A_734 = arith.addi %add3A_11, %add3A_733 : vector<16xi32>
      %broadcast_in_dim3A_735 = arith.constant 11 : i32
      %broadcast_in_dim3A_736 = vector.broadcast %broadcast_in_dim3A_735 : i32 to vector<16xi32>
      %mul3A_737 = arith.constant 8 : i32
      %mul3A_738 = arith.muli %add3A_641, %mul3A_737 : i32
      %add3A_739 = arith.constant 3 : i32
      %add3A_740 = arith.addi %mul3A_738, %add3A_739 : i32
      %broadcast_in_dim3A_741 = vector.broadcast %add3A_740 : i32 to vector<16xi32>
      %broadcast_in_dim3A_742 = arith.constant 0.000000e+00 : f32
      %broadcast_in_dim3A_743 = vector.broadcast %broadcast_in_dim3A_742 : f32 to vector<16xf32>
      %broadcast_in_dim3A_744 = arith.constant 0.000000e+00 : f32
      %broadcast_in_dim3A_745 = vector.broadcast %broadcast_in_dim3A_744 : f32 to vector<16xf32>
      %broadcast_in_dim3A_746 = arith.constant 0.000000e+00 : f32
      %broadcast_in_dim3A_747 = vector.broadcast %broadcast_in_dim3A_746 : f32 to vector<16xf32>
      %scan3A_748 = arith.constant 0 : i32
      %scan3A_749 = arith.constant 16 : i32
      %scan3A_750 = arith.addi %scan3A_748, %scan3A_749 : i32
      %scan3A_751 = arith.constant 1 : i32
      %scan3A_752:3 = scf.for %scan3A_894 = %scan3A_748 to %scan3A_750 step %scan3A_751 iter_args(%scan3A_895 = %broadcast_in_dim3A_743, %scan3A_896 = %broadcast_in_dim3A_745, %scan3A_897 = %broadcast_in_dim3A_747) -> (vector<16xf32>, vector<16xf32>, vector<16xf32>)  : i32 {
        %mul3A_898 = arith.constant 4 : i32
        %mul3A_899 = arith.muli %scan3A_894, %mul3A_898 : i32
        %add3A_900 = arith.constant 0 : i32
        %add3A_901 = arith.addi %mul3A_899, %add3A_900 : i32
        %add3A_902 = vector.broadcast %add3A_901 : i32 to vector<16xi32>
        %add3A_903 = arith.addi %iota3A, %add3A_902 : vector<16xi32>
        %and3A_904 = arith.constant 63 : i32
        %and3A_905 = vector.broadcast %and3A_904 : i32 to vector<16xi32>
        %and3A_906 = arith.andi %add3A_903, %and3A_905 : vector<16xi32>
        %gather3A = tpu.vector_load_idx %arg11[%broadcast_in_dim3A_736, %and3A_906] : memref<16x64xf32, #tpu.memory_space<vmem>>[vector<16xi32>, vector<16xi32>], vector<16xf32>,
        %gather3A_907 = tpu.vector_load_idx %arg10[%add3A_728, %and3A_906] : memref<512x64xf32, #tpu.memory_space<vmem>>[vector<16xi32>, vector<16xi32>], vector<16xf32>,
        %mul3A_908 = arith.mulf %gather3A_907, %gather3A : vector<16xf32>
        %add3A_909 = arith.addf %scan3A_895, %mul3A_908 : vector<16xf32>
        %gather3A_910 = tpu.vector_load_idx %arg10[%add3A_731, %and3A_906] : memref<512x64xf32, #tpu.memory_space<vmem>>[vector<16xi32>, vector<16xi32>], vector<16xf32>,
        %mul3A_911 = arith.mulf %gather3A_910, %gather3A : vector<16xf32>
        %add3A_912 = arith.addf %scan3A_896, %mul3A_911 : vector<16xf32>
        %gather3A_913 = tpu.vector_load_idx %arg10[%add3A_734, %and3A_906] : memref<512x64xf32, #tpu.memory_space<vmem>>[vector<16xi32>, vector<16xi32>], vector<16xf32>,
        %mul3A_914 = arith.mulf %gather3A_913, %gather3A : vector<16xf32>
        %add3A_915 = arith.addf %scan3A_897, %mul3A_914 : vector<16xf32>
        %mul3A_916 = arith.constant 4 : i32
        %mul3A_917 = arith.muli %scan3A_894, %mul3A_916 : i32
        %add3A_918 = arith.constant 1 : i32
        %add3A_919 = arith.addi %mul3A_917, %add3A_918 : i32
        %add3A_920 = vector.broadcast %add3A_919 : i32 to vector<16xi32>
        %add3A_921 = arith.addi %iota3A, %add3A_920 : vector<16xi32>
        %and3A_922 = arith.constant 63 : i32
        %and3A_923 = vector.broadcast %and3A_922 : i32 to vector<16xi32>
        %and3A_924 = arith.andi %add3A_921, %and3A_923 : vector<16xi32>
        %gather3A_925 = tpu.vector_load_idx %arg11[%broadcast_in_dim3A_736, %and3A_924] : memref<16x64xf32, #tpu.memory_space<vmem>>[vector<16xi32>, vector<16xi32>], vector<16xf32>,
        %gather3A_926 = tpu.vector_load_idx %arg10[%add3A_728, %and3A_924] : memref<512x64xf32, #tpu.memory_space<vmem>>[vector<16xi32>, vector<16xi32>], vector<16xf32>,
        %mul3A_927 = arith.mulf %gather3A_926, %gather3A_925 : vector<16xf32>
        %add3A_928 = arith.addf %add3A_909, %mul3A_927 : vector<16xf32>
        %gather3A_929 = tpu.vector_load_idx %arg10[%add3A_731, %and3A_924] : memref<512x64xf32, #tpu.memory_space<vmem>>[vector<16xi32>, vector<16xi32>], vector<16xf32>,
        %mul3A_930 = arith.mulf %gather3A_929, %gather3A_925 : vector<16xf32>
        %add3A_931 = arith.addf %add3A_912, %mul3A_930 : vector<16xf32>
        %gather3A_932 = tpu.vector_load_idx %arg10[%add3A_734, %and3A_924] : memref<512x64xf32, #tpu.memory_space<vmem>>[vector<16xi32>, vector<16xi32>], vector<16xf32>,
        %mul3A_933 = arith.mulf %gather3A_932, %gather3A_925 : vector<16xf32>
        %add3A_934 = arith.addf %add3A_915, %mul3A_933 : vector<16xf32>
        %mul3A_935 = arith.constant 4 : i32
        %mul3A_936 = arith.muli %scan3A_894, %mul3A_935 : i32
        %add3A_937 = arith.constant 2 : i32
        %add3A_938 = arith.addi %mul3A_936, %add3A_937 : i32
        %add3A_939 = vector.broadcast %add3A_938 : i32 to vector<16xi32>
        %add3A_940 = arith.addi %iota3A, %add3A_939 : vector<16xi32>
        %and3A_941 = arith.constant 63 : i32
        %and3A_942 = vector.broadcast %and3A_941 : i32 to vector<16xi32>
        %and3A_943 = arith.andi %add3A_940, %and3A_942 : vector<16xi32>
        %gather3A_944 = tpu.vector_load_idx %arg11[%broadcast_in_dim3A_736, %and3A_943] : memref<16x64xf32, #tpu.memory_space<vmem>>[vector<16xi32>, vector<16xi32>], vector<16xf32>,
        %gather3A_945 = tpu.vector_load_idx %arg10[%add3A_728, %and3A_943] : memref<512x64xf32, #tpu.memory_space<vmem>>[vector<16xi32>, vector<16xi32>], vector<16xf32>,
        %mul3A_946 = arith.mulf %gather3A_945, %gather3A_944 : vector<16xf32>
        %add3A_947 = arith.addf %add3A_928, %mul3A_946 : vector<16xf32>
        %gather3A_948 = tpu.vector_load_idx %arg10[%add3A_731, %and3A_943] : memref<512x64xf32, #tpu.memory_space<vmem>>[vector<16xi32>, vector<16xi32>], vector<16xf32>,
        %mul3A_949 = arith.mulf %gather3A_948, %gather3A_944 : vector<16xf32>
        %add3A_950 = arith.addf %add3A_931, %mul3A_949 : vector<16xf32>
        %gather3A_951 = tpu.vector_load_idx %arg10[%add3A_734, %and3A_943] : memref<512x64xf32, #tpu.memory_space<vmem>>[vector<16xi32>, vector<16xi32>], vector<16xf32>,
        %mul3A_952 = arith.mulf %gather3A_951, %gather3A_944 : vector<16xf32>
        %add3A_953 = arith.addf %add3A_934, %mul3A_952 : vector<16xf32>
        %mul3A_954 = arith.constant 4 : i32
        %mul3A_955 = arith.muli %scan3A_894, %mul3A_954 : i32
        %add3A_956 = arith.constant 3 : i32
        %add3A_957 = arith.addi %mul3A_955, %add3A_956 : i32
        %add3A_958 = vector.broadcast %add3A_957 : i32 to vector<16xi32>
        %add3A_959 = arith.addi %iota3A, %add3A_958 : vector<16xi32>
        %and3A_960 = arith.constant 63 : i32
        %and3A_961 = vector.broadcast %and3A_960 : i32 to vector<16xi32>
        %and3A_962 = arith.andi %add3A_959, %and3A_961 : vector<16xi32>
        %gather3A_963 = tpu.vector_load_idx %arg11[%broadcast_in_dim3A_736, %and3A_962] : memref<16x64xf32, #tpu.memory_space<vmem>>[vector<16xi32>, vector<16xi32>], vector<16xf32>,
        %gather3A_964 = tpu.vector_load_idx %arg10[%add3A_728, %and3A_962] : memref<512x64xf32, #tpu.memory_space<vmem>>[vector<16xi32>, vector<16xi32>], vector<16xf32>,
        %mul3A_965 = arith.mulf %gather3A_964, %gather3A_963 : vector<16xf32>
        %add3A_966 = arith.addf %add3A_947, %mul3A_965 : vector<16xf32>
        %gather3A_967 = tpu.vector_load_idx %arg10[%add3A_731, %and3A_962] : memref<512x64xf32, #tpu.memory_space<vmem>>[vector<16xi32>, vector<16xi32>], vector<16xf32>,
        %mul3A_968 = arith.mulf %gather3A_967, %gather3A_963 : vector<16xf32>
        %add3A_969 = arith.addf %add3A_950, %mul3A_968 : vector<16xf32>
        %gather3A_970 = tpu.vector_load_idx %arg10[%add3A_734, %and3A_962] : memref<512x64xf32, #tpu.memory_space<vmem>>[vector<16xi32>, vector<16xi32>], vector<16xf32>,
        %mul3A_971 = arith.mulf %gather3A_970, %gather3A_963 : vector<16xf32>
        %add3A_972 = arith.addf %add3A_953, %mul3A_971 : vector<16xf32>
        scf.yield %add3A_966, %add3A_969, %add3A_972 : vector<16xf32>, vector<16xf32>, vector<16xf32>
      }
      %scan3A_753 = arith.constant 16 : i32
      tpu.vector_store_idx %arg12[%add3A_5, %broadcast_in_dim3A_741], %scan3A_752#0 : memref<50x512xf32, #tpu.memory_space<vmem>>[vector<16xi32>, vector<16xi32>], vector<16xf32>,
      tpu.vector_store_idx %arg12[%add3A_8, %broadcast_in_dim3A_741], %scan3A_752#1 : memref<50x512xf32, #tpu.memory_space<vmem>>[vector<16xi32>, vector<16xi32>], vector<16xf32>,
      tpu.vector_store_idx %arg12[%add3A_11, %broadcast_in_dim3A_741], %scan3A_752#2 : memref<50x512xf32, #tpu.memory_space<vmem>>[vector<16xi32>, vector<16xi32>], vector<16xf32>,
      %add3A_754 = arith.constant 256 : i32
      %add3A_755 = vector.broadcast %add3A_754 : i32 to vector<16xi32>
      %add3A_756 = arith.addi %add3A_5, %add3A_755 : vector<16xi32>
      %add3A_757 = arith.constant 256 : i32
      %add3A_758 = vector.broadcast %add3A_757 : i32 to vector<16xi32>
      %add3A_759 = arith.addi %add3A_8, %add3A_758 : vector<16xi32>
      %add3A_760 = arith.constant 256 : i32
      %add3A_761 = vector.broadcast %add3A_760 : i32 to vector<16xi32>
      %add3A_762 = arith.addi %add3A_11, %add3A_761 : vector<16xi32>
      %broadcast_in_dim3A_763 = arith.constant 12 : i32
      %broadcast_in_dim3A_764 = vector.broadcast %broadcast_in_dim3A_763 : i32 to vector<16xi32>
      %mul3A_765 = arith.constant 8 : i32
      %mul3A_766 = arith.muli %add3A_641, %mul3A_765 : i32
      %add3A_767 = arith.constant 4 : i32
      %add3A_768 = arith.addi %mul3A_766, %add3A_767 : i32
      %broadcast_in_dim3A_769 = vector.broadcast %add3A_768 : i32 to vector<16xi32>
      %broadcast_in_dim3A_770 = arith.constant 0.000000e+00 : f32
      %broadcast_in_dim3A_771 = vector.broadcast %broadcast_in_dim3A_770 : f32 to vector<16xf32>
      %broadcast_in_dim3A_772 = arith.constant 0.000000e+00 : f32
      %broadcast_in_dim3A_773 = vector.broadcast %broadcast_in_dim3A_772 : f32 to vector<16xf32>
      %broadcast_in_dim3A_774 = arith.constant 0.000000e+00 : f32
      %broadcast_in_dim3A_775 = vector.broadcast %broadcast_in_dim3A_774 : f32 to vector<16xf32>
      %scan3A_776 = arith.constant 0 : i32
      %scan3A_777 = arith.constant 16 : i32
      %scan3A_778 = arith.addi %scan3A_776, %scan3A_777 : i32
      %scan3A_779 = arith.constant 1 : i32
      %scan3A_780:3 = scf.for %scan3A_894 = %scan3A_776 to %scan3A_778 step %scan3A_779 iter_args(%scan3A_895 = %broadcast_in_dim3A_771, %scan3A_896 = %broadcast_in_dim3A_773, %scan3A_897 = %broadcast_in_dim3A_775) -> (vector<16xf32>, vector<16xf32>, vector<16xf32>)  : i32 {
        %mul3A_898 = arith.constant 4 : i32
        %mul3A_899 = arith.muli %scan3A_894, %mul3A_898 : i32
        %add3A_900 = arith.constant 0 : i32
        %add3A_901 = arith.addi %mul3A_899, %add3A_900 : i32
        %add3A_902 = vector.broadcast %add3A_901 : i32 to vector<16xi32>
        %add3A_903 = arith.addi %iota3A, %add3A_902 : vector<16xi32>
        %and3A_904 = arith.constant 63 : i32
        %and3A_905 = vector.broadcast %and3A_904 : i32 to vector<16xi32>
        %and3A_906 = arith.andi %add3A_903, %and3A_905 : vector<16xi32>
        %gather3A = tpu.vector_load_idx %arg11[%broadcast_in_dim3A_764, %and3A_906] : memref<16x64xf32, #tpu.memory_space<vmem>>[vector<16xi32>, vector<16xi32>], vector<16xf32>,
        %gather3A_907 = tpu.vector_load_idx %arg10[%add3A_756, %and3A_906] : memref<512x64xf32, #tpu.memory_space<vmem>>[vector<16xi32>, vector<16xi32>], vector<16xf32>,
        %mul3A_908 = arith.mulf %gather3A_907, %gather3A : vector<16xf32>
        %add3A_909 = arith.addf %scan3A_895, %mul3A_908 : vector<16xf32>
        %gather3A_910 = tpu.vector_load_idx %arg10[%add3A_759, %and3A_906] : memref<512x64xf32, #tpu.memory_space<vmem>>[vector<16xi32>, vector<16xi32>], vector<16xf32>,
        %mul3A_911 = arith.mulf %gather3A_910, %gather3A : vector<16xf32>
        %add3A_912 = arith.addf %scan3A_896, %mul3A_911 : vector<16xf32>
        %gather3A_913 = tpu.vector_load_idx %arg10[%add3A_762, %and3A_906] : memref<512x64xf32, #tpu.memory_space<vmem>>[vector<16xi32>, vector<16xi32>], vector<16xf32>,
        %mul3A_914 = arith.mulf %gather3A_913, %gather3A : vector<16xf32>
        %add3A_915 = arith.addf %scan3A_897, %mul3A_914 : vector<16xf32>
        %mul3A_916 = arith.constant 4 : i32
        %mul3A_917 = arith.muli %scan3A_894, %mul3A_916 : i32
        %add3A_918 = arith.constant 1 : i32
        %add3A_919 = arith.addi %mul3A_917, %add3A_918 : i32
        %add3A_920 = vector.broadcast %add3A_919 : i32 to vector<16xi32>
        %add3A_921 = arith.addi %iota3A, %add3A_920 : vector<16xi32>
        %and3A_922 = arith.constant 63 : i32
        %and3A_923 = vector.broadcast %and3A_922 : i32 to vector<16xi32>
        %and3A_924 = arith.andi %add3A_921, %and3A_923 : vector<16xi32>
        %gather3A_925 = tpu.vector_load_idx %arg11[%broadcast_in_dim3A_764, %and3A_924] : memref<16x64xf32, #tpu.memory_space<vmem>>[vector<16xi32>, vector<16xi32>], vector<16xf32>,
        %gather3A_926 = tpu.vector_load_idx %arg10[%add3A_756, %and3A_924] : memref<512x64xf32, #tpu.memory_space<vmem>>[vector<16xi32>, vector<16xi32>], vector<16xf32>,
        %mul3A_927 = arith.mulf %gather3A_926, %gather3A_925 : vector<16xf32>
        %add3A_928 = arith.addf %add3A_909, %mul3A_927 : vector<16xf32>
        %gather3A_929 = tpu.vector_load_idx %arg10[%add3A_759, %and3A_924] : memref<512x64xf32, #tpu.memory_space<vmem>>[vector<16xi32>, vector<16xi32>], vector<16xf32>,
        %mul3A_930 = arith.mulf %gather3A_929, %gather3A_925 : vector<16xf32>
        %add3A_931 = arith.addf %add3A_912, %mul3A_930 : vector<16xf32>
        %gather3A_932 = tpu.vector_load_idx %arg10[%add3A_762, %and3A_924] : memref<512x64xf32, #tpu.memory_space<vmem>>[vector<16xi32>, vector<16xi32>], vector<16xf32>,
        %mul3A_933 = arith.mulf %gather3A_932, %gather3A_925 : vector<16xf32>
        %add3A_934 = arith.addf %add3A_915, %mul3A_933 : vector<16xf32>
        %mul3A_935 = arith.constant 4 : i32
        %mul3A_936 = arith.muli %scan3A_894, %mul3A_935 : i32
        %add3A_937 = arith.constant 2 : i32
        %add3A_938 = arith.addi %mul3A_936, %add3A_937 : i32
        %add3A_939 = vector.broadcast %add3A_938 : i32 to vector<16xi32>
        %add3A_940 = arith.addi %iota3A, %add3A_939 : vector<16xi32>
        %and3A_941 = arith.constant 63 : i32
        %and3A_942 = vector.broadcast %and3A_941 : i32 to vector<16xi32>
        %and3A_943 = arith.andi %add3A_940, %and3A_942 : vector<16xi32>
        %gather3A_944 = tpu.vector_load_idx %arg11[%broadcast_in_dim3A_764, %and3A_943] : memref<16x64xf32, #tpu.memory_space<vmem>>[vector<16xi32>, vector<16xi32>], vector<16xf32>,
        %gather3A_945 = tpu.vector_load_idx %arg10[%add3A_756, %and3A_943] : memref<512x64xf32, #tpu.memory_space<vmem>>[vector<16xi32>, vector<16xi32>], vector<16xf32>,
        %mul3A_946 = arith.mulf %gather3A_945, %gather3A_944 : vector<16xf32>
        %add3A_947 = arith.addf %add3A_928, %mul3A_946 : vector<16xf32>
        %gather3A_948 = tpu.vector_load_idx %arg10[%add3A_759, %and3A_943] : memref<512x64xf32, #tpu.memory_space<vmem>>[vector<16xi32>, vector<16xi32>], vector<16xf32>,
        %mul3A_949 = arith.mulf %gather3A_948, %gather3A_944 : vector<16xf32>
        %add3A_950 = arith.addf %add3A_931, %mul3A_949 : vector<16xf32>
        %gather3A_951 = tpu.vector_load_idx %arg10[%add3A_762, %and3A_943] : memref<512x64xf32, #tpu.memory_space<vmem>>[vector<16xi32>, vector<16xi32>], vector<16xf32>,
        %mul3A_952 = arith.mulf %gather3A_951, %gather3A_944 : vector<16xf32>
        %add3A_953 = arith.addf %add3A_934, %mul3A_952 : vector<16xf32>
        %mul3A_954 = arith.constant 4 : i32
        %mul3A_955 = arith.muli %scan3A_894, %mul3A_954 : i32
        %add3A_956 = arith.constant 3 : i32
        %add3A_957 = arith.addi %mul3A_955, %add3A_956 : i32
        %add3A_958 = vector.broadcast %add3A_957 : i32 to vector<16xi32>
        %add3A_959 = arith.addi %iota3A, %add3A_958 : vector<16xi32>
        %and3A_960 = arith.constant 63 : i32
        %and3A_961 = vector.broadcast %and3A_960 : i32 to vector<16xi32>
        %and3A_962 = arith.andi %add3A_959, %and3A_961 : vector<16xi32>
        %gather3A_963 = tpu.vector_load_idx %arg11[%broadcast_in_dim3A_764, %and3A_962] : memref<16x64xf32, #tpu.memory_space<vmem>>[vector<16xi32>, vector<16xi32>], vector<16xf32>,
        %gather3A_964 = tpu.vector_load_idx %arg10[%add3A_756, %and3A_962] : memref<512x64xf32, #tpu.memory_space<vmem>>[vector<16xi32>, vector<16xi32>], vector<16xf32>,
        %mul3A_965 = arith.mulf %gather3A_964, %gather3A_963 : vector<16xf32>
        %add3A_966 = arith.addf %add3A_947, %mul3A_965 : vector<16xf32>
        %gather3A_967 = tpu.vector_load_idx %arg10[%add3A_759, %and3A_962] : memref<512x64xf32, #tpu.memory_space<vmem>>[vector<16xi32>, vector<16xi32>], vector<16xf32>,
        %mul3A_968 = arith.mulf %gather3A_967, %gather3A_963 : vector<16xf32>
        %add3A_969 = arith.addf %add3A_950, %mul3A_968 : vector<16xf32>
        %gather3A_970 = tpu.vector_load_idx %arg10[%add3A_762, %and3A_962] : memref<512x64xf32, #tpu.memory_space<vmem>>[vector<16xi32>, vector<16xi32>], vector<16xf32>,
        %mul3A_971 = arith.mulf %gather3A_970, %gather3A_963 : vector<16xf32>
        %add3A_972 = arith.addf %add3A_953, %mul3A_971 : vector<16xf32>
        scf.yield %add3A_966, %add3A_969, %add3A_972 : vector<16xf32>, vector<16xf32>, vector<16xf32>
      }
      %scan3A_781 = arith.constant 16 : i32
      tpu.vector_store_idx %arg12[%add3A_5, %broadcast_in_dim3A_769], %scan3A_780#0 : memref<50x512xf32, #tpu.memory_space<vmem>>[vector<16xi32>, vector<16xi32>], vector<16xf32>,
      tpu.vector_store_idx %arg12[%add3A_8, %broadcast_in_dim3A_769], %scan3A_780#1 : memref<50x512xf32, #tpu.memory_space<vmem>>[vector<16xi32>, vector<16xi32>], vector<16xf32>,
      tpu.vector_store_idx %arg12[%add3A_11, %broadcast_in_dim3A_769], %scan3A_780#2 : memref<50x512xf32, #tpu.memory_space<vmem>>[vector<16xi32>, vector<16xi32>], vector<16xf32>,
      %add3A_782 = arith.constant 320 : i32
      %add3A_783 = vector.broadcast %add3A_782 : i32 to vector<16xi32>
      %add3A_784 = arith.addi %add3A_5, %add3A_783 : vector<16xi32>
      %add3A_785 = arith.constant 320 : i32
      %add3A_786 = vector.broadcast %add3A_785 : i32 to vector<16xi32>
      %add3A_787 = arith.addi %add3A_8, %add3A_786 : vector<16xi32>
      %add3A_788 = arith.constant 320 : i32
      %add3A_789 = vector.broadcast %add3A_788 : i32 to vector<16xi32>
      %add3A_790 = arith.addi %add3A_11, %add3A_789 : vector<16xi32>
      %broadcast_in_dim3A_791 = arith.constant 13 : i32
      %broadcast_in_dim3A_792 = vector.broadcast %broadcast_in_dim3A_791 : i32 to vector<16xi32>
      %mul3A_793 = arith.constant 8 : i32
      %mul3A_794 = arith.muli %add3A_641, %mul3A_793 : i32
      %add3A_795 = arith.constant 5 : i32
      %add3A_796 = arith.addi %mul3A_794, %add3A_795 : i32
      %broadcast_in_dim3A_797 = vector.broadcast %add3A_796 : i32 to vector<16xi32>
      %broadcast_in_dim3A_798 = arith.constant 0.000000e+00 : f32
      %broadcast_in_dim3A_799 = vector.broadcast %broadcast_in_dim3A_798 : f32 to vector<16xf32>
      %broadcast_in_dim3A_800 = arith.constant 0.000000e+00 : f32
      %broadcast_in_dim3A_801 = vector.broadcast %broadcast_in_dim3A_800 : f32 to vector<16xf32>
      %broadcast_in_dim3A_802 = arith.constant 0.000000e+00 : f32
      %broadcast_in_dim3A_803 = vector.broadcast %broadcast_in_dim3A_802 : f32 to vector<16xf32>
      %scan3A_804 = arith.constant 0 : i32
      %scan3A_805 = arith.constant 16 : i32
      %scan3A_806 = arith.addi %scan3A_804, %scan3A_805 : i32
      %scan3A_807 = arith.constant 1 : i32
      %scan3A_808:3 = scf.for %scan3A_894 = %scan3A_804 to %scan3A_806 step %scan3A_807 iter_args(%scan3A_895 = %broadcast_in_dim3A_799, %scan3A_896 = %broadcast_in_dim3A_801, %scan3A_897 = %broadcast_in_dim3A_803) -> (vector<16xf32>, vector<16xf32>, vector<16xf32>)  : i32 {
        %mul3A_898 = arith.constant 4 : i32
        %mul3A_899 = arith.muli %scan3A_894, %mul3A_898 : i32
        %add3A_900 = arith.constant 0 : i32
        %add3A_901 = arith.addi %mul3A_899, %add3A_900 : i32
        %add3A_902 = vector.broadcast %add3A_901 : i32 to vector<16xi32>
        %add3A_903 = arith.addi %iota3A, %add3A_902 : vector<16xi32>
        %and3A_904 = arith.constant 63 : i32
        %and3A_905 = vector.broadcast %and3A_904 : i32 to vector<16xi32>
        %and3A_906 = arith.andi %add3A_903, %and3A_905 : vector<16xi32>
        %gather3A = tpu.vector_load_idx %arg11[%broadcast_in_dim3A_792, %and3A_906] : memref<16x64xf32, #tpu.memory_space<vmem>>[vector<16xi32>, vector<16xi32>], vector<16xf32>,
        %gather3A_907 = tpu.vector_load_idx %arg10[%add3A_784, %and3A_906] : memref<512x64xf32, #tpu.memory_space<vmem>>[vector<16xi32>, vector<16xi32>], vector<16xf32>,
        %mul3A_908 = arith.mulf %gather3A_907, %gather3A : vector<16xf32>
        %add3A_909 = arith.addf %scan3A_895, %mul3A_908 : vector<16xf32>
        %gather3A_910 = tpu.vector_load_idx %arg10[%add3A_787, %and3A_906] : memref<512x64xf32, #tpu.memory_space<vmem>>[vector<16xi32>, vector<16xi32>], vector<16xf32>,
        %mul3A_911 = arith.mulf %gather3A_910, %gather3A : vector<16xf32>
        %add3A_912 = arith.addf %scan3A_896, %mul3A_911 : vector<16xf32>
        %gather3A_913 = tpu.vector_load_idx %arg10[%add3A_790, %and3A_906] : memref<512x64xf32, #tpu.memory_space<vmem>>[vector<16xi32>, vector<16xi32>], vector<16xf32>,
        %mul3A_914 = arith.mulf %gather3A_913, %gather3A : vector<16xf32>
        %add3A_915 = arith.addf %scan3A_897, %mul3A_914 : vector<16xf32>
        %mul3A_916 = arith.constant 4 : i32
        %mul3A_917 = arith.muli %scan3A_894, %mul3A_916 : i32
        %add3A_918 = arith.constant 1 : i32
        %add3A_919 = arith.addi %mul3A_917, %add3A_918 : i32
        %add3A_920 = vector.broadcast %add3A_919 : i32 to vector<16xi32>
        %add3A_921 = arith.addi %iota3A, %add3A_920 : vector<16xi32>
        %and3A_922 = arith.constant 63 : i32
        %and3A_923 = vector.broadcast %and3A_922 : i32 to vector<16xi32>
        %and3A_924 = arith.andi %add3A_921, %and3A_923 : vector<16xi32>
        %gather3A_925 = tpu.vector_load_idx %arg11[%broadcast_in_dim3A_792, %and3A_924] : memref<16x64xf32, #tpu.memory_space<vmem>>[vector<16xi32>, vector<16xi32>], vector<16xf32>,
        %gather3A_926 = tpu.vector_load_idx %arg10[%add3A_784, %and3A_924] : memref<512x64xf32, #tpu.memory_space<vmem>>[vector<16xi32>, vector<16xi32>], vector<16xf32>,
        %mul3A_927 = arith.mulf %gather3A_926, %gather3A_925 : vector<16xf32>
        %add3A_928 = arith.addf %add3A_909, %mul3A_927 : vector<16xf32>
        %gather3A_929 = tpu.vector_load_idx %arg10[%add3A_787, %and3A_924] : memref<512x64xf32, #tpu.memory_space<vmem>>[vector<16xi32>, vector<16xi32>], vector<16xf32>,
        %mul3A_930 = arith.mulf %gather3A_929, %gather3A_925 : vector<16xf32>
        %add3A_931 = arith.addf %add3A_912, %mul3A_930 : vector<16xf32>
        %gather3A_932 = tpu.vector_load_idx %arg10[%add3A_790, %and3A_924] : memref<512x64xf32, #tpu.memory_space<vmem>>[vector<16xi32>, vector<16xi32>], vector<16xf32>,
        %mul3A_933 = arith.mulf %gather3A_932, %gather3A_925 : vector<16xf32>
        %add3A_934 = arith.addf %add3A_915, %mul3A_933 : vector<16xf32>
        %mul3A_935 = arith.constant 4 : i32
        %mul3A_936 = arith.muli %scan3A_894, %mul3A_935 : i32
        %add3A_937 = arith.constant 2 : i32
        %add3A_938 = arith.addi %mul3A_936, %add3A_937 : i32
        %add3A_939 = vector.broadcast %add3A_938 : i32 to vector<16xi32>
        %add3A_940 = arith.addi %iota3A, %add3A_939 : vector<16xi32>
        %and3A_941 = arith.constant 63 : i32
        %and3A_942 = vector.broadcast %and3A_941 : i32 to vector<16xi32>
        %and3A_943 = arith.andi %add3A_940, %and3A_942 : vector<16xi32>
        %gather3A_944 = tpu.vector_load_idx %arg11[%broadcast_in_dim3A_792, %and3A_943] : memref<16x64xf32, #tpu.memory_space<vmem>>[vector<16xi32>, vector<16xi32>], vector<16xf32>,
        %gather3A_945 = tpu.vector_load_idx %arg10[%add3A_784, %and3A_943] : memref<512x64xf32, #tpu.memory_space<vmem>>[vector<16xi32>, vector<16xi32>], vector<16xf32>,
        %mul3A_946 = arith.mulf %gather3A_945, %gather3A_944 : vector<16xf32>
        %add3A_947 = arith.addf %add3A_928, %mul3A_946 : vector<16xf32>
        %gather3A_948 = tpu.vector_load_idx %arg10[%add3A_787, %and3A_943] : memref<512x64xf32, #tpu.memory_space<vmem>>[vector<16xi32>, vector<16xi32>], vector<16xf32>,
        %mul3A_949 = arith.mulf %gather3A_948, %gather3A_944 : vector<16xf32>
        %add3A_950 = arith.addf %add3A_931, %mul3A_949 : vector<16xf32>
        %gather3A_951 = tpu.vector_load_idx %arg10[%add3A_790, %and3A_943] : memref<512x64xf32, #tpu.memory_space<vmem>>[vector<16xi32>, vector<16xi32>], vector<16xf32>,
        %mul3A_952 = arith.mulf %gather3A_951, %gather3A_944 : vector<16xf32>
        %add3A_953 = arith.addf %add3A_934, %mul3A_952 : vector<16xf32>
        %mul3A_954 = arith.constant 4 : i32
        %mul3A_955 = arith.muli %scan3A_894, %mul3A_954 : i32
        %add3A_956 = arith.constant 3 : i32
        %add3A_957 = arith.addi %mul3A_955, %add3A_956 : i32
        %add3A_958 = vector.broadcast %add3A_957 : i32 to vector<16xi32>
        %add3A_959 = arith.addi %iota3A, %add3A_958 : vector<16xi32>
        %and3A_960 = arith.constant 63 : i32
        %and3A_961 = vector.broadcast %and3A_960 : i32 to vector<16xi32>
        %and3A_962 = arith.andi %add3A_959, %and3A_961 : vector<16xi32>
        %gather3A_963 = tpu.vector_load_idx %arg11[%broadcast_in_dim3A_792, %and3A_962] : memref<16x64xf32, #tpu.memory_space<vmem>>[vector<16xi32>, vector<16xi32>], vector<16xf32>,
        %gather3A_964 = tpu.vector_load_idx %arg10[%add3A_784, %and3A_962] : memref<512x64xf32, #tpu.memory_space<vmem>>[vector<16xi32>, vector<16xi32>], vector<16xf32>,
        %mul3A_965 = arith.mulf %gather3A_964, %gather3A_963 : vector<16xf32>
        %add3A_966 = arith.addf %add3A_947, %mul3A_965 : vector<16xf32>
        %gather3A_967 = tpu.vector_load_idx %arg10[%add3A_787, %and3A_962] : memref<512x64xf32, #tpu.memory_space<vmem>>[vector<16xi32>, vector<16xi32>], vector<16xf32>,
        %mul3A_968 = arith.mulf %gather3A_967, %gather3A_963 : vector<16xf32>
        %add3A_969 = arith.addf %add3A_950, %mul3A_968 : vector<16xf32>
        %gather3A_970 = tpu.vector_load_idx %arg10[%add3A_790, %and3A_962] : memref<512x64xf32, #tpu.memory_space<vmem>>[vector<16xi32>, vector<16xi32>], vector<16xf32>,
        %mul3A_971 = arith.mulf %gather3A_970, %gather3A_963 : vector<16xf32>
        %add3A_972 = arith.addf %add3A_953, %mul3A_971 : vector<16xf32>
        scf.yield %add3A_966, %add3A_969, %add3A_972 : vector<16xf32>, vector<16xf32>, vector<16xf32>
      }
      %scan3A_809 = arith.constant 16 : i32
      tpu.vector_store_idx %arg12[%add3A_5, %broadcast_in_dim3A_797], %scan3A_808#0 : memref<50x512xf32, #tpu.memory_space<vmem>>[vector<16xi32>, vector<16xi32>], vector<16xf32>,
      tpu.vector_store_idx %arg12[%add3A_8, %broadcast_in_dim3A_797], %scan3A_808#1 : memref<50x512xf32, #tpu.memory_space<vmem>>[vector<16xi32>, vector<16xi32>], vector<16xf32>,
      tpu.vector_store_idx %arg12[%add3A_11, %broadcast_in_dim3A_797], %scan3A_808#2 : memref<50x512xf32, #tpu.memory_space<vmem>>[vector<16xi32>, vector<16xi32>], vector<16xf32>,
      %add3A_810 = arith.constant 384 : i32
      %add3A_811 = vector.broadcast %add3A_810 : i32 to vector<16xi32>
      %add3A_812 = arith.addi %add3A_5, %add3A_811 : vector<16xi32>
      %add3A_813 = arith.constant 384 : i32
      %add3A_814 = vector.broadcast %add3A_813 : i32 to vector<16xi32>
      %add3A_815 = arith.addi %add3A_8, %add3A_814 : vector<16xi32>
      %add3A_816 = arith.constant 384 : i32
      %add3A_817 = vector.broadcast %add3A_816 : i32 to vector<16xi32>
      %add3A_818 = arith.addi %add3A_11, %add3A_817 : vector<16xi32>
      %broadcast_in_dim3A_819 = arith.constant 14 : i32
      %broadcast_in_dim3A_820 = vector.broadcast %broadcast_in_dim3A_819 : i32 to vector<16xi32>
      %mul3A_821 = arith.constant 8 : i32
      %mul3A_822 = arith.muli %add3A_641, %mul3A_821 : i32
      %add3A_823 = arith.constant 6 : i32
      %add3A_824 = arith.addi %mul3A_822, %add3A_823 : i32
      %broadcast_in_dim3A_825 = vector.broadcast %add3A_824 : i32 to vector<16xi32>
      %broadcast_in_dim3A_826 = arith.constant 0.000000e+00 : f32
      %broadcast_in_dim3A_827 = vector.broadcast %broadcast_in_dim3A_826 : f32 to vector<16xf32>
      %broadcast_in_dim3A_828 = arith.constant 0.000000e+00 : f32
      %broadcast_in_dim3A_829 = vector.broadcast %broadcast_in_dim3A_828 : f32 to vector<16xf32>
      %broadcast_in_dim3A_830 = arith.constant 0.000000e+00 : f32
      %broadcast_in_dim3A_831 = vector.broadcast %broadcast_in_dim3A_830 : f32 to vector<16xf32>
      %scan3A_832 = arith.constant 0 : i32
      %scan3A_833 = arith.constant 16 : i32
      %scan3A_834 = arith.addi %scan3A_832, %scan3A_833 : i32
      %scan3A_835 = arith.constant 1 : i32
      %scan3A_836:3 = scf.for %scan3A_894 = %scan3A_832 to %scan3A_834 step %scan3A_835 iter_args(%scan3A_895 = %broadcast_in_dim3A_827, %scan3A_896 = %broadcast_in_dim3A_829, %scan3A_897 = %broadcast_in_dim3A_831) -> (vector<16xf32>, vector<16xf32>, vector<16xf32>)  : i32 {
        %mul3A_898 = arith.constant 4 : i32
        %mul3A_899 = arith.muli %scan3A_894, %mul3A_898 : i32
        %add3A_900 = arith.constant 0 : i32
        %add3A_901 = arith.addi %mul3A_899, %add3A_900 : i32
        %add3A_902 = vector.broadcast %add3A_901 : i32 to vector<16xi32>
        %add3A_903 = arith.addi %iota3A, %add3A_902 : vector<16xi32>
        %and3A_904 = arith.constant 63 : i32
        %and3A_905 = vector.broadcast %and3A_904 : i32 to vector<16xi32>
        %and3A_906 = arith.andi %add3A_903, %and3A_905 : vector<16xi32>
        %gather3A = tpu.vector_load_idx %arg11[%broadcast_in_dim3A_820, %and3A_906] : memref<16x64xf32, #tpu.memory_space<vmem>>[vector<16xi32>, vector<16xi32>], vector<16xf32>,
        %gather3A_907 = tpu.vector_load_idx %arg10[%add3A_812, %and3A_906] : memref<512x64xf32, #tpu.memory_space<vmem>>[vector<16xi32>, vector<16xi32>], vector<16xf32>,
        %mul3A_908 = arith.mulf %gather3A_907, %gather3A : vector<16xf32>
        %add3A_909 = arith.addf %scan3A_895, %mul3A_908 : vector<16xf32>
        %gather3A_910 = tpu.vector_load_idx %arg10[%add3A_815, %and3A_906] : memref<512x64xf32, #tpu.memory_space<vmem>>[vector<16xi32>, vector<16xi32>], vector<16xf32>,
        %mul3A_911 = arith.mulf %gather3A_910, %gather3A : vector<16xf32>
        %add3A_912 = arith.addf %scan3A_896, %mul3A_911 : vector<16xf32>
        %gather3A_913 = tpu.vector_load_idx %arg10[%add3A_818, %and3A_906] : memref<512x64xf32, #tpu.memory_space<vmem>>[vector<16xi32>, vector<16xi32>], vector<16xf32>,
        %mul3A_914 = arith.mulf %gather3A_913, %gather3A : vector<16xf32>
        %add3A_915 = arith.addf %scan3A_897, %mul3A_914 : vector<16xf32>
        %mul3A_916 = arith.constant 4 : i32
        %mul3A_917 = arith.muli %scan3A_894, %mul3A_916 : i32
        %add3A_918 = arith.constant 1 : i32
        %add3A_919 = arith.addi %mul3A_917, %add3A_918 : i32
        %add3A_920 = vector.broadcast %add3A_919 : i32 to vector<16xi32>
        %add3A_921 = arith.addi %iota3A, %add3A_920 : vector<16xi32>
        %and3A_922 = arith.constant 63 : i32
        %and3A_923 = vector.broadcast %and3A_922 : i32 to vector<16xi32>
        %and3A_924 = arith.andi %add3A_921, %and3A_923 : vector<16xi32>
        %gather3A_925 = tpu.vector_load_idx %arg11[%broadcast_in_dim3A_820, %and3A_924] : memref<16x64xf32, #tpu.memory_space<vmem>>[vector<16xi32>, vector<16xi32>], vector<16xf32>,
        %gather3A_926 = tpu.vector_load_idx %arg10[%add3A_812, %and3A_924] : memref<512x64xf32, #tpu.memory_space<vmem>>[vector<16xi32>, vector<16xi32>], vector<16xf32>,
        %mul3A_927 = arith.mulf %gather3A_926, %gather3A_925 : vector<16xf32>
        %add3A_928 = arith.addf %add3A_909, %mul3A_927 : vector<16xf32>
        %gather3A_929 = tpu.vector_load_idx %arg10[%add3A_815, %and3A_924] : memref<512x64xf32, #tpu.memory_space<vmem>>[vector<16xi32>, vector<16xi32>], vector<16xf32>,
        %mul3A_930 = arith.mulf %gather3A_929, %gather3A_925 : vector<16xf32>
        %add3A_931 = arith.addf %add3A_912, %mul3A_930 : vector<16xf32>
        %gather3A_932 = tpu.vector_load_idx %arg10[%add3A_818, %and3A_924] : memref<512x64xf32, #tpu.memory_space<vmem>>[vector<16xi32>, vector<16xi32>], vector<16xf32>,
        %mul3A_933 = arith.mulf %gather3A_932, %gather3A_925 : vector<16xf32>
        %add3A_934 = arith.addf %add3A_915, %mul3A_933 : vector<16xf32>
        %mul3A_935 = arith.constant 4 : i32
        %mul3A_936 = arith.muli %scan3A_894, %mul3A_935 : i32
        %add3A_937 = arith.constant 2 : i32
        %add3A_938 = arith.addi %mul3A_936, %add3A_937 : i32
        %add3A_939 = vector.broadcast %add3A_938 : i32 to vector<16xi32>
        %add3A_940 = arith.addi %iota3A, %add3A_939 : vector<16xi32>
        %and3A_941 = arith.constant 63 : i32
        %and3A_942 = vector.broadcast %and3A_941 : i32 to vector<16xi32>
        %and3A_943 = arith.andi %add3A_940, %and3A_942 : vector<16xi32>
        %gather3A_944 = tpu.vector_load_idx %arg11[%broadcast_in_dim3A_820, %and3A_943] : memref<16x64xf32, #tpu.memory_space<vmem>>[vector<16xi32>, vector<16xi32>], vector<16xf32>,
        %gather3A_945 = tpu.vector_load_idx %arg10[%add3A_812, %and3A_943] : memref<512x64xf32, #tpu.memory_space<vmem>>[vector<16xi32>, vector<16xi32>], vector<16xf32>,
        %mul3A_946 = arith.mulf %gather3A_945, %gather3A_944 : vector<16xf32>
        %add3A_947 = arith.addf %add3A_928, %mul3A_946 : vector<16xf32>
        %gather3A_948 = tpu.vector_load_idx %arg10[%add3A_815, %and3A_943] : memref<512x64xf32, #tpu.memory_space<vmem>>[vector<16xi32>, vector<16xi32>], vector<16xf32>,
        %mul3A_949 = arith.mulf %gather3A_948, %gather3A_944 : vector<16xf32>
        %add3A_950 = arith.addf %add3A_931, %mul3A_949 : vector<16xf32>
        %gather3A_951 = tpu.vector_load_idx %arg10[%add3A_818, %and3A_943] : memref<512x64xf32, #tpu.memory_space<vmem>>[vector<16xi32>, vector<16xi32>], vector<16xf32>,
        %mul3A_952 = arith.mulf %gather3A_951, %gather3A_944 : vector<16xf32>
        %add3A_953 = arith.addf %add3A_934, %mul3A_952 : vector<16xf32>
        %mul3A_954 = arith.constant 4 : i32
        %mul3A_955 = arith.muli %scan3A_894, %mul3A_954 : i32
        %add3A_956 = arith.constant 3 : i32
        %add3A_957 = arith.addi %mul3A_955, %add3A_956 : i32
        %add3A_958 = vector.broadcast %add3A_957 : i32 to vector<16xi32>
        %add3A_959 = arith.addi %iota3A, %add3A_958 : vector<16xi32>
        %and3A_960 = arith.constant 63 : i32
        %and3A_961 = vector.broadcast %and3A_960 : i32 to vector<16xi32>
        %and3A_962 = arith.andi %add3A_959, %and3A_961 : vector<16xi32>
        %gather3A_963 = tpu.vector_load_idx %arg11[%broadcast_in_dim3A_820, %and3A_962] : memref<16x64xf32, #tpu.memory_space<vmem>>[vector<16xi32>, vector<16xi32>], vector<16xf32>,
        %gather3A_964 = tpu.vector_load_idx %arg10[%add3A_812, %and3A_962] : memref<512x64xf32, #tpu.memory_space<vmem>>[vector<16xi32>, vector<16xi32>], vector<16xf32>,
        %mul3A_965 = arith.mulf %gather3A_964, %gather3A_963 : vector<16xf32>
        %add3A_966 = arith.addf %add3A_947, %mul3A_965 : vector<16xf32>
        %gather3A_967 = tpu.vector_load_idx %arg10[%add3A_815, %and3A_962] : memref<512x64xf32, #tpu.memory_space<vmem>>[vector<16xi32>, vector<16xi32>], vector<16xf32>,
        %mul3A_968 = arith.mulf %gather3A_967, %gather3A_963 : vector<16xf32>
        %add3A_969 = arith.addf %add3A_950, %mul3A_968 : vector<16xf32>
        %gather3A_970 = tpu.vector_load_idx %arg10[%add3A_818, %and3A_962] : memref<512x64xf32, #tpu.memory_space<vmem>>[vector<16xi32>, vector<16xi32>], vector<16xf32>,
        %mul3A_971 = arith.mulf %gather3A_970, %gather3A_963 : vector<16xf32>
        %add3A_972 = arith.addf %add3A_953, %mul3A_971 : vector<16xf32>
        scf.yield %add3A_966, %add3A_969, %add3A_972 : vector<16xf32>, vector<16xf32>, vector<16xf32>
      }
      %scan3A_837 = arith.constant 16 : i32
      tpu.vector_store_idx %arg12[%add3A_5, %broadcast_in_dim3A_825], %scan3A_836#0 : memref<50x512xf32, #tpu.memory_space<vmem>>[vector<16xi32>, vector<16xi32>], vector<16xf32>,
      tpu.vector_store_idx %arg12[%add3A_8, %broadcast_in_dim3A_825], %scan3A_836#1 : memref<50x512xf32, #tpu.memory_space<vmem>>[vector<16xi32>, vector<16xi32>], vector<16xf32>,
      tpu.vector_store_idx %arg12[%add3A_11, %broadcast_in_dim3A_825], %scan3A_836#2 : memref<50x512xf32, #tpu.memory_space<vmem>>[vector<16xi32>, vector<16xi32>], vector<16xf32>,
      %add3A_838 = arith.constant 448 : i32
      %add3A_839 = vector.broadcast %add3A_838 : i32 to vector<16xi32>
      %add3A_840 = arith.addi %add3A_5, %add3A_839 : vector<16xi32>
      %add3A_841 = arith.constant 448 : i32
      %add3A_842 = vector.broadcast %add3A_841 : i32 to vector<16xi32>
      %add3A_843 = arith.addi %add3A_8, %add3A_842 : vector<16xi32>
      %add3A_844 = arith.constant 448 : i32
      %add3A_845 = vector.broadcast %add3A_844 : i32 to vector<16xi32>
      %add3A_846 = arith.addi %add3A_11, %add3A_845 : vector<16xi32>
      %broadcast_in_dim3A_847 = arith.constant 15 : i32
      %broadcast_in_dim3A_848 = vector.broadcast %broadcast_in_dim3A_847 : i32 to vector<16xi32>
      %mul3A_849 = arith.constant 8 : i32
      %mul3A_850 = arith.muli %add3A_641, %mul3A_849 : i32
      %add3A_851 = arith.constant 7 : i32
      %add3A_852 = arith.addi %mul3A_850, %add3A_851 : i32
      %broadcast_in_dim3A_853 = vector.broadcast %add3A_852 : i32 to vector<16xi32>
      %broadcast_in_dim3A_854 = arith.constant 0.000000e+00 : f32
      %broadcast_in_dim3A_855 = vector.broadcast %broadcast_in_dim3A_854 : f32 to vector<16xf32>
      %broadcast_in_dim3A_856 = arith.constant 0.000000e+00 : f32
      %broadcast_in_dim3A_857 = vector.broadcast %broadcast_in_dim3A_856 : f32 to vector<16xf32>
      %broadcast_in_dim3A_858 = arith.constant 0.000000e+00 : f32
      %broadcast_in_dim3A_859 = vector.broadcast %broadcast_in_dim3A_858 : f32 to vector<16xf32>
      %scan3A_860 = arith.constant 0 : i32
      %scan3A_861 = arith.constant 16 : i32
      %scan3A_862 = arith.addi %scan3A_860, %scan3A_861 : i32
      %scan3A_863 = arith.constant 1 : i32
      %scan3A_864:3 = scf.for %scan3A_894 = %scan3A_860 to %scan3A_862 step %scan3A_863 iter_args(%scan3A_895 = %broadcast_in_dim3A_855, %scan3A_896 = %broadcast_in_dim3A_857, %scan3A_897 = %broadcast_in_dim3A_859) -> (vector<16xf32>, vector<16xf32>, vector<16xf32>)  : i32 {
        %mul3A_898 = arith.constant 4 : i32
        %mul3A_899 = arith.muli %scan3A_894, %mul3A_898 : i32
        %add3A_900 = arith.constant 0 : i32
        %add3A_901 = arith.addi %mul3A_899, %add3A_900 : i32
        %add3A_902 = vector.broadcast %add3A_901 : i32 to vector<16xi32>
        %add3A_903 = arith.addi %iota3A, %add3A_902 : vector<16xi32>
        %and3A_904 = arith.constant 63 : i32
        %and3A_905 = vector.broadcast %and3A_904 : i32 to vector<16xi32>
        %and3A_906 = arith.andi %add3A_903, %and3A_905 : vector<16xi32>
        %gather3A = tpu.vector_load_idx %arg11[%broadcast_in_dim3A_848, %and3A_906] : memref<16x64xf32, #tpu.memory_space<vmem>>[vector<16xi32>, vector<16xi32>], vector<16xf32>,
        %gather3A_907 = tpu.vector_load_idx %arg10[%add3A_840, %and3A_906] : memref<512x64xf32, #tpu.memory_space<vmem>>[vector<16xi32>, vector<16xi32>], vector<16xf32>,
        %mul3A_908 = arith.mulf %gather3A_907, %gather3A : vector<16xf32>
        %add3A_909 = arith.addf %scan3A_895, %mul3A_908 : vector<16xf32>
        %gather3A_910 = tpu.vector_load_idx %arg10[%add3A_843, %and3A_906] : memref<512x64xf32, #tpu.memory_space<vmem>>[vector<16xi32>, vector<16xi32>], vector<16xf32>,
        %mul3A_911 = arith.mulf %gather3A_910, %gather3A : vector<16xf32>
        %add3A_912 = arith.addf %scan3A_896, %mul3A_911 : vector<16xf32>
        %gather3A_913 = tpu.vector_load_idx %arg10[%add3A_846, %and3A_906] : memref<512x64xf32, #tpu.memory_space<vmem>>[vector<16xi32>, vector<16xi32>], vector<16xf32>,
        %mul3A_914 = arith.mulf %gather3A_913, %gather3A : vector<16xf32>
        %add3A_915 = arith.addf %scan3A_897, %mul3A_914 : vector<16xf32>
        %mul3A_916 = arith.constant 4 : i32
        %mul3A_917 = arith.muli %scan3A_894, %mul3A_916 : i32
        %add3A_918 = arith.constant 1 : i32
        %add3A_919 = arith.addi %mul3A_917, %add3A_918 : i32
        %add3A_920 = vector.broadcast %add3A_919 : i32 to vector<16xi32>
        %add3A_921 = arith.addi %iota3A, %add3A_920 : vector<16xi32>
        %and3A_922 = arith.constant 63 : i32
        %and3A_923 = vector.broadcast %and3A_922 : i32 to vector<16xi32>
        %and3A_924 = arith.andi %add3A_921, %and3A_923 : vector<16xi32>
        %gather3A_925 = tpu.vector_load_idx %arg11[%broadcast_in_dim3A_848, %and3A_924] : memref<16x64xf32, #tpu.memory_space<vmem>>[vector<16xi32>, vector<16xi32>], vector<16xf32>,
        %gather3A_926 = tpu.vector_load_idx %arg10[%add3A_840, %and3A_924] : memref<512x64xf32, #tpu.memory_space<vmem>>[vector<16xi32>, vector<16xi32>], vector<16xf32>,
        %mul3A_927 = arith.mulf %gather3A_926, %gather3A_925 : vector<16xf32>
        %add3A_928 = arith.addf %add3A_909, %mul3A_927 : vector<16xf32>
        %gather3A_929 = tpu.vector_load_idx %arg10[%add3A_843, %and3A_924] : memref<512x64xf32, #tpu.memory_space<vmem>>[vector<16xi32>, vector<16xi32>], vector<16xf32>,
        %mul3A_930 = arith.mulf %gather3A_929, %gather3A_925 : vector<16xf32>
        %add3A_931 = arith.addf %add3A_912, %mul3A_930 : vector<16xf32>
        %gather3A_932 = tpu.vector_load_idx %arg10[%add3A_846, %and3A_924] : memref<512x64xf32, #tpu.memory_space<vmem>>[vector<16xi32>, vector<16xi32>], vector<16xf32>,
        %mul3A_933 = arith.mulf %gather3A_932, %gather3A_925 : vector<16xf32>
        %add3A_934 = arith.addf %add3A_915, %mul3A_933 : vector<16xf32>
        %mul3A_935 = arith.constant 4 : i32
        %mul3A_936 = arith.muli %scan3A_894, %mul3A_935 : i32
        %add3A_937 = arith.constant 2 : i32
        %add3A_938 = arith.addi %mul3A_936, %add3A_937 : i32
        %add3A_939 = vector.broadcast %add3A_938 : i32 to vector<16xi32>
        %add3A_940 = arith.addi %iota3A, %add3A_939 : vector<16xi32>
        %and3A_941 = arith.constant 63 : i32
        %and3A_942 = vector.broadcast %and3A_941 : i32 to vector<16xi32>
        %and3A_943 = arith.andi %add3A_940, %and3A_942 : vector<16xi32>
        %gather3A_944 = tpu.vector_load_idx %arg11[%broadcast_in_dim3A_848, %and3A_943] : memref<16x64xf32, #tpu.memory_space<vmem>>[vector<16xi32>, vector<16xi32>], vector<16xf32>,
        %gather3A_945 = tpu.vector_load_idx %arg10[%add3A_840, %and3A_943] : memref<512x64xf32, #tpu.memory_space<vmem>>[vector<16xi32>, vector<16xi32>], vector<16xf32>,
        %mul3A_946 = arith.mulf %gather3A_945, %gather3A_944 : vector<16xf32>
        %add3A_947 = arith.addf %add3A_928, %mul3A_946 : vector<16xf32>
        %gather3A_948 = tpu.vector_load_idx %arg10[%add3A_843, %and3A_943] : memref<512x64xf32, #tpu.memory_space<vmem>>[vector<16xi32>, vector<16xi32>], vector<16xf32>,
        %mul3A_949 = arith.mulf %gather3A_948, %gather3A_944 : vector<16xf32>
        %add3A_950 = arith.addf %add3A_931, %mul3A_949 : vector<16xf32>
        %gather3A_951 = tpu.vector_load_idx %arg10[%add3A_846, %and3A_943] : memref<512x64xf32, #tpu.memory_space<vmem>>[vector<16xi32>, vector<16xi32>], vector<16xf32>,
        %mul3A_952 = arith.mulf %gather3A_951, %gather3A_944 : vector<16xf32>
        %add3A_953 = arith.addf %add3A_934, %mul3A_952 : vector<16xf32>
        %mul3A_954 = arith.constant 4 : i32
        %mul3A_955 = arith.muli %scan3A_894, %mul3A_954 : i32
        %add3A_956 = arith.constant 3 : i32
        %add3A_957 = arith.addi %mul3A_955, %add3A_956 : i32
        %add3A_958 = vector.broadcast %add3A_957 : i32 to vector<16xi32>
        %add3A_959 = arith.addi %iota3A, %add3A_958 : vector<16xi32>
        %and3A_960 = arith.constant 63 : i32
        %and3A_961 = vector.broadcast %and3A_960 : i32 to vector<16xi32>
        %and3A_962 = arith.andi %add3A_959, %and3A_961 : vector<16xi32>
        %gather3A_963 = tpu.vector_load_idx %arg11[%broadcast_in_dim3A_848, %and3A_962] : memref<16x64xf32, #tpu.memory_space<vmem>>[vector<16xi32>, vector<16xi32>], vector<16xf32>,
        %gather3A_964 = tpu.vector_load_idx %arg10[%add3A_840, %and3A_962] : memref<512x64xf32, #tpu.memory_space<vmem>>[vector<16xi32>, vector<16xi32>], vector<16xf32>,
        %mul3A_965 = arith.mulf %gather3A_964, %gather3A_963 : vector<16xf32>
        %add3A_966 = arith.addf %add3A_947, %mul3A_965 : vector<16xf32>
        %gather3A_967 = tpu.vector_load_idx %arg10[%add3A_843, %and3A_962] : memref<512x64xf32, #tpu.memory_space<vmem>>[vector<16xi32>, vector<16xi32>], vector<16xf32>,
        %mul3A_968 = arith.mulf %gather3A_967, %gather3A_963 : vector<16xf32>
        %add3A_969 = arith.addf %add3A_950, %mul3A_968 : vector<16xf32>
        %gather3A_970 = tpu.vector_load_idx %arg10[%add3A_846, %and3A_962] : memref<512x64xf32, #tpu.memory_space<vmem>>[vector<16xi32>, vector<16xi32>], vector<16xf32>,
        %mul3A_971 = arith.mulf %gather3A_970, %gather3A_963 : vector<16xf32>
        %add3A_972 = arith.addf %add3A_953, %mul3A_971 : vector<16xf32>
        scf.yield %add3A_966, %add3A_969, %add3A_972 : vector<16xf32>, vector<16xf32>, vector<16xf32>
      }
      %scan3A_865 = arith.constant 16 : i32
      tpu.vector_store_idx %arg12[%add3A_5, %broadcast_in_dim3A_853], %scan3A_864#0 : memref<50x512xf32, #tpu.memory_space<vmem>>[vector<16xi32>, vector<16xi32>], vector<16xf32>,
      tpu.vector_store_idx %arg12[%add3A_8, %broadcast_in_dim3A_853], %scan3A_864#1 : memref<50x512xf32, #tpu.memory_space<vmem>>[vector<16xi32>, vector<16xi32>], vector<16xf32>,
      tpu.vector_store_idx %arg12[%add3A_11, %broadcast_in_dim3A_853], %scan3A_864#2 : memref<50x512xf32, #tpu.memory_space<vmem>>[vector<16xi32>, vector<16xi32>], vector<16xf32>,
      %shift_right_arithmetic3A_866 = arith.constant 1 : i32
      %shift_right_arithmetic3A_867 = vector.broadcast %shift_right_arithmetic3A_866 : i32 to vector<16xi32>
      %shift_right_arithmetic3A_868 = arith.shrsi %iota3A, %shift_right_arithmetic3A_867 : vector<16xi32>
      %and3A_869 = arith.constant 1 : i32
      %and3A_870 = vector.broadcast %and3A_869 : i32 to vector<16xi32>
      %and3A_871 = arith.andi %iota3A, %and3A_870 : vector<16xi32>
      %add3A_872 = arith.constant 48 : i32
      %add3A_873 = vector.broadcast %add3A_872 : i32 to vector<16xi32>
      %add3A_874 = arith.addi %add3A_873, %and3A_871 : vector<16xi32>
      %mul3A_875 = arith.constant 64 : i32
      %mul3A_876 = vector.broadcast %mul3A_875 : i32 to vector<16xi32>
      %mul3A_877 = arith.muli %shift_right_arithmetic3A_868, %mul3A_876 : vector<16xi32>
      %add3A_878 = arith.addi %mul3A_877, %add3A_874 : vector<16xi32>
      %add3A_879 = arith.constant 8 : i32
      %add3A_880 = vector.broadcast %add3A_879 : i32 to vector<16xi32>
      %add3A_881 = arith.addi %shift_right_arithmetic3A_868, %add3A_880 : vector<16xi32>
      %broadcast_in_dim3A_882 = arith.constant 0.000000e+00 : f32
      %broadcast_in_dim3A_883 = vector.broadcast %broadcast_in_dim3A_882 : f32 to vector<16xf32>
      %scan3A_884 = arith.constant 0 : i32
      %scan3A_885 = arith.constant 16 : i32
      %scan3A_886 = arith.addi %scan3A_884, %scan3A_885 : i32
      %scan3A_887 = arith.constant 1 : i32
      %scan3A_888 = scf.for %scan3A_894 = %scan3A_884 to %scan3A_886 step %scan3A_887 iter_args(%scan3A_895 = %broadcast_in_dim3A_883) -> (vector<16xf32>)  : i32 {
        %mul3A_896 = arith.constant 4 : i32
        %mul3A_897 = arith.muli %scan3A_894, %mul3A_896 : i32
        %add3A_898 = arith.constant 0 : i32
        %add3A_899 = arith.addi %mul3A_897, %add3A_898 : i32
        %add3A_900 = vector.broadcast %add3A_899 : i32 to vector<16xi32>
        %add3A_901 = arith.addi %iota3A, %add3A_900 : vector<16xi32>
        %and3A_902 = arith.constant 63 : i32
        %and3A_903 = vector.broadcast %and3A_902 : i32 to vector<16xi32>
        %and3A_904 = arith.andi %add3A_901, %and3A_903 : vector<16xi32>
        %gather3A = tpu.vector_load_idx %arg11[%add3A_881, %and3A_904] : memref<16x64xf32, #tpu.memory_space<vmem>>[vector<16xi32>, vector<16xi32>], vector<16xf32>,
        %gather3A_905 = tpu.vector_load_idx %arg10[%add3A_878, %and3A_904] : memref<512x64xf32, #tpu.memory_space<vmem>>[vector<16xi32>, vector<16xi32>], vector<16xf32>,
        %mul3A_906 = arith.mulf %gather3A_905, %gather3A : vector<16xf32>
        %add3A_907 = arith.addf %scan3A_895, %mul3A_906 : vector<16xf32>
        %mul3A_908 = arith.constant 4 : i32
        %mul3A_909 = arith.muli %scan3A_894, %mul3A_908 : i32
        %add3A_910 = arith.constant 1 : i32
        %add3A_911 = arith.addi %mul3A_909, %add3A_910 : i32
        %add3A_912 = vector.broadcast %add3A_911 : i32 to vector<16xi32>
        %add3A_913 = arith.addi %iota3A, %add3A_912 : vector<16xi32>
        %and3A_914 = arith.constant 63 : i32
        %and3A_915 = vector.broadcast %and3A_914 : i32 to vector<16xi32>
        %and3A_916 = arith.andi %add3A_913, %and3A_915 : vector<16xi32>
        %gather3A_917 = tpu.vector_load_idx %arg11[%add3A_881, %and3A_916] : memref<16x64xf32, #tpu.memory_space<vmem>>[vector<16xi32>, vector<16xi32>], vector<16xf32>,
        %gather3A_918 = tpu.vector_load_idx %arg10[%add3A_878, %and3A_916] : memref<512x64xf32, #tpu.memory_space<vmem>>[vector<16xi32>, vector<16xi32>], vector<16xf32>,
        %mul3A_919 = arith.mulf %gather3A_918, %gather3A_917 : vector<16xf32>
        %add3A_920 = arith.addf %add3A_907, %mul3A_919 : vector<16xf32>
        %mul3A_921 = arith.constant 4 : i32
        %mul3A_922 = arith.muli %scan3A_894, %mul3A_921 : i32
        %add3A_923 = arith.constant 2 : i32
        %add3A_924 = arith.addi %mul3A_922, %add3A_923 : i32
        %add3A_925 = vector.broadcast %add3A_924 : i32 to vector<16xi32>
        %add3A_926 = arith.addi %iota3A, %add3A_925 : vector<16xi32>
        %and3A_927 = arith.constant 63 : i32
        %and3A_928 = vector.broadcast %and3A_927 : i32 to vector<16xi32>
        %and3A_929 = arith.andi %add3A_926, %and3A_928 : vector<16xi32>
        %gather3A_930 = tpu.vector_load_idx %arg11[%add3A_881, %and3A_929] : memref<16x64xf32, #tpu.memory_space<vmem>>[vector<16xi32>, vector<16xi32>], vector<16xf32>,
        %gather3A_931 = tpu.vector_load_idx %arg10[%add3A_878, %and3A_929] : memref<512x64xf32, #tpu.memory_space<vmem>>[vector<16xi32>, vector<16xi32>], vector<16xf32>,
        %mul3A_932 = arith.mulf %gather3A_931, %gather3A_930 : vector<16xf32>
        %add3A_933 = arith.addf %add3A_920, %mul3A_932 : vector<16xf32>
        %mul3A_934 = arith.constant 4 : i32
        %mul3A_935 = arith.muli %scan3A_894, %mul3A_934 : i32
        %add3A_936 = arith.constant 3 : i32
        %add3A_937 = arith.addi %mul3A_935, %add3A_936 : i32
        %add3A_938 = vector.broadcast %add3A_937 : i32 to vector<16xi32>
        %add3A_939 = arith.addi %iota3A, %add3A_938 : vector<16xi32>
        %and3A_940 = arith.constant 63 : i32
        %and3A_941 = vector.broadcast %and3A_940 : i32 to vector<16xi32>
        %and3A_942 = arith.andi %add3A_939, %and3A_941 : vector<16xi32>
        %gather3A_943 = tpu.vector_load_idx %arg11[%add3A_881, %and3A_942] : memref<16x64xf32, #tpu.memory_space<vmem>>[vector<16xi32>, vector<16xi32>], vector<16xf32>,
        %gather3A_944 = tpu.vector_load_idx %arg10[%add3A_878, %and3A_942] : memref<512x64xf32, #tpu.memory_space<vmem>>[vector<16xi32>, vector<16xi32>], vector<16xf32>,
        %mul3A_945 = arith.mulf %gather3A_944, %gather3A_943 : vector<16xf32>
        %add3A_946 = arith.addf %add3A_933, %mul3A_945 : vector<16xf32>
        scf.yield %add3A_946 : vector<16xf32>
      }
      %scan3A_889 = arith.constant 16 : i32
      %mul3A_890 = arith.constant 8 : i32
      %mul3A_891 = arith.muli %add3A_641, %mul3A_890 : i32
      %broadcast_in_dim3A_892 = vector.broadcast %mul3A_891 : i32 to vector<16xi32>
      %add3A_893 = arith.addi %broadcast_in_dim3A_892, %shift_right_arithmetic3A_868 : vector<16xi32>
      tpu.vector_store_idx %arg12[%add3A_874, %add3A_893], %scan3A_888 : memref<50x512xf32, #tpu.memory_space<vmem>>[vector<16xi32>, vector<16xi32>], vector<16xf32>,
    }
    %scan3A_19 = arith.constant 32 : i32
    "tpu.region"() ({
      %run_scoped3A = tpu.sem_alloc : memref<!tpu.dma_semaphore, #tpu.memory_space<semaphore_mem>>
      %dma_start3A = arith.constant 0 : i32
      %dma_start3A_20 = tpu.memref_slice %arg6[%dma_start3A, %mul3A_2] : memref<50x16384xf32, #tpu.memory_space<hbm>> -> memref<50x512xf32, #tpu.memory_space<hbm>>
      %dma_start3A_21 = arith.constant 0 : i32
      %dma_start3A_22 = tpu.memref_slice %arg6[%dma_start3A_21, %mul3A_2] : memref<50x16384xf32, #tpu.memory_space<hbm>> -> memref<50x512xf32, #tpu.memory_space<hbm>>
      tpu.enqueue_dma source(%arg12 : memref<50x512xf32, #tpu.memory_space<vmem>>) target(%dma_start3A_22 : memref<50x512xf32, #tpu.memory_space<hbm>>) target_semaphore(%run_scoped3A : memref<!tpu.dma_semaphore, #tpu.memory_space<semaphore_mem>>)
      %dma_wait3A = arith.constant 0 : i32
      %dma_wait3A_23 = tpu.memref_slice %arg6[%dma_wait3A, %mul3A_2] : memref<50x16384xf32, #tpu.memory_space<hbm>> -> memref<50x512xf32, #tpu.memory_space<hbm>>
      %dma_wait3A_24 = arith.constant 0 : i32
      %dma_wait3A_25 = tpu.memref_slice %arg6[%dma_wait3A_24, %mul3A_2] : memref<50x16384xf32, #tpu.memory_space<hbm>> -> memref<50x512xf32, #tpu.memory_space<hbm>>
      tpu.wait_dma2 semaphore(%run_scoped3A : memref<!tpu.dma_semaphore, #tpu.memory_space<semaphore_mem>>) src(%arg12 : memref<50x512xf32, #tpu.memory_space<vmem>>) dst(%dma_wait3A_25 : memref<50x512xf32, #tpu.memory_space<hbm>>)
      tpu.yield
    }) : () -> ()
    return
  }
}

</mosaic_0001>

<sc_bundles>
// kernel: kernel.3.cloned.1.call-start
scs
__scs_entry_jumppad:
0x0: {  	(pc) =	sbr.rel $0x88, $3  }
0x1: {  	(tag) =	ssettag $0x0;
	lr =	simm.s32 $0x1  }
0x2: {  	[smem:$0x3F9D] =	sst lr;
	_ =	strace $0xD0000000  }
0x3: {  	_ = 	snop  }
0x4: {  	_ = 	snop  }
0x5: {  	_ = 	snop  }
0x6: {  	_ = 	snop  }
0x7: {  	_ = 	snop  }
__scs_overlays_trampoline_lowered:
0x8: {  	[smem:$0x3FAC] =	sst s0  }
0x9: {  	[smem:$0x3FAD] =	sst s1  }
0xa: {  	[smem:$0x3FAE] =	sst s2  }
0xb: {  	[smem:$0x3FAF] =	sst s3  }
0xc: {  	[smem:$0x3FB0] =	sst s4  }
0xd: {  	[smem:$0x3FB1] =	sst s5  }
0xe: {  	[smem:$0x3FB2] =	sst s6  }
0xf: {  	[smem:$0x3FB3] =	sst s7  }
0x10: {  	[smem:$0x3FB4] =	sst s8  }
0x11: {  	[smem:$0x3FB5] =	sst s9;
	s0 =	simm.s32 @!p0 $0x0  }
0x12: {  	s1 =	sld [smem:$0x3F9B];
	s0 =	simm.s32 @p0 $0x1  }
0x13: {  	[smem:$0x3FB6] =	sst s0;
	s0 =	simm.s32 @!p1 $0x0  }
0x14: {  	s2 =	sld [smem:$0x3F9A];
	s0 =	simm.s32 @p1 $0x1  }
0x15: {  	[smem:$0x3FB7] =	sst s0;
	s0 =	simm.s32 @!p2 $0x0  }
0x16: {  	s3 =	sld [smem:$0x3FDB];
	s0 =	simm.s32 @p2 $0x1  }
0x17: {  	s4 =	simm.s32 $0x1BF5;
	[smem:$0x3FB9] =	sst s0  }
0x18: {  	s0 =	sld [smem:$0x3F9C];
	_ =	swait.ge [sflag:s4], $0x0  }
0x19: {  	s7 =	sld [smem:$0x3F9D]  }
0x1a: {  	s8 =	sadd.s32 $0xFFFFE003, lr  }
0x1b: {  	s9 =	sadd.s32 $0xFFFFFEF7, lr;
	s5 =	simm.s32 $0xFFFFFFFF;
	p2 =	slt.u32 s8, $0xFFFFF086  }
0x1c: {  	p1 =	slt.u32 s9, $0xF7A;
	s5 =	simm.s32 @!p2 $0x0  }
0x1d: {  	s5 =	simm.s32 @p1 $0x1;
	p0 =	seq.s32 s7, s2  }
0x1e: {  	s7 =	smul.u32 @!p0 $0xF7A, s2;
	p2 =	seq.s32 @!p0 s5, $0x0  }
0x1f: {  	s9 =	smul.u32 $0xF7A, s1;
	s8 =	simm.s32 @!p0 $0x1BF5;
	p2 =	por !p2, p0  }
0x20: {  	[sflag:s8] =	ssyncset.s32 @!p0 $0xFFFFF086;
	s6 =	sadd.s32 @!p0 s3, s7;
	s7 =	simm.s32 @!p0 $0x108  }
0x21: {  	s3 =	sadd.s32 s3, s9;
	s6 =	sadd.s32 @!p0 $0x88, s6;
	s7 =	simm.s32 @p2 $0x1082  }
0x22: {  	[simem:s7], [sflag:s8] =	dma.local @!p0 [hbm:s6], $0xF7A  }
0x23: {  	s9 =	sor.u32 $0xD0000000, s2;
	s6 =	simm.s32 $0x108;
	_ =	swait.ge @!p0 [sflag:s8], $0x0  }
0x24: {  	s3 =	sadd.s32 $0x88, s3;
	s6 =	simm.s32 @!p1 $0x1082;
	[sflag:s4] =	ssyncset.s32 $0xFFFFF086  }
0x25: {  	[simem:s6], [sflag:s4] =	dma.local [hbm:s3], $0xF7A  }
0x26: {  	[smem:$0x3F9D] =	sst s1;
	(tag) =	ssettag s2;
	_ =	strace s9  }
0x27: {  	s1 =	sld [smem:$0x3FAD]  }
0x28: {  	s2 =	sld [smem:$0x3FAE]  }
0x29: {  	s4 =	sld [smem:$0x3FB0]  }
0x2a: {  	p0 =	seq.s32 s5, $0x0;
	s5 =	sld [smem:$0x3FB1]  }
0x2b: {  	s6 =	sld [smem:$0x3FB2]  }
0x2c: {  	s7 =	sld [smem:$0x3FB3]  }
0x2d: {  	s3 =	simm.s32 $0x108;
	s8 =	sld [smem:$0x3FB4]  }
0x2e: {  	s3 =	simm.s32 @!p0 $0x1082;
	s9 =	sld [smem:$0x3FB5]  }
0x2f: {  	lr =	sadd.s32 s0, s3;
	s0 =	sld [smem:$0x3FAC]  }
0x30: {  	s3 =	sld [smem:$0x3FAF]  }
0x31: {  	[smem:$0x3FB8] =	sst s10  }
0x32: {  	s10 =	sld [smem:$0x3FB6];
	_ =	sdelay $0x3  }
0x33: {  	p0 =	seq.s32 s10, $0x1;
	s10 =	sld [smem:$0x3FB8];
	_ =	sdelay $0x3  }
0x34: {  	[smem:$0x3FB8] =	sst s10  }
0x35: {  	s10 =	sld [smem:$0x3FB7];
	_ =	sdelay $0x3  }
0x36: {  	p1 =	seq.s32 s10, $0x1;
	s10 =	sld [smem:$0x3FB8];
	_ =	sdelay $0x3  }
0x37: {  	[smem:$0x3FB8] =	sst s10  }
0x38: {  	s10 =	sld [smem:$0x3FB9]  }
0x39: {  	_ = 	snop;
	(pc) =	sbr.ind lr, $3  }
0x3a: {  	_ = 	snop  }
0x3b: {  	_ = 	snop  }
0x3c: {  	p2 =	seq.s32 s10, $0x1;
	s10 =	sld [smem:$0x3FB8]  }
0x3d: {  	_ =	shalt  }
0x3e: {  	_ =	shalt  }
0x3f: {  	_ =	shalt  }
0x40: {  	_ =	shalt  }
0x41: {  	_ =	shalt  }
0x42: {  	_ =	shalt  }
0x43: {  	_ =	shalt  }
0x44: {  	_ =	shalt  }
0x45: {  	_ =	shalt  }
0x46: {  	_ =	shalt  }
0x47: {  	_ =	shalt  }
0x48: {  	_ =	shalt  }
0x49: {  	_ =	shalt  }
0x4a: {  	_ =	shalt  }
0x4b: {  	_ =	shalt  }
0x4c: {  	_ =	shalt  }
0x4d: {  	_ =	shalt  }
0x4e: {  	_ =	shalt  }
0x4f: {  	_ =	shalt  }
0x50: {  	_ =	shalt  }
0x51: {  	_ =	shalt  }
0x52: {  	_ =	shalt  }
0x53: {  	_ =	shalt  }
0x54: {  	_ =	shalt  }
0x55: {  	_ =	shalt  }
0x56: {  	_ =	shalt  }
0x57: {  	_ =	shalt  }
0x58: {  	_ =	shalt  }
0x59: {  	_ =	shalt  }
0x5a: {  	_ =	shalt  }
0x5b: {  	_ =	shalt  }
0x5c: {  	_ =	shalt  }
0x5d: {  	_ =	shalt  }
0x5e: {  	_ =	shalt  }
0x5f: {  	_ =	shalt  }
0x60: {  	_ =	shalt  }
0x61: {  	_ =	shalt  }
0x62: {  	_ =	shalt  }
0x63: {  	_ =	shalt  }
0x64: {  	_ =	shalt  }
0x65: {  	_ =	shalt  }
0x66: {  	_ =	shalt  }
0x67: {  	_ =	shalt  }
0x68: {  	_ =	shalt  }
0x69: {  	_ =	shalt  }
0x6a: {  	_ =	shalt  }
0x6b: {  	_ =	shalt  }
0x6c: {  	_ =	shalt  }
0x6d: {  	_ =	shalt  }
0x6e: {  	_ =	shalt  }
0x6f: {  	_ =	shalt  }
0x70: {  	_ =	shalt  }
0x71: {  	_ =	shalt  }
0x72: {  	_ =	shalt  }
0x73: {  	_ =	shalt  }
0x74: {  	_ =	shalt  }
0x75: {  	_ =	shalt  }
0x76: {  	_ =	shalt  }
0x77: {  	_ =	shalt  }
0x78: {  	_ =	shalt  }
0x79: {  	_ =	shalt  }
0x7a: {  	_ =	shalt  }
0x7b: {  	_ =	shalt  }
0x7c: {  	_ =	shalt  }
0x7d: {  	_ =	shalt  }
0x7e: {  	_ =	shalt  }
0x7f: {  	_ =	shalt  }
0x80: {  	_ =	shalt  }
0x81: {  	_ =	shalt  }
0x82: {  	_ =	shalt  }
0x83: {  	_ =	shalt  }
0x84: {  	_ =	shalt  }
0x85: {  	_ =	shalt  }
0x86: {  	_ =	shalt  }
0x87: {  	_ =	shalt  }
.Lfunc_end0:
.L_simem_size_0:
called_computation_lowered:
.L_overlay_start_0:
0x88: {  	s2 =	sld [smem:$0x3FD9]  }
0x89: {  	s3 =	sld [smem:$0x3FFE];
	_ =	sdelay $0x1  }
0x8a: {  	s1 =	srdreg.scid  }
0x8b: {  	s0 =	sand.u32 $0x1, s1  }
0x8c: {  	s17 =	sshll.u32 s0, $0xA;
	s2 =	sadd.s32 s3, s2  }
0x8d: {  	s2 =	sadd.s32 s2, s17  }
0x8e: {  	[smem:$0x3FC4] =	sst s2  }
0x8f: {  	_ = 	snop  }
0x90: {  	s2 =	sld [smem:$0x3FC9]  }
0x91: {  	s18 =	sld [smem:$0x3FD0];
	(tm) =	ssettm $0x1  }
0x92: {  	s4 =	sld [smem:$0x3FFB];
	_ =	sdelay $0x3  }
0x93: {  	_ =	strace s4  }
0x94: {  	s4 =	sld [smem:$0x3FFC];
	_ =	sdelay $0x3  }
0x95: {  	_ =	strace s4  }
0x96: {  	s4 =	sld [smem:$0x3FFD];
	_ =	sdelay $0x3  }
0x97: {  	_ =	strace s4  }
0x98: {  	_ =	strace $0x8FFFFFFF  }
0x99: {  	s19 =	sld [smem:$0x3FDB];
	_ =	sdelay $0x1  }
0x9a: {  	s5 =	simm.s32 $_scs_section_size  }
0x9b: {  	s6 =	simm.s32 $_size__tile_overlayer_lowered;
	s7 =	simm.s32 $_tile_overlayer_lowered  }
0x9c: {  	s22 =	simm.s32 $0x1BFF;
	s21 =	sshll.u32 s7, $0x1;
	s4 =	sadd.s32 s5, s19  }
0x9d: {  	s8 =	simm.s32 $0x0;
	s20 =	sshll.u32 s6, $0x1;
	s6 =	sadd.s32 s21, s4  }
0x9e: {  	[timem:s8], [sflag:s22] =	dma.local [hbm:s6], s20  }
0x9f: {  	_ =	swait.ge [sflag:s22], s20  }
0xa0: {  	s5 =	ssub.s32 $0x0, s20;
	[sflag:s22] =	ssyncset.done $0x0  }
0xa1: {  	[sflag:s22] =	ssyncadd.s32 s5;
	_ =	sdelay $0x1  }
0xa2: {  	s23 =	simm.s32 $0x1B8B  }
0xa3: {  	_ =	swait.ge [sflag:s23], $0x1  }
0xa4: {  	[sflag:s23] =	ssyncset.done $0x0  }
0xa5: {  	s25 =	simm.s32 $0x1B8E;
	s24 =	sld [smem:$0x3FFE];
	[sflag:s23] =	ssyncadd.s32 $0xFFFFFFFF  }
0xa6: {  	s26 =	simm.s32 $execute0_lowered;
	[smem:$0x3FD2] =	sst s25  }
0xa7: {  	s6 =	sshll.u32 s26, $0x1;
	_ =	strace $0x80000046;
	[dreg:$0x1] =	wrdreg $0xFFFFFFFF  }
0xa8: {  	s28 =	simm.s32 $_size_execute0_lowered;
	s4 =	sadd.s32 s4, s6;
	[dreg:$0x0] =	wrdreg $0x0  }
0xa9: {  	s6 =	sshll.u32 s28, $0x1;
	[dreg:$0x2] =	wrdreg s4  }
0xaa: {  	[dreg:$0x3] =	wrdreg s6  }
0xab: {  	[dreg:$0x4] =	wrdreg $0xC0  }
0xac: {  	_ =	task [dreg:s8], $0x5FFFF  }
0xad: {  	[dreg:$0x1] =	wrdreg $0xFFFFFFFF  }
0xae: {  	[dreg:$0x0] =	wrdreg $0x60  }
0xaf: {  	[dreg:$0x2] =	wrdreg s2  }
0xb0: {  	[dreg:$0x3] =	wrdreg s24  }
0xb1: {  	[dreg:$0x4] =	wrdreg s18  }
0xb2: {  	[dreg:$0x5] =	wrdreg $0x9  }
0xb3: {  	_ =	task.clear_ibuf [dreg:s8], $0x6FFFF;
	_ =	strace $0x90000046  }
0xb4: {  	s29 =	simm.s32 $0x9;
	_ =	strace $0x80000048  }
0xb5: {  	_ =	swait.ge [sflag:s29], $0x1  }
0xb6: {  	[sflag:s29] =	ssyncadd.s32 $0xFFFFFFFF  }
0xb7: {  	_ =	strace $0x90000048  }
0xb8: {  	_ =	sfence  }
0xb9: {  	s30 =	sld [smem:$0x0];
	_ =	sdelay $0x2  }
0xba: {  	s31 =	sshll.u32 s1, $0xD;
	s1 =	sshrl.u32 s1, $0x2  }
0xbb: {  	s3 =	sand.u32 $0x4000, s31;
	s1 =	sadd.s32 s1, s30  }
0xbc: {  	s0 =	sor.u32 s3, s0;
	s1 =	sshll.u32 s1, $0x11  }
0xbd: {  	s0 =	sor.u32 s1, s0  }
0xbe: {  	s0 =	sadd.s32 $0x8F2B, s0  }
0xbf: {  	[sflag:s0] =	ssyncadd.remote.s32 $0x1  }
0xc0: {  	_ =	sfence.sel $0xFFFF  }
0xc1: {  	[dreg:$0x0] =	wrdreg $0xFFFFFFFF;
	(pc) =	sbr.abs _section_cstart, $3  }
0xc2: {  	[dreg:$0x1] =	wrdreg $0xFFFFFFFF  }
0xc3: {  	_ =	task.clear_ibuf [dreg:s8], $0x2FFFF;
	_ =	strace $0x9FFFFFFF  }
0xc4: {  	(tm) =	ssettm $0x7FFFFFFF  }
0xc5: {  	_ =	shalt  }
tec
execute0_lowered:
.L_overlay_start_1:
0x0: {  	(tag) =	ssettag $0x1  }
0x1: {  	v0 =	vlaneseq.u32  }
0x2: {  	v2 =	vmul.u32 $0x200, v0;
	_ =	sdelay $0x1  }
0x3: {  	v5 =	vor.u32 $0x2000, v2  }
0x4: {  	[tilespmem:$0x1FF60] =	vst v5;
	v5 =	vor.u32 $0x4000, v2  }
0x5: {  	[tilespmem:$0x1FF70] =	vst v5;
	v5 =	vor.u32 $0x1, v2  }
0x6: {  	vm0 =	vcmask $0x300;
	[tilespmem:$0x1FF80] =	vst v5;
	v5 =	vor.u32 $0x2001, v2  }
0x7: {  	v6 =	vimm.s32 $0x6207;
	vm1 =	vcmask $0x704;
	[tilespmem:$0x1FF90] =	vst v5;
	v5 =	vor.u32 $0x4001, v2  }
0x8: {  	vm15 =	vcmask $0xB08;
	vm4 =	vcmask $0xF0C;
	[tilespmem:$0x1FFA0] =	vst v5;
	v5 =	vor.u32 $0x2, v2  }
0x9: {  	vm5 =	vcmask $0x1310;
	vm6 =	vcmask $0x1714;
	[tilespmem:$0x1FFB0] =	vst v5;
	v5 =	vor.u32 $0x2002, v2  }
0xa: {  	vm7 =	vcmask $0x1B18;
	vm8 =	vcmask $0x1F1C;
	[tilespmem:$0x1FFC0] =	vst v5;
	v5 =	vor.u32 $0x4002, v2  }
0xb: {  	s1 =	rddreg [dreg:$0x0];
	vm9 =	vcmask $0x2320;
	vm10 =	vcmask $0x2724;
	[tilespmem:$0x1FFD0] =	vst v5;
	v5 =	vimm.s32 $0x7C40  }
0xc: {  	s0 =	srdreg.scid;
	s2 =	rddreg [dreg:$0x1];
	vm11 =	vcmask $0x2B28;
	v6 =	vsel vm0, $0x6000, v6;
	v5 =	vsel vm0, $0xC00, v5  }
0xd: {  	s3 =	stileid.u32;
	s5 =	rddreg [dreg:$0x2];
	vm12 =	vcmask $0x2F2C;
	v6 =	vsel vm1, $0x6200, v6;
	v5 =	vsel vm1, $0xC40, v5  }
0xe: {  	s6 =	simm.s32 $0x0;
	s12 =	simm.s32 $0x17200;
	s13 =	simm.s32 $0x32;
	vm13 =	vcmask $0x3330;
	v6 =	vsel vm15, $0x6001, v6;
	v5 =	vsel vm15, $0x1C00, v5  }
0xf: {  	s14 =	simm.s32 $0x7200;
	s21 =	simm.s32 $0xE200;
	s22 =	simm.s32 $0x3;
	v1 =	vmul.u32 $0x40, v0;
	v6 =	vsel vm4, $0x6201, v6;
	v5 =	vsel vm4, $0x1C40, v5  }
0x10: {  	s23 =	simm.s32 $0x1;
	vm14 =	vcmask $0x3734;
	s28 =	simm.s32 $0x11200;
	s29 =	simm.s32 $0x12200;
	v6 =	vsel vm5, $0x6002, v6;
	v5 =	vsel vm5, $0x2C00, v5  }
0x11: {  	s30 =	simm.s32 $0x13200;
	s31 =	simm.s32 $0x14200;
	s0 =	sand.u32 $0x1, s0;
	v3 =	vor.u32 $0x400, v1;
	v6 =	vsel vm6, $0x6202, v6;
	v5 =	vsel vm6, $0x2C40, v5  }
0x12: {  	s10 =	simm.s32 $0x2;
	s3 =	sshll.u32 s3, $0xA;
	s4 =	sshll.u32 s0, $0x9;
	v4 =	vor.u32 $0x800, v1;
	v6 =	vsel vm7, $0x6003, v6;
	v5 =	vsel vm7, $0x3C00, v5  }
0x13: {  	[smem:$0x7FF] =	sst s6;
	s0 =	ssub.s32 $0x2, s0;
	v7 =	vor.u32 $0x1000, v1;
	s4 =	sor.u32 s4, s3;
	v6 =	vsel vm8, $0x6203, v6;
	v5 =	vsel vm8, $0x3C40, v5  }
0x14: {  	s6 =	simm.s32 $0x4;
	v8 =	vor.u32 $0x1400, v1;
	s7 =	sshrl.u32 s0, $0x1;
	s3 =	smul.u32 $0x7, s4;
	v6 =	vsel vm9, $0x6004, v6;
	v5 =	vsel vm9, $0x4C00, v5  }
0x15: {  	v9 =	vor.u32 $0x1800, v1;
	s8 =	sshrl.u32 s4, $0x3;
	s4 =	sadd.s32 $0xF42A00, s2;
	s0 =	ssub.s32 s0, s7;
	v6 =	vsel vm10, $0x6204, v6;
	v5 =	vsel vm10, $0x4C40, v5  }
0x16: {  	v13 =	vor.u32 $0x2000, v1;
	s7 =	simm.s32 $0x200;
	s1 =	sadd.s32 s1, s8;
	s24 =	sadd.s32 s3, s2;
	v6 =	vsel vm11, $0x6005, v6;
	v5 =	vsel vm11, $0x5C00, v5  }
0x17: {  	v14 =	vor.u32 $0x2400, v1;
	s25 =	sadd.s32 $0x600, s24;
	_ =	strace $0x80000047;
	[dreg:$0x4] =	wrdreg s1;
	v6 =	vsel vm12, $0x6205, v6;
	v5 =	vsel vm12, $0x5C40, v5  }
0x18: {  	v15 =	vor.u32 $0x2800, v1;
	s26 =	sadd.s32 s5, s8;
	s0 =	smax.u32 s0, $0x1;
	[dreg:$0x5] =	wrdreg s25;
	v6 =	vsel vm13, $0x6006, v6;
	v5 =	vsel vm13, $0x6C00, v5  }
0x19: {  	s5 =	simm.s32 $0x0;
	s3 =	sadd.s32 $0x16E3C00, s2;
	[dreg:$0x6] =	wrdreg s26;
	vm15 =	vcmask $0x3B38;
	v6 =	vsel vm14, $0x6206, v6;
	v5 =	vsel vm14, $0x6C40, v5  }
0x1a: {  	v19 =	vor.u32 $0x3000, v1;
	s24 =	simm.s32 $0x17600;
	[dreg:$0x7] =	wrdreg s0;
	s25 =	simm.s32 $0xF200;
	[tilespmem:$0x1FFF0] =	vst v2;
	v22 =	vsel vm15, $0x7C00, v5;
	v5 =	vsel vm15, $0x6007, v6  }
0x1b: {  	v20 =	vor.u32 $0x3400, v1;
	v21 =	vor.u32 $0x3800, v1;
	s26 =	simm.s32 $0x10200;
	s1 =	simm.s32 $0x15200;
	s0 =	simm.s32 $0x16200;
	[tilespmem:$0x1FFE0] =	vst v5  }
.LBB2_1:
0x1c: {  	[dreg:$0x8] =	wrdreg s5  }
0x1d: {  	s2 =	simm.s32 $0x0;
	s19 =	rddreg [dreg:$0x4]  }
0x1e: {  	[tilespmem:s2], [sflag:$0x4] =	stream.linear.gather [hbm4b:s19+s2], $0x200, $0x38;
	[tilespmem:$0x1DA00] =	vst v63  }
0x1f: {  	_ =	swait.ge [sflag:s6], $0x200  }
0x20: {  	[sflag:s6] =	ssyncset.done $0x0  }
0x21: {  	s20 =	rddreg [dreg:$0x5];
	[sflag:s6] =	ssyncadd.s32 $0xFFFFFE00  }
0x22: {  	[tilespmem:s7], [sflag:$0x4] =	stream.linear.gather [hbm4b:s20+s2], $0x7000, $0x38;
	[tilespmem:$0x1DA00] =	vst v63  }
0x23: {  	_ =	swait.ge [sflag:s6], $0x7000  }
0x24: {  	[sflag:s6] =	ssyncset.done $0x0  }
0x25: {  	s5 =	simm.s32 $0x0;
	[sflag:s6] =	ssyncadd.s32 $0xFFFF9000  }
.LBB2_2:
0x26: {  	s6 =	sshll.u32 s5, $0x4;
	s2 =	smul.u32 $0xE00, s5;
	s7 =	simm.s32 $0x10  }
0x27: {  	[tilespmem:s12], [sflag:$0x3] =	stream.indirect.gather [hbm4b:s3+s7], $0x40, s6, s7, $0xb8;
	[tilespmem:$0x1DA00] =	vst v63  }
0x28: {  	s16 =	sor.u32 $0x1, s6;
	s2 =	sshra.s32 s2, $0x2  }
0x29: {  	s18 =	smul.u32 $0xE0, s16;
	s2 =	sadd.s32 $0x200, s2  }
0x2a: {  	[tilespmem:s14], [sflag:$0x1] =	stream.indirect.gather [hbm4b:s4+s13], $0x40, s2, s13, $0xb8;
	[tilespmem:$0x1DA00] =	vst v63  }
0x2b: {  	s15 =	sor.u32 $0x2, s6;
	s19 =	sshra.s32 s18, $0x2  }
0x2c: {  	s8 =	simm.s32 $0x8200;
	s20 =	smul.u32 $0xE0, s15;
	s2 =	sadd.s32 $0x200, s19  }
0x2d: {  	[tilespmem:s8], [sflag:$0x1] =	stream.indirect.gather [hbm4b:s4+s13], $0x40, s2, s13, $0xb8;
	[tilespmem:$0x1DA00] =	vst v63  }
0x2e: {  	s11 =	sor.u32 $0x3, s6;
	s8 =	sshra.s32 s20, $0x2  }
0x2f: {  	s17 =	simm.s32 $0x9200;
	s9 =	smul.u32 $0xE0, s11;
	s2 =	sadd.s32 $0x200, s8  }
0x30: {  	[tilespmem:s17], [sflag:$0x1] =	stream.indirect.gather [hbm4b:s4+s13], $0x40, s2, s13, $0xb8;
	[tilespmem:$0x1DA00] =	vst v63  }
0x31: {  	s7 =	sshra.s32 s9, $0x2;
	s2 =	sor.u32 $0x4, s6  }
0x32: {  	s9 =	simm.s32 $0xA200;
	s7 =	sadd.s32 $0x200, s7;
	s18 =	smul.u32 $0xE0, s2  }
0x33: {  	[tilespmem:s9], [sflag:$0x1] =	stream.indirect.gather [hbm4b:s4+s13], $0x40, s7, s13, $0xb8;
	[tilespmem:$0x1DA00] =	vst v63  }
0x34: {  	s9 =	sor.u32 $0x5, s6;
	s19 =	sshra.s32 s18, $0x2  }
0x35: {  	s17 =	simm.s32 $0xB200;
	s20 =	smul.u32 $0xE0, s9;
	s7 =	sadd.s32 $0x200, s19  }
0x36: {  	[tilespmem:s17], [sflag:$0x1] =	stream.indirect.gather [hbm4b:s4+s13], $0x40, s7, s13, $0xb8;
	[tilespmem:$0x1DA00] =	vst v63  }
0x37: {  	s8 =	sor.u32 $0x6, s6;
	s18 =	sshra.s32 s20, $0x2  }
0x38: {  	s19 =	smul.u32 $0xE0, s8;
	s7 =	sadd.s32 $0x200, s18;
	s18 =	simm.s32 $0xC200  }
0x39: {  	[tilespmem:s18], [sflag:$0x1] =	stream.indirect.gather [hbm4b:s4+s13], $0x40, s7, s13, $0xb8;
	[tilespmem:$0x1DA00] =	vst v63  }
0x3a: {  	s17 =	sshra.s32 s19, $0x2;
	s7 =	sor.u32 $0x7, s6  }
0x3b: {  	s19 =	simm.s32 $0xD200;
	s17 =	sadd.s32 $0x200, s17;
	s20 =	smul.u32 $0xE0, s7  }
0x3c: {  	[tilespmem:s19], [sflag:$0x1] =	stream.indirect.gather [hbm4b:s4+s13], $0x40, s17, s13, $0xb8;
	[tilespmem:$0x1DA00] =	vst v63  }
0x3d: {  	s19 =	sshra.s32 s20, $0x2  }
0x3e: {  	s17 =	sadd.s32 $0x200, s19  }
0x3f: {  	[tilespmem:s21], [sflag:$0x1] =	stream.indirect.gather [hbm4b:s4+s13], $0x40, s17, s13, $0xb8;
	[tilespmem:$0x1DA00] =	vst v63  }
0x40: {  	_ =	swait.ge [sflag:s22], $0x400  }
0x41: {  	[sflag:s22] =	ssyncset.done $0x0  }
0x42: {  	[sflag:s22] =	ssyncadd.s32 $0xFFFFFC00  }
0x43: {  	_ =	swait.ge [sflag:s23], $0xC80  }
0x44: {  	[sflag:s23] =	ssyncset.done $0x0  }
0x45: {  	[sflag:s23] =	ssyncadd.s32 $0xFFFFF380  }
0x46: {  	_ =	swait.ge [sflag:s23], $0xC80  }
0x47: {  	[sflag:s23] =	ssyncset.done $0x0  }
0x48: {  	[sflag:s23] =	ssyncadd.s32 $0xFFFFF380  }
0x49: {  	_ =	swait.ge [sflag:s23], $0xC80  }
0x4a: {  	[sflag:s23] =	ssyncset.done $0x0  }
0x4b: {  	[sflag:s23] =	ssyncadd.s32 $0xFFFFF380  }
0x4c: {  	_ =	swait.ge [sflag:s23], $0xC80  }
0x4d: {  	[sflag:s23] =	ssyncset.done $0x0  }
0x4e: {  	[sflag:s23] =	ssyncadd.s32 $0xFFFFF380  }
0x4f: {  	_ =	swait.ge [sflag:s23], $0xC80  }
0x50: {  	[sflag:s23] =	ssyncset.done $0x0  }
0x51: {  	[sflag:s23] =	ssyncadd.s32 $0xFFFFF380  }
0x52: {  	_ =	swait.ge [sflag:s23], $0xC80  }
0x53: {  	[sflag:s23] =	ssyncset.done $0x0  }
0x54: {  	s20 =	simm.s32 $0x0;
	[sflag:s23] =	ssyncadd.s32 $0xFFFFF380  }
0x55: {  	v5 =	vadd.s32 s20, v0;
	s19 =	simm.s32 $0x2;
	_ =	swait.ge [sflag:s23], $0xC80  }
0x56: {  	s20 =	simm.s32 $0x1;
	v5 =	vand.u32 $0x3F, v5;
	v10 =	vadd.s32 s19, v0;
	[sflag:s23] =	ssyncset.done $0x0  }
0x57: {  	v11 =	vadd.s32 s20, v0;
	v10 =	vand.u32 $0x3F, v10;
	[sflag:s23] =	ssyncadd.s32 $0xFFFFF380  }
0x58: {  	s18 =	simm.s32 $0x3;
	v11 =	vand.u32 $0x3F, v11;
	_ =	swait.ge [sflag:s23], $0xC80  }
0x59: {  	v6 =	vadd.s32 s18, v0;
	v12 =	vor.u32 v1, v5;
	[sflag:s23] =	ssyncset.done $0x0  }
0x5a: {  	v6 =	vand.u32 $0x3F, v6;
	v16 =	vor.u32 v3, v5;
	[sflag:s23] =	ssyncadd.s32 $0xFFFFF380  }
0x5b: {  	v18 =	vor.u32 v1, v6;
	v17 =	vld.idx.msk [tilespmem:v5+s12+$0x0], $0xffff  }
0x5c: {  	v25 =	vor.u32 v1, v11;
	v27 =	vld.idx.msk [tilespmem:v10+s12+$0x0], $0xffff  }
0x5d: {  	v5 =	vor.u32 v4, v5;
	v39 =	vld.idx.msk [tilespmem:v11+s12+$0x0], $0xffff  }
0x5e: {  	v23 =	vor.u32 v1, v10;
	v28 =	vld.idx.msk [tilespmem:v12+s14+$0x0], $0xffff  }
0x5f: {  	v16 =	vld.idx.msk [tilespmem:v16+s14+$0x0], $0xffff  }
0x60: {  	v12 =	vor.u32 v3, v11;
	v26 =	vld.idx.msk [tilespmem:v18+s14+$0x0], $0xffff  }
0x61: {  	v18 =	vor.u32 v4, v10;
	v38 =	vld.idx.msk [tilespmem:v25+s14+$0x0], $0xffff  }
0x62: {  	s20 =	simm.s32 $0x6;
	v29 =	vld.idx.msk [tilespmem:v5+s14+$0x0], $0xffff;
	v5 =	vor.u32 v4, v11  }
0x63: {  	v40 =	vld.idx.msk [tilespmem:v23+s14+$0x0], $0xffff;
	v23 =	vadd.s32 s20, v0;
	v11 =	vor.u32 v3, v10  }
0x64: {  	v31 =	vor.u32 v3, v6;
	v24 =	vld.idx.msk [tilespmem:v6+s12+$0x0], $0xffff;
	v6 =	vor.u32 v4, v6;
	v30 =	vand.u32 $0x3F, v23  }
0x65: {  	v41 =	vimm.f32 $0.0e+00;
	s19 =	simm.s32 $0x4;
	v34 =	vor.u32 v1, v30;
	v42 =	vld.idx.msk [tilespmem:v12+s14+$0x0], $0xffff  }
0x66: {  	v10 =	vadd.s32 s19, v0;
	s19 =	simm.s32 $0x7;
	v12 =	vld.idx.msk [tilespmem:v18+s14+$0x0], $0xffff;
	v18 =	vmul.f32 v28, v17;
	v16 =	vmul.f32 v16, v17  }
0x67: {  	s20 =	simm.s32 $0x5;
	v46 =	vmul.f32 v38, v39;
	v25 =	vadd.s32 s19, v0;
	v43 =	vand.u32 $0x3F, v10;
	v44 =	vld.idx.msk [tilespmem:v5+s14+$0x0], $0xffff  }
0x68: {  	v40 =	vmul.f32 v40, v27;
	v10 =	vadd.s32 s20, v0;
	v25 =	vand.u32 $0x3F, v25;
	v45 =	vld.idx.msk [tilespmem:v11+s14+$0x0], $0xffff  }
0x69: {  	v37 =	vld.idx.msk [tilespmem:v6+s14+$0x0], $0xffff;
	v35 =	vor.u32 v1, v43;
	v36 =	vor.u32 v3, v43;
	v5 =	vand.u32 $0x3F, v10  }
0x6a: {  	v63 =	vadd.f32 v18, v41;
	v38 =	vadd.f32 v16, v41;
	v11 =	vld.idx.msk [tilespmem:v31+s14+$0x0], $0xffff;
	v23 =	vmul.f32 v29, v17  }
0x6b: {  	v6 =	vld.idx.msk [tilespmem:v30+s12+$0x0], $0xffff;
	v33 =	vor.u32 v1, v25;
	v10 =	vor.u32 v4, v43;
	v17 =	vmul.f32 v42, v39  }
0x6c: {  	v32 =	vor.u32 v1, v5;
	v28 =	vld.idx.msk [tilespmem:v43+s12+$0x0], $0xffff;
	v18 =	vadd.f32 v23, v41;
	v39 =	vmul.f32 v44, v39  }
0x6d: {  	s17 =	simm.s32 $0x8;
	v31 =	vor.u32 v3, v5;
	v29 =	vld.idx.msk [tilespmem:v25+s12+$0x0], $0xffff;
	v23 =	vadd.f32 v46, v63;
	v16 =	vmul.f32 v45, v27  }
.LBB2_3:
0x6e: {  	p0 =	sne.s32 s17, $0x3C;
	v41 =	vld.idx.msk [tilespmem:v5+s12+$0x0], $0xffff;
	v17 =	vadd.f32 v17, v38;
	v18 =	vadd.f32 v39, v18;
	v12 =	vmul.f32 v12, v27  }
0x6f: {  	v26 =	vmul.f32 v26, v24;
	v11 =	vmul.f32 v11, v24;
	v38 =	vld.idx.msk [tilespmem:v35+s14+$0x0], $0xffff;
	v23 =	vadd.f32 v40, v23  }
0x70: {  	v39 =	vld.idx.msk [tilespmem:v36+s14+$0x0], $0xffff;
	v16 =	vadd.f32 v16, v17;
	v12 =	vadd.f32 v12, v18;
	v17 =	vmul.f32 v37, v24  }
0x71: {  	v5 =	vor.u32 v4, v5;
	v18 =	vld.idx.msk [tilespmem:v10+s14+$0x0], $0xffff;
	v23 =	vadd.f32 v26, v23  }
0x72: {  	v10 =	vor.u32 v3, v30;
	v26 =	vld.idx.msk [tilespmem:v33+s14+$0x0], $0xffff;
	v16 =	vadd.f32 v11, v16;
	v40 =	vadd.f32 v17, v12  }
0x73: {  	v24 =	vmov v29;
	v11 =	vor.u32 v4, v30;
	v27 =	vmov v6;
	v42 =	vld.idx.msk [tilespmem:v34+s14+$0x0], $0xffff  }
0x74: {  	s18 =	sadd.s32 $0x2, s17;
	s19 =	sadd.s32 $0x3, s17;
	v29 =	vor.u32 v3, v25;
	v6 =	vadd.s32 s17, v0;
	v17 =	vld.idx.msk [tilespmem:v32+s14+$0x0], $0xffff  }
0x75: {  	s20 =	sadd.s32 $0x1, s17;
	v37 =	vor.u32 v4, v25;
	v12 =	vadd.s32 s18, v0;
	v30 =	vadd.s32 s19, v0;
	v43 =	vld.idx.msk [tilespmem:v31+s14+$0x0], $0xffff  }
0x76: {  	v6 =	vand.u32 $0x3F, v6;
	v25 =	vand.u32 $0x3F, v30;
	v31 =	vadd.s32 s20, v0;
	v44 =	vld.idx.msk [tilespmem:v5+s14+$0x0], $0xffff  }
0x77: {  	v30 =	vand.u32 $0x3F, v12;
	v35 =	vor.u32 v1, v6;
	v5 =	vand.u32 $0x3F, v31;
	v45 =	vld.idx.msk [tilespmem:v10+s14+$0x0], $0xffff  }
0x78: {  	v36 =	vor.u32 v3, v6;
	v33 =	vor.u32 v1, v25;
	v10 =	vor.u32 v4, v6;
	v12 =	vld.idx.msk [tilespmem:v11+s14+$0x0], $0xffff  }
.Ltmp0:
0x79: {  	v34 =	vor.u32 v1, v30;
	v38 =	vmul.f32 v38, v28;
	v32 =	vor.u32 v1, v5;
	v11 =	vld.idx.msk [tilespmem:v29+s14+$0x0], $0xffff;
	(pc) =	sbr.rel @p0 .LBB2_3-.Ltmp0, $4  }
0x7a: {  	v39 =	vmul.f32 v39, v28;
	v18 =	vmul.f32 v18, v28;
	v31 =	vor.u32 v3, v5;
	v37 =	vld.idx.msk [tilespmem:v37+s14+$0x0], $0xffff  }
0x7b: {  	v23 =	vadd.f32 v38, v23;
	v46 =	vmul.f32 v17, v41;
	v17 =	vmul.f32 v43, v41;
	v28 =	vld.idx.msk [tilespmem:v6+s12+$0x0], $0xffff  }
0x7c: {  	v38 =	vadd.f32 v39, v16;
	v18 =	vadd.f32 v18, v40;
	v39 =	vmul.f32 v44, v41;
	v29 =	vld.idx.msk [tilespmem:v25+s12+$0x0], $0xffff  }
0x7d: {  	s17 =	sadd.s32 $0x4, s17;
	v40 =	vmul.f32 v42, v27;
	v23 =	vadd.f32 v46, v23;
	v16 =	vmul.f32 v45, v27;
	v6 =	vld.idx.msk [tilespmem:v30+s12+$0x0], $0xffff  }
0x7e: {  	_ =	sdelay $0x3  }
0x7f: {  	v41 =	vld.idx.msk [tilespmem:v5+s12+$0x0], $0xffff  }
0x80: {  	v35 =	vld.idx.msk [tilespmem:v35+s14+$0x0], $0xffff;
	v5 =	vor.u32 v4, v5  }
0x81: {  	v36 =	vld.idx.msk [tilespmem:v36+s14+$0x0], $0xffff;
	v53 =	vor.u32 v3, v30  }
0x82: {  	v10 =	vld.idx.msk [tilespmem:v10+s14+$0x0], $0xffff;
	v17 =	vadd.f32 v17, v38;
	v30 =	vor.u32 v4, v30  }
0x83: {  	v18 =	vadd.f32 v39, v18;
	v12 =	vmul.f32 v12, v27;
	v27 =	vld.idx.msk [tilespmem:v34+s14+$0x0], $0xffff;
	v26 =	vmul.f32 v26, v24  }
0x84: {  	v32 =	vld.idx.msk [tilespmem:v32+s14+$0x0], $0xffff;
	v11 =	vmul.f32 v11, v24;
	v23 =	vadd.f32 v40, v23;
	v16 =	vadd.f32 v16, v17  }
0x85: {  	v12 =	vadd.f32 v12, v18;
	v18 =	vmul.f32 v37, v24;
	v5 =	vld.idx.msk [tilespmem:v5+s14+$0x0], $0xffff  }
0x86: {  	v54 =	vor.u32 v3, v25;
	v23 =	vadd.f32 v26, v23;
	v11 =	vadd.f32 v11, v16;
	v24 =	vld.idx.msk [tilespmem:v53+s14+$0x0], $0xffff  }
0x87: {  	v16 =	vor.u32 v4, v25;
	v12 =	vadd.f32 v18, v12;
	v25 =	vmul.f32 v35, v28;
	v18 =	vld.idx.msk [tilespmem:v30+s14+$0x0], $0xffff  }
0x88: {  	v10 =	vmul.f32 v10, v28  }
0x89: {  	v17 =	vld.idx.msk [tilespmem:v31+s14+$0x0], $0xffff;
	v23 =	vadd.f32 v25, v23;
	v25 =	vmul.f32 v32, v41  }
0x8a: {  	v10 =	vadd.f32 v10, v12;
	v5 =	vmul.f32 v5, v41  }
0x8b: {  	v33 =	vld.idx.msk [tilespmem:v33+s14+$0x0], $0xffff;
	v26 =	vmul.f32 v36, v28;
	v12 =	vadd.f32 v25, v23;
	v23 =	vmul.f32 v27, v6  }
0x8c: {  	v28 =	vld.idx.msk [tilespmem:v54+s14+$0x0], $0xffff;
	v24 =	vmul.f32 v24, v6;
	v6 =	vmul.f32 v18, v6;
	v5 =	vadd.f32 v5, v10  }
0x8d: {  	v10 =	vadd.f32 v23, v12;
	v23 =	vld [tilespmem:$0x1FF60]  }
0x8e: {  	v17 =	vmul.f32 v17, v41;
	v11 =	vadd.f32 v26, v11;
	v5 =	vadd.f32 v6, v5;
	v6 =	vld [tilespmem:$0x1FF70]  }
0x8f: {  	v16 =	vld.idx.msk [tilespmem:v16+s14+$0x0], $0xffff  }
0x90: {  	v11 =	vadd.f32 v17, v11;
	v18 =	vor.u32 s6, v2  }
0x91: {  	s17 =	simm.s32 $0x0;
	v17 =	vmul.f32 v28, v29;
	v12 =	vmul.f32 v33, v29  }
0x92: {  	v11 =	vadd.f32 v24, v11;
	v24 =	vadd.s32 s17, v0;
	v23 =	vor.u32 s6, v23  }
0x93: {  	v24 =	vand.u32 $0x3F, v24;
	v10 =	vadd.f32 v12, v10;
	v6 =	vor.u32 s6, v6  }
0x94: {  	s19 =	simm.s32 $0x3;
	v16 =	vmul.f32 v16, v29;
	v12 =	vor.u32 $0x40, v24  }
0x95: {  	v11 =	vadd.f32 v17, v11;
	v17 =	vor.u32 v7, v24;
	[tilespmem:v18+s24+$0x0] =	vst.idx.msk $0xffff, v10;
	v10 =	vadd.s32 s19, v0  }
0x96: {  	v5 =	vadd.f32 v16, v5;
	v16 =	vor.u32 v8, v24;
	v10 =	vand.u32 $0x3F, v10  }
0x97: {  	v18 =	vor.u32 v7, v10;
	[tilespmem:v23+s24+$0x0] =	vst.idx.msk $0xffff, v11  }
0x98: {  	s20 =	simm.s32 $0x2;
	v60 =	vor.u32 v8, v10;
	[tilespmem:v6+s24+$0x0] =	vst.idx.msk $0xffff, v5  }
0x99: {  	v11 =	vor.u32 v9, v24;
	v5 =	vadd.s32 s20, v0;
	v12 =	vld.idx.msk [tilespmem:v12+s12+$0x0], $0xffff  }
0x9a: {  	s18 =	simm.s32 $0x1;
	v6 =	vor.u32 $0x40, v10;
	v5 =	vand.u32 $0x3F, v5;
	v29 =	vld.idx.msk [tilespmem:v17+s14+$0x0], $0xffff  }
0x9b: {  	v23 =	vadd.s32 s18, v0;
	v30 =	vld.idx.msk [tilespmem:v16+s14+$0x0], $0xffff;
	v25 =	vor.u32 $0x40, v5  }
0x9c: {  	v17 =	vand.u32 $0x3F, v23;
	v24 =	vld.idx.msk [tilespmem:v18+s14+$0x0], $0xffff;
	v23 =	vor.u32 v7, v5  }
0x9d: {  	v36 =	vld.idx.msk [tilespmem:v60+s14+$0x0], $0xffff;
	v16 =	vor.u32 $0x40, v17  }
0x9e: {  	v31 =	vld.idx.msk [tilespmem:v11+s14+$0x0], $0xffff;
	v11 =	vor.u32 v7, v17  }
0x9f: {  	v62 =	vor.u32 v9, v10;
	s18 =	simm.s32 $0x7;
	v26 =	vld.idx.msk [tilespmem:v6+s12+$0x0], $0xffff;
	v6 =	vor.u32 v8, v17  }
0xa0: {  	v56 =	vadd.s32 s18, v0;
	s20 =	simm.s32 $0x6;
	v18 =	vmov s6;
	v17 =	vor.u32 v9, v17;
	v27 =	vld.idx.msk [tilespmem:v25+s12+$0x0], $0xffff  }
0xa1: {  	s19 =	simm.s32 $0x4;
	v28 =	vadd.s32 s20, v0;
	[tilespmem:$0x1FF50] =	vst v18;
	v18 =	vimm.f32 $0.0e+00;
	v55 =	vld.idx.msk [tilespmem:v23+s14+$0x0], $0xffff;
	v23 =	vor.u32 v8, v5  }
0xa2: {  	v28 =	vand.u32 $0x3F, v28;
	v25 =	vadd.s32 s19, v0;
	v57 =	vld.idx.msk [tilespmem:v16+s12+$0x0], $0xffff;
	v5 =	vor.u32 v9, v5  }
0xa3: {  	v32 =	vor.u32 v7, v28;
	v47 =	vmul.f32 v30, v12;
	s19 =	simm.s32 $0x5;
	v16 =	vand.u32 $0x3F, v25;
	v59 =	vld.idx.msk [tilespmem:v11+s14+$0x0], $0xffff  }
0xa4: {  	v58 =	vadd.s32 s19, v0;
	v25 =	vand.u32 $0x3F, v56;
	v42 =	vor.u32 $0x40, v16;
	v61 =	vld.idx.msk [tilespmem:v6+s14+$0x0], $0xffff  }
0xa5: {  	v31 =	vmul.f32 v31, v12;
	v38 =	vadd.f32 v47, v18;
	v43 =	vor.u32 v7, v16;
	v44 =	vld.idx.msk [tilespmem:v17+s14+$0x0], $0xffff  }
0xa6: {  	v35 =	vand.u32 $0x3F, v58;
	v45 =	vor.u32 v8, v16;
	v16 =	vor.u32 v9, v16;
	v46 =	vld.idx.msk [tilespmem:v23+s14+$0x0], $0xffff  }
0xa7: {  	v10 =	vor.u32 $0x40, v25;
	v11 =	vor.u32 v7, v25;
	v17 =	vld.idx.msk [tilespmem:v5+s14+$0x0], $0xffff;
	v23 =	vmul.f32 v29, v12  }
0xa8: {  	v6 =	vor.u32 $0x40, v28;
	v34 =	vor.u32 v7, v35;
	v33 =	vor.u32 v8, v35;
	v12 =	vld.idx.msk [tilespmem:v62+s14+$0x0], $0xffff  }
0xa9: {  	v37 =	vadd.f32 v31, v18;
	v48 =	vmul.f32 v59, v57;
	v29 =	vld.idx.msk [tilespmem:v42+s12+$0x0], $0xffff;
	v63 =	vadd.f32 v23, v18  }
0xaa: {  	v5 =	vor.u32 $0x40, v35;
	v30 =	vld.idx.msk [tilespmem:v43+s14+$0x0], $0xffff;
	v23 =	vmul.f32 v61, v57;
	v40 =	vmul.f32 v44, v57  }
0xab: {  	s17 =	simm.s32 $0x8;
	v41 =	vmul.f32 v55, v27;
	v31 =	vld.idx.msk [tilespmem:v45+s14+$0x0], $0xffff;
	v39 =	vadd.f32 v48, v63;
	v18 =	vmul.f32 v46, v27  }
.LBB2_5:
0xac: {  	p0 =	sne.s32 s17, $0x3C;
	v42 =	vld.idx.msk [tilespmem:v16+s14+$0x0], $0xffff;
	v16 =	vadd.f32 v23, v38;
	v23 =	vadd.f32 v40, v37;
	v17 =	vmul.f32 v17, v27  }
0xad: {  	v38 =	vmul.f32 v24, v26;
	v36 =	vmul.f32 v36, v26;
	v10 =	vld.idx.msk [tilespmem:v10+s12+$0x0], $0xffff;
	v37 =	vadd.f32 v41, v39  }
0xae: {  	v12 =	vmul.f32 v12, v26;
	v24 =	vld.idx.msk [tilespmem:v11+s14+$0x0], $0xffff;
	v11 =	vadd.f32 v18, v16;
	v16 =	vadd.f32 v17, v23  }
0xaf: {  	v17 =	vadd.s32 s17, v0;
	v18 =	vor.u32 v9, v35;
	v27 =	vld.idx.msk [tilespmem:v6+s12+$0x0], $0xffff;
	v23 =	vadd.f32 v38, v37  }
0xb0: {  	s18 =	sadd.s32 $0x2, s17;
	s19 =	sadd.s32 $0x3, s17;
	v6 =	vor.u32 v8, v28;
	v41 =	vld.idx.msk [tilespmem:v32+s14+$0x0], $0xffff;
	v37 =	vadd.f32 v36, v11;
	v39 =	vadd.f32 v12, v16  }
0xb1: {  	s20 =	sadd.s32 $0x1, s17;
	v11 =	vadd.s32 s18, v0;
	v12 =	vadd.s32 s19, v0;
	v40 =	vld.idx.msk [tilespmem:v5+s12+$0x0], $0xffff;
	v5 =	vor.u32 v9, v28  }
0xb2: {  	v16 =	vand.u32 $0x3F, v17;
	v17 =	vadd.s32 s20, v0;
	v36 =	vor.u32 v8, v25;
	v38 =	vld.idx.msk [tilespmem:v34+s14+$0x0], $0xffff  }
0xb3: {  	v44 =	vor.u32 v9, v25;
	v28 =	vand.u32 $0x3F, v11;
	v25 =	vand.u32 $0x3F, v12;
	v26 =	vmovc v10;
	v43 =	vld.idx.msk [tilespmem:v33+s14+$0x0], $0xffff  }
0xb4: {  	v45 =	vor.u32 $0x40, v16;
	v46 =	vor.u32 v7, v16;
	v35 =	vand.u32 $0x3F, v17;
	v18 =	vld.idx.msk [tilespmem:v18+s14+$0x0], $0xffff  }
0xb5: {  	v47 =	vor.u32 v8, v16;
	v16 =	vor.u32 v9, v16;
	v10 =	vor.u32 $0x40, v25;
	v48 =	vld.idx.msk [tilespmem:v6+s14+$0x0], $0xffff  }
0xb6: {  	v32 =	vor.u32 v7, v28;
	v11 =	vor.u32 v7, v25;
	v6 =	vor.u32 $0x40, v28;
	v17 =	vld.idx.msk [tilespmem:v5+s14+$0x0], $0xffff  }
.Ltmp1:
0xb7: {  	v30 =	vmul.f32 v30, v29;
	v34 =	vor.u32 v7, v35;
	v5 =	vor.u32 $0x40, v35;
	v36 =	vld.idx.msk [tilespmem:v36+s14+$0x0], $0xffff;
	(pc) =	sbr.rel @p0 .LBB2_5-.Ltmp1, $4  }
0xb8: {  	v31 =	vmul.f32 v31, v29;
	v42 =	vmul.f32 v42, v29;
	v33 =	vor.u32 v8, v35;
	v12 =	vld.idx.msk [tilespmem:v44+s14+$0x0], $0xffff  }
0xb9: {  	v44 =	vadd.f32 v30, v23;
	v23 =	vmul.f32 v43, v40;
	v29 =	vld.idx.msk [tilespmem:v45+s12+$0x0], $0xffff;
	v45 =	vmul.f32 v38, v40  }
0xba: {  	v38 =	vadd.f32 v31, v37;
	v37 =	vadd.f32 v42, v39;
	v40 =	vmul.f32 v18, v40;
	v30 =	vld.idx.msk [tilespmem:v46+s14+$0x0], $0xffff  }
0xbb: {  	s17 =	sadd.s32 $0x4, s17;
	v41 =	vmul.f32 v41, v27;
	v18 =	vmul.f32 v48, v27;
	v31 =	vld.idx.msk [tilespmem:v47+s14+$0x0], $0xffff;
	v39 =	vadd.f32 v45, v44  }
0xbc: {  	_ =	sdelay $0x3  }
0xbd: {  	v16 =	vld.idx.msk [tilespmem:v16+s14+$0x0], $0xffff  }
0xbe: {  	v35 =	vor.u32 v9, v35;
	v6 =	vld.idx.msk [tilespmem:v6+s12+$0x0], $0xffff  }
0xbf: {  	v17 =	vmul.f32 v17, v27;
	v27 =	vor.u32 v8, v28;
	v5 =	vld.idx.msk [tilespmem:v5+s12+$0x0], $0xffff  }
0xc0: {  	v37 =	vadd.f32 v40, v37;
	v28 =	vor.u32 v9, v28;
	v34 =	vld.idx.msk [tilespmem:v34+s14+$0x0], $0xffff  }
0xc1: {  	v23 =	vadd.f32 v23, v38;
	v24 =	vmul.f32 v24, v26;
	v33 =	vld.idx.msk [tilespmem:v33+s14+$0x0], $0xffff;
	v54 =	vadd.f32 v41, v39  }
0xc2: {  	v36 =	vmul.f32 v36, v26;
	v32 =	vld.idx.msk [tilespmem:v32+s14+$0x0], $0xffff;
	v12 =	vmul.f32 v12, v26;
	v17 =	vadd.f32 v17, v37  }
0xc3: {  	v18 =	vadd.f32 v18, v23;
	v23 =	vor.u32 v8, v25;
	v24 =	vadd.f32 v24, v54;
	v26 =	vld.idx.msk [tilespmem:v35+s14+$0x0], $0xffff  }
0xc4: {  	v30 =	vmul.f32 v30, v29;
	v12 =	vadd.f32 v12, v17;
	v17 =	vor.u32 v9, v25;
	v25 =	vld.idx.msk [tilespmem:v27+s14+$0x0], $0xffff  }
0xc5: {  	v18 =	vadd.f32 v36, v18;
	v27 =	vmul.f32 v31, v29;
	v28 =	vld.idx.msk [tilespmem:v28+s14+$0x0], $0xffff;
	v16 =	vmul.f32 v16, v29  }
0xc6: {  	v10 =	vld.idx.msk [tilespmem:v10+s12+$0x0], $0xffff;
	v24 =	vadd.f32 v30, v24;
	v29 =	vmul.f32 v34, v5  }
0xc7: {  	v11 =	vld.idx.msk [tilespmem:v11+s14+$0x0], $0xffff;
	v30 =	vmul.f32 v33, v5;
	v18 =	vadd.f32 v27, v18;
	v12 =	vadd.f32 v16, v12  }
0xc8: {  	v23 =	vld.idx.msk [tilespmem:v23+s14+$0x0], $0xffff;
	v24 =	vadd.f32 v29, v24;
	v5 =	vmul.f32 v26, v5;
	v26 =	vmul.f32 v32, v6  }
0xc9: {  	v27 =	vmov s16;
	v17 =	vld.idx.msk [tilespmem:v17+s14+$0x0], $0xffff;
	v18 =	vadd.f32 v30, v18;
	v25 =	vmul.f32 v25, v6  }
0xca: {  	v6 =	vmul.f32 v28, v6;
	v5 =	vadd.f32 v5, v12;
	v12 =	vadd.f32 v26, v24;
	v24 =	vld [tilespmem:$0x1FF80]  }
0xcb: {  	v16 =	vshrl.u32 v27, $0x3;
	v18 =	vadd.f32 v25, v18;
	v25 =	vld [tilespmem:$0x1FF90]  }
0xcc: {  	v16 =	vshll.u32 v16, $0x3;
	v5 =	vadd.f32 v6, v5;
	v6 =	vld [tilespmem:$0x1FFA0]  }
0xcd: {  	v16 =	vbroadcast v16, $0x0;
	_ =	sdelay $0x1  }
0xce: {  	s19 =	simm.s32 $0x0;
	v11 =	vmul.f32 v11, v10;
	v23 =	vmul.f32 v23, v10;
	v24 =	vadd.s32 v24, v16  }
0xcf: {  	v26 =	vadd.s32 s19, v0;
	v10 =	vmul.f32 v17, v10;
	v25 =	vadd.s32 v25, v16  }
0xd0: {  	s20 =	simm.s32 $0x3;
	v11 =	vadd.f32 v11, v12;
	v6 =	vadd.s32 v6, v16;
	v16 =	vand.u32 $0x3F, v26  }
0xd1: {  	v5 =	vadd.f32 v10, v5;
	v10 =	vadd.s32 s20, v0;
	v12 =	vor.u32 $0x80, v16  }
0xd2: {  	v17 =	vadd.f32 v23, v18;
	v10 =	vand.u32 $0x3F, v10;
	v18 =	vor.u32 v13, v16  }
0xd3: {  	v60 =	vor.u32 v14, v10;
	[tilespmem:v24+s24+$0x0] =	vst.idx.msk $0xffff, v11  }
0xd4: {  	v11 =	vor.u32 v14, v16;
	[tilespmem:v25+s24+$0x0] =	vst.idx.msk $0xffff, v17  }
0xd5: {  	s17 =	simm.s32 $0x2;
	v16 =	vor.u32 v15, v16;
	[tilespmem:v6+s24+$0x0] =	vst.idx.msk $0xffff, v5  }
0xd6: {  	v17 =	vor.u32 v13, v10;
	v5 =	vadd.s32 s17, v0;
	v12 =	vld.idx.msk [tilespmem:v12+s12+$0x0], $0xffff  }
0xd7: {  	s18 =	simm.s32 $0x1;
	v6 =	vor.u32 $0x80, v10;
	v5 =	vand.u32 $0x3F, v5;
	v18 =	vld.idx.msk [tilespmem:v18+s14+$0x0], $0xffff  }
0xd8: {  	v23 =	vadd.s32 s18, v0;
	v36 =	vld.idx.msk [tilespmem:v60+s14+$0x0], $0xffff;
	v25 =	vor.u32 $0x80, v5  }
0xd9: {  	v23 =	vand.u32 $0x3F, v23;
	v28 =	vor.u32 v13, v5;
	v29 =	vld.idx.msk [tilespmem:v11+s14+$0x0], $0xffff  }
0xda: {  	v11 =	vor.u32 $0x80, v23;
	v30 =	vld.idx.msk [tilespmem:v16+s14+$0x0], $0xffff  }
0xdb: {  	v16 =	vor.u32 v13, v23;
	v24 =	vld.idx.msk [tilespmem:v17+s14+$0x0], $0xffff  }
0xdc: {  	v17 =	vor.u32 v15, v23;
	v26 =	vld.idx.msk [tilespmem:v6+s12+$0x0], $0xffff  }
0xdd: {  	v31 =	vimm.f32 $0.0e+00;
	v62 =	vor.u32 v15, v10;
	s17 =	simm.s32 $0x7;
	v6 =	vor.u32 v14, v23;
	v27 =	vld.idx.msk [tilespmem:v25+s12+$0x0], $0xffff  }
0xde: {  	s19 =	simm.s32 $0x4;
	s20 =	simm.s32 $0x6;
	v57 =	vadd.s32 s17, v0;
	v56 =	vor.u32 v14, v5;
	v5 =	vor.u32 v15, v5;
	v55 =	vld.idx.msk [tilespmem:v28+s14+$0x0], $0xffff  }
0xdf: {  	s18 =	simm.s32 $0x5;
	v23 =	vadd.s32 s19, v0;
	v18 =	vmul.f32 v18, v12;
	v25 =	vadd.s32 s20, v0;
	v58 =	vld.idx.msk [tilespmem:v11+s12+$0x0], $0xffff  }
0xe0: {  	v11 =	vand.u32 $0x3F, v23;
	v23 =	vadd.s32 s18, v0;
	v59 =	vld.idx.msk [tilespmem:v16+s14+$0x0], $0xffff;
	v28 =	vand.u32 $0x3F, v25  }
0xe1: {  	v25 =	vand.u32 $0x3F, v57;
	v47 =	vmul.f32 v29, v12;
	v42 =	vor.u32 $0x80, v11;
	v44 =	vld.idx.msk [tilespmem:v17+s14+$0x0], $0xffff  }
0xe2: {  	v48 =	vmul.f32 v30, v12;
	v18 =	vadd.f32 v18, v31;
	v43 =	vor.u32 v13, v11;
	v61 =	vld.idx.msk [tilespmem:v6+s14+$0x0], $0xffff  }
0xe3: {  	v46 =	vld.idx.msk [tilespmem:v56+s14+$0x0], $0xffff;
	v35 =	vand.u32 $0x3F, v23;
	v45 =	vor.u32 v14, v11;
	v16 =	vor.u32 v15, v11  }
0xe4: {  	v10 =	vor.u32 $0x80, v25;
	v32 =	vor.u32 v13, v28;
	v11 =	vor.u32 v13, v25;
	v17 =	vld.idx.msk [tilespmem:v5+s14+$0x0], $0xffff  }
0xe5: {  	v12 =	vld.idx.msk [tilespmem:v62+s14+$0x0], $0xffff;
	v6 =	vor.u32 $0x80, v28;
	v5 =	vor.u32 $0x80, v35;
	v34 =	vor.u32 v13, v35  }
0xe6: {  	v33 =	vor.u32 v14, v35;
	v38 =	vadd.f32 v47, v31;
	v63 =	vmul.f32 v59, v58;
	v29 =	vld.idx.msk [tilespmem:v42+s12+$0x0], $0xffff  }
0xe7: {  	v37 =	vadd.f32 v48, v31;
	v30 =	vld.idx.msk [tilespmem:v43+s14+$0x0], $0xffff;
	v40 =	vmul.f32 v44, v58;
	v23 =	vmul.f32 v61, v58  }
0xe8: {  	s16 =	simm.s32 $0x8;
	v41 =	vmul.f32 v55, v27;
	v31 =	vld.idx.msk [tilespmem:v45+s14+$0x0], $0xffff;
	v39 =	vadd.f32 v63, v18;
	v18 =	vmul.f32 v46, v27  }
.LBB2_7:
0xe9: {  	p0 =	sne.s32 s16, $0x3C;
	v42 =	vld.idx.msk [tilespmem:v16+s14+$0x0], $0xffff;
	v16 =	vadd.f32 v23, v38;
	v23 =	vadd.f32 v40, v37;
	v17 =	vmul.f32 v17, v27  }
0xea: {  	v38 =	vmul.f32 v24, v26;
	v36 =	vmul.f32 v36, v26;
	v10 =	vld.idx.msk [tilespmem:v10+s12+$0x0], $0xffff;
	v37 =	vadd.f32 v41, v39  }
0xeb: {  	v12 =	vmul.f32 v12, v26;
	v24 =	vld.idx.msk [tilespmem:v11+s14+$0x0], $0xffff;
	v11 =	vadd.f32 v18, v16;
	v16 =	vadd.f32 v17, v23  }
0xec: {  	v17 =	vadd.s32 s16, v0;
	v18 =	vor.u32 v15, v35;
	v27 =	vld.idx.msk [tilespmem:v6+s12+$0x0], $0xffff;
	v23 =	vadd.f32 v38, v37  }
0xed: {  	s17 =	sadd.s32 $0x2, s16;
	s18 =	sadd.s32 $0x3, s16;
	v6 =	vor.u32 v14, v28;
	v41 =	vld.idx.msk [tilespmem:v32+s14+$0x0], $0xffff;
	v37 =	vadd.f32 v36, v11;
	v39 =	vadd.f32 v12, v16  }
0xee: {  	s19 =	sadd.s32 $0x1, s16;
	v11 =	vadd.s32 s17, v0;
	v12 =	vadd.s32 s18, v0;
	v40 =	vld.idx.msk [tilespmem:v5+s12+$0x0], $0xffff;
	v5 =	vor.u32 v15, v28  }
0xef: {  	v16 =	vand.u32 $0x3F, v17;
	v17 =	vadd.s32 s19, v0;
	v36 =	vor.u32 v14, v25;
	v38 =	vld.idx.msk [tilespmem:v34+s14+$0x0], $0xffff  }
0xf0: {  	v44 =	vor.u32 v15, v25;
	v28 =	vand.u32 $0x3F, v11;
	v25 =	vand.u32 $0x3F, v12;
	v26 =	vmovc v10;
	v43 =	vld.idx.msk [tilespmem:v33+s14+$0x0], $0xffff  }
0xf1: {  	v45 =	vor.u32 $0x80, v16;
	v46 =	vor.u32 v13, v16;
	v35 =	vand.u32 $0x3F, v17;
	v18 =	vld.idx.msk [tilespmem:v18+s14+$0x0], $0xffff  }
0xf2: {  	v47 =	vor.u32 v14, v16;
	v16 =	vor.u32 v15, v16;
	v10 =	vor.u32 $0x80, v25;
	v48 =	vld.idx.msk [tilespmem:v6+s14+$0x0], $0xffff  }
0xf3: {  	v32 =	vor.u32 v13, v28;
	v11 =	vor.u32 v13, v25;
	v6 =	vor.u32 $0x80, v28;
	v17 =	vld.idx.msk [tilespmem:v5+s14+$0x0], $0xffff  }
.Ltmp2:
0xf4: {  	v30 =	vmul.f32 v30, v29;
	v34 =	vor.u32 v13, v35;
	v5 =	vor.u32 $0x80, v35;
	v36 =	vld.idx.msk [tilespmem:v36+s14+$0x0], $0xffff;
	(pc) =	sbr.rel @p0 .LBB2_7-.Ltmp2, $4  }
0xf5: {  	v31 =	vmul.f32 v31, v29;
	v42 =	vmul.f32 v42, v29;
	v33 =	vor.u32 v14, v35;
	v12 =	vld.idx.msk [tilespmem:v44+s14+$0x0], $0xffff  }
0xf6: {  	v44 =	vadd.f32 v30, v23;
	v23 =	vmul.f32 v43, v40;
	v29 =	vld.idx.msk [tilespmem:v45+s12+$0x0], $0xffff;
	v45 =	vmul.f32 v38, v40  }
0xf7: {  	v38 =	vadd.f32 v31, v37;
	v37 =	vadd.f32 v42, v39;
	v40 =	vmul.f32 v18, v40;
	v30 =	vld.idx.msk [tilespmem:v46+s14+$0x0], $0xffff  }
0xf8: {  	s16 =	sadd.s32 $0x4, s16;
	v41 =	vmul.f32 v41, v27;
	v18 =	vmul.f32 v48, v27;
	v31 =	vld.idx.msk [tilespmem:v47+s14+$0x0], $0xffff;
	v39 =	vadd.f32 v45, v44  }
0xf9: {  	_ =	sdelay $0x3  }
0xfa: {  	v16 =	vld.idx.msk [tilespmem:v16+s14+$0x0], $0xffff  }
0xfb: {  	v35 =	vor.u32 v15, v35;
	v6 =	vld.idx.msk [tilespmem:v6+s12+$0x0], $0xffff  }
0xfc: {  	v17 =	vmul.f32 v17, v27;
	v27 =	vor.u32 v14, v28;
	v5 =	vld.idx.msk [tilespmem:v5+s12+$0x0], $0xffff  }
0xfd: {  	v37 =	vadd.f32 v40, v37;
	v28 =	vor.u32 v15, v28;
	v34 =	vld.idx.msk [tilespmem:v34+s14+$0x0], $0xffff  }
0xfe: {  	v23 =	vadd.f32 v23, v38;
	v24 =	vmul.f32 v24, v26;
	v33 =	vld.idx.msk [tilespmem:v33+s14+$0x0], $0xffff;
	v55 =	vadd.f32 v41, v39  }
0xff: {  	v36 =	vmul.f32 v36, v26;
	v32 =	vld.idx.msk [tilespmem:v32+s14+$0x0], $0xffff;
	v12 =	vmul.f32 v12, v26;
	v17 =	vadd.f32 v17, v37  }
0x100: {  	v18 =	vadd.f32 v18, v23;
	v23 =	vor.u32 v14, v25;
	v24 =	vadd.f32 v24, v55;
	v26 =	vld.idx.msk [tilespmem:v35+s14+$0x0], $0xffff  }
0x101: {  	v30 =	vmul.f32 v30, v29;
	v12 =	vadd.f32 v12, v17;
	v17 =	vor.u32 v15, v25;
	v25 =	vld.idx.msk [tilespmem:v27+s14+$0x0], $0xffff  }
0x102: {  	v18 =	vadd.f32 v36, v18;
	v27 =	vmul.f32 v31, v29;
	v28 =	vld.idx.msk [tilespmem:v28+s14+$0x0], $0xffff;
	v16 =	vmul.f32 v16, v29  }
0x103: {  	v24 =	vadd.f32 v30, v24;
	v29 =	vmul.f32 v34, v5  }
0x104: {  	v10 =	vld.idx.msk [tilespmem:v10+s12+$0x0], $0xffff;
	v30 =	vmul.f32 v33, v5;
	v18 =	vadd.f32 v27, v18;
	v12 =	vadd.f32 v16, v12  }
0x105: {  	v11 =	vld.idx.msk [tilespmem:v11+s14+$0x0], $0xffff;
	v24 =	vadd.f32 v29, v24;
	v5 =	vmul.f32 v26, v5;
	v26 =	vmul.f32 v32, v6  }
0x106: {  	v23 =	vld.idx.msk [tilespmem:v23+s14+$0x0], $0xffff;
	v27 =	vmov s15;
	v18 =	vadd.f32 v30, v18;
	v25 =	vmul.f32 v25, v6  }
0x107: {  	v6 =	vmul.f32 v28, v6;
	v5 =	vadd.f32 v5, v12;
	v12 =	vadd.f32 v26, v24;
	v24 =	vld [tilespmem:$0x1FFB0]  }
0x108: {  	v16 =	vshrl.u32 v27, $0x3;
	v18 =	vadd.f32 v25, v18;
	v25 =	vld [tilespmem:$0x1FFC0]  }
0x109: {  	v16 =	vshll.u32 v16, $0x3;
	v5 =	vadd.f32 v6, v5;
	v6 =	vld [tilespmem:$0x1FFD0]  }
0x10a: {  	v17 =	vld.idx.msk [tilespmem:v17+s14+$0x0], $0xffff;
	v16 =	vbroadcast v16, $0x0;
	_ =	sdelay $0x1  }
0x10b: {  	s20 =	simm.s32 $0x0;
	v24 =	vadd.s32 v24, v16  }
0x10c: {  	v11 =	vmul.f32 v11, v10;
	v26 =	vadd.s32 s20, v0;
	v25 =	vadd.s32 v25, v16  }
0x10d: {  	v23 =	vmul.f32 v23, v10;
	v6 =	vadd.s32 v6, v16;
	v16 =	vand.u32 $0x3F, v26  }
0x10e: {  	v10 =	vmul.f32 v17, v10;
	v11 =	vadd.f32 v11, v12;
	v12 =	vor.u32 $0xC0, v16  }
0x10f: {  	s16 =	simm.s32 $0x3;
	v17 =	vadd.f32 v23, v18;
	v18 =	vor.u32 v19, v16  }
0x110: {  	v5 =	vadd.f32 v10, v5;
	v10 =	vadd.s32 s16, v0;
	[tilespmem:v24+s24+$0x0] =	vst.idx.msk $0xffff, v11;
	v11 =	vor.u32 v20, v16  }
0x111: {  	s17 =	simm.s32 $0x2;
	v10 =	vand.u32 $0x3F, v10;
	v16 =	vor.u32 v21, v16;
	[tilespmem:v25+s24+$0x0] =	vst.idx.msk $0xffff, v17  }
0x112: {  	v17 =	vor.u32 v19, v10;
	[tilespmem:v6+s24+$0x0] =	vst.idx.msk $0xffff, v5;
	v5 =	vadd.s32 s17, v0  }
0x113: {  	v6 =	vor.u32 $0xC0, v10;
	v5 =	vand.u32 $0x3F, v5;
	v23 =	vld.idx.msk [tilespmem:v12+s12+$0x0], $0xffff  }
0x114: {  	s18 =	simm.s32 $0x1;
	v18 =	vld.idx.msk [tilespmem:v18+s14+$0x0], $0xffff;
	v25 =	vor.u32 $0xC0, v5  }
0x115: {  	v12 =	vadd.s32 s18, v0;
	v28 =	vor.u32 v19, v5;
	v11 =	vld.idx.msk [tilespmem:v11+s14+$0x0], $0xffff  }
0x116: {  	v12 =	vand.u32 $0x3F, v12;
	v57 =	vor.u32 v20, v5;
	v30 =	vld.idx.msk [tilespmem:v16+s14+$0x0], $0xffff  }
0x117: {  	v29 =	vor.u32 $0xC0, v12;
	v24 =	vld.idx.msk [tilespmem:v17+s14+$0x0], $0xffff  }
0x118: {  	v16 =	vor.u32 v19, v12;
	v26 =	vld.idx.msk [tilespmem:v6+s12+$0x0], $0xffff  }
0x119: {  	s19 =	simm.s32 $0x4;
	v6 =	vor.u32 v20, v12;
	v27 =	vld.idx.msk [tilespmem:v25+s12+$0x0], $0xffff  }
0x11a: {  	v31 =	vimm.f32 $0.0e+00;
	s16 =	simm.s32 $0x7;
	v17 =	vadd.s32 s19, v0;
	v12 =	vor.u32 v21, v12;
	v56 =	vld.idx.msk [tilespmem:v28+s14+$0x0], $0xffff  }
0x11b: {  	v58 =	vadd.s32 s16, v0;
	v62 =	vor.u32 v21, v10;
	v17 =	vand.u32 $0x3F, v17;
	v46 =	vld.idx.msk [tilespmem:v57+s14+$0x0], $0xffff  }
0x11c: {  	s20 =	simm.s32 $0x6;
	v42 =	vor.u32 $0xC0, v17;
	v43 =	vor.u32 v19, v17;
	v59 =	vld.idx.msk [tilespmem:v29+s12+$0x0], $0xffff;
	v29 =	vor.u32 v21, v5  }
0x11d: {  	s17 =	simm.s32 $0x5;
	v45 =	vor.u32 v20, v17;
	v25 =	vadd.s32 s20, v0;
	v60 =	vld.idx.msk [tilespmem:v16+s14+$0x0], $0xffff;
	v16 =	vor.u32 v20, v10  }
0x11e: {  	v18 =	vmul.f32 v18, v23;
	v5 =	vadd.s32 s17, v0;
	v28 =	vand.u32 $0x3F, v25;
	v61 =	vld.idx.msk [tilespmem:v6+s14+$0x0], $0xffff  }
0x11f: {  	v25 =	vand.u32 $0x3F, v58;
	v47 =	vmul.f32 v11, v23;
	v48 =	vmul.f32 v30, v23;
	v44 =	vld.idx.msk [tilespmem:v12+s14+$0x0], $0xffff  }
0x120: {  	v11 =	vld.idx.msk [tilespmem:v62+s14+$0x0], $0xffff;
	v18 =	vadd.f32 v18, v31;
	v5 =	vand.u32 $0x3F, v5;
	v36 =	vor.u32 $0xC0, v25  }
0x121: {  	v10 =	vor.u32 $0xC0, v28;
	v35 =	vor.u32 v19, v28;
	v12 =	vor.u32 v21, v17;
	v17 =	vld.idx.msk [tilespmem:v29+s14+$0x0], $0xffff  }
0x122: {  	v34 =	vor.u32 v19, v25;
	v6 =	vor.u32 $0xC0, v5;
	v33 =	vor.u32 v19, v5;
	v16 =	vld.idx.msk [tilespmem:v16+s14+$0x0], $0xffff  }
0x123: {  	v32 =	vor.u32 v20, v5;
	v37 =	vadd.f32 v47, v31;
	v30 =	vld.idx.msk [tilespmem:v43+s14+$0x0], $0xffff;
	v63 =	vmul.f32 v60, v59  }
0x124: {  	v38 =	vadd.f32 v48, v31;
	v31 =	vld.idx.msk [tilespmem:v45+s14+$0x0], $0xffff;
	v23 =	vmul.f32 v61, v59;
	v39 =	vmul.f32 v44, v59  }
0x125: {  	s15 =	simm.s32 $0x8;
	v41 =	vmul.f32 v56, v27;
	v29 =	vld.idx.msk [tilespmem:v42+s12+$0x0], $0xffff;
	v40 =	vadd.f32 v63, v18;
	v18 =	vmul.f32 v46, v27  }
.LBB2_9:
0x126: {  	p0 =	sne.s32 s15, $0x3C;
	v42 =	vld.idx.msk [tilespmem:v12+s14+$0x0], $0xffff;
	v12 =	vadd.f32 v23, v37;
	v23 =	vadd.f32 v39, v38;
	v17 =	vmul.f32 v17, v27  }
0x127: {  	v38 =	vmul.f32 v24, v26;
	v16 =	vmul.f32 v16, v26;
	v36 =	vld.idx.msk [tilespmem:v36+s12+$0x0], $0xffff;
	v37 =	vadd.f32 v41, v40  }
0x128: {  	v11 =	vmul.f32 v11, v26;
	v24 =	vld.idx.msk [tilespmem:v34+s14+$0x0], $0xffff;
	v12 =	vadd.f32 v18, v12;
	v17 =	vadd.f32 v17, v23  }
0x129: {  	v18 =	vadd.s32 s15, v0;
	v23 =	vor.u32 v21, v5;
	v27 =	vld.idx.msk [tilespmem:v10+s12+$0x0], $0xffff;
	v37 =	vadd.f32 v38, v37  }
0x12a: {  	s16 =	sadd.s32 $0x2, s15;
	s17 =	sadd.s32 $0x3, s15;
	v10 =	vor.u32 v20, v28;
	v41 =	vld.idx.msk [tilespmem:v35+s14+$0x0], $0xffff;
	v38 =	vadd.f32 v16, v12;
	v39 =	vadd.f32 v11, v17  }
0x12b: {  	s18 =	sadd.s32 $0x1, s15;
	v5 =	vadd.s32 s16, v0;
	v11 =	vadd.s32 s17, v0;
	v40 =	vld.idx.msk [tilespmem:v6+s12+$0x0], $0xffff;
	v6 =	vor.u32 v21, v28  }
0x12c: {  	v43 =	vor.u32 v20, v25;
	v12 =	vand.u32 $0x3F, v18;
	v16 =	vadd.s32 s18, v0;
	v18 =	vld.idx.msk [tilespmem:v33+s14+$0x0], $0xffff  }
0x12d: {  	v45 =	vor.u32 v21, v25;
	v28 =	vand.u32 $0x3F, v5;
	v25 =	vand.u32 $0x3F, v11;
	v26 =	vmovc v36;
	v44 =	vld.idx.msk [tilespmem:v32+s14+$0x0], $0xffff  }
0x12e: {  	v46 =	vor.u32 $0xC0, v12;
	v47 =	vor.u32 v19, v12;
	v5 =	vand.u32 $0x3F, v16;
	v48 =	vld.idx.msk [tilespmem:v23+s14+$0x0], $0xffff  }
0x12f: {  	v49 =	vor.u32 v20, v12;
	v12 =	vor.u32 v21, v12;
	v36 =	vor.u32 $0xC0, v25;
	v50 =	vld.idx.msk [tilespmem:v10+s14+$0x0], $0xffff  }
0x130: {  	v35 =	vor.u32 v19, v28;
	v34 =	vor.u32 v19, v25;
	v10 =	vor.u32 $0xC0, v28;
	v17 =	vld.idx.msk [tilespmem:v6+s14+$0x0], $0xffff  }
.Ltmp3:
0x131: {  	v33 =	vor.u32 v19, v5;
	v23 =	vmul.f32 v30, v29;
	v6 =	vor.u32 $0xC0, v5;
	v16 =	vld.idx.msk [tilespmem:v43+s14+$0x0], $0xffff;
	(pc) =	sbr.rel @p0 .LBB2_9-.Ltmp3, $4  }
0x132: {  	v31 =	vmul.f32 v31, v29;
	v42 =	vmul.f32 v42, v29;
	v32 =	vor.u32 v20, v5;
	v11 =	vld.idx.msk [tilespmem:v45+s14+$0x0], $0xffff  }
0x133: {  	v43 =	vadd.f32 v23, v37;
	v18 =	vmul.f32 v18, v40;
	v23 =	vmul.f32 v44, v40;
	v29 =	vld.idx.msk [tilespmem:v46+s12+$0x0], $0xffff  }
0x134: {  	v37 =	vadd.f32 v31, v38;
	v38 =	vadd.f32 v42, v39;
	v39 =	vmul.f32 v48, v40;
	v30 =	vld.idx.msk [tilespmem:v47+s14+$0x0], $0xffff  }
0x135: {  	s15 =	sadd.s32 $0x4, s15;
	v41 =	vmul.f32 v41, v27;
	v40 =	vadd.f32 v18, v43;
	v18 =	vmul.f32 v50, v27;
	v31 =	vld.idx.msk [tilespmem:v49+s14+$0x0], $0xffff  }
0x136: {  	_ =	sdelay $0x3  }
0x137: {  	v12 =	vld.idx.msk [tilespmem:v12+s14+$0x0], $0xffff  }
0x138: {  	v36 =	vld.idx.msk [tilespmem:v36+s12+$0x0], $0xffff  }
0x139: {  	v5 =	vor.u32 v21, v5;
	v10 =	vld.idx.msk [tilespmem:v10+s12+$0x0], $0xffff  }
0x13a: {  	v35 =	vld.idx.msk [tilespmem:v35+s14+$0x0], $0xffff  }
0x13b: {  	v42 =	vor.u32 v20, v28;
	v23 =	vadd.f32 v23, v37;
	v51 =	vadd.f32 v39, v38;
	v6 =	vld.idx.msk [tilespmem:v6+s12+$0x0], $0xffff  }
0x13c: {  	v17 =	vmul.f32 v17, v27;
	v28 =	vor.u32 v21, v28;
	v33 =	vld.idx.msk [tilespmem:v33+s14+$0x0], $0xffff;
	v24 =	vmul.f32 v24, v26  }
0x13d: {  	v16 =	vmul.f32 v16, v26;
	v52 =	vor.u32 v20, v25;
	v32 =	vld.idx.msk [tilespmem:v32+s14+$0x0], $0xffff;
	v27 =	vadd.f32 v41, v40  }
0x13e: {  	v11 =	vmul.f32 v11, v26;
	v18 =	vadd.f32 v18, v23;
	v17 =	vadd.f32 v17, v51;
	v5 =	vld.idx.msk [tilespmem:v5+s14+$0x0], $0xffff  }
0x13f: {  	v23 =	vadd.f32 v24, v27;
	v24 =	vor.u32 v21, v25;
	v26 =	vmul.f32 v30, v29;
	v27 =	vld.idx.msk [tilespmem:v34+s14+$0x0], $0xffff  }
0x140: {  	v16 =	vadd.f32 v16, v18;
	v11 =	vadd.f32 v11, v17;
	v17 =	vmul.f32 v31, v29;
	v25 =	vld.idx.msk [tilespmem:v42+s14+$0x0], $0xffff  }
0x141: {  	v18 =	vld.idx.msk [tilespmem:v28+s14+$0x0], $0xffff;
	v12 =	vmul.f32 v12, v29;
	v23 =	vadd.f32 v26, v23  }
0x142: {  	v26 =	vmul.f32 v33, v6;
	v29 =	vmul.f32 v32, v6;
	v16 =	vadd.f32 v17, v16  }
0x143: {  	v17 =	vmul.f32 v35, v10;
	v11 =	vadd.f32 v12, v11;
	v5 =	vmul.f32 v5, v6  }
0x144: {  	v12 =	vld.idx.msk [tilespmem:v24+s14+$0x0], $0xffff;
	v24 =	vmov s11;
	v16 =	vadd.f32 v29, v16;
	v6 =	vadd.f32 v26, v23  }
0x145: {  	v28 =	vld.idx.msk [tilespmem:v52+s14+$0x0], $0xffff;
	v23 =	vmul.f32 v25, v10;
	v5 =	vadd.f32 v5, v11;
	v11 =	vshrl.u32 v24, $0x3  }
0x146: {  	v10 =	vmul.f32 v18, v10;
	v18 =	vmul.f32 v27, v36;
	v11 =	vshll.u32 v11, $0x3  }
0x147: {  	v25 =	vor.u32 $0x4003, v2;
	v6 =	vadd.f32 v17, v6;
	v11 =	vbroadcast v11, $0x0  }
0x148: {  	v16 =	vadd.f32 v23, v16;
	v23 =	vor.u32 $0x3, v2;
	v5 =	vadd.f32 v10, v5  }
0x149: {  	s15 =	simm.s32 $0x0;
	[tilespmem:$0x1FF20] =	vst v23;
	v10 =	vmul.f32 v12, v36;
	v12 =	vadd.s32 v23, v11;
	v23 =	vor.u32 $0x2003, v2  }
0x14a: {  	v17 =	vmul.f32 v28, v36;
	v24 =	vadd.s32 s15, v0;
	[tilespmem:$0x1FF30] =	vst v23;
	v23 =	vadd.s32 v23, v11  }
0x14b: {  	v6 =	vadd.f32 v18, v6;
	v18 =	vand.u32 $0x3F, v24;
	v11 =	vadd.s32 v25, v11  }
0x14c: {  	v29 =	vor.u32 $0x4000, v1;
	v16 =	vadd.f32 v17, v16;
	v17 =	vor.u32 $0x100, v18  }
0x14d: {  	s16 =	simm.s32 $0x3;
	[tilespmem:$0x1FF40] =	vst v25;
	v5 =	vadd.f32 v10, v5;
	v10 =	vor.u32 v29, v18;
	v25 =	vor.u32 $0x4400, v1  }
0x14e: {  	v24 =	vor.u32 $0x4800, v1;
	[tilespmem:v12+s24+$0x0] =	vst.idx.msk $0xffff, v6;
	v6 =	vadd.s32 s16, v0;
	v12 =	vor.u32 v25, v18  }
0x14f: {  	s17 =	simm.s32 $0x2;
	[tilespmem:v23+s24+$0x0] =	vst.idx.msk $0xffff, v16;
	v6 =	vand.u32 $0x3F, v6;
	v16 =	vor.u32 v24, v18  }
0x150: {  	[tilespmem:v11+s24+$0x0] =	vst.idx.msk $0xffff, v5;
	v5 =	vadd.s32 s17, v0;
	v11 =	vor.u32 $0x100, v6  }
0x151: {  	s18 =	simm.s32 $0x1;
	v18 =	vor.u32 v29, v6;
	v5 =	vand.u32 $0x3F, v5;
	v17 =	vld.idx.msk [tilespmem:v17+s12+$0x0], $0xffff  }
0x152: {  	v23 =	vadd.s32 s18, v0;
	v30 =	vld.idx.msk [tilespmem:v10+s14+$0x0], $0xffff;
	v28 =	vor.u32 $0x100, v5  }
0x153: {  	v10 =	vand.u32 $0x3F, v23;
	v23 =	vor.u32 v29, v5;
	v12 =	vld.idx.msk [tilespmem:v12+s14+$0x0], $0xffff  }
0x154: {  	v31 =	vor.u32 $0x100, v10;
	v16 =	vld.idx.msk [tilespmem:v16+s14+$0x0], $0xffff  }
0x155: {  	v53 =	vor.u32 v29, v10;
	v26 =	vld.idx.msk [tilespmem:v11+s12+$0x0], $0xffff  }
0x156: {  	v55 =	vor.u32 v25, v5;
	v27 =	vld.idx.msk [tilespmem:v18+s14+$0x0], $0xffff  }
0x157: {  	s20 =	simm.s32 $0x5;
	v11 =	vor.u32 v25, v10;
	v54 =	vld.idx.msk [tilespmem:v28+s12+$0x0], $0xffff  }
0x158: {  	s15 =	simm.s32 $0x7;
	v57 =	vor.u32 v24, v5;
	v5 =	vadd.s32 s20, v0;
	v10 =	vor.u32 v24, v10;
	v23 =	vld.idx.msk [tilespmem:v23+s14+$0x0], $0xffff  }
0x159: {  	v56 =	vadd.s32 s15, v0;
	v39 =	vand.u32 $0x3F, v5;
	v58 =	vld.idx.msk [tilespmem:v31+s12+$0x0], $0xffff  }
0x15a: {  	s19 =	simm.s32 $0x4;
	v59 =	vor.u32 v25, v6;
	v61 =	vor.u32 v24, v6;
	v42 =	vor.u32 v29, v39;
	v32 =	vld.idx.msk [tilespmem:v53+s14+$0x0], $0xffff  }
0x15b: {  	s16 =	simm.s32 $0x6;
	v18 =	vimm.f32 $0.0e+00;
	v30 =	vmul.f32 v30, v17;
	v28 =	vadd.s32 s19, v0;
	v50 =	vld.idx.msk [tilespmem:v55+s14+$0x0], $0xffff  }
0x15c: {  	v31 =	vadd.s32 s16, v0;
	v60 =	vand.u32 $0x3F, v28;
	v28 =	vand.u32 $0x3F, v56;
	v45 =	vld.idx.msk [tilespmem:v11+s14+$0x0], $0xffff  }
0x15d: {  	v31 =	vand.u32 $0x3F, v31;
	v12 =	vmul.f32 v12, v17;
	v46 =	vor.u32 $0x100, v60;
	v47 =	vld.idx.msk [tilespmem:v10+s14+$0x0], $0xffff  }
0x15e: {  	v36 =	vld.idx.msk [tilespmem:v57+s14+$0x0], $0xffff;
	v48 =	vor.u32 v29, v60;
	v49 =	vor.u32 v25, v60;
	v43 =	vor.u32 v24, v60  }
0x15f: {  	v5 =	vor.u32 $0x100, v31;
	v40 =	vor.u32 v29, v28;
	v6 =	vor.u32 v29, v31  }
0x160: {  	v16 =	vmul.f32 v16, v17;
	v17 =	vadd.f32 v30, v18;
	v11 =	vld.idx.msk [tilespmem:v59+s14+$0x0], $0xffff;
	v32 =	vmul.f32 v32, v58  }
0x161: {  	v35 =	vmovc v25;
	v44 =	vld.idx.msk [tilespmem:v61+s14+$0x0], $0xffff;
	v10 =	vor.u32 $0x100, v28;
	v63 =	vadd.f32 v12, v18;
	v23 =	vmul.f32 v23, v54  }
0x162: {  	v18 =	vadd.f32 v16, v18;
	v30 =	vld.idx.msk [tilespmem:v46+s12+$0x0], $0xffff;
	v62 =	vmul.f32 v45, v58;
	v37 =	vmul.f32 v47, v58  }
0x163: {  	v12 =	vmul.f32 v50, v54;
	v36 =	vmul.f32 v36, v54;
	v33 =	vld.idx.msk [tilespmem:v48+s14+$0x0], $0xffff;
	v16 =	vadd.f32 v32, v17  }
0x164: {  	s11 =	simm.s32 $0x8;
	v41 =	vor.u32 $0x100, v39;
	v34 =	vld.idx.msk [tilespmem:v49+s14+$0x0], $0xffff;
	v32 =	vmovc v24;
	v17 =	vadd.f32 v62, v63;
	v18 =	vadd.f32 v37, v18  }
.LBB2_11:
0x165: {  	p0 =	sne.s32 s11, $0x3C;
	v37 =	vld.idx.msk [tilespmem:v43+s14+$0x0], $0xffff;
	v16 =	vadd.f32 v23, v16;
	v23 =	vmul.f32 v27, v26;
	v11 =	vmul.f32 v11, v26  }
0x166: {  	v12 =	vadd.f32 v12, v17;
	v17 =	vadd.f32 v36, v18;
	v18 =	vmul.f32 v44, v26;
	v26 =	vld.idx.msk [tilespmem:v10+s12+$0x0], $0xffff  }
0x167: {  	v10 =	vor.u32 v35, v39;
	v27 =	vld.idx.msk [tilespmem:v40+s14+$0x0], $0xffff;
	v16 =	vadd.f32 v23, v16  }
0x168: {  	v23 =	vor.u32 v32, v39;
	v36 =	vld.idx.msk [tilespmem:v5+s12+$0x0], $0xffff;
	v12 =	vadd.f32 v11, v12;
	v17 =	vadd.f32 v18, v17  }
0x169: {  	s15 =	sadd.s32 $0x3, s11;
	v5 =	vor.u32 v35, v31;
	v18 =	vld.idx.msk [tilespmem:v6+s14+$0x0], $0xffff  }
0x16a: {  	s16 =	sadd.s32 $0x1, s11;
	s17 =	sadd.s32 $0x2, s11;
	v11 =	vadd.s32 s15, v0;
	v6 =	vadd.s32 s11, v0;
	v38 =	vld.idx.msk [tilespmem:v41+s12+$0x0], $0xffff;
	v41 =	vor.u32 v32, v31  }
0x16b: {  	v40 =	vadd.s32 s17, v0;
	v31 =	vadd.s32 s16, v0;
	v45 =	vld.idx.msk [tilespmem:v42+s14+$0x0], $0xffff;
	v42 =	vor.u32 v35, v28;
	v35 =	vmovc v25  }
0x16c: {  	v44 =	vor.u32 v32, v28;
	v6 =	vand.u32 $0x3F, v6;
	v32 =	vmovc v24;
	v28 =	vand.u32 $0x3F, v11;
	v46 =	vld.idx.msk [tilespmem:v10+s14+$0x0], $0xffff  }
0x16d: {  	v47 =	vor.u32 $0x100, v6;
	v39 =	vand.u32 $0x3F, v31;
	v31 =	vand.u32 $0x3F, v40;
	v23 =	vld.idx.msk [tilespmem:v23+s14+$0x0], $0xffff  }
0x16e: {  	v48 =	vor.u32 v29, v6;
	v43 =	vor.u32 v32, v6;
	v49 =	vor.u32 v35, v6;
	v50 =	vld.idx.msk [tilespmem:v5+s14+$0x0], $0xffff  }
0x16f: {  	v10 =	vor.u32 $0x100, v28;
	v40 =	vor.u32 v29, v28;
	v5 =	vor.u32 $0x100, v31;
	v51 =	vld.idx.msk [tilespmem:v41+s14+$0x0], $0xffff  }
0x170: {  	v33 =	vmul.f32 v33, v30;
	v6 =	vor.u32 v29, v31;
	v41 =	vor.u32 $0x100, v39;
	v11 =	vld.idx.msk [tilespmem:v42+s14+$0x0], $0xffff  }
.Ltmp4:
0x171: {  	v34 =	vmul.f32 v34, v30;
	v37 =	vmul.f32 v37, v30;
	v42 =	vor.u32 v29, v39;
	v44 =	vld.idx.msk [tilespmem:v44+s14+$0x0], $0xffff;
	(pc) =	sbr.rel @p0 .LBB2_11-.Ltmp4, $4  }
0x172: {  	v16 =	vadd.f32 v33, v16;
	v45 =	vmul.f32 v45, v38;
	v46 =	vmul.f32 v46, v38  }
0x173: {  	v37 =	vadd.f32 v37, v17;
	v38 =	vmul.f32 v23, v38;
	v30 =	vld.idx.msk [tilespmem:v47+s12+$0x0], $0xffff;
	v47 =	vadd.f32 v34, v12  }
0x174: {  	v16 =	vadd.f32 v45, v16;
	v23 =	vmul.f32 v18, v36;
	v12 =	vmul.f32 v50, v36;
	v33 =	vld.idx.msk [tilespmem:v48+s14+$0x0], $0xffff  }
0x175: {  	s11 =	sadd.s32 $0x4, s11;
	v18 =	vadd.f32 v38, v37;
	v36 =	vmul.f32 v51, v36;
	v34 =	vld.idx.msk [tilespmem:v49+s14+$0x0], $0xffff;
	v17 =	vadd.f32 v46, v47  }
0x176: {  	_ =	sdelay $0x3  }
0x177: {  	v37 =	vld.idx.msk [tilespmem:v43+s14+$0x0], $0xffff  }
0x178: {  	v10 =	vld.idx.msk [tilespmem:v10+s12+$0x0], $0xffff;
	v38 =	vor.u32 v35, v39  }
0x179: {  	v53 =	vor.u32 v32, v39;
	v5 =	vld.idx.msk [tilespmem:v5+s12+$0x0], $0xffff  }
0x17a: {  	v54 =	vor.u32 v35, v31;
	v41 =	vld.idx.msk [tilespmem:v41+s12+$0x0], $0xffff  }
0x17b: {  	v16 =	vadd.f32 v23, v16;
	v23 =	vor.u32 v32, v31;
	v31 =	vld.idx.msk [tilespmem:v42+s14+$0x0], $0xffff  }
0x17c: {  	v6 =	vld.idx.msk [tilespmem:v6+s14+$0x0], $0xffff;
	v27 =	vmul.f32 v27, v26;
	v11 =	vmul.f32 v11, v26;
	v55 =	vor.u32 v35, v28  }
0x17d: {  	v12 =	vadd.f32 v12, v17;
	v17 =	vadd.f32 v36, v18;
	v18 =	vmul.f32 v44, v26;
	v38 =	vld.idx.msk [tilespmem:v38+s14+$0x0], $0xffff  }
0x17e: {  	v16 =	vadd.f32 v27, v16;
	v27 =	vor.u32 v32, v28;
	v56 =	vmul.f32 v33, v30;
	v26 =	vld.idx.msk [tilespmem:v53+s14+$0x0], $0xffff  }
0x17f: {  	v11 =	vadd.f32 v11, v12;
	v12 =	vadd.f32 v18, v17;
	v17 =	vmul.f32 v34, v30;
	v28 =	vld.idx.msk [tilespmem:v54+s14+$0x0], $0xffff  }
0x180: {  	v18 =	vld.idx.msk [tilespmem:v23+s14+$0x0], $0xffff;
	v23 =	vmul.f32 v37, v30;
	v16 =	vadd.f32 v56, v16;
	v30 =	vmul.f32 v31, v41  }
0x181: {  	v57 =	vld.idx.msk [tilespmem:v40+s14+$0x0], $0xffff  }
0x182: {  	v31 =	vld.idx.msk [tilespmem:v55+s14+$0x0], $0xffff;
	v6 =	vmul.f32 v6, v5;
	v16 =	vadd.f32 v30, v16  }
0x183: {  	v11 =	vadd.f32 v17, v11;
	v12 =	vadd.f32 v23, v12;
	v23 =	vld.idx.msk [tilespmem:v27+s14+$0x0], $0xffff;
	v17 =	vmul.f32 v26, v41  }
0x184: {  	v27 =	vmov s2;
	v6 =	vadd.f32 v6, v16;
	v58 =	vmul.f32 v38, v41  }
0x185: {  	v26 =	vmul.f32 v28, v5;
	v12 =	vadd.f32 v17, v12;
	v17 =	vshrl.u32 v27, $0x3  }
0x186: {  	v5 =	vmul.f32 v18, v5;
	v18 =	vmul.f32 v57, v10;
	v17 =	vshll.u32 v17, $0x3  }
0x187: {  	v16 =	vmul.f32 v31, v10;
	v11 =	vadd.f32 v58, v11;
	v17 =	vbroadcast v17, $0x0  }
0x188: {  	v10 =	vmul.f32 v23, v10;
	v5 =	vadd.f32 v5, v12;
	v12 =	vor.u32 $0x4, v2  }
0x189: {  	s15 =	simm.s32 $0x0;
	v23 =	vor.u32 $0x2004, v2;
	v27 =	vor.u32 $0x4004, v2;
	[tilespmem:$0x1FEF0] =	vst v12;
	v12 =	vadd.s32 v12, v17  }
0x18a: {  	[tilespmem:$0x1FF00] =	vst v23;
	v11 =	vadd.f32 v26, v11;
	v26 =	vadd.s32 s15, v0;
	v23 =	vadd.s32 v23, v17  }
0x18b: {  	v6 =	vadd.f32 v18, v6;
	v18 =	vand.u32 $0x3F, v26;
	v17 =	vadd.s32 v27, v17  }
0x18c: {  	v31 =	vor.u32 $0x5000, v1;
	v11 =	vadd.f32 v16, v11;
	v16 =	vor.u32 $0x140, v18  }
0x18d: {  	s16 =	simm.s32 $0x3;
	[tilespmem:$0x1FF10] =	vst v27;
	v5 =	vadd.f32 v10, v5;
	v27 =	vor.u32 $0x5400, v1;
	v10 =	vor.u32 v31, v18  }
0x18e: {  	v26 =	vor.u32 $0x5800, v1;
	[tilespmem:v12+s24+$0x0] =	vst.idx.msk $0xffff, v6;
	v6 =	vadd.s32 s16, v0;
	v12 =	vor.u32 v27, v18  }
0x18f: {  	s17 =	simm.s32 $0x2;
	[tilespmem:v23+s24+$0x0] =	vst.idx.msk $0xffff, v11;
	v6 =	vand.u32 $0x3F, v6;
	v11 =	vor.u32 v26, v18  }
0x190: {  	[tilespmem:v17+s24+$0x0] =	vst.idx.msk $0xffff, v5;
	v5 =	vadd.s32 s17, v0;
	v17 =	vor.u32 $0x140, v6  }
0x191: {  	s18 =	simm.s32 $0x1;
	v18 =	vor.u32 v31, v6;
	v5 =	vand.u32 $0x3F, v5;
	v16 =	vld.idx.msk [tilespmem:v16+s12+$0x0], $0xffff  }
0x192: {  	v23 =	vadd.s32 s18, v0;
	v33 =	vld.idx.msk [tilespmem:v10+s14+$0x0], $0xffff;
	v59 =	vor.u32 $0x140, v5  }
0x193: {  	v10 =	vand.u32 $0x3F, v23;
	v23 =	vor.u32 v31, v5;
	v12 =	vld.idx.msk [tilespmem:v12+s14+$0x0], $0xffff  }
0x194: {  	v60 =	vor.u32 $0x140, v10;
	v35 =	vld.idx.msk [tilespmem:v11+s14+$0x0], $0xffff  }
0x195: {  	v11 =	vor.u32 v31, v10;
	v28 =	vld.idx.msk [tilespmem:v17+s12+$0x0], $0xffff  }
0x196: {  	s19 =	simm.s32 $0x4;
	s11 =	simm.s32 $0x7;
	v17 =	vor.u32 v27, v10;
	v30 =	vld.idx.msk [tilespmem:v18+s14+$0x0], $0xffff  }
0x197: {  	v61 =	vadd.s32 s19, v0;
	v62 =	vadd.s32 s11, v0;
	s15 =	simm.s32 $0x6;
	v10 =	vor.u32 v26, v10;
	v36 =	vld.idx.msk [tilespmem:v59+s12+$0x0], $0xffff  }
0x198: {  	v32 =	vand.u32 $0x3F, v62;
	v55 =	vadd.s32 s15, v0;
	v37 =	vor.u32 v27, v5;
	v23 =	vld.idx.msk [tilespmem:v23+s14+$0x0], $0xffff  }
0x199: {  	s20 =	simm.s32 $0x5;
	v46 =	vor.u32 v31, v32;
	v34 =	vand.u32 $0x3F, v55;
	v63 =	vor.u32 v26, v5;
	v40 =	vld.idx.msk [tilespmem:v60+s12+$0x0], $0xffff  }
0x19a: {  	v56 =	vor.u32 v27, v6;
	v58 =	vor.u32 v26, v6;
	v5 =	vadd.s32 s20, v0;
	v57 =	vld.idx.msk [tilespmem:v11+s14+$0x0], $0xffff  }
0x19b: {  	v6 =	vor.u32 v31, v34;
	v45 =	vand.u32 $0x3F, v5;
	v11 =	vand.u32 $0x3F, v61;
	v17 =	vld.idx.msk [tilespmem:v17+s14+$0x0], $0xffff  }
0x19c: {  	v5 =	vor.u32 $0x140, v34;
	v47 =	vor.u32 $0x140, v45;
	v59 =	vor.u32 $0x140, v11;
	v60 =	vld.idx.msk [tilespmem:v10+s14+$0x0], $0xffff  }
0x19d: {  	v48 =	vor.u32 v31, v45;
	v33 =	vmul.f32 v33, v16;
	v37 =	vld.idx.msk [tilespmem:v37+s14+$0x0], $0xffff;
	v51 =	vor.u32 v31, v11  }
0x19e: {  	v44 =	vmovc v27;
	v18 =	vimm.f32 $0.0e+00;
	v39 =	vld.idx.msk [tilespmem:v63+s14+$0x0], $0xffff;
	v12 =	vmul.f32 v12, v16;
	v53 =	vor.u32 v27, v11  }
0x19f: {  	v16 =	vmul.f32 v35, v16;
	v61 =	vadd.f32 v33, v18;
	v49 =	vor.u32 v26, v11;
	v11 =	vld.idx.msk [tilespmem:v56+s14+$0x0], $0xffff  }
0x1a0: {  	v50 =	vld.idx.msk [tilespmem:v58+s14+$0x0], $0xffff;
	v35 =	vmovc v26;
	v10 =	vor.u32 $0x140, v32;
	v63 =	vadd.f32 v12, v18;
	v62 =	vmul.f32 v57, v40  }
0x1a1: {  	v18 =	vadd.f32 v16, v18;
	v17 =	vmul.f32 v17, v40;
	v33 =	vld.idx.msk [tilespmem:v59+s12+$0x0], $0xffff;
	v40 =	vmul.f32 v60, v40  }
0x1a2: {  	v23 =	vmul.f32 v23, v36;
	v12 =	vmul.f32 v37, v36;
	v42 =	vld.idx.msk [tilespmem:v51+s14+$0x0], $0xffff;
	v16 =	vadd.f32 v62, v61  }
0x1a3: {  	s2 =	simm.s32 $0x8;
	v36 =	vmul.f32 v39, v36;
	v43 =	vld.idx.msk [tilespmem:v53+s14+$0x0], $0xffff;
	v17 =	vadd.f32 v17, v63;
	v18 =	vadd.f32 v40, v18  }
.LBB2_13:
0x1a4: {  	p0 =	sne.s32 s2, $0x3C;
	v37 =	vld.idx.msk [tilespmem:v49+s14+$0x0], $0xffff;
	v16 =	vadd.f32 v23, v16;
	v23 =	vmul.f32 v30, v28;
	v11 =	vmul.f32 v11, v28  }
0x1a5: {  	v12 =	vadd.f32 v12, v17;
	v17 =	vadd.f32 v36, v18;
	v18 =	vmul.f32 v50, v28;
	v28 =	vld.idx.msk [tilespmem:v10+s12+$0x0], $0xffff  }
0x1a6: {  	v10 =	vor.u32 v44, v45;
	v30 =	vld.idx.msk [tilespmem:v46+s14+$0x0], $0xffff;
	v16 =	vadd.f32 v23, v16  }
0x1a7: {  	v23 =	vor.u32 v35, v45;
	v36 =	vld.idx.msk [tilespmem:v5+s12+$0x0], $0xffff;
	v12 =	vadd.f32 v11, v12;
	v17 =	vadd.f32 v18, v17  }
0x1a8: {  	s11 =	sadd.s32 $0x3, s2;
	v5 =	vor.u32 v44, v34;
	v18 =	vld.idx.msk [tilespmem:v6+s14+$0x0], $0xffff  }
0x1a9: {  	s15 =	sadd.s32 $0x1, s2;
	s16 =	sadd.s32 $0x2, s2;
	v39 =	vor.u32 v35, v34;
	v11 =	vadd.s32 s11, v0;
	v6 =	vadd.s32 s2, v0;
	v38 =	vld.idx.msk [tilespmem:v47+s12+$0x0], $0xffff  }
0x1aa: {  	v40 =	vadd.s32 s16, v0;
	v34 =	vadd.s32 s15, v0;
	v41 =	vld.idx.msk [tilespmem:v48+s14+$0x0], $0xffff;
	v48 =	vor.u32 v44, v32;
	v44 =	vmovc v27  }
0x1ab: {  	v50 =	vor.u32 v35, v32;
	v35 =	vmovc v26;
	v6 =	vand.u32 $0x3F, v6;
	v32 =	vand.u32 $0x3F, v11;
	v51 =	vld.idx.msk [tilespmem:v10+s14+$0x0], $0xffff  }
0x1ac: {  	v45 =	vand.u32 $0x3F, v34;
	v34 =	vand.u32 $0x3F, v40;
	v53 =	vor.u32 $0x140, v6;
	v23 =	vld.idx.msk [tilespmem:v23+s14+$0x0], $0xffff  }
0x1ad: {  	v40 =	vor.u32 v31, v6;
	v49 =	vor.u32 v35, v6;
	v54 =	vor.u32 v44, v6;
	v55 =	vld.idx.msk [tilespmem:v5+s14+$0x0], $0xffff  }
0x1ae: {  	v10 =	vor.u32 $0x140, v32;
	v46 =	vor.u32 v31, v32;
	v5 =	vor.u32 $0x140, v34;
	v39 =	vld.idx.msk [tilespmem:v39+s14+$0x0], $0xffff  }
0x1af: {  	v42 =	vmul.f32 v42, v33;
	v47 =	vor.u32 $0x140, v45;
	v6 =	vor.u32 v31, v34;
	v11 =	vld.idx.msk [tilespmem:v48+s14+$0x0], $0xffff  }
.Ltmp5:
0x1b0: {  	v43 =	vmul.f32 v43, v33;
	v37 =	vmul.f32 v37, v33;
	v48 =	vor.u32 v31, v45;
	v50 =	vld.idx.msk [tilespmem:v50+s14+$0x0], $0xffff;
	(pc) =	sbr.rel @p0 .LBB2_13-.Ltmp5, $4  }
0x1b1: {  	v16 =	vadd.f32 v42, v16;
	v41 =	vmul.f32 v41, v38;
	v51 =	vmul.f32 v51, v38  }
0x1b2: {  	v37 =	vadd.f32 v37, v17;
	v38 =	vmul.f32 v23, v38;
	v33 =	vld.idx.msk [tilespmem:v53+s12+$0x0], $0xffff;
	v53 =	vadd.f32 v43, v12  }
0x1b3: {  	v16 =	vadd.f32 v41, v16;
	v23 =	vmul.f32 v18, v36;
	v12 =	vmul.f32 v55, v36;
	v42 =	vld.idx.msk [tilespmem:v40+s14+$0x0], $0xffff  }
0x1b4: {  	s2 =	sadd.s32 $0x4, s2;
	v18 =	vadd.f32 v38, v37;
	v36 =	vmul.f32 v39, v36;
	v43 =	vld.idx.msk [tilespmem:v54+s14+$0x0], $0xffff;
	v17 =	vadd.f32 v51, v53  }
0x1b5: {  	_ =	sdelay $0x3  }
0x1b6: {  	v37 =	vld.idx.msk [tilespmem:v49+s14+$0x0], $0xffff  }
0x1b7: {  	v10 =	vld.idx.msk [tilespmem:v10+s12+$0x0], $0xffff  }
0x1b8: {  	v39 =	vor.u32 v35, v45;
	v5 =	vld.idx.msk [tilespmem:v5+s12+$0x0], $0xffff  }
0x1b9: {  	v38 =	vor.u32 v44, v45;
	v41 =	vld.idx.msk [tilespmem:v47+s12+$0x0], $0xffff  }
0x1ba: {  	v40 =	vor.u32 v44, v34;
	v16 =	vadd.f32 v23, v16;
	v23 =	vor.u32 v35, v34;
	v53 =	vld.idx.msk [tilespmem:v48+s14+$0x0], $0xffff  }
0x1bb: {  	v6 =	vld.idx.msk [tilespmem:v6+s14+$0x0], $0xffff;
	v30 =	vmul.f32 v30, v28;
	v11 =	vmul.f32 v11, v28;
	v54 =	vor.u32 v44, v32  }
0x1bc: {  	v57 =	vld.idx.msk [tilespmem:v46+s14+$0x0], $0xffff;
	v12 =	vadd.f32 v12, v17;
	v17 =	vadd.f32 v36, v18;
	v18 =	vmul.f32 v50, v28  }
0x1bd: {  	v16 =	vadd.f32 v30, v16;
	v30 =	vor.u32 v35, v32;
	v56 =	vmul.f32 v42, v33;
	v28 =	vld.idx.msk [tilespmem:v39+s14+$0x0], $0xffff  }
0x1be: {  	v38 =	vld.idx.msk [tilespmem:v38+s14+$0x0], $0xffff  }
0x1bf: {  	v11 =	vadd.f32 v11, v12;
	v55 =	vld.idx.msk [tilespmem:v40+s14+$0x0], $0xffff;
	v16 =	vadd.f32 v56, v16;
	v58 =	vmul.f32 v53, v41  }
0x1c0: {  	v12 =	vadd.f32 v18, v17;
	v17 =	vmul.f32 v43, v33;
	v18 =	vld.idx.msk [tilespmem:v23+s14+$0x0], $0xffff;
	v23 =	vmul.f32 v37, v33  }
0x1c1: {  	v59 =	vld.idx.msk [tilespmem:v54+s14+$0x0], $0xffff;
	v6 =	vmul.f32 v6, v5;
	v16 =	vadd.f32 v58, v16  }
0x1c2: {  	v11 =	vadd.f32 v17, v11;
	v12 =	vadd.f32 v23, v12;
	v23 =	vld.idx.msk [tilespmem:v30+s14+$0x0], $0xffff;
	v17 =	vmul.f32 v28, v41  }
0x1c3: {  	v30 =	vmov s9;
	v6 =	vadd.f32 v6, v16;
	v60 =	vmul.f32 v38, v41  }
0x1c4: {  	v28 =	vmul.f32 v55, v5;
	v12 =	vadd.f32 v17, v12;
	v17 =	vshrl.u32 v30, $0x3  }
0x1c5: {  	v5 =	vmul.f32 v18, v5;
	v18 =	vmul.f32 v57, v10;
	v17 =	vshll.u32 v17, $0x3  }
0x1c6: {  	v16 =	vmul.f32 v59, v10;
	v11 =	vadd.f32 v60, v11;
	v17 =	vbroadcast v17, $0x0  }
0x1c7: {  	v10 =	vmul.f32 v23, v10;
	v5 =	vadd.f32 v5, v12;
	v12 =	vor.u32 $0x5, v2  }
0x1c8: {  	s2 =	simm.s32 $0x0;
	v23 =	vor.u32 $0x2005, v2;
	v30 =	vor.u32 $0x4005, v2;
	[tilespmem:$0x1FEC0] =	vst v12;
	v12 =	vadd.s32 v12, v17  }
0x1c9: {  	[tilespmem:$0x1FED0] =	vst v23;
	v11 =	vadd.f32 v28, v11;
	v28 =	vadd.s32 s2, v0;
	v23 =	vadd.s32 v23, v17  }
0x1ca: {  	v6 =	vadd.f32 v18, v6;
	v18 =	vand.u32 $0x3F, v28;
	v17 =	vadd.s32 v30, v17  }
0x1cb: {  	v34 =	vor.u32 $0x6000, v1;
	v11 =	vadd.f32 v16, v11;
	v16 =	vor.u32 $0x180, v18  }
0x1cc: {  	s15 =	simm.s32 $0x3;
	[tilespmem:$0x1FEE0] =	vst v30;
	v5 =	vadd.f32 v10, v5;
	v30 =	vor.u32 $0x6400, v1;
	v10 =	vor.u32 v34, v18  }
0x1cd: {  	v28 =	vor.u32 $0x6800, v1;
	[tilespmem:v12+s24+$0x0] =	vst.idx.msk $0xffff, v6;
	v6 =	vadd.s32 s15, v0;
	v12 =	vor.u32 v30, v18  }
0x1ce: {  	[tilespmem:v23+s24+$0x0] =	vst.idx.msk $0xffff, v11;
	v6 =	vand.u32 $0x3F, v6;
	v11 =	vor.u32 v28, v18  }
0x1cf: {  	s16 =	simm.s32 $0x2;
	[tilespmem:v17+s24+$0x0] =	vst.idx.msk $0xffff, v5;
	v17 =	vor.u32 $0x180, v6  }
0x1d0: {  	v5 =	vadd.s32 s16, v0;
	v18 =	vor.u32 v34, v6;
	v16 =	vld.idx.msk [tilespmem:v16+s12+$0x0], $0xffff  }
0x1d1: {  	s17 =	simm.s32 $0x1;
	v41 =	vor.u32 v28, v6;
	v5 =	vand.u32 $0x3F, v5;
	v36 =	vld.idx.msk [tilespmem:v10+s14+$0x0], $0xffff  }
0x1d2: {  	v23 =	vadd.s32 s17, v0;
	v61 =	vor.u32 $0x180, v5;
	v12 =	vld.idx.msk [tilespmem:v12+s14+$0x0], $0xffff  }
0x1d3: {  	v10 =	vand.u32 $0x3F, v23;
	v23 =	vor.u32 v34, v5;
	v38 =	vld.idx.msk [tilespmem:v11+s14+$0x0], $0xffff  }
0x1d4: {  	v62 =	vor.u32 $0x180, v10;
	v32 =	vld.idx.msk [tilespmem:v17+s12+$0x0], $0xffff  }
0x1d5: {  	v11 =	vor.u32 v34, v10;
	v33 =	vld.idx.msk [tilespmem:v18+s14+$0x0], $0xffff  }
0x1d6: {  	s19 =	simm.s32 $0x7;
	v17 =	vor.u32 v30, v10;
	v57 =	vld.idx.msk [tilespmem:v41+s14+$0x0], $0xffff  }
0x1d7: {  	s18 =	simm.s32 $0x4;
	v59 =	vadd.s32 s19, v0;
	v10 =	vor.u32 v28, v10;
	v39 =	vld.idx.msk [tilespmem:v61+s12+$0x0], $0xffff  }
0x1d8: {  	s20 =	simm.s32 $0x5;
	v58 =	vadd.s32 s18, v0;
	v35 =	vand.u32 $0x3F, v59;
	v63 =	vor.u32 v30, v5;
	v23 =	vld.idx.msk [tilespmem:v23+s14+$0x0], $0xffff  }
0x1d9: {  	v53 =	vor.u32 v34, v35;
	v60 =	vor.u32 v28, v5;
	v5 =	vadd.s32 s20, v0;
	v37 =	vld.idx.msk [tilespmem:v62+s12+$0x0], $0xffff  }
0x1da: {  	v47 =	vor.u32 v30, v6;
	v51 =	vand.u32 $0x3F, v5;
	v48 =	vld.idx.msk [tilespmem:v11+s14+$0x0], $0xffff;
	v11 =	vand.u32 $0x3F, v58  }
0x1db: {  	s11 =	simm.s32 $0x6;
	v54 =	vor.u32 $0x180, v51;
	v55 =	vor.u32 v34, v51;
	v17 =	vld.idx.msk [tilespmem:v17+s14+$0x0], $0xffff;
	v49 =	vor.u32 $0x180, v11  }
0x1dc: {  	v36 =	vmul.f32 v36, v16;
	v61 =	vadd.s32 s11, v0;
	v50 =	vld.idx.msk [tilespmem:v10+s14+$0x0], $0xffff;
	v58 =	vor.u32 v34, v11  }
0x1dd: {  	v18 =	vimm.f32 $0.0e+00;
	v40 =	vld.idx.msk [tilespmem:v63+s14+$0x0], $0xffff;
	v46 =	vand.u32 $0x3F, v61;
	v59 =	vor.u32 v30, v11  }
0x1de: {  	v60 =	vld.idx.msk [tilespmem:v60+s14+$0x0], $0xffff;
	v12 =	vmul.f32 v12, v16;
	v36 =	vadd.f32 v36, v18;
	v5 =	vor.u32 $0x180, v46  }
0x1df: {  	v6 =	vor.u32 v34, v46;
	v16 =	vmul.f32 v38, v16;
	v56 =	vor.u32 v28, v11;
	v11 =	vld.idx.msk [tilespmem:v47+s14+$0x0], $0xffff  }
0x1e0: {  	v10 =	vor.u32 $0x180, v35;
	v63 =	vadd.f32 v12, v18;
	v47 =	vmovc v28;
	v62 =	vmul.f32 v48, v37;
	v45 =	vld.idx.msk [tilespmem:v49+s12+$0x0], $0xffff  }
0x1e1: {  	v18 =	vadd.f32 v16, v18;
	v17 =	vmul.f32 v17, v37;
	v37 =	vmul.f32 v50, v37;
	v48 =	vld.idx.msk [tilespmem:v58+s14+$0x0], $0xffff  }
0x1e2: {  	v23 =	vmul.f32 v23, v39;
	v12 =	vmul.f32 v40, v39;
	v49 =	vld.idx.msk [tilespmem:v59+s14+$0x0], $0xffff;
	v16 =	vadd.f32 v62, v36  }
0x1e3: {  	s2 =	simm.s32 $0x8;
	v50 =	vmovc v30;
	v36 =	vmul.f32 v60, v39;
	v17 =	vadd.f32 v17, v63;
	v18 =	vadd.f32 v37, v18  }
.LBB2_15:
0x1e4: {  	p0 =	sne.s32 s2, $0x3C;
	v37 =	vld.idx.msk [tilespmem:v56+s14+$0x0], $0xffff;
	v16 =	vadd.f32 v23, v16;
	v23 =	vmul.f32 v33, v32;
	v11 =	vmul.f32 v11, v32  }
0x1e5: {  	v12 =	vadd.f32 v12, v17;
	v17 =	vadd.f32 v36, v18;
	v18 =	vmul.f32 v57, v32;
	v32 =	vld.idx.msk [tilespmem:v10+s12+$0x0], $0xffff  }
0x1e6: {  	v10 =	vor.u32 v50, v51;
	v33 =	vld.idx.msk [tilespmem:v53+s14+$0x0], $0xffff;
	v16 =	vadd.f32 v23, v16  }
0x1e7: {  	v23 =	vor.u32 v47, v51;
	v36 =	vld.idx.msk [tilespmem:v5+s12+$0x0], $0xffff;
	v12 =	vadd.f32 v11, v12;
	v17 =	vadd.f32 v18, v17  }
0x1e8: {  	s9 =	sadd.s32 $0x3, s2;
	v5 =	vor.u32 v50, v46;
	v18 =	vld.idx.msk [tilespmem:v6+s14+$0x0], $0xffff  }
0x1e9: {  	s11 =	sadd.s32 $0x1, s2;
	s15 =	sadd.s32 $0x2, s2;
	v39 =	vor.u32 v47, v46;
	v11 =	vadd.s32 s9, v0;
	v6 =	vadd.s32 s2, v0;
	v38 =	vld.idx.msk [tilespmem:v54+s12+$0x0], $0xffff  }
0x1ea: {  	v40 =	vadd.s32 s11, v0;
	v41 =	vadd.s32 s15, v0;
	v58 =	vld.idx.msk [tilespmem:v55+s14+$0x0], $0xffff;
	v55 =	vor.u32 v50, v35;
	v50 =	vmovc v30  }
0x1eb: {  	v57 =	vor.u32 v47, v35;
	v47 =	vmovc v28;
	v6 =	vand.u32 $0x3F, v6;
	v35 =	vand.u32 $0x3F, v11;
	v59 =	vld.idx.msk [tilespmem:v10+s14+$0x0], $0xffff  }
0x1ec: {  	v51 =	vand.u32 $0x3F, v40;
	v46 =	vand.u32 $0x3F, v41;
	v60 =	vor.u32 $0x180, v6;
	v23 =	vld.idx.msk [tilespmem:v23+s14+$0x0], $0xffff  }
0x1ed: {  	v40 =	vor.u32 v34, v6;
	v56 =	vor.u32 v47, v6;
	v41 =	vor.u32 v50, v6;
	v61 =	vld.idx.msk [tilespmem:v5+s14+$0x0], $0xffff  }
0x1ee: {  	v10 =	vor.u32 $0x180, v35;
	v53 =	vor.u32 v34, v35;
	v5 =	vor.u32 $0x180, v46;
	v39 =	vld.idx.msk [tilespmem:v39+s14+$0x0], $0xffff  }
0x1ef: {  	v48 =	vmul.f32 v48, v45;
	v54 =	vor.u32 $0x180, v51;
	v6 =	vor.u32 v34, v46;
	v11 =	vld.idx.msk [tilespmem:v55+s14+$0x0], $0xffff  }
.Ltmp6:
0x1f0: {  	v49 =	vmul.f32 v49, v45;
	v37 =	vmul.f32 v37, v45;
	v55 =	vor.u32 v34, v51;
	v57 =	vld.idx.msk [tilespmem:v57+s14+$0x0], $0xffff;
	(pc) =	sbr.rel @p0 .LBB2_15-.Ltmp6, $4  }
0x1f1: {  	v16 =	vadd.f32 v48, v16;
	v58 =	vmul.f32 v58, v38;
	v59 =	vmul.f32 v59, v38  }
0x1f2: {  	v37 =	vadd.f32 v37, v17;
	v38 =	vmul.f32 v23, v38;
	v45 =	vld.idx.msk [tilespmem:v60+s12+$0x0], $0xffff;
	v60 =	vadd.f32 v49, v12  }
0x1f3: {  	v16 =	vadd.f32 v58, v16;
	v23 =	vmul.f32 v18, v36;
	v12 =	vmul.f32 v61, v36;
	v48 =	vld.idx.msk [tilespmem:v40+s14+$0x0], $0xffff  }
0x1f4: {  	s2 =	sadd.s32 $0x4, s2;
	v18 =	vadd.f32 v38, v37;
	v36 =	vmul.f32 v39, v36;
	v49 =	vld.idx.msk [tilespmem:v41+s14+$0x0], $0xffff;
	v17 =	vadd.f32 v59, v60  }
0x1f5: {  	_ =	sdelay $0x3  }
0x1f6: {  	v37 =	vld.idx.msk [tilespmem:v56+s14+$0x0], $0xffff  }
0x1f7: {  	v10 =	vld.idx.msk [tilespmem:v10+s12+$0x0], $0xffff  }
0x1f8: {  	v39 =	vor.u32 v47, v51;
	v5 =	vld.idx.msk [tilespmem:v5+s12+$0x0], $0xffff  }
0x1f9: {  	v38 =	vor.u32 v50, v51;
	v6 =	vld.idx.msk [tilespmem:v6+s14+$0x0], $0xffff  }
0x1fa: {  	v40 =	vor.u32 v50, v46;
	v41 =	vld.idx.msk [tilespmem:v54+s12+$0x0], $0xffff  }
0x1fb: {  	v16 =	vadd.f32 v23, v16;
	v23 =	vor.u32 v47, v46;
	v42 =	vld.idx.msk [tilespmem:v55+s14+$0x0], $0xffff  }
0x1fc: {  	v33 =	vmul.f32 v33, v32;
	v43 =	vor.u32 v50, v35;
	v54 =	vld.idx.msk [tilespmem:v53+s14+$0x0], $0xffff  }
0x1fd: {  	v11 =	vmul.f32 v11, v32;
	v47 =	vor.u32 v47, v35;
	v12 =	vadd.f32 v12, v17;
	v44 =	vld.idx.msk [tilespmem:v39+s14+$0x0], $0xffff  }
0x1fe: {  	v58 =	vmov s8;
	v17 =	vadd.f32 v36, v18;
	v18 =	vmul.f32 v57, v32;
	v38 =	vld.idx.msk [tilespmem:v38+s14+$0x0], $0xffff  }
0x1ff: {  	v16 =	vadd.f32 v33, v16;
	v52 =	vmul.f32 v48, v45;
	v11 =	vadd.f32 v11, v12;
	v51 =	vld.idx.msk [tilespmem:v40+s14+$0x0], $0xffff  }
0x200: {  	v12 =	vadd.f32 v18, v17;
	v17 =	vmul.f32 v49, v45;
	v18 =	vld.idx.msk [tilespmem:v23+s14+$0x0], $0xffff;
	v23 =	vmul.f32 v37, v45  }
0x201: {  	v59 =	vor.u32 $0x4006, v2;
	v16 =	vadd.f32 v52, v16;
	v55 =	vmul.f32 v42, v41;
	v56 =	vld.idx.msk [tilespmem:v43+s14+$0x0], $0xffff  }
0x202: {  	v11 =	vadd.f32 v17, v11;
	v12 =	vadd.f32 v23, v12;
	v17 =	vmul.f32 v44, v41  }
0x203: {  	v6 =	vmul.f32 v6, v5;
	v16 =	vadd.f32 v55, v16;
	v23 =	vld.idx.msk [tilespmem:v47+s14+$0x0], $0xffff;
	v38 =	vmul.f32 v38, v41  }
0x204: {  	v57 =	vmul.f32 v51, v5;
	v12 =	vadd.f32 v17, v12;
	v17 =	vshrl.u32 v58, $0x3  }
0x205: {  	v5 =	vmul.f32 v18, v5;
	v18 =	vmul.f32 v54, v10;
	v17 =	vshll.u32 v17, $0x3  }
0x206: {  	v6 =	vadd.f32 v6, v16;
	v16 =	vmul.f32 v56, v10;
	v17 =	vbroadcast v17, $0x0  }
0x207: {  	v11 =	vadd.f32 v38, v11;
	v5 =	vadd.f32 v5, v12;
	v12 =	vor.u32 $0x6, v2  }
0x208: {  	s2 =	simm.s32 $0x0;
	v10 =	vmul.f32 v23, v10;
	v23 =	vor.u32 $0x2006, v2;
	[tilespmem:$0x1FE90] =	vst v12;
	v12 =	vadd.s32 v12, v17  }
0x209: {  	v60 =	vadd.s32 s2, v0;
	[tilespmem:$0x1FEA0] =	vst v23;
	v11 =	vadd.f32 v57, v11;
	v23 =	vadd.s32 v23, v17  }
0x20a: {  	v6 =	vadd.f32 v18, v6;
	v18 =	vand.u32 $0x3F, v60;
	v17 =	vadd.s32 v59, v17  }
0x20b: {  	v35 =	vor.u32 $0x7000, v1;
	v11 =	vadd.f32 v16, v11;
	v16 =	vor.u32 $0x1C0, v18  }
0x20c: {  	s15 =	simm.s32 $0x3;
	v33 =	vor.u32 $0x7400, v1;
	v5 =	vadd.f32 v10, v5;
	v10 =	vor.u32 v35, v18  }
0x20d: {  	v32 =	vor.u32 $0x7800, v1;
	[tilespmem:v12+s24+$0x0] =	vst.idx.msk $0xffff, v6;
	v6 =	vadd.s32 s15, v0;
	v12 =	vor.u32 v33, v18  }
0x20e: {  	s16 =	simm.s32 $0x2;
	[tilespmem:v23+s24+$0x0] =	vst.idx.msk $0xffff, v11;
	v6 =	vand.u32 $0x3F, v6;
	v11 =	vor.u32 v32, v18  }
0x20f: {  	[tilespmem:v17+s24+$0x0] =	vst.idx.msk $0xffff, v5;
	v5 =	vadd.s32 s16, v0;
	v17 =	vor.u32 $0x1C0, v6  }
0x210: {  	s17 =	simm.s32 $0x1;
	v18 =	vor.u32 v35, v6;
	v5 =	vand.u32 $0x3F, v5;
	v16 =	vld.idx.msk [tilespmem:v16+s12+$0x0], $0xffff  }
0x211: {  	v23 =	vadd.s32 s17, v0;
	v37 =	vld.idx.msk [tilespmem:v10+s14+$0x0], $0xffff;
	v61 =	vor.u32 $0x1C0, v5  }
0x212: {  	v10 =	vand.u32 $0x3F, v23;
	v23 =	vor.u32 v35, v5;
	v12 =	vld.idx.msk [tilespmem:v12+s14+$0x0], $0xffff  }
0x213: {  	v62 =	vor.u32 $0x1C0, v10;
	v39 =	vld.idx.msk [tilespmem:v11+s14+$0x0], $0xffff  }
0x214: {  	v11 =	vor.u32 v35, v10;
	v48 =	vld.idx.msk [tilespmem:v17+s12+$0x0], $0xffff  }
0x215: {  	s18 =	simm.s32 $0x4;
	s19 =	simm.s32 $0x7;
	v17 =	vor.u32 v33, v10;
	v49 =	vld.idx.msk [tilespmem:v18+s14+$0x0], $0xffff  }
0x216: {  	s9 =	simm.s32 $0x6;
	v63 =	vadd.s32 s18, v0;
	v43 =	vadd.s32 s19, v0;
	v10 =	vor.u32 v32, v10;
	v40 =	vld.idx.msk [tilespmem:v61+s12+$0x0], $0xffff  }
0x217: {  	v50 =	vand.u32 $0x3F, v43;
	v44 =	vadd.s32 s9, v0;
	v36 =	vor.u32 v33, v5;
	v23 =	vld.idx.msk [tilespmem:v23+s14+$0x0], $0xffff  }
0x218: {  	s20 =	simm.s32 $0x5;
	v53 =	vand.u32 $0x3F, v44;
	v58 =	vor.u32 v35, v50;
	v51 =	vor.u32 v32, v5;
	v38 =	vld.idx.msk [tilespmem:v62+s12+$0x0], $0xffff  }
0x219: {  	v54 =	vor.u32 v33, v6;
	v46 =	vor.u32 v32, v6;
	v5 =	vadd.s32 s20, v0;
	v45 =	vld.idx.msk [tilespmem:v11+s14+$0x0], $0xffff  }
0x21a: {  	[tilespmem:$0x1FEB0] =	vst v59;
	v6 =	vor.u32 v35, v53;
	v59 =	vand.u32 $0x3F, v5;
	v11 =	vand.u32 $0x3F, v63;
	v17 =	vld.idx.msk [tilespmem:v17+s14+$0x0], $0xffff  }
0x21b: {  	v5 =	vor.u32 $0x1C0, v53;
	v60 =	vor.u32 $0x1C0, v59;
	v47 =	vor.u32 $0x1C0, v11;
	v57 =	vld.idx.msk [tilespmem:v10+s14+$0x0], $0xffff  }
0x21c: {  	v56 =	vmovc v33;
	v18 =	vimm.f32 $0.0e+00;
	v37 =	vmul.f32 v37, v16;
	v36 =	vld.idx.msk [tilespmem:v36+s14+$0x0], $0xffff;
	v52 =	vor.u32 v35, v11  }
0x21d: {  	v43 =	vld.idx.msk [tilespmem:v51+s14+$0x0], $0xffff;
	v61 =	vor.u32 v35, v59;
	v12 =	vmul.f32 v12, v16;
	v42 =	vor.u32 v33, v11  }
0x21e: {  	v37 =	vadd.f32 v37, v18;
	v16 =	vmul.f32 v39, v16;
	v62 =	vor.u32 v32, v11;
	v11 =	vld.idx.msk [tilespmem:v54+s14+$0x0], $0xffff  }
0x21f: {  	v63 =	vld.idx.msk [tilespmem:v46+s14+$0x0], $0xffff;
	v10 =	vor.u32 $0x1C0, v50;
	v46 =	vadd.f32 v12, v18;
	v54 =	vmovc v32;
	v45 =	vmul.f32 v45, v38  }
0x220: {  	v17 =	vmul.f32 v17, v38;
	v51 =	vld.idx.msk [tilespmem:v47+s12+$0x0], $0xffff;
	v47 =	vadd.f32 v16, v18;
	v38 =	vmul.f32 v57, v38  }
0x221: {  	v12 =	vmul.f32 v36, v40;
	v55 =	vld.idx.msk [tilespmem:v52+s14+$0x0], $0xffff;
	v18 =	vmul.f32 v23, v40;
	v16 =	vadd.f32 v45, v37  }
0x222: {  	s2 =	simm.s32 $0x8;
	v57 =	vld.idx.msk [tilespmem:v42+s14+$0x0], $0xffff;
	v23 =	vmul.f32 v43, v40;
	v36 =	vadd.f32 v17, v46;
	v17 =	vadd.f32 v38, v47  }
.LBB2_17:
0x223: {  	p0 =	sne.s32 s2, $0x3C;
	v37 =	vld.idx.msk [tilespmem:v62+s14+$0x0], $0xffff;
	v16 =	vadd.f32 v18, v16;
	v18 =	vmul.f32 v49, v48;
	v11 =	vmul.f32 v11, v48  }
0x224: {  	v12 =	vadd.f32 v12, v36;
	v17 =	vadd.f32 v23, v17;
	v23 =	vmul.f32 v63, v48;
	v48 =	vld.idx.msk [tilespmem:v10+s12+$0x0], $0xffff  }
0x225: {  	v10 =	vor.u32 v56, v59;
	v49 =	vld.idx.msk [tilespmem:v58+s14+$0x0], $0xffff;
	v16 =	vadd.f32 v18, v16  }
0x226: {  	v18 =	vor.u32 v54, v59;
	v38 =	vld.idx.msk [tilespmem:v5+s12+$0x0], $0xffff;
	v12 =	vadd.f32 v11, v12;
	v17 =	vadd.f32 v23, v17  }
0x227: {  	s8 =	sadd.s32 $0x3, s2;
	v5 =	vor.u32 v56, v53;
	v23 =	vld.idx.msk [tilespmem:v6+s14+$0x0], $0xffff  }
0x228: {  	s9 =	sadd.s32 $0x1, s2;
	s11 =	sadd.s32 $0x2, s2;
	v39 =	vor.u32 v54, v53;
	v11 =	vadd.s32 s8, v0;
	v6 =	vadd.s32 s2, v0;
	v36 =	vld.idx.msk [tilespmem:v60+s12+$0x0], $0xffff  }
0x229: {  	v43 =	vor.u32 v56, v50;
	v40 =	vadd.s32 s9, v0;
	v41 =	vadd.s32 s11, v0;
	v56 =	vmovc v33;
	v42 =	vld.idx.msk [tilespmem:v61+s14+$0x0], $0xffff  }
0x22a: {  	v63 =	vor.u32 v54, v50;
	v54 =	vmovc v32;
	v50 =	vand.u32 $0x3F, v11;
	v6 =	vand.u32 $0x3F, v6;
	v52 =	vld.idx.msk [tilespmem:v10+s14+$0x0], $0xffff  }
0x22b: {  	v59 =	vand.u32 $0x3F, v40;
	v53 =	vand.u32 $0x3F, v41;
	v44 =	vor.u32 $0x1C0, v6;
	v18 =	vld.idx.msk [tilespmem:v18+s14+$0x0], $0xffff  }
0x22c: {  	v40 =	vor.u32 v35, v6;
	v41 =	vor.u32 v56, v6;
	v62 =	vor.u32 v54, v6;
	v45 =	vld.idx.msk [tilespmem:v5+s14+$0x0], $0xffff  }
0x22d: {  	v58 =	vor.u32 v35, v50;
	v10 =	vor.u32 $0x1C0, v50;
	v5 =	vor.u32 $0x1C0, v53;
	v39 =	vld.idx.msk [tilespmem:v39+s14+$0x0], $0xffff  }
0x22e: {  	v55 =	vmul.f32 v55, v51;
	v60 =	vor.u32 $0x1C0, v59;
	v6 =	vor.u32 v35, v53;
	v11 =	vld.idx.msk [tilespmem:v43+s14+$0x0], $0xffff  }
.Ltmp7:
0x22f: {  	v37 =	vmul.f32 v37, v51;
	v61 =	vor.u32 v35, v59;
	v43 =	vmul.f32 v57, v51;
	v63 =	vld.idx.msk [tilespmem:v63+s14+$0x0], $0xffff;
	(pc) =	sbr.rel @p0 .LBB2_17-.Ltmp7, $4  }
0x230: {  	v16 =	vadd.f32 v55, v16;
	v42 =	vmul.f32 v42, v36;
	v52 =	vmul.f32 v52, v36  }
0x231: {  	v17 =	vadd.f32 v37, v17;
	v43 =	vadd.f32 v43, v12;
	v37 =	vmul.f32 v18, v36;
	v51 =	vld.idx.msk [tilespmem:v44+s12+$0x0], $0xffff  }
0x232: {  	v16 =	vadd.f32 v42, v16;
	v18 =	vmul.f32 v23, v38;
	v12 =	vmul.f32 v45, v38;
	v55 =	vld.idx.msk [tilespmem:v40+s14+$0x0], $0xffff  }
0x233: {  	s2 =	sadd.s32 $0x4, s2;
	v36 =	vadd.f32 v52, v43;
	v17 =	vadd.f32 v37, v17;
	v23 =	vmul.f32 v39, v38;
	v57 =	vld.idx.msk [tilespmem:v41+s14+$0x0], $0xffff  }
0x234: {  	_ =	sdelay $0x3  }
0x235: {  	v37 =	vld.idx.msk [tilespmem:v62+s14+$0x0], $0xffff  }
0x236: {  	v10 =	vld.idx.msk [tilespmem:v10+s12+$0x0], $0xffff  }
0x237: {  	v39 =	vor.u32 v54, v59;
	v5 =	vld.idx.msk [tilespmem:v5+s12+$0x0], $0xffff  }
0x238: {  	v38 =	vor.u32 v56, v59;
	v41 =	vld.idx.msk [tilespmem:v60+s12+$0x0], $0xffff  }
0x239: {  	v40 =	vor.u32 v56, v53;
	v16 =	vadd.f32 v18, v16;
	v18 =	vmul.f32 v49, v48;
	v43 =	vld.idx.msk [tilespmem:v61+s14+$0x0], $0xffff  }
0x23a: {  	v6 =	vld.idx.msk [tilespmem:v6+s14+$0x0], $0xffff;
	v42 =	vor.u32 v54, v53;
	v11 =	vmul.f32 v11, v48;
	v12 =	vadd.f32 v12, v36  }
0x23b: {  	v59 =	vor.u32 v56, v50;
	v44 =	vld.idx.msk [tilespmem:v58+s14+$0x0], $0xffff;
	v16 =	vadd.f32 v18, v16  }
0x23c: {  	v11 =	vadd.f32 v11, v12;
	v12 =	vor.u32 v54, v50;
	v61 =	vmul.f32 v55, v51;
	v18 =	vld.idx.msk [tilespmem:v39+s14+$0x0], $0xffff  }
0x23d: {  	v17 =	vadd.f32 v23, v17;
	v23 =	vmul.f32 v63, v48;
	v38 =	vld.idx.msk [tilespmem:v38+s14+$0x0], $0xffff  }
0x23e: {  	v60 =	vld.idx.msk [tilespmem:v40+s14+$0x0], $0xffff;
	v16 =	vadd.f32 v61, v16;
	v63 =	vmul.f32 v43, v41  }
0x23f: {  	v45 =	vor.u32 $0x7, v2;
	v17 =	vadd.f32 v23, v17;
	v23 =	vld.idx.msk [tilespmem:v42+s14+$0x0], $0xffff;
	v37 =	vmul.f32 v37, v51  }
0x240: {  	v62 =	vmul.f32 v57, v51;
	v36 =	vld.idx.msk [tilespmem:v59+s14+$0x0], $0xffff;
	v6 =	vmul.f32 v6, v5;
	v16 =	vadd.f32 v63, v16  }
0x241: {  	v46 =	vor.u32 $0x4007, v2;
	v17 =	vadd.f32 v37, v17;
	v12 =	vld.idx.msk [tilespmem:v12+s14+$0x0], $0xffff;
	v18 =	vmul.f32 v18, v41  }
0x242: {  	v43 =	vmov s7;
	v11 =	vadd.f32 v62, v11;
	v6 =	vadd.f32 v6, v16  }
0x243: {  	v16 =	vmul.f32 v44, v10;
	v17 =	vadd.f32 v18, v17;
	v18 =	vshrl.u32 v43, $0x3  }
0x244: {  	s2 =	simm.s32 $0x0;
	v38 =	vmul.f32 v38, v41;
	v42 =	vmul.f32 v60, v5;
	v18 =	vshll.u32 v18, $0x3  }
0x245: {  	v47 =	vadd.s32 s2, v0;
	v5 =	vmul.f32 v23, v5;
	v18 =	vbroadcast v18, $0x0  }
0x246: {  	v23 =	vmul.f32 v36, v10;
	v11 =	vadd.f32 v38, v11;
	v10 =	vmul.f32 v12, v10  }
0x247: {  	v5 =	vadd.f32 v5, v17;
	v17 =	vor.u32 $0x2007, v2;
	v12 =	vadd.s32 v45, v18  }
0x248: {  	v53 =	vshrl.u32 v0, $0x1;
	v36 =	vand.u32 $0x3F, v47;
	[tilespmem:$0x1FE70] =	vst v17;
	v17 =	vadd.s32 v17, v18  }
0x249: {  	s11 =	simm.s32 $0x1;
	[tilespmem:$0x1FE60] =	vst v45;
	v11 =	vadd.f32 v42, v11;
	v18 =	vadd.s32 v46, v18;
	v45 =	vmul.u32 $0x40, v53  }
0x24a: {  	v6 =	vadd.f32 v16, v6;
	v16 =	vadd.s32 s11, v0;
	v48 =	vor.u32 v22, v36  }
0x24b: {  	s15 =	simm.s32 $0x2;
	v16 =	vand.u32 $0x3F, v16;
	v11 =	vadd.f32 v23, v11;
	v23 =	vor.u32 v45, v36  }
0x24c: {  	v5 =	vadd.f32 v10, v5;
	v10 =	vadd.s32 s15, v0;
	[tilespmem:v12+s24+$0x0] =	vst.idx.msk $0xffff, v6;
	v6 =	vor.u32 v45, v16  }
0x24d: {  	s16 =	simm.s32 $0x3;
	v10 =	vand.u32 $0x3F, v10;
	[tilespmem:v17+s24+$0x0] =	vst.idx.msk $0xffff, v11;
	v11 =	vor.u32 v22, v16  }
0x24e: {  	v12 =	vor.u32 v45, v10;
	[tilespmem:v18+s24+$0x0] =	vst.idx.msk $0xffff, v5;
	v5 =	vadd.s32 s16, v0  }
0x24f: {  	s17 =	simm.s32 $0x4;
	v10 =	vor.u32 v22, v10;
	v5 =	vand.u32 $0x3F, v5;
	v16 =	vld.idx.msk [tilespmem:v48+s14+$0x0], $0xffff  }
0x250: {  	v17 =	vadd.s32 s17, v0;
	v18 =	vld.idx.msk [tilespmem:v23+s12+$0x0], $0xffff;
	v23 =	vor.u32 v45, v5  }
0x251: {  	s18 =	simm.s32 $0x5;
	v17 =	vand.u32 $0x3F, v17;
	v5 =	vor.u32 v22, v5;
	v6 =	vld.idx.msk [tilespmem:v6+s12+$0x0], $0xffff  }
0x252: {  	s19 =	simm.s32 $0x6;
	v49 =	vadd.s32 s18, v0;
	v50 =	vor.u32 v22, v17;
	v11 =	vld.idx.msk [tilespmem:v11+s14+$0x0], $0xffff  }
0x253: {  	v57 =	vor.u32 v45, v17;
	v17 =	vadd.s32 s19, v0;
	v51 =	vld.idx.msk [tilespmem:v12+s12+$0x0], $0xffff;
	v12 =	vand.u32 $0x3F, v49  }
0x254: {  	s20 =	simm.s32 $0x7;
	v17 =	vand.u32 $0x3F, v17;
	v58 =	vld.idx.msk [tilespmem:v10+s14+$0x0], $0xffff;
	v59 =	vor.u32 v45, v12  }
0x255: {  	v54 =	vor.u32 v22, v12;
	v16 =	vmul.f32 v16, v18;
	v18 =	vadd.s32 s20, v0;
	v10 =	vld.idx.msk [tilespmem:v23+s12+$0x0], $0xffff  }
0x256: {  	v60 =	vimm.f32 $0.0e+00;
	v12 =	vld.idx.msk [tilespmem:v5+s14+$0x0], $0xffff;
	v23 =	vor.u32 v45, v17;
	v61 =	vand.u32 $0x3F, v18  }
0x257: {  	s2 =	simm.s32 $0x8;
	v5 =	vld.idx.msk [tilespmem:v50+s14+$0x0], $0xffff;
	v17 =	vor.u32 v22, v17;
	v62 =	vadd.f32 v16, v60;
	v63 =	vmul.f32 v11, v6  }
0x258: {  	[tilespmem:$0x1FE80] =	vst v46;
	v36 =	vadd.s32 s2, v0;
	v18 =	vor.u32 v45, v61;
	v11 =	vld.idx.msk [tilespmem:v57+s12+$0x0], $0xffff  }
0x259: {  	s8 =	simm.s32 $0x9;
	s7 =	simm.s32 $0xC;
	v16 =	vor.u32 v22, v61;
	v38 =	vmul.f32 v58, v51;
	v6 =	vld.idx.msk [tilespmem:v59+s12+$0x0], $0xffff;
	v37 =	vadd.f32 v63, v62  }
.LBB2_19:
0x25a: {  	p0 =	sne.s32 s7, $0x3C;
	v36 =	vand.u32 $0x3F, v36;
	v39 =	vmul.u32 $0x40, v53;
	v40 =	vadd.s32 s8, v0;
	v41 =	vld.idx.msk [tilespmem:v54+s14+$0x0], $0xffff  }
0x25b: {  	s8 =	sadd.s32 $0x3, s2;
	v12 =	vmul.f32 v12, v10;
	v42 =	vor.u32 v22, v36;
	v43 =	vld.idx.msk [tilespmem:v23+s12+$0x0], $0xffff;
	v23 =	vadd.f32 v38, v37  }
0x25c: {  	s9 =	sadd.s32 $0x2, s2;
	s2 =	smov.u32 s7;
	v38 =	vadd.s32 s8, v0;
	v37 =	vor.u32 v39, v36;
	v36 =	vand.u32 $0x3F, v40;
	v40 =	vld.idx.msk [tilespmem:v17+s14+$0x0], $0xffff  }
0x25d: {  	v17 =	vadd.s32 s9, v0;
	v44 =	vor.u32 v39, v36;
	v10 =	vld.idx.msk [tilespmem:v18+s12+$0x0], $0xffff;
	v18 =	vadd.f32 v12, v23  }
.Ltmp8:
0x25e: {  	v54 =	vor.u32 v22, v36;
	v17 =	vand.u32 $0x3F, v17;
	v11 =	vmul.f32 v5, v11;
	v12 =	vld.idx.msk [tilespmem:v16+s14+$0x0], $0xffff;
	(pc) =	sbr.rel @p0 .LBB2_19-.Ltmp8, $4  }
0x25f: {  	v23 =	vor.u32 v39, v17;
	v16 =	vand.u32 $0x3F, v38  }
0x260: {  	v17 =	vor.u32 v22, v17;
	v38 =	vadd.f32 v11, v18;
	v41 =	vmul.f32 v41, v6;
	v5 =	vld.idx.msk [tilespmem:v42+s14+$0x0], $0xffff  }
0x261: {  	v36 =	vadd.s32 s7, v0;
	v18 =	vor.u32 v39, v16;
	v11 =	vld.idx.msk [tilespmem:v37+s12+$0x0], $0xffff  }
0x262: {  	s8 =	sadd.s32 $0x1, s2;
	s7 =	sadd.s32 $0x4, s7;
	v16 =	vor.u32 v22, v16;
	v37 =	vadd.f32 v41, v38;
	v38 =	vmul.f32 v40, v43;
	v6 =	vld.idx.msk [tilespmem:v44+s12+$0x0], $0xffff  }
0x263: {  	_ =	sdelay $0x2  }
0x264: {  	v36 =	vand.u32 $0x3F, v36  }
0x265: {  	v39 =	vadd.s32 s8, v0;
	v40 =	vld.idx.msk [tilespmem:v54+s14+$0x0], $0xffff;
	v10 =	vmul.f32 v12, v10;
	v41 =	vor.u32 v22, v36  }
0x266: {  	v12 =	vld.idx.msk [tilespmem:v23+s12+$0x0], $0xffff;
	s16 =	sadd.s32 $0x2, s2;
	v37 =	vadd.f32 v38, v37;
	v23 =	vor.u32 v45, v36;
	v62 =	vand.u32 $0x3F, v39  }
0x267: {  	v17 =	vld.idx.msk [tilespmem:v17+s14+$0x0], $0xffff;
	v42 =	vadd.s32 s16, v0;
	v39 =	vor.u32 v45, v62;
	v36 =	vor.u32 v22, v62  }
0x268: {  	v18 =	vld.idx.msk [tilespmem:v18+s12+$0x0], $0xffff;
	v44 =	vand.u32 $0x3F, v42;
	v10 =	vadd.f32 v10, v37;
	v5 =	vmul.f32 v5, v11  }
0x269: {  	v11 =	vld.idx.msk [tilespmem:v16+s14+$0x0], $0xffff;
	v16 =	vor.u32 v45, v44  }
0x26a: {  	s7 =	sadd.s32 $0x3, s2;
	v37 =	vor.u32 v22, v44;
	v5 =	vadd.f32 v5, v10;
	v6 =	vmul.f32 v40, v6;
	v41 =	vld.idx.msk [tilespmem:v41+s14+$0x0], $0xffff  }
0x26b: {  	v63 =	vadd.s32 s7, v0;
	v10 =	vld.idx.msk [tilespmem:v23+s12+$0x0], $0xffff  }
0x26c: {  	v38 =	vand.u32 $0x3F, v63;
	v39 =	vld.idx.msk [tilespmem:v39+s12+$0x0], $0xffff;
	v5 =	vadd.f32 v6, v5;
	v6 =	vmul.f32 v17, v12  }
0x26d: {  	v23 =	vor.u32 v45, v38;
	v12 =	vld.idx.msk [tilespmem:v36+s14+$0x0], $0xffff  }
0x26e: {  	v16 =	vld.idx.msk [tilespmem:v16+s12+$0x0], $0xffff;
	v5 =	vadd.f32 v6, v5;
	v6 =	vmul.f32 v11, v18  }
0x26f: {  	v11 =	vld.idx.msk [tilespmem:v37+s14+$0x0], $0xffff  }
0x270: {  	v38 =	vor.u32 v22, v38;
	v5 =	vadd.f32 v6, v5;
	v6 =	vmul.f32 v41, v10;
	_ =	sdelay $0x1  }
0x271: {  	v17 =	vld.idx.msk [tilespmem:v23+s12+$0x0], $0xffff;
	v5 =	vadd.f32 v6, v5;
	v6 =	vmul.f32 v12, v39  }
0x272: {  	v12 =	vld [tilespmem:$0x1FF50]  }
0x273: {  	v5 =	vadd.f32 v6, v5;
	v6 =	vmul.f32 v11, v16;
	v11 =	vld [tilespmem:$0x1FFE0]  }
0x274: {  	v10 =	vld.idx.msk [tilespmem:v38+s14+$0x0], $0xffff;
	_ =	sdelay $0x3  }
0x275: {  	v11 =	vor.u32 v11, v12  }
0x276: {  	s16 =	sor.u32 $0x8, s6;
	v5 =	vadd.f32 v6, v5;
	v6 =	vmul.f32 v10, v17  }
0x277: {  	s15 =	sor.u32 $0x9, s6;
	s17 =	smul.u32 $0xE0, s16  }
0x278: {  	s18 =	smul.u32 $0xE0, s15;
	v5 =	vadd.f32 v6, v5  }
0x279: {  	s11 =	sor.u32 $0xA, s6;
	s2 =	sshra.s32 s17, $0x2  }
0x27a: {  	s20 =	smul.u32 $0xE0, s11;
	s19 =	sshra.s32 s18, $0x2;
	s2 =	sadd.s32 $0x200, s2;
	[tilespmem:v11+s24+$0x0] =	vst.idx.msk $0xffff, v5  }
0x27b: {  	[tilespmem:s25], [sflag:$0x2] =	stream.indirect.gather [hbm4b:s4+s13], $0x40, s2, s13, $0xb8;
	[tilespmem:$0x1DA00] =	vst v63  }
0x27c: {  	s9 =	sor.u32 $0xB, s6;
	s7 =	sshra.s32 s20, $0x2;
	s2 =	sadd.s32 $0x200, s19  }
0x27d: {  	[tilespmem:s26], [sflag:$0x2] =	stream.indirect.gather [hbm4b:s4+s13], $0x40, s2, s13, $0xb8;
	[tilespmem:$0x1DA00] =	vst v63  }
0x27e: {  	s8 =	smul.u32 $0xE0, s9;
	s2 =	sadd.s32 $0x200, s7  }
0x27f: {  	[tilespmem:s28], [sflag:$0x2] =	stream.indirect.gather [hbm4b:s4+s13], $0x40, s2, s13, $0xb8;
	[tilespmem:$0x1DA00] =	vst v63  }
0x280: {  	s7 =	sshra.s32 s8, $0x2;
	s2 =	sor.u32 $0xC, s6  }
0x281: {  	s7 =	sadd.s32 $0x200, s7;
	s17 =	smul.u32 $0xE0, s2  }
0x282: {  	[tilespmem:s29], [sflag:$0x2] =	stream.indirect.gather [hbm4b:s4+s13], $0x40, s7, s13, $0xb8;
	[tilespmem:$0x1DA00] =	vst v63  }
0x283: {  	s8 =	sor.u32 $0xD, s6;
	s18 =	sshra.s32 s17, $0x2  }
0x284: {  	s17 =	smul.u32 $0xE0, s8;
	s7 =	sadd.s32 $0x200, s18  }
0x285: {  	[tilespmem:s30], [sflag:$0x2] =	stream.indirect.gather [hbm4b:s4+s13], $0x40, s7, s13, $0xb8;
	[tilespmem:$0x1DA00] =	vst v63  }
0x286: {  	s7 =	sor.u32 $0xE, s6  }
0x287: {  	s17 =	sshra.s32 s17, $0x2;
	s6 =	sor.u32 $0xF, s6;
	s18 =	smul.u32 $0xE0, s7  }
0x288: {  	s17 =	sadd.s32 $0x200, s17;
	s20 =	smul.u32 $0xE0, s6  }
0x289: {  	[tilespmem:s31], [sflag:$0x2] =	stream.indirect.gather [hbm4b:s4+s13], $0x40, s17, s13, $0xb8;
	[tilespmem:$0x1DA00] =	vst v63  }
0x28a: {  	s19 =	sshra.s32 s18, $0x2  }
0x28b: {  	s18 =	sshra.s32 s20, $0x2;
	s17 =	sadd.s32 $0x200, s19  }
0x28c: {  	[tilespmem:s1], [sflag:$0x2] =	stream.indirect.gather [hbm4b:s4+s13], $0x40, s17, s13, $0xb8;
	[tilespmem:$0x1DA00] =	vst v63  }
0x28d: {  	[tilespmem:$0x1FE50] =	vst v45;
	s17 =	sadd.s32 $0x200, s18  }
0x28e: {  	[tilespmem:s0], [sflag:$0x2] =	stream.indirect.gather [hbm4b:s4+s13], $0x40, s17, s13, $0xb8;
	[tilespmem:$0x1DA00] =	vst v63  }
0x28f: {  	_ =	swait.ge [sflag:s10], $0xC80  }
0x290: {  	[sflag:s10] =	ssyncset.done $0x0  }
0x291: {  	[sflag:s10] =	ssyncadd.s32 $0xFFFFF380  }
0x292: {  	_ =	swait.ge [sflag:s10], $0xC80  }
0x293: {  	[sflag:s10] =	ssyncset.done $0x0  }
0x294: {  	[sflag:s10] =	ssyncadd.s32 $0xFFFFF380  }
0x295: {  	_ =	swait.ge [sflag:s10], $0xC80  }
0x296: {  	[sflag:s10] =	ssyncset.done $0x0  }
0x297: {  	[sflag:s10] =	ssyncadd.s32 $0xFFFFF380  }
0x298: {  	_ =	swait.ge [sflag:s10], $0xC80  }
0x299: {  	[sflag:s10] =	ssyncset.done $0x0  }
0x29a: {  	[sflag:s10] =	ssyncadd.s32 $0xFFFFF380  }
0x29b: {  	_ =	swait.ge [sflag:s10], $0xC80  }
0x29c: {  	[sflag:s10] =	ssyncset.done $0x0  }
0x29d: {  	[sflag:s10] =	ssyncadd.s32 $0xFFFFF380  }
0x29e: {  	_ =	swait.ge [sflag:s10], $0xC80  }
0x29f: {  	s19 =	simm.s32 $0x0;
	[sflag:s10] =	ssyncset.done $0x0  }
0x2a0: {  	v5 =	vadd.s32 s19, v0;
	[sflag:s10] =	ssyncadd.s32 $0xFFFFF380  }
0x2a1: {  	v5 =	vand.u32 $0x3F, v5;
	_ =	swait.ge [sflag:s10], $0xC80  }
0x2a2: {  	v6 =	vor.u32 $0x200, v5;
	[sflag:s10] =	ssyncset.done $0x0  }
0x2a3: {  	s20 =	simm.s32 $0x3;
	v10 =	vor.u32 v1, v5;
	[sflag:s10] =	ssyncadd.s32 $0xFFFFF380  }
0x2a4: {  	v11 =	vadd.s32 s20, v0;
	v12 =	vor.u32 v3, v5;
	_ =	swait.ge [sflag:s10], $0xC80  }
0x2a5: {  	s18 =	simm.s32 $0x2;
	v11 =	vand.u32 $0x3F, v11;
	v5 =	vor.u32 v4, v5;
	[sflag:s10] =	ssyncset.done $0x0  }
0x2a6: {  	v16 =	vadd.s32 s18, v0;
	v17 =	vor.u32 $0x200, v11;
	[sflag:s10] =	ssyncadd.s32 $0xFFFFF380  }
0x2a7: {  	v18 =	vor.u32 v1, v11;
	v16 =	vand.u32 $0x3F, v16;
	v23 =	vld.idx.msk [tilespmem:v6+s12+$0x0], $0xffff  }
0x2a8: {  	s19 =	simm.s32 $0x1;
	v46 =	vor.u32 $0x200, v16;
	v37 =	vld.idx.msk [tilespmem:v10+s25+$0x0], $0xffff  }
0x2a9: {  	v50 =	vor.u32 v3, v11;
	v6 =	vadd.s32 s19, v0;
	v12 =	vld.idx.msk [tilespmem:v12+s25+$0x0], $0xffff  }
0x2aa: {  	v10 =	vor.u32 v1, v16;
	v39 =	vld.idx.msk [tilespmem:v5+s25+$0x0], $0xffff;
	v6 =	vand.u32 $0x3F, v6  }
0x2ab: {  	s20 =	simm.s32 $0x4;
	v54 =	vld.idx.msk [tilespmem:v17+s12+$0x0], $0xffff;
	v47 =	vor.u32 $0x200, v6  }
0x2ac: {  	v52 =	vld.idx.msk [tilespmem:v18+s25+$0x0], $0xffff;
	v18 =	vadd.s32 s20, v0;
	s20 =	simm.s32 $0x7;
	v5 =	vor.u32 v1, v6  }
0x2ad: {  	v55 =	vld.idx.msk [tilespmem:v46+s12+$0x0], $0xffff;
	v49 =	vadd.s32 s20, v0;
	v17 =	vor.u32 v3, v6  }
0x2ae: {  	v6 =	vor.u32 v4, v6;
	v53 =	vand.u32 $0x3F, v49;
	v49 =	vor.u32 v4, v11;
	v11 =	vld.idx.msk [tilespmem:v50+s25+$0x0], $0xffff  }
0x2af: {  	s18 =	simm.s32 $0x6;
	v41 =	vld.idx.msk [tilespmem:v10+s25+$0x0], $0xffff;
	v10 =	vor.u32 v3, v16  }
0x2b0: {  	v40 =	vimm.f32 $0.0e+00;
	v48 =	vadd.s32 s18, v0;
	v43 =	vor.u32 v4, v16;
	v38 =	vld.idx.msk [tilespmem:v47+s12+$0x0], $0xffff  }
0x2b1: {  	v56 =	vand.u32 $0x3F, v48;
	s19 =	simm.s32 $0x5;
	v63 =	vor.u32 $0x200, v53;
	v16 =	vand.u32 $0x3F, v18;
	v44 =	vld.idx.msk [tilespmem:v5+s25+$0x0], $0xffff  }
0x2b2: {  	v18 =	vadd.s32 s19, v0;
	v37 =	vmul.f32 v37, v23;
	v57 =	vor.u32 $0x200, v16;
	v48 =	vld.idx.msk [tilespmem:v17+s25+$0x0], $0xffff  }
0x2b3: {  	v50 =	vmul.f32 v12, v23;
	v23 =	vmul.f32 v39, v23;
	v58 =	vor.u32 v1, v16;
	v59 =	vld.idx.msk [tilespmem:v6+s25+$0x0], $0xffff  }
0x2b4: {  	v62 =	vand.u32 $0x3F, v18;
	v46 =	vor.u32 v3, v16;
	v17 =	vor.u32 v4, v16;
	v47 =	vld.idx.msk [tilespmem:v10+s25+$0x0], $0xffff  }
0x2b5: {  	v18 =	vld.idx.msk [tilespmem:v43+s25+$0x0], $0xffff;
	v6 =	vor.u32 v1, v56;
	v16 =	vor.u32 v1, v53;
	v5 =	vor.u32 $0x200, v62  }
0x2b6: {  	v61 =	vor.u32 v1, v62;
	v60 =	vor.u32 v3, v62;
	v12 =	vld.idx.msk [tilespmem:v49+s25+$0x0], $0xffff;
	v51 =	vadd.f32 v37, v40  }
0x2b7: {  	v39 =	vadd.f32 v50, v40;
	v37 =	vadd.f32 v23, v40;
	v57 =	vld.idx.msk [tilespmem:v57+s12+$0x0], $0xffff;
	v44 =	vmul.f32 v44, v38  }
0x2b8: {  	v10 =	vor.u32 $0x200, v56;
	v58 =	vld.idx.msk [tilespmem:v58+s25+$0x0], $0xffff;
	v36 =	vmul.f32 v48, v38;
	v40 =	vmul.f32 v59, v38  }
0x2b9: {  	s17 =	simm.s32 $0x8;
	v41 =	vmul.f32 v41, v55;
	v59 =	vld.idx.msk [tilespmem:v46+s25+$0x0], $0xffff;
	v38 =	vadd.f32 v44, v51;
	v23 =	vmul.f32 v47, v55  }
.LBB2_21:
0x2ba: {  	p0 =	sne.s32 s17, $0x3C;
	v42 =	vld.idx.msk [tilespmem:v17+s25+$0x0], $0xffff;
	v17 =	vadd.f32 v36, v39;
	v36 =	vadd.f32 v40, v37;
	v18 =	vmul.f32 v18, v55  }
0x2bb: {  	v39 =	vmul.f32 v52, v54;
	v11 =	vmul.f32 v11, v54;
	v37 =	vld.idx.msk [tilespmem:v63+s12+$0x0], $0xffff;
	v38 =	vadd.f32 v41, v38  }
0x2bc: {  	v12 =	vmul.f32 v12, v54;
	v52 =	vld.idx.msk [tilespmem:v16+s25+$0x0], $0xffff;
	v16 =	vadd.f32 v23, v17;
	v17 =	vadd.f32 v18, v36  }
0x2bd: {  	v18 =	vadd.s32 s17, v0;
	v23 =	vor.u32 v4, v62;
	v55 =	vld.idx.msk [tilespmem:v10+s12+$0x0], $0xffff;
	v36 =	vadd.f32 v39, v38  }
0x2be: {  	s18 =	sadd.s32 $0x2, s17;
	s19 =	sadd.s32 $0x3, s17;
	v41 =	vld.idx.msk [tilespmem:v6+s25+$0x0], $0xffff;
	v6 =	vor.u32 v3, v56;
	v38 =	vadd.f32 v11, v16;
	v40 =	vadd.f32 v12, v17  }
0x2bf: {  	s20 =	sadd.s32 $0x1, s17;
	v10 =	vadd.s32 s18, v0;
	v11 =	vadd.s32 s19, v0;
	v43 =	vld.idx.msk [tilespmem:v5+s12+$0x0], $0xffff;
	v5 =	vor.u32 v4, v56  }
0x2c0: {  	v44 =	vor.u32 v3, v53;
	v12 =	vand.u32 $0x3F, v18;
	v16 =	vadd.s32 s20, v0;
	v39 =	vld.idx.msk [tilespmem:v61+s25+$0x0], $0xffff  }
0x2c1: {  	v46 =	vor.u32 v4, v53;
	v56 =	vand.u32 $0x3F, v10;
	v53 =	vand.u32 $0x3F, v11;
	v54 =	vmovc v37;
	v45 =	vld.idx.msk [tilespmem:v60+s25+$0x0], $0xffff  }
0x2c2: {  	v47 =	vor.u32 v1, v12;
	v62 =	vand.u32 $0x3F, v16;
	v37 =	vor.u32 $0x200, v12;
	v23 =	vld.idx.msk [tilespmem:v23+s25+$0x0], $0xffff  }
0x2c3: {  	v48 =	vor.u32 v3, v12;
	v17 =	vor.u32 v4, v12;
	v63 =	vor.u32 $0x200, v53;
	v49 =	vld.idx.msk [tilespmem:v6+s25+$0x0], $0xffff  }
0x2c4: {  	v10 =	vor.u32 $0x200, v56;
	v16 =	vor.u32 v1, v53;
	v6 =	vor.u32 v1, v56;
	v18 =	vld.idx.msk [tilespmem:v5+s25+$0x0], $0xffff  }
.Ltmp9:
0x2c5: {  	v58 =	vmul.f32 v58, v57;
	v61 =	vor.u32 v1, v62;
	v5 =	vor.u32 $0x200, v62;
	v11 =	vld.idx.msk [tilespmem:v44+s25+$0x0], $0xffff;
	(pc) =	sbr.rel @p0 .LBB2_21-.Ltmp9, $4  }
0x2c6: {  	v42 =	vmul.f32 v42, v57;
	v60 =	vor.u32 v3, v62;
	v44 =	vmul.f32 v59, v57;
	v12 =	vld.idx.msk [tilespmem:v46+s25+$0x0], $0xffff  }
0x2c7: {  	v50 =	vmul.f32 v39, v43;
	v46 =	vadd.f32 v58, v36;
	v36 =	vmul.f32 v45, v43;
	v57 =	vld.idx.msk [tilespmem:v37+s12+$0x0], $0xffff  }
0x2c8: {  	v39 =	vadd.f32 v44, v38;
	v37 =	vadd.f32 v42, v40;
	v40 =	vmul.f32 v23, v43;
	v58 =	vld.idx.msk [tilespmem:v47+s25+$0x0], $0xffff  }
0x2c9: {  	s17 =	sadd.s32 $0x4, s17;
	v41 =	vmul.f32 v41, v55;
	v38 =	vadd.f32 v50, v46;
	v23 =	vmul.f32 v49, v55;
	v59 =	vld.idx.msk [tilespmem:v48+s25+$0x0], $0xffff  }
0x2ca: {  	_ =	sdelay $0x3  }
0x2cb: {  	v17 =	vld.idx.msk [tilespmem:v17+s25+$0x0], $0xffff  }
0x2cc: {  	v5 =	vld.idx.msk [tilespmem:v5+s12+$0x0], $0xffff  }
0x2cd: {  	v37 =	vadd.f32 v40, v37;
	v18 =	vmul.f32 v18, v55;
	v44 =	vld.idx.msk [tilespmem:v61+s25+$0x0], $0xffff  }
0x2ce: {  	v43 =	vor.u32 v4, v62;
	v10 =	vld.idx.msk [tilespmem:v10+s12+$0x0], $0xffff;
	v55 =	vmul.f32 v52, v54;
	v38 =	vadd.f32 v41, v38  }
0x2cf: {  	v6 =	vld.idx.msk [tilespmem:v6+s25+$0x0], $0xffff;
	v50 =	vor.u32 v3, v56;
	v12 =	vmul.f32 v12, v54;
	v18 =	vadd.f32 v18, v37  }
0x2d0: {  	v51 =	vor.u32 v4, v56;
	v56 =	vld.idx.msk [tilespmem:v60+s25+$0x0], $0xffff;
	v60 =	vadd.f32 v55, v38;
	v62 =	vmul.f32 v58, v57  }
0x2d1: {  	v12 =	vadd.f32 v12, v18  }
0x2d2: {  	v17 =	vmul.f32 v17, v57;
	v37 =	vadd.f32 v62, v60;
	v47 =	vmul.f32 v44, v5  }
0x2d3: {  	v36 =	vadd.f32 v36, v39  }
0x2d4: {  	v39 =	vld.idx.msk [tilespmem:v50+s25+$0x0], $0xffff;
	v6 =	vmul.f32 v6, v10;
	v12 =	vadd.f32 v17, v12;
	v17 =	vadd.f32 v47, v37  }
0x2d5: {  	v45 =	vor.u32 v3, v53;
	v11 =	vmul.f32 v11, v54;
	v23 =	vadd.f32 v23, v36;
	v18 =	vld.idx.msk [tilespmem:v51+s25+$0x0], $0xffff  }
0x2d6: {  	v6 =	vadd.f32 v6, v17;
	v17 =	vor.u32 s16, v2;
	v2 =	vld [tilespmem:$0x1FF60]  }
0x2d7: {  	v11 =	vadd.f32 v11, v23;
	v23 =	vor.u32 v4, v53;
	v61 =	vld.idx.msk [tilespmem:v43+s25+$0x0], $0xffff  }
0x2d8: {  	v42 =	vld.idx.msk [tilespmem:v63+s12+$0x0], $0xffff  }
0x2d9: {  	v16 =	vld.idx.msk [tilespmem:v16+s25+$0x0], $0xffff  }
0x2da: {  	v63 =	vmul.f32 v59, v57;
	v46 =	vld.idx.msk [tilespmem:v45+s25+$0x0], $0xffff  }
0x2db: {  	v48 =	vmul.f32 v39, v10;
	v10 =	vmul.f32 v18, v10;
	v18 =	vor.u32 s16, v2;
	v2 =	vld [tilespmem:$0x1FF70]  }
0x2dc: {  	v36 =	vmul.f32 v56, v5;
	v11 =	vadd.f32 v63, v11;
	v23 =	vld.idx.msk [tilespmem:v23+s25+$0x0], $0xffff;
	v5 =	vmul.f32 v61, v5  }
0x2dd: {  	s17 =	simm.s32 $0x0  }
0x2de: {  	v49 =	vadd.s32 s17, v0;
	v11 =	vadd.f32 v36, v11;
	v5 =	vadd.f32 v5, v12  }
0x2df: {  	v36 =	vand.u32 $0x3F, v49;
	v12 =	vmul.f32 v16, v42;
	v16 =	vmul.f32 v46, v42  }
0x2e0: {  	v11 =	vadd.f32 v48, v11;
	v5 =	vadd.f32 v10, v5;
	v10 =	vor.u32 s16, v2  }
0x2e1: {  	v23 =	vmul.f32 v23, v42;
	v6 =	vadd.f32 v12, v6;
	v12 =	vor.u32 $0x240, v36  }
0x2e2: {  	s18 =	simm.s32 $0x3;
	v11 =	vadd.f32 v16, v11;
	v16 =	vor.u32 v7, v36  }
0x2e3: {  	v5 =	vadd.f32 v23, v5;
	[tilespmem:v17+s24+$0x0] =	vst.idx.msk $0xffff, v6;
	v6 =	vadd.s32 s18, v0;
	v17 =	vor.u32 v8, v36  }
0x2e4: {  	v6 =	vand.u32 $0x3F, v6;
	[tilespmem:v18+s24+$0x0] =	vst.idx.msk $0xffff, v11;
	v11 =	vor.u32 v9, v36  }
0x2e5: {  	s19 =	simm.s32 $0x2;
	v18 =	vor.u32 v7, v6;
	[tilespmem:v10+s24+$0x0] =	vst.idx.msk $0xffff, v5  }
0x2e6: {  	v5 =	vadd.s32 s19, v0;
	v10 =	vor.u32 $0x240, v6;
	v36 =	vld.idx.msk [tilespmem:v12+s12+$0x0], $0xffff  }
0x2e7: {  	s20 =	simm.s32 $0x1;
	v59 =	vor.u32 v9, v6;
	v5 =	vand.u32 $0x3F, v5;
	v16 =	vld.idx.msk [tilespmem:v16+s25+$0x0], $0xffff  }
0x2e8: {  	v12 =	vadd.s32 s20, v0;
	v38 =	vld.idx.msk [tilespmem:v17+s25+$0x0], $0xffff;
	v23 =	vor.u32 $0x240, v5  }
0x2e9: {  	v39 =	vld.idx.msk [tilespmem:v11+s25+$0x0], $0xffff;
	v12 =	vand.u32 $0x3F, v12;
	v50 =	vor.u32 v7, v5  }
0x2ea: {  	s19 =	simm.s32 $0x6;
	v53 =	vld.idx.msk [tilespmem:v18+s25+$0x0], $0xffff;
	v17 =	vor.u32 $0x240, v12  }
0x2eb: {  	v52 =	vadd.s32 s19, v0;
	v11 =	vor.u32 v7, v12;
	v55 =	vld.idx.msk [tilespmem:v10+s12+$0x0], $0xffff  }
0x2ec: {  	v57 =	vand.u32 $0x3F, v52;
	v10 =	vor.u32 v8, v12;
	v52 =	vmul.f32 v16, v36;
	v16 =	vld.idx.msk [tilespmem:v59+s25+$0x0], $0xffff  }
0x2ed: {  	v12 =	vor.u32 v9, v12;
	v56 =	vld.idx.msk [tilespmem:v23+s12+$0x0], $0xffff  }
0x2ee: {  	v40 =	vimm.f32 $0.0e+00;
	s18 =	simm.s32 $0x4;
	v2 =	vmov s16;
	s20 =	simm.s32 $0x7;
	v41 =	vld.idx.msk [tilespmem:v50+s25+$0x0], $0xffff;
	v23 =	vor.u32 v8, v5  }
0x2ef: {  	v18 =	vadd.s32 s18, v0;
	v54 =	vadd.s32 s20, v0;
	v44 =	vor.u32 v9, v5;
	v43 =	vld.idx.msk [tilespmem:v17+s12+$0x0], $0xffff  }
0x2f0: {  	v54 =	vand.u32 $0x3F, v54;
	v17 =	vand.u32 $0x3F, v18;
	v45 =	vld.idx.msk [tilespmem:v11+s25+$0x0], $0xffff;
	v18 =	vor.u32 v8, v6  }
0x2f1: {  	s18 =	simm.s32 $0x5;
	v61 =	vor.u32 v7, v57;
	v38 =	vmul.f32 v38, v36;
	v46 =	vor.u32 $0x240, v17;
	v37 =	vld.idx.msk [tilespmem:v10+s25+$0x0], $0xffff  }
0x2f2: {  	v36 =	vmul.f32 v39, v36;
	v5 =	vadd.s32 s18, v0;
	v47 =	vor.u32 v7, v17;
	v48 =	vld.idx.msk [tilespmem:v12+s25+$0x0], $0xffff  }
0x2f3: {  	v5 =	vand.u32 $0x3F, v5;
	v11 =	vor.u32 $0x240, v54;
	v49 =	vor.u32 v8, v17;
	v50 =	vld.idx.msk [tilespmem:v23+s25+$0x0], $0xffff  }
0x2f4: {  	v39 =	vadd.f32 v52, v40;
	v38 =	vadd.f32 v38, v40;
	v17 =	vor.u32 v9, v17;
	v23 =	vld.idx.msk [tilespmem:v44+s25+$0x0], $0xffff  }
0x2f5: {  	v6 =	vor.u32 $0x240, v5;
	v63 =	vor.u32 v7, v5;
	v62 =	vor.u32 v8, v5;
	v18 =	vld.idx.msk [tilespmem:v18+s25+$0x0], $0xffff  }
0x2f6: {  	[tilespmem:$0x1FE40] =	vst v2;
	v10 =	vor.u32 $0x240, v57;
	v12 =	vor.u32 v7, v54;
	v58 =	vld.idx.msk [tilespmem:v46+s12+$0x0], $0xffff;
	v46 =	vmul.f32 v45, v43  }
0x2f7: {  	v59 =	vld.idx.msk [tilespmem:v47+s25+$0x0], $0xffff;
	v52 =	vmul.f32 v37, v43;
	v37 =	vadd.f32 v36, v40;
	v40 =	vmul.f32 v48, v43  }
0x2f8: {  	s16 =	simm.s32 $0x8;
	v41 =	vmul.f32 v41, v56;
	v60 =	vld.idx.msk [tilespmem:v49+s25+$0x0], $0xffff;
	v39 =	vadd.f32 v46, v39;
	v36 =	vmul.f32 v50, v56  }
.LBB2_23:
0x2f9: {  	p0 =	sne.s32 s16, $0x3C;
	v42 =	vld.idx.msk [tilespmem:v17+s25+$0x0], $0xffff;
	v17 =	vadd.f32 v52, v38;
	v37 =	vadd.f32 v40, v37;
	v23 =	vmul.f32 v23, v56  }
0x2fa: {  	v18 =	vmul.f32 v18, v55;
	v11 =	vld.idx.msk [tilespmem:v11+s12+$0x0], $0xffff;
	v38 =	vadd.f32 v41, v39;
	v39 =	vmul.f32 v53, v55  }
0x2fb: {  	v16 =	vmul.f32 v16, v55;
	v53 =	vld.idx.msk [tilespmem:v12+s25+$0x0], $0xffff;
	v12 =	vadd.f32 v36, v17;
	v17 =	vadd.f32 v23, v37  }
0x2fc: {  	v23 =	vadd.s32 s16, v0;
	v36 =	vor.u32 v9, v5;
	v56 =	vld.idx.msk [tilespmem:v10+s12+$0x0], $0xffff;
	v37 =	vadd.f32 v39, v38  }
0x2fd: {  	s17 =	sadd.s32 $0x2, s16;
	s18 =	sadd.s32 $0x3, s16;
	v10 =	vor.u32 v8, v57;
	v41 =	vld.idx.msk [tilespmem:v61+s25+$0x0], $0xffff;
	v38 =	vadd.f32 v18, v12;
	v39 =	vadd.f32 v16, v17  }
0x2fe: {  	s19 =	sadd.s32 $0x1, s16;
	v5 =	vadd.s32 s17, v0;
	v12 =	vadd.s32 s18, v0;
	v40 =	vld.idx.msk [tilespmem:v6+s12+$0x0], $0xffff;
	v6 =	vor.u32 v9, v57  }
0x2ff: {  	v16 =	vand.u32 $0x3F, v23;
	v17 =	vadd.s32 s19, v0;
	v18 =	vor.u32 v8, v54;
	v43 =	vld.idx.msk [tilespmem:v63+s25+$0x0], $0xffff  }
0x300: {  	v45 =	vor.u32 v9, v54;
	v57 =	vand.u32 $0x3F, v5;
	v54 =	vand.u32 $0x3F, v12;
	v55 =	vmovc v11;
	v44 =	vld.idx.msk [tilespmem:v62+s25+$0x0], $0xffff  }
0x301: {  	v46 =	vor.u32 $0x240, v16;
	v47 =	vor.u32 v7, v16;
	v5 =	vand.u32 $0x3F, v17;
	v36 =	vld.idx.msk [tilespmem:v36+s25+$0x0], $0xffff  }
0x302: {  	v48 =	vor.u32 v8, v16;
	v17 =	vor.u32 v9, v16;
	v11 =	vor.u32 $0x240, v54;
	v49 =	vld.idx.msk [tilespmem:v10+s25+$0x0], $0xffff  }
0x303: {  	v61 =	vor.u32 v7, v57;
	v12 =	vor.u32 v7, v54;
	v10 =	vor.u32 $0x240, v57;
	v23 =	vld.idx.msk [tilespmem:v6+s25+$0x0], $0xffff  }
.Ltmp10:
0x304: {  	v50 =	vmul.f32 v59, v58;
	v63 =	vor.u32 v7, v5;
	v6 =	vor.u32 $0x240, v5;
	v18 =	vld.idx.msk [tilespmem:v18+s25+$0x0], $0xffff;
	(pc) =	sbr.rel @p0 .LBB2_23-.Ltmp10, $4  }
0x305: {  	v60 =	vmul.f32 v60, v58;
	v42 =	vmul.f32 v42, v58;
	v62 =	vor.u32 v8, v5;
	v16 =	vld.idx.msk [tilespmem:v45+s25+$0x0], $0xffff  }
0x306: {  	v43 =	vmul.f32 v43, v40;
	v45 =	vadd.f32 v50, v37;
	v52 =	vmul.f32 v44, v40;
	v58 =	vld.idx.msk [tilespmem:v46+s12+$0x0], $0xffff  }
0x307: {  	v38 =	vadd.f32 v60, v38;
	v37 =	vadd.f32 v42, v39;
	v40 =	vmul.f32 v36, v40;
	v59 =	vld.idx.msk [tilespmem:v47+s25+$0x0], $0xffff  }
0x308: {  	s16 =	sadd.s32 $0x4, s16;
	v41 =	vmul.f32 v41, v56;
	v39 =	vadd.f32 v43, v45;
	v36 =	vmul.f32 v49, v56;
	v60 =	vld.idx.msk [tilespmem:v48+s25+$0x0], $0xffff  }
0x309: {  	_ =	sdelay $0x1  }
0x30a: {  	v5 =	vor.u32 v9, v5;
	_ =	sdelay $0x1  }
0x30b: {  	v6 =	vld.idx.msk [tilespmem:v6+s12+$0x0], $0xffff  }
0x30c: {  	v43 =	vld.idx.msk [tilespmem:v63+s25+$0x0], $0xffff  }
0x30d: {  	v44 =	vld.idx.msk [tilespmem:v62+s25+$0x0], $0xffff  }
0x30e: {  	v37 =	vadd.f32 v40, v37;
	v23 =	vmul.f32 v23, v56;
	v5 =	vld.idx.msk [tilespmem:v5+s25+$0x0], $0xffff  }
0x30f: {  	v38 =	vadd.f32 v52, v38;
	v52 =	vor.u32 v8, v57  }
0x310: {  	v56 =	vmul.f32 v53, v55;
	v16 =	vmul.f32 v16, v55;
	v23 =	vadd.f32 v23, v37  }
0x311: {  	v17 =	vld.idx.msk [tilespmem:v17+s25+$0x0], $0xffff;
	v18 =	vmul.f32 v18, v55;
	v48 =	vor.u32 v8, v54;
	v55 =	vmov s15  }
0x312: {  	v2 =	vld [tilespmem:$0x1FF80];
	v16 =	vadd.f32 v16, v23;
	v23 =	vor.u32 v9, v54;
	v53 =	vmul.f32 v43, v6  }
0x313: {  	v11 =	vld.idx.msk [tilespmem:v11+s12+$0x0], $0xffff;
	v54 =	vmul.f32 v44, v6;
	v5 =	vmul.f32 v5, v6;
	v6 =	vshrl.u32 v55, $0x3  }
0x314: {  	v10 =	vld.idx.msk [tilespmem:v10+s12+$0x0], $0xffff;
	v42 =	vor.u32 v9, v57;
	v6 =	vshll.u32 v6, $0x3  }
0x315: {  	v50 =	vld.idx.msk [tilespmem:v61+s25+$0x0], $0xffff;
	v6 =	vbroadcast v6, $0x0  }
0x316: {  	v39 =	vadd.f32 v41, v39;
	v36 =	vadd.f32 v36, v38;
	v51 =	vmul.f32 v59, v58;
	v40 =	vld.idx.msk [tilespmem:v52+s25+$0x0], $0xffff  }
0x317: {  	v52 =	vmul.f32 v60, v58;
	v17 =	vmul.f32 v17, v58;
	v58 =	vadd.s32 v2, v6;
	v2 =	vld [tilespmem:$0x1FF90]  }
0x318: {  	v12 =	vld.idx.msk [tilespmem:v12+s25+$0x0], $0xffff  }
0x319: {  	v49 =	vadd.f32 v56, v39;
	v18 =	vadd.f32 v18, v36;
	v42 =	vld.idx.msk [tilespmem:v42+s25+$0x0], $0xffff  }
0x31a: {  	v38 =	vld.idx.msk [tilespmem:v48+s25+$0x0], $0xffff  }
0x31b: {  	v36 =	vadd.f32 v51, v49;
	v18 =	vadd.f32 v52, v18;
	v23 =	vld.idx.msk [tilespmem:v23+s25+$0x0], $0xffff  }
0x31c: {  	v56 =	vmul.f32 v50, v10;
	v16 =	vadd.f32 v17, v16;
	v59 =	vadd.s32 v2, v6;
	v2 =	vld [tilespmem:$0x1FFA0]  }
0x31d: {  	v12 =	vmul.f32 v12, v11;
	v17 =	vadd.f32 v53, v36;
	v18 =	vadd.f32 v54, v18  }
0x31e: {  	s20 =	simm.s32 $0x0;
	v57 =	vmul.f32 v40, v10;
	v10 =	vmul.f32 v42, v10;
	v5 =	vadd.f32 v5, v16  }
0x31f: {  	v60 =	vadd.s32 s20, v0;
	v16 =	vadd.f32 v56, v17;
	v17 =	vmul.f32 v38, v11  }
0x320: {  	v18 =	vadd.f32 v57, v18;
	v5 =	vadd.f32 v10, v5;
	v10 =	vand.u32 $0x3F, v60  }
0x321: {  	v11 =	vmul.f32 v23, v11;
	v12 =	vadd.f32 v12, v16;
	v6 =	vadd.s32 v2, v6  }
0x322: {  	s16 =	simm.s32 $0x3;
	v17 =	vadd.f32 v17, v18;
	v16 =	vor.u32 $0x280, v10  }
0x323: {  	v5 =	vadd.f32 v11, v5;
	v11 =	vadd.s32 s16, v0;
	[tilespmem:v58+s24+$0x0] =	vst.idx.msk $0xffff, v12;
	v12 =	vor.u32 v14, v10  }
0x324: {  	v18 =	vor.u32 v13, v10;
	v11 =	vand.u32 $0x3F, v11;
	v10 =	vor.u32 v15, v10  }
0x325: {  	s18 =	simm.s32 $0x1;
	[tilespmem:v59+s24+$0x0] =	vst.idx.msk $0xffff, v17;
	v17 =	vor.u32 v13, v11  }
0x326: {  	v23 =	vadd.s32 s18, v0;
	[tilespmem:v6+s24+$0x0] =	vst.idx.msk $0xffff, v5  }
0x327: {  	v23 =	vand.u32 $0x3F, v23;
	v6 =	vor.u32 $0x280, v11;
	v16 =	vld.idx.msk [tilespmem:v16+s12+$0x0], $0xffff  }
0x328: {  	v38 =	vld.idx.msk [tilespmem:v12+s25+$0x0], $0xffff;
	v12 =	vor.u32 $0x280, v23  }
0x329: {  	s17 =	simm.s32 $0x2;
	v39 =	vld.idx.msk [tilespmem:v10+s25+$0x0], $0xffff;
	v10 =	vor.u32 v13, v23  }
0x32a: {  	v5 =	vadd.s32 s17, v0;
	v53 =	vld.idx.msk [tilespmem:v17+s25+$0x0], $0xffff;
	v17 =	vor.u32 v15, v23  }
0x32b: {  	v46 =	vor.u32 v14, v11;
	v5 =	vand.u32 $0x3F, v5;
	v18 =	vld.idx.msk [tilespmem:v18+s25+$0x0], $0xffff  }
0x32c: {  	v61 =	vor.u32 $0x280, v5;
	v55 =	vld.idx.msk [tilespmem:v6+s12+$0x0], $0xffff  }
0x32d: {  	s20 =	simm.s32 $0x6;
	v62 =	vor.u32 v13, v5;
	v43 =	vld.idx.msk [tilespmem:v12+s12+$0x0], $0xffff  }
0x32e: {  	v36 =	vimm.f32 $0.0e+00;
	v52 =	vadd.s32 s20, v0;
	s16 =	simm.s32 $0x7;
	v6 =	vor.u32 v14, v23;
	v45 =	vld.idx.msk [tilespmem:v10+s25+$0x0], $0xffff  }
0x32f: {  	s19 =	simm.s32 $0x4;
	v57 =	vand.u32 $0x3F, v52;
	v54 =	vadd.s32 s16, v0;
	v63 =	vor.u32 v14, v5;
	v49 =	vld.idx.msk [tilespmem:v17+s25+$0x0], $0xffff  }
0x330: {  	v44 =	vor.u32 v15, v5;
	v23 =	vadd.s32 s19, v0;
	v52 =	vmul.f32 v18, v16;
	v18 =	vld.idx.msk [tilespmem:v46+s25+$0x0], $0xffff  }
0x331: {  	v54 =	vand.u32 $0x3F, v54;
	v59 =	vor.u32 v15, v11;
	s17 =	simm.s32 $0x5;
	v12 =	vand.u32 $0x3F, v23;
	v56 =	vld.idx.msk [tilespmem:v61+s12+$0x0], $0xffff  }
0x332: {  	v11 =	vor.u32 $0x280, v54;
	v5 =	vadd.s32 s17, v0;
	v41 =	vld.idx.msk [tilespmem:v62+s25+$0x0], $0xffff;
	v47 =	vor.u32 $0x280, v12  }
0x333: {  	v5 =	vand.u32 $0x3F, v5;
	v10 =	vor.u32 $0x280, v57;
	v48 =	vor.u32 v13, v12;
	v40 =	vld.idx.msk [tilespmem:v6+s25+$0x0], $0xffff  }
0x334: {  	v38 =	vmul.f32 v38, v16;
	v39 =	vmul.f32 v39, v16;
	v50 =	vor.u32 v14, v12;
	v2 =	vld.idx.msk [tilespmem:v63+s25+$0x0], $0xffff  }
0x335: {  	v17 =	vor.u32 v15, v12;
	v61 =	vor.u32 v13, v57;
	v12 =	vor.u32 v13, v54;
	v23 =	vld.idx.msk [tilespmem:v44+s25+$0x0], $0xffff  }
0x336: {  	v16 =	vld.idx.msk [tilespmem:v59+s25+$0x0], $0xffff;
	v63 =	vor.u32 v13, v5;
	v62 =	vor.u32 v14, v5;
	v42 =	vadd.f32 v52, v36  }
0x337: {  	v38 =	vadd.f32 v38, v36;
	v37 =	vadd.f32 v39, v36;
	v44 =	vmul.f32 v45, v43;
	v58 =	vld.idx.msk [tilespmem:v47+s12+$0x0], $0xffff  }
0x338: {  	v6 =	vor.u32 $0x280, v5;
	v59 =	vld.idx.msk [tilespmem:v48+s25+$0x0], $0xffff;
	v52 =	vmul.f32 v40, v43;
	v40 =	vmul.f32 v49, v43  }
0x339: {  	s15 =	simm.s32 $0x8;
	v60 =	vld.idx.msk [tilespmem:v50+s25+$0x0], $0xffff;
	v41 =	vmul.f32 v41, v56;
	v36 =	vmul.f32 v2, v56;
	v39 =	vadd.f32 v44, v42  }
.LBB2_25:
0x33a: {  	p0 =	sne.s32 s15, $0x3C;
	v2 =	vld.idx.msk [tilespmem:v17+s25+$0x0], $0xffff;
	v17 =	vadd.f32 v52, v38;
	v37 =	vadd.f32 v40, v37;
	v23 =	vmul.f32 v23, v56  }
0x33b: {  	v18 =	vmul.f32 v18, v55;
	v11 =	vld.idx.msk [tilespmem:v11+s12+$0x0], $0xffff;
	v38 =	vadd.f32 v41, v39;
	v39 =	vmul.f32 v53, v55  }
0x33c: {  	v16 =	vmul.f32 v16, v55;
	v53 =	vld.idx.msk [tilespmem:v12+s25+$0x0], $0xffff;
	v12 =	vadd.f32 v36, v17;
	v17 =	vadd.f32 v23, v37  }
0x33d: {  	v23 =	vadd.s32 s15, v0;
	v36 =	vor.u32 v15, v5;
	v56 =	vld.idx.msk [tilespmem:v10+s12+$0x0], $0xffff;
	v37 =	vadd.f32 v39, v38  }
0x33e: {  	s16 =	sadd.s32 $0x2, s15;
	s17 =	sadd.s32 $0x3, s15;
	v10 =	vor.u32 v14, v57;
	v41 =	vld.idx.msk [tilespmem:v61+s25+$0x0], $0xffff;
	v38 =	vadd.f32 v18, v12;
	v39 =	vadd.f32 v16, v17  }
0x33f: {  	s18 =	sadd.s32 $0x1, s15;
	v5 =	vadd.s32 s16, v0;
	v12 =	vadd.s32 s17, v0;
	v40 =	vld.idx.msk [tilespmem:v6+s12+$0x0], $0xffff;
	v6 =	vor.u32 v15, v57  }
0x340: {  	v16 =	vand.u32 $0x3F, v23;
	v17 =	vadd.s32 s18, v0;
	v18 =	vor.u32 v14, v54;
	v42 =	vld.idx.msk [tilespmem:v63+s25+$0x0], $0xffff  }
0x341: {  	v44 =	vor.u32 v15, v54;
	v57 =	vand.u32 $0x3F, v5;
	v54 =	vand.u32 $0x3F, v12;
	v55 =	vmovc v11;
	v43 =	vld.idx.msk [tilespmem:v62+s25+$0x0], $0xffff  }
0x342: {  	v45 =	vor.u32 $0x280, v16;
	v46 =	vor.u32 v13, v16;
	v5 =	vand.u32 $0x3F, v17;
	v36 =	vld.idx.msk [tilespmem:v36+s25+$0x0], $0xffff  }
0x343: {  	v47 =	vor.u32 v14, v16;
	v17 =	vor.u32 v15, v16;
	v11 =	vor.u32 $0x280, v54;
	v48 =	vld.idx.msk [tilespmem:v10+s25+$0x0], $0xffff  }
0x344: {  	v61 =	vor.u32 v13, v57;
	v12 =	vor.u32 v13, v54;
	v10 =	vor.u32 $0x280, v57;
	v23 =	vld.idx.msk [tilespmem:v6+s25+$0x0], $0xffff  }
.Ltmp11:
0x345: {  	v49 =	vmul.f32 v59, v58;
	v63 =	vor.u32 v13, v5;
	v6 =	vor.u32 $0x280, v5;
	v18 =	vld.idx.msk [tilespmem:v18+s25+$0x0], $0xffff;
	(pc) =	sbr.rel @p0 .LBB2_25-.Ltmp11, $4  }
0x346: {  	v50 =	vmul.f32 v60, v58;
	v2 =	vmul.f32 v2, v58;
	v62 =	vor.u32 v14, v5;
	v16 =	vld.idx.msk [tilespmem:v44+s25+$0x0], $0xffff  }
0x347: {  	v42 =	vmul.f32 v42, v40;
	v44 =	vadd.f32 v49, v37;
	v52 =	vmul.f32 v43, v40;
	v58 =	vld.idx.msk [tilespmem:v45+s12+$0x0], $0xffff  }
0x348: {  	v38 =	vadd.f32 v50, v38;
	v37 =	vadd.f32 v2, v39;
	v40 =	vmul.f32 v36, v40;
	v59 =	vld.idx.msk [tilespmem:v46+s25+$0x0], $0xffff  }
0x349: {  	s15 =	sadd.s32 $0x4, s15;
	v41 =	vmul.f32 v41, v56;
	v39 =	vadd.f32 v42, v44;
	v36 =	vmul.f32 v48, v56;
	v60 =	vld.idx.msk [tilespmem:v47+s25+$0x0], $0xffff  }
0x34a: {  	_ =	sdelay $0x3  }
0x34b: {  	v2 =	vld.idx.msk [tilespmem:v17+s25+$0x0], $0xffff;
	v5 =	vor.u32 v15, v5  }
0x34c: {  	v10 =	vld.idx.msk [tilespmem:v10+s12+$0x0], $0xffff;
	v50 =	vor.u32 v14, v57  }
0x34d: {  	v17 =	vadd.f32 v52, v38;
	v6 =	vld.idx.msk [tilespmem:v6+s12+$0x0], $0xffff;
	v52 =	vor.u32 v15, v57  }
0x34e: {  	v37 =	vadd.f32 v40, v37;
	v23 =	vmul.f32 v23, v56;
	v51 =	vmul.f32 v53, v55;
	v42 =	vld.idx.msk [tilespmem:v63+s25+$0x0], $0xffff  }
0x34f: {  	v18 =	vmul.f32 v18, v55;
	v57 =	vld.idx.msk [tilespmem:v61+s25+$0x0], $0xffff;
	v39 =	vadd.f32 v41, v39;
	v17 =	vadd.f32 v36, v17  }
0x350: {  	v53 =	vor.u32 v14, v54;
	v16 =	vmul.f32 v16, v55;
	v23 =	vadd.f32 v23, v37;
	v5 =	vld.idx.msk [tilespmem:v5+s25+$0x0], $0xffff  }
0x351: {  	v56 =	vadd.f32 v51, v39;
	v17 =	vadd.f32 v18, v17;
	v18 =	vmul.f32 v59, v58;
	v38 =	vld.idx.msk [tilespmem:v50+s25+$0x0], $0xffff  }
0x352: {  	v16 =	vadd.f32 v16, v23;
	v41 =	vld.idx.msk [tilespmem:v52+s25+$0x0], $0xffff;
	v2 =	vmul.f32 v2, v58  }
0x353: {  	v43 =	vld.idx.msk [tilespmem:v62+s25+$0x0], $0xffff;
	v61 =	vmul.f32 v42, v6;
	v18 =	vadd.f32 v18, v56  }
0x354: {  	v11 =	vld.idx.msk [tilespmem:v11+s12+$0x0], $0xffff;
	v23 =	vor.u32 v15, v54;
	v2 =	vadd.f32 v2, v16  }
0x355: {  	v12 =	vld.idx.msk [tilespmem:v12+s25+$0x0], $0xffff;
	v16 =	vadd.f32 v61, v18;
	v18 =	vmul.f32 v57, v10;
	v5 =	vmul.f32 v5, v6  }
0x356: {  	v63 =	vmov s11;
	v36 =	vld.idx.msk [tilespmem:v53+s25+$0x0], $0xffff;
	v40 =	vmul.f32 v38, v10  }
0x357: {  	v2 =	vadd.f32 v5, v2;
	v5 =	vmul.f32 v41, v10;
	v10 =	vadd.f32 v18, v16;
	v18 =	vld [tilespmem:$0x1FFB0]  }
0x358: {  	v60 =	vmul.f32 v60, v58;
	v62 =	vmul.f32 v43, v6;
	v42 =	vld [tilespmem:$0x1FFC0];
	v6 =	vshrl.u32 v63, $0x3  }
0x359: {  	v6 =	vshll.u32 v6, $0x3;
	v2 =	vadd.f32 v5, v2;
	v5 =	vld [tilespmem:$0x1FFD0]  }
0x35a: {  	v17 =	vadd.f32 v60, v17;
	v23 =	vld.idx.msk [tilespmem:v23+s25+$0x0], $0xffff;
	v6 =	vbroadcast v6, $0x0;
	_ =	sdelay $0x1  }
0x35b: {  	s15 =	simm.s32 $0x0;
	v12 =	vmul.f32 v12, v11;
	v17 =	vadd.f32 v62, v17;
	v18 =	vadd.s32 v18, v6  }
0x35c: {  	v43 =	vadd.s32 s15, v0;
	v16 =	vmul.f32 v36, v11;
	v36 =	vadd.s32 v42, v6  }
0x35d: {  	v17 =	vadd.f32 v40, v17;
	v5 =	vadd.s32 v5, v6;
	v6 =	vand.u32 $0x3F, v43  }
0x35e: {  	v11 =	vmul.f32 v23, v11;
	v10 =	vadd.f32 v12, v10;
	v12 =	vor.u32 $0x2C0, v6  }
0x35f: {  	s16 =	simm.s32 $0x3;
	v16 =	vadd.f32 v16, v17;
	v17 =	vor.u32 v19, v6  }
0x360: {  	v2 =	vadd.f32 v11, v2;
	v11 =	vor.u32 v20, v6;
	[tilespmem:v18+s24+$0x0] =	vst.idx.msk $0xffff, v10;
	v10 =	vadd.s32 s16, v0  }
0x361: {  	s17 =	simm.s32 $0x2;
	v6 =	vor.u32 v21, v6;
	[tilespmem:v36+s24+$0x0] =	vst.idx.msk $0xffff, v16;
	v10 =	vand.u32 $0x3F, v10  }
0x362: {  	[tilespmem:v5+s24+$0x0] =	vst.idx.msk $0xffff, v2;
	v2 =	vadd.s32 s17, v0;
	v5 =	vor.u32 $0x2C0, v10  }
0x363: {  	s18 =	simm.s32 $0x1;
	v16 =	vor.u32 v19, v10;
	v2 =	vand.u32 $0x3F, v2;
	v36 =	vld.idx.msk [tilespmem:v12+s12+$0x0], $0xffff  }
0x364: {  	v12 =	vadd.s32 s18, v0;
	v37 =	vld.idx.msk [tilespmem:v17+s25+$0x0], $0xffff;
	v18 =	vor.u32 $0x2C0, v2  }
0x365: {  	v38 =	vld.idx.msk [tilespmem:v11+s25+$0x0], $0xffff;
	v12 =	vand.u32 $0x3F, v12;
	v17 =	vor.u32 v19, v2  }
0x366: {  	v39 =	vld.idx.msk [tilespmem:v6+s25+$0x0], $0xffff;
	v11 =	vor.u32 $0x2C0, v12  }
0x367: {  	v6 =	vor.u32 v19, v12;
	v55 =	vld.idx.msk [tilespmem:v5+s12+$0x0], $0xffff  }
0x368: {  	v5 =	vor.u32 v20, v12;
	v53 =	vld.idx.msk [tilespmem:v16+s25+$0x0], $0xffff  }
0x369: {  	s15 =	simm.s32 $0x7;
	v12 =	vor.u32 v21, v12;
	v56 =	vld.idx.msk [tilespmem:v18+s12+$0x0], $0xffff  }
0x36a: {  	v40 =	vimm.f32 $0.0e+00;
	v23 =	vadd.s32 s15, v0;
	v41 =	vld.idx.msk [tilespmem:v17+s25+$0x0], $0xffff;
	v18 =	vor.u32 v20, v2  }
0x36b: {  	s19 =	simm.s32 $0x4;
	s20 =	simm.s32 $0x6;
	v54 =	vand.u32 $0x3F, v23;
	v44 =	vor.u32 v20, v10;
	v2 =	vor.u32 v21, v2;
	v42 =	vld.idx.msk [tilespmem:v11+s12+$0x0], $0xffff  }
0x36c: {  	s16 =	simm.s32 $0x5;
	v46 =	vor.u32 v21, v10;
	v16 =	vadd.s32 s19, v0;
	v17 =	vadd.s32 s20, v0;
	v43 =	vld.idx.msk [tilespmem:v6+s25+$0x0], $0xffff  }
0x36d: {  	v11 =	vand.u32 $0x3F, v16;
	v16 =	vadd.s32 s16, v0;
	v57 =	vand.u32 $0x3F, v17;
	v45 =	vld.idx.msk [tilespmem:v5+s25+$0x0], $0xffff  }
0x36e: {  	v47 =	vor.u32 $0x2C0, v11;
	v48 =	vor.u32 v19, v11;
	v50 =	vor.u32 v20, v11;
	v49 =	vld.idx.msk [tilespmem:v12+s25+$0x0], $0xffff  }
0x36f: {  	v17 =	vor.u32 v21, v11;
	v11 =	vor.u32 $0x2C0, v54;
	v10 =	vor.u32 $0x2C0, v57;
	v51 =	vld.idx.msk [tilespmem:v18+s25+$0x0], $0xffff  }
0x370: {  	v61 =	vor.u32 v19, v57;
	v5 =	vand.u32 $0x3F, v16;
	v12 =	vor.u32 v19, v54;
	v23 =	vld.idx.msk [tilespmem:v2+s25+$0x0], $0xffff  }
0x371: {  	v6 =	vor.u32 $0x2C0, v5;
	v2 =	vmul.f32 v37, v36;
	v18 =	vld.idx.msk [tilespmem:v44+s25+$0x0], $0xffff;
	v44 =	vmul.f32 v38, v36  }
0x372: {  	v16 =	vld.idx.msk [tilespmem:v46+s25+$0x0], $0xffff;
	v63 =	vor.u32 v19, v5;
	v62 =	vor.u32 v20, v5;
	v36 =	vmul.f32 v39, v36  }
0x373: {  	v58 =	vld.idx.msk [tilespmem:v47+s12+$0x0], $0xffff;
	v2 =	vadd.f32 v2, v40;
	v47 =	vmul.f32 v43, v42;
	v38 =	vadd.f32 v44, v40  }
0x374: {  	v59 =	vld.idx.msk [tilespmem:v48+s25+$0x0], $0xffff;
	v37 =	vadd.f32 v36, v40;
	v52 =	vmul.f32 v45, v42;
	v40 =	vmul.f32 v49, v42  }
0x375: {  	s11 =	simm.s32 $0x8;
	v41 =	vmul.f32 v41, v56;
	v60 =	vld.idx.msk [tilespmem:v50+s25+$0x0], $0xffff;
	v39 =	vadd.f32 v47, v2;
	v36 =	vmul.f32 v51, v56  }
.LBB2_27:
0x376: {  	p0 =	sne.s32 s11, $0x3C;
	v2 =	vld.idx.msk [tilespmem:v17+s25+$0x0], $0xffff;
	v17 =	vadd.f32 v52, v38;
	v37 =	vadd.f32 v40, v37;
	v23 =	vmul.f32 v23, v56  }
0x377: {  	v18 =	vmul.f32 v18, v55;
	v11 =	vld.idx.msk [tilespmem:v11+s12+$0x0], $0xffff;
	v38 =	vadd.f32 v41, v39;
	v39 =	vmul.f32 v53, v55  }
0x378: {  	v16 =	vmul.f32 v16, v55;
	v53 =	vld.idx.msk [tilespmem:v12+s25+$0x0], $0xffff;
	v12 =	vadd.f32 v36, v17;
	v17 =	vadd.f32 v23, v37  }
0x379: {  	v23 =	vadd.s32 s11, v0;
	v36 =	vor.u32 v21, v5;
	v56 =	vld.idx.msk [tilespmem:v10+s12+$0x0], $0xffff;
	v37 =	vadd.f32 v39, v38  }
0x37a: {  	s15 =	sadd.s32 $0x2, s11;
	s16 =	sadd.s32 $0x3, s11;
	v10 =	vor.u32 v20, v57;
	v41 =	vld.idx.msk [tilespmem:v61+s25+$0x0], $0xffff;
	v38 =	vadd.f32 v18, v12;
	v39 =	vadd.f32 v16, v17  }
0x37b: {  	s17 =	sadd.s32 $0x1, s11;
	v5 =	vadd.s32 s15, v0;
	v12 =	vadd.s32 s16, v0;
	v40 =	vld.idx.msk [tilespmem:v6+s12+$0x0], $0xffff;
	v6 =	vor.u32 v21, v57  }
0x37c: {  	v16 =	vand.u32 $0x3F, v23;
	v17 =	vadd.s32 s17, v0;
	v18 =	vor.u32 v20, v54;
	v42 =	vld.idx.msk [tilespmem:v63+s25+$0x0], $0xffff  }
0x37d: {  	v44 =	vor.u32 v21, v54;
	v57 =	vand.u32 $0x3F, v5;
	v54 =	vand.u32 $0x3F, v12;
	v55 =	vmovc v11;
	v43 =	vld.idx.msk [tilespmem:v62+s25+$0x0], $0xffff  }
0x37e: {  	v45 =	vor.u32 $0x2C0, v16;
	v46 =	vor.u32 v19, v16;
	v5 =	vand.u32 $0x3F, v17;
	v36 =	vld.idx.msk [tilespmem:v36+s25+$0x0], $0xffff  }
0x37f: {  	v47 =	vor.u32 v20, v16;
	v17 =	vor.u32 v21, v16;
	v11 =	vor.u32 $0x2C0, v54;
	v48 =	vld.idx.msk [tilespmem:v10+s25+$0x0], $0xffff  }
0x380: {  	v61 =	vor.u32 v19, v57;
	v12 =	vor.u32 v19, v54;
	v10 =	vor.u32 $0x2C0, v57;
	v23 =	vld.idx.msk [tilespmem:v6+s25+$0x0], $0xffff  }
.Ltmp12:
0x381: {  	v49 =	vmul.f32 v59, v58;
	v63 =	vor.u32 v19, v5;
	v6 =	vor.u32 $0x2C0, v5;
	v18 =	vld.idx.msk [tilespmem:v18+s25+$0x0], $0xffff;
	(pc) =	sbr.rel @p0 .LBB2_27-.Ltmp12, $4  }
0x382: {  	v50 =	vmul.f32 v60, v58;
	v2 =	vmul.f32 v2, v58;
	v62 =	vor.u32 v20, v5;
	v16 =	vld.idx.msk [tilespmem:v44+s25+$0x0], $0xffff  }
0x383: {  	v42 =	vmul.f32 v42, v40;
	v44 =	vadd.f32 v49, v37;
	v52 =	vmul.f32 v43, v40;
	v58 =	vld.idx.msk [tilespmem:v45+s12+$0x0], $0xffff  }
0x384: {  	v38 =	vadd.f32 v50, v38;
	v37 =	vadd.f32 v2, v39;
	v40 =	vmul.f32 v36, v40;
	v59 =	vld.idx.msk [tilespmem:v46+s25+$0x0], $0xffff  }
0x385: {  	s11 =	sadd.s32 $0x4, s11;
	v41 =	vmul.f32 v41, v56;
	v39 =	vadd.f32 v42, v44;
	v36 =	vmul.f32 v48, v56;
	v60 =	vld.idx.msk [tilespmem:v47+s25+$0x0], $0xffff  }
0x386: {  	_ =	sdelay $0x3  }
0x387: {  	v2 =	vld.idx.msk [tilespmem:v17+s25+$0x0], $0xffff;
	v5 =	vor.u32 v21, v5  }
0x388: {  	v10 =	vld.idx.msk [tilespmem:v10+s12+$0x0], $0xffff;
	v50 =	vor.u32 v20, v57  }
0x389: {  	v17 =	vadd.f32 v52, v38;
	v6 =	vld.idx.msk [tilespmem:v6+s12+$0x0], $0xffff;
	v52 =	vor.u32 v21, v57  }
0x38a: {  	v37 =	vadd.f32 v40, v37;
	v23 =	vmul.f32 v23, v56;
	v51 =	vmul.f32 v53, v55;
	v42 =	vld.idx.msk [tilespmem:v63+s25+$0x0], $0xffff  }
0x38b: {  	v18 =	vmul.f32 v18, v55;
	v57 =	vld.idx.msk [tilespmem:v61+s25+$0x0], $0xffff;
	v39 =	vadd.f32 v41, v39;
	v17 =	vadd.f32 v36, v17  }
0x38c: {  	v16 =	vmul.f32 v16, v55;
	v23 =	vadd.f32 v23, v37;
	v5 =	vld.idx.msk [tilespmem:v5+s25+$0x0], $0xffff  }
0x38d: {  	v56 =	vadd.f32 v51, v39;
	v17 =	vadd.f32 v18, v17;
	v18 =	vmul.f32 v59, v58;
	v38 =	vld.idx.msk [tilespmem:v50+s25+$0x0], $0xffff  }
0x38e: {  	v16 =	vadd.f32 v16, v23;
	v41 =	vld.idx.msk [tilespmem:v52+s25+$0x0], $0xffff;
	v2 =	vmul.f32 v2, v58  }
0x38f: {  	v53 =	vor.u32 v20, v54;
	v43 =	vld.idx.msk [tilespmem:v62+s25+$0x0], $0xffff;
	v61 =	vmul.f32 v42, v6;
	v18 =	vadd.f32 v18, v56  }
0x390: {  	v11 =	vld.idx.msk [tilespmem:v11+s12+$0x0], $0xffff;
	v23 =	vor.u32 v21, v54;
	v2 =	vadd.f32 v2, v16  }
0x391: {  	v12 =	vld.idx.msk [tilespmem:v12+s25+$0x0], $0xffff;
	v16 =	vadd.f32 v61, v18;
	v18 =	vmul.f32 v57, v10;
	v5 =	vmul.f32 v5, v6  }
0x392: {  	v63 =	vmov s9;
	v45 =	vld [tilespmem:$0x1FF30];
	v44 =	vmul.f32 v38, v10  }
0x393: {  	v2 =	vadd.f32 v5, v2;
	v5 =	vmul.f32 v41, v10;
	v10 =	vadd.f32 v18, v16;
	v18 =	vld [tilespmem:$0x1FF20]  }
0x394: {  	v60 =	vmul.f32 v60, v58;
	v36 =	vld.idx.msk [tilespmem:v53+s25+$0x0], $0xffff;
	v62 =	vmul.f32 v43, v6;
	v6 =	vshrl.u32 v63, $0x3  }
0x395: {  	v6 =	vshll.u32 v6, $0x3;
	v2 =	vadd.f32 v5, v2;
	v5 =	vld [tilespmem:$0x1FF40]  }
0x396: {  	v17 =	vadd.f32 v60, v17;
	v23 =	vld.idx.msk [tilespmem:v23+s25+$0x0], $0xffff;
	v6 =	vbroadcast v6, $0x0  }
0x397: {  	s15 =	simm.s32 $0x0  }
0x398: {  	v46 =	vadd.s32 s15, v0;
	v17 =	vadd.f32 v62, v17;
	v18 =	vadd.s32 v18, v6  }
0x399: {  	v12 =	vmul.f32 v12, v11;
	v16 =	vmul.f32 v36, v11;
	v36 =	vadd.s32 v45, v6  }
0x39a: {  	v17 =	vadd.f32 v44, v17;
	v5 =	vadd.s32 v5, v6;
	v6 =	vand.u32 $0x3F, v46  }
0x39b: {  	v11 =	vmul.f32 v23, v11;
	v10 =	vadd.f32 v12, v10;
	v12 =	vor.u32 $0x300, v6  }
0x39c: {  	s16 =	simm.s32 $0x3;
	v16 =	vadd.f32 v16, v17;
	v17 =	vor.u32 v29, v6  }
0x39d: {  	v2 =	vadd.f32 v11, v2;
	v11 =	vor.u32 v25, v6;
	[tilespmem:v18+s24+$0x0] =	vst.idx.msk $0xffff, v10;
	v10 =	vadd.s32 s16, v0  }
0x39e: {  	s17 =	simm.s32 $0x2;
	v6 =	vor.u32 v24, v6;
	[tilespmem:v36+s24+$0x0] =	vst.idx.msk $0xffff, v16;
	v10 =	vand.u32 $0x3F, v10  }
0x39f: {  	[tilespmem:v5+s24+$0x0] =	vst.idx.msk $0xffff, v2;
	v2 =	vadd.s32 s17, v0;
	v5 =	vor.u32 $0x300, v10  }
0x3a0: {  	s18 =	simm.s32 $0x1;
	v16 =	vor.u32 v29, v10;
	v2 =	vand.u32 $0x3F, v2;
	v39 =	vld.idx.msk [tilespmem:v12+s12+$0x0], $0xffff  }
0x3a1: {  	v12 =	vadd.s32 s18, v0;
	v40 =	vld.idx.msk [tilespmem:v17+s25+$0x0], $0xffff;
	v18 =	vor.u32 $0x300, v2  }
0x3a2: {  	v41 =	vld.idx.msk [tilespmem:v11+s25+$0x0], $0xffff;
	v12 =	vand.u32 $0x3F, v12;
	v17 =	vor.u32 v29, v2  }
0x3a3: {  	v42 =	vld.idx.msk [tilespmem:v6+s25+$0x0], $0xffff;
	v11 =	vor.u32 $0x300, v12  }
0x3a4: {  	v6 =	vor.u32 v29, v12;
	v38 =	vld.idx.msk [tilespmem:v5+s12+$0x0], $0xffff  }
0x3a5: {  	v5 =	vor.u32 v25, v12;
	v36 =	vld.idx.msk [tilespmem:v16+s25+$0x0], $0xffff  }
0x3a6: {  	s11 =	simm.s32 $0x7;
	v12 =	vor.u32 v24, v12;
	v53 =	vld.idx.msk [tilespmem:v18+s12+$0x0], $0xffff  }
0x3a7: {  	v43 =	vimm.f32 $0.0e+00;
	v23 =	vadd.s32 s11, v0;
	v63 =	vld.idx.msk [tilespmem:v17+s25+$0x0], $0xffff;
	v18 =	vor.u32 v25, v2  }
0x3a8: {  	s19 =	simm.s32 $0x4;
	s20 =	simm.s32 $0x6;
	v37 =	vand.u32 $0x3F, v23;
	v47 =	vor.u32 v25, v10;
	v2 =	vor.u32 v24, v2;
	v45 =	vld.idx.msk [tilespmem:v11+s12+$0x0], $0xffff  }
0x3a9: {  	s15 =	simm.s32 $0x5;
	v49 =	vor.u32 v24, v10;
	v16 =	vadd.s32 s19, v0;
	v17 =	vadd.s32 s20, v0;
	v46 =	vld.idx.msk [tilespmem:v6+s25+$0x0], $0xffff  }
0x3aa: {  	v11 =	vand.u32 $0x3F, v16;
	v16 =	vadd.s32 s15, v0;
	v54 =	vand.u32 $0x3F, v17;
	v48 =	vld.idx.msk [tilespmem:v5+s25+$0x0], $0xffff  }
0x3ab: {  	v50 =	vor.u32 $0x300, v11;
	v51 =	vor.u32 v29, v11;
	v61 =	vor.u32 v25, v11;
	v57 =	vld.idx.msk [tilespmem:v12+s25+$0x0], $0xffff  }
0x3ac: {  	v17 =	vor.u32 v24, v11;
	v11 =	vor.u32 $0x300, v37;
	v10 =	vor.u32 $0x300, v54;
	v44 =	vld.idx.msk [tilespmem:v18+s25+$0x0], $0xffff  }
0x3ad: {  	v58 =	vor.u32 v29, v54;
	v5 =	vand.u32 $0x3F, v16;
	v12 =	vor.u32 v29, v37;
	v23 =	vld.idx.msk [tilespmem:v2+s25+$0x0], $0xffff  }
0x3ae: {  	v6 =	vor.u32 $0x300, v5;
	v2 =	vmul.f32 v40, v39;
	v18 =	vld.idx.msk [tilespmem:v47+s25+$0x0], $0xffff;
	v47 =	vmul.f32 v41, v39  }
0x3af: {  	v16 =	vld.idx.msk [tilespmem:v49+s25+$0x0], $0xffff;
	v60 =	vor.u32 v29, v5;
	v59 =	vor.u32 v25, v5;
	v39 =	vmul.f32 v42, v39  }
0x3b0: {  	v55 =	vld.idx.msk [tilespmem:v50+s12+$0x0], $0xffff;
	v2 =	vadd.f32 v2, v43;
	v50 =	vmul.f32 v46, v45;
	v40 =	vadd.f32 v47, v43  }
0x3b1: {  	v56 =	vld.idx.msk [tilespmem:v51+s25+$0x0], $0xffff;
	v39 =	vadd.f32 v39, v43;
	v52 =	vmul.f32 v48, v45;
	v62 =	vmul.f32 v57, v45  }
0x3b2: {  	s9 =	simm.s32 $0x8;
	v63 =	vmul.f32 v63, v53;
	v57 =	vld.idx.msk [tilespmem:v61+s25+$0x0], $0xffff;
	v41 =	vadd.f32 v50, v2;
	v61 =	vmul.f32 v44, v53  }
.LBB2_29:
0x3b3: {  	p0 =	sne.s32 s9, $0x3C;
	v2 =	vld.idx.msk [tilespmem:v17+s25+$0x0], $0xffff;
	v17 =	vadd.f32 v52, v40;
	v39 =	vadd.f32 v62, v39;
	v23 =	vmul.f32 v23, v53  }
0x3b4: {  	v18 =	vmul.f32 v18, v38;
	v11 =	vld.idx.msk [tilespmem:v11+s12+$0x0], $0xffff;
	v40 =	vadd.f32 v63, v41;
	v41 =	vmul.f32 v36, v38  }
0x3b5: {  	v16 =	vmul.f32 v16, v38;
	v36 =	vld.idx.msk [tilespmem:v12+s25+$0x0], $0xffff;
	v12 =	vadd.f32 v61, v17;
	v17 =	vadd.f32 v23, v39  }
0x3b6: {  	v23 =	vadd.s32 s9, v0;
	v39 =	vor.u32 v24, v5;
	v53 =	vld.idx.msk [tilespmem:v10+s12+$0x0], $0xffff;
	v40 =	vadd.f32 v41, v40  }
0x3b7: {  	s11 =	sadd.s32 $0x2, s9;
	s15 =	sadd.s32 $0x3, s9;
	v10 =	vor.u32 v25, v54;
	v42 =	vld.idx.msk [tilespmem:v58+s25+$0x0], $0xffff;
	v41 =	vadd.f32 v18, v12;
	v43 =	vadd.f32 v16, v17  }
0x3b8: {  	s16 =	sadd.s32 $0x1, s9;
	v5 =	vadd.s32 s11, v0;
	v12 =	vadd.s32 s15, v0;
	v44 =	vld.idx.msk [tilespmem:v6+s12+$0x0], $0xffff;
	v6 =	vor.u32 v24, v54  }
0x3b9: {  	v16 =	vand.u32 $0x3F, v23;
	v17 =	vadd.s32 s16, v0;
	v18 =	vor.u32 v25, v37;
	v45 =	vld.idx.msk [tilespmem:v60+s25+$0x0], $0xffff  }
0x3ba: {  	v47 =	vor.u32 v24, v37;
	v54 =	vand.u32 $0x3F, v5;
	v37 =	vand.u32 $0x3F, v12;
	v38 =	vmovc v11;
	v46 =	vld.idx.msk [tilespmem:v59+s25+$0x0], $0xffff  }
0x3bb: {  	v48 =	vor.u32 $0x300, v16;
	v49 =	vor.u32 v29, v16;
	v5 =	vand.u32 $0x3F, v17;
	v50 =	vld.idx.msk [tilespmem:v39+s25+$0x0], $0xffff  }
0x3bc: {  	v51 =	vor.u32 v25, v16;
	v17 =	vor.u32 v24, v16;
	v11 =	vor.u32 $0x300, v37;
	v61 =	vld.idx.msk [tilespmem:v10+s25+$0x0], $0xffff  }
0x3bd: {  	v58 =	vor.u32 v29, v54;
	v12 =	vor.u32 v29, v37;
	v10 =	vor.u32 $0x300, v54;
	v23 =	vld.idx.msk [tilespmem:v6+s25+$0x0], $0xffff  }
.Ltmp13:
0x3be: {  	v60 =	vor.u32 v29, v5;
	v39 =	vmul.f32 v56, v55;
	v6 =	vor.u32 $0x300, v5;
	v18 =	vld.idx.msk [tilespmem:v18+s25+$0x0], $0xffff;
	(pc) =	sbr.rel @p0 .LBB2_29-.Ltmp13, $4  }
0x3bf: {  	v57 =	vmul.f32 v57, v55;
	v2 =	vmul.f32 v2, v55;
	v59 =	vor.u32 v25, v5;
	v16 =	vld.idx.msk [tilespmem:v47+s25+$0x0], $0xffff  }
0x3c0: {  	v45 =	vmul.f32 v45, v44;
	v47 =	vadd.f32 v39, v40;
	v52 =	vmul.f32 v46, v44;
	v55 =	vld.idx.msk [tilespmem:v48+s12+$0x0], $0xffff  }
0x3c1: {  	v40 =	vadd.f32 v57, v41;
	v39 =	vadd.f32 v2, v43;
	v62 =	vmul.f32 v50, v44;
	v56 =	vld.idx.msk [tilespmem:v49+s25+$0x0], $0xffff  }
0x3c2: {  	s9 =	sadd.s32 $0x4, s9;
	v63 =	vmul.f32 v42, v53;
	v41 =	vadd.f32 v45, v47;
	v61 =	vmul.f32 v61, v53;
	v57 =	vld.idx.msk [tilespmem:v51+s25+$0x0], $0xffff  }
0x3c3: {  	_ =	sdelay $0x3  }
0x3c4: {  	v2 =	vld.idx.msk [tilespmem:v17+s25+$0x0], $0xffff  }
0x3c5: {  	v5 =	vor.u32 v24, v5;
	v10 =	vld.idx.msk [tilespmem:v10+s12+$0x0], $0xffff  }
0x3c6: {  	v17 =	vadd.f32 v52, v40;
	v29 =	vadd.f32 v62, v39;
	v52 =	vor.u32 v25, v54;
	v6 =	vld.idx.msk [tilespmem:v6+s12+$0x0], $0xffff  }
0x3c7: {  	v23 =	vmul.f32 v23, v53;
	v36 =	vmul.f32 v36, v38;
	v54 =	vor.u32 v24, v54;
	v42 =	vld.idx.msk [tilespmem:v60+s25+$0x0], $0xffff  }
0x3c8: {  	v18 =	vmul.f32 v18, v38;
	v43 =	vld.idx.msk [tilespmem:v59+s25+$0x0], $0xffff;
	v53 =	vadd.f32 v63, v41;
	v17 =	vadd.f32 v61, v17  }
0x3c9: {  	v59 =	vld.idx.msk [tilespmem:v58+s25+$0x0], $0xffff;
	v16 =	vmul.f32 v16, v38;
	v23 =	vadd.f32 v23, v29  }
0x3ca: {  	v25 =	vor.u32 v25, v37;
	v29 =	vadd.f32 v36, v53;
	v17 =	vadd.f32 v18, v17;
	v5 =	vld.idx.msk [tilespmem:v5+s25+$0x0], $0xffff  }
0x3cb: {  	v18 =	vmul.f32 v56, v55;
	v16 =	vadd.f32 v16, v23;
	v23 =	vor.u32 v24, v37;
	v24 =	vld.idx.msk [tilespmem:v52+s25+$0x0], $0xffff  }
0x3cc: {  	v60 =	vmul.f32 v57, v55;
	v61 =	vld.idx.msk [tilespmem:v54+s25+$0x0], $0xffff;
	v2 =	vmul.f32 v2, v55  }
0x3cd: {  	v18 =	vadd.f32 v18, v29;
	v29 =	vmul.f32 v42, v6  }
0x3ce: {  	v11 =	vld.idx.msk [tilespmem:v11+s12+$0x0], $0xffff;
	v62 =	vmul.f32 v43, v6;
	v17 =	vadd.f32 v60, v17;
	v2 =	vadd.f32 v2, v16  }
0x3cf: {  	v12 =	vld.idx.msk [tilespmem:v12+s25+$0x0], $0xffff;
	v16 =	vadd.f32 v29, v18;
	v18 =	vmul.f32 v59, v10;
	v5 =	vmul.f32 v5, v6  }
0x3d0: {  	v63 =	vmov s2;
	v25 =	vld.idx.msk [tilespmem:v25+s25+$0x0], $0xffff;
	v17 =	vadd.f32 v62, v17;
	v24 =	vmul.f32 v24, v10  }
0x3d1: {  	v2 =	vadd.f32 v5, v2;
	v5 =	vmul.f32 v61, v10;
	v10 =	vadd.f32 v18, v16;
	v18 =	vld [tilespmem:$0x1FEF0]  }
0x3d2: {  	v6 =	vshrl.u32 v63, $0x3;
	v17 =	vadd.f32 v24, v17;
	v24 =	vld [tilespmem:$0x1FF00]  }
0x3d3: {  	v6 =	vshll.u32 v6, $0x3;
	v2 =	vadd.f32 v5, v2;
	v5 =	vld [tilespmem:$0x1FF10]  }
0x3d4: {  	v23 =	vld.idx.msk [tilespmem:v23+s25+$0x0], $0xffff;
	v6 =	vbroadcast v6, $0x0;
	_ =	sdelay $0x1  }
0x3d5: {  	s15 =	simm.s32 $0x0;
	v12 =	vmul.f32 v12, v11;
	v18 =	vadd.s32 v18, v6  }
0x3d6: {  	v16 =	vmul.f32 v25, v11;
	v25 =	vadd.s32 s15, v0;
	v24 =	vadd.s32 v24, v6  }
0x3d7: {  	v5 =	vadd.s32 v5, v6;
	v6 =	vand.u32 $0x3F, v25  }
0x3d8: {  	v11 =	vmul.f32 v23, v11;
	v10 =	vadd.f32 v12, v10;
	v12 =	vor.u32 $0x340, v6  }
0x3d9: {  	s16 =	simm.s32 $0x3;
	v16 =	vadd.f32 v16, v17;
	v17 =	vor.u32 v31, v6  }
0x3da: {  	v2 =	vadd.f32 v11, v2;
	v11 =	vor.u32 v27, v6;
	[tilespmem:v18+s24+$0x0] =	vst.idx.msk $0xffff, v10;
	v10 =	vadd.s32 s16, v0  }
0x3db: {  	s17 =	simm.s32 $0x2;
	v6 =	vor.u32 v26, v6;
	[tilespmem:v24+s24+$0x0] =	vst.idx.msk $0xffff, v16;
	v10 =	vand.u32 $0x3F, v10  }
0x3dc: {  	[tilespmem:v5+s24+$0x0] =	vst.idx.msk $0xffff, v2;
	v2 =	vadd.s32 s17, v0;
	v5 =	vor.u32 $0x340, v10  }
0x3dd: {  	s18 =	simm.s32 $0x1;
	v16 =	vor.u32 v31, v10;
	v2 =	vand.u32 $0x3F, v2;
	v38 =	vld.idx.msk [tilespmem:v12+s12+$0x0], $0xffff  }
0x3de: {  	v12 =	vadd.s32 s18, v0;
	v39 =	vld.idx.msk [tilespmem:v17+s25+$0x0], $0xffff;
	v18 =	vor.u32 $0x340, v2  }
0x3df: {  	v40 =	vld.idx.msk [tilespmem:v11+s25+$0x0], $0xffff;
	v12 =	vand.u32 $0x3F, v12;
	v17 =	vor.u32 v31, v2  }
0x3e0: {  	v42 =	vld.idx.msk [tilespmem:v6+s25+$0x0], $0xffff;
	v11 =	vor.u32 $0x340, v12  }
0x3e1: {  	v6 =	vor.u32 v31, v12;
	v29 =	vld.idx.msk [tilespmem:v5+s12+$0x0], $0xffff  }
0x3e2: {  	v5 =	vor.u32 v27, v12;
	v24 =	vld.idx.msk [tilespmem:v16+s25+$0x0], $0xffff  }
0x3e3: {  	s9 =	simm.s32 $0x7;
	v12 =	vor.u32 v26, v12;
	v36 =	vld.idx.msk [tilespmem:v18+s12+$0x0], $0xffff  }
0x3e4: {  	v43 =	vimm.f32 $0.0e+00;
	v23 =	vadd.s32 s9, v0;
	v49 =	vor.u32 v26, v10;
	v44 =	vld.idx.msk [tilespmem:v17+s25+$0x0], $0xffff  }
0x3e5: {  	s19 =	simm.s32 $0x4;
	v25 =	vand.u32 $0x3F, v23;
	v47 =	vor.u32 v27, v10;
	v18 =	vor.u32 v27, v2;
	v45 =	vld.idx.msk [tilespmem:v11+s12+$0x0], $0xffff  }
0x3e6: {  	s20 =	simm.s32 $0x6;
	v16 =	vadd.s32 s19, v0;
	v40 =	vmul.f32 v40, v38;
	v2 =	vor.u32 v26, v2;
	v46 =	vld.idx.msk [tilespmem:v6+s25+$0x0], $0xffff  }
0x3e7: {  	s11 =	simm.s32 $0x5;
	v42 =	vmul.f32 v42, v38;
	v17 =	vadd.s32 s20, v0;
	v11 =	vand.u32 $0x3F, v16;
	v48 =	vld.idx.msk [tilespmem:v5+s25+$0x0], $0xffff  }
0x3e8: {  	v16 =	vadd.s32 s11, v0;
	v37 =	vand.u32 $0x3F, v17;
	v50 =	vor.u32 $0x340, v11;
	v55 =	vld.idx.msk [tilespmem:v12+s25+$0x0], $0xffff  }
0x3e9: {  	v57 =	vadd.f32 v40, v43;
	v51 =	vor.u32 v31, v11;
	v5 =	vand.u32 $0x3F, v16;
	v16 =	vld.idx.msk [tilespmem:v49+s25+$0x0], $0xffff  }
0x3ea: {  	v56 =	vadd.f32 v42, v43;
	v58 =	vor.u32 v27, v11;
	v17 =	vor.u32 v26, v11;
	v61 =	vld.idx.msk [tilespmem:v18+s25+$0x0], $0xffff  }
0x3eb: {  	v11 =	vor.u32 $0x340, v25;
	v10 =	vor.u32 $0x340, v37;
	v23 =	vld.idx.msk [tilespmem:v2+s25+$0x0], $0xffff;
	v2 =	vmul.f32 v39, v38  }
0x3ec: {  	v41 =	vor.u32 v31, v37;
	v12 =	vor.u32 v31, v25;
	v6 =	vor.u32 $0x340, v5;
	v18 =	vld.idx.msk [tilespmem:v47+s25+$0x0], $0xffff  }
0x3ed: {  	v54 =	vor.u32 v31, v5;
	v46 =	vmul.f32 v46, v45;
	v38 =	vld.idx.msk [tilespmem:v50+s12+$0x0], $0xffff;
	v2 =	vadd.f32 v2, v43  }
0x3ee: {  	v53 =	vor.u32 v27, v5;
	v39 =	vld.idx.msk [tilespmem:v51+s25+$0x0], $0xffff;
	v52 =	vmul.f32 v48, v45;
	v59 =	vmul.f32 v55, v45  }
0x3ef: {  	s2 =	simm.s32 $0x8;
	v60 =	vmul.f32 v44, v36;
	v40 =	vld.idx.msk [tilespmem:v58+s25+$0x0], $0xffff;
	v58 =	vadd.f32 v46, v2;
	v55 =	vmul.f32 v61, v36  }
.LBB2_31:
0x3f0: {  	p0 =	sne.s32 s2, $0x3C;
	v2 =	vld.idx.msk [tilespmem:v17+s25+$0x0], $0xffff;
	v17 =	vadd.f32 v52, v57;
	v42 =	vadd.f32 v59, v56;
	v23 =	vmul.f32 v23, v36  }
0x3f1: {  	v44 =	vmul.f32 v24, v29;
	v18 =	vmul.f32 v18, v29;
	v11 =	vld.idx.msk [tilespmem:v11+s12+$0x0], $0xffff;
	v43 =	vadd.f32 v60, v58  }
0x3f2: {  	v16 =	vmul.f32 v16, v29;
	v24 =	vld.idx.msk [tilespmem:v12+s25+$0x0], $0xffff;
	v12 =	vadd.f32 v55, v17;
	v17 =	vadd.f32 v23, v42  }
0x3f3: {  	v23 =	vadd.s32 s2, v0;
	v42 =	vor.u32 v26, v5;
	v36 =	vld.idx.msk [tilespmem:v10+s12+$0x0], $0xffff;
	v43 =	vadd.f32 v44, v43  }
0x3f4: {  	s9 =	sadd.s32 $0x2, s2;
	s11 =	sadd.s32 $0x3, s2;
	v10 =	vor.u32 v27, v37;
	v44 =	vld.idx.msk [tilespmem:v41+s25+$0x0], $0xffff;
	v45 =	vadd.f32 v18, v12;
	v46 =	vadd.f32 v16, v17  }
0x3f5: {  	s15 =	sadd.s32 $0x1, s2;
	v5 =	vadd.s32 s9, v0;
	v12 =	vadd.s32 s11, v0;
	v47 =	vld.idx.msk [tilespmem:v6+s12+$0x0], $0xffff;
	v6 =	vor.u32 v26, v37  }
0x3f6: {  	v16 =	vand.u32 $0x3F, v23;
	v17 =	vadd.s32 s15, v0;
	v18 =	vor.u32 v27, v25;
	v48 =	vld.idx.msk [tilespmem:v54+s25+$0x0], $0xffff  }
0x3f7: {  	v50 =	vor.u32 v26, v25;
	v37 =	vand.u32 $0x3F, v5;
	v25 =	vand.u32 $0x3F, v12;
	v29 =	vmovc v11;
	v49 =	vld.idx.msk [tilespmem:v53+s25+$0x0], $0xffff  }
0x3f8: {  	v51 =	vor.u32 $0x340, v16;
	v55 =	vor.u32 v31, v16;
	v5 =	vand.u32 $0x3F, v17;
	v42 =	vld.idx.msk [tilespmem:v42+s25+$0x0], $0xffff  }
0x3f9: {  	v58 =	vor.u32 v27, v16;
	v17 =	vor.u32 v26, v16;
	v11 =	vor.u32 $0x340, v25;
	v61 =	vld.idx.msk [tilespmem:v10+s25+$0x0], $0xffff  }
0x3fa: {  	v41 =	vor.u32 v31, v37;
	v12 =	vor.u32 v31, v25;
	v10 =	vor.u32 $0x340, v37;
	v23 =	vld.idx.msk [tilespmem:v6+s25+$0x0], $0xffff  }
.Ltmp14:
0x3fb: {  	v39 =	vmul.f32 v39, v38;
	v54 =	vor.u32 v31, v5;
	v6 =	vor.u32 $0x340, v5;
	v18 =	vld.idx.msk [tilespmem:v18+s25+$0x0], $0xffff;
	(pc) =	sbr.rel @p0 .LBB2_31-.Ltmp14, $4  }
0x3fc: {  	v40 =	vmul.f32 v40, v38;
	v2 =	vmul.f32 v2, v38;
	v53 =	vor.u32 v27, v5;
	v16 =	vld.idx.msk [tilespmem:v50+s25+$0x0], $0xffff  }
0x3fd: {  	v43 =	vadd.f32 v39, v43;
	v48 =	vmul.f32 v48, v47;
	v52 =	vmul.f32 v49, v47;
	v38 =	vld.idx.msk [tilespmem:v51+s12+$0x0], $0xffff  }
0x3fe: {  	v57 =	vadd.f32 v40, v45;
	v56 =	vadd.f32 v2, v46;
	v59 =	vmul.f32 v42, v47;
	v39 =	vld.idx.msk [tilespmem:v55+s25+$0x0], $0xffff  }
0x3ff: {  	s2 =	sadd.s32 $0x4, s2;
	v60 =	vmul.f32 v44, v36;
	v55 =	vmul.f32 v61, v36;
	v40 =	vld.idx.msk [tilespmem:v58+s25+$0x0], $0xffff;
	v58 =	vadd.f32 v48, v43  }
0x400: {  	_ =	sdelay $0x3  }
0x401: {  	v2 =	vld.idx.msk [tilespmem:v17+s25+$0x0], $0xffff  }
0x402: {  	v5 =	vor.u32 v26, v5;
	v10 =	vld.idx.msk [tilespmem:v10+s12+$0x0], $0xffff  }
0x403: {  	v17 =	vadd.f32 v52, v57;
	v31 =	vadd.f32 v59, v56;
	v59 =	vor.u32 v27, v37;
	v6 =	vld.idx.msk [tilespmem:v6+s12+$0x0], $0xffff  }
0x404: {  	v23 =	vmul.f32 v23, v36;
	v24 =	vmul.f32 v24, v29;
	v61 =	vor.u32 v26, v37;
	v43 =	vld.idx.msk [tilespmem:v54+s25+$0x0], $0xffff  }
0x405: {  	v18 =	vmul.f32 v18, v29;
	v44 =	vld.idx.msk [tilespmem:v53+s25+$0x0], $0xffff;
	v42 =	vadd.f32 v60, v58;
	v17 =	vadd.f32 v55, v17  }
0x406: {  	v16 =	vmul.f32 v16, v29;
	v29 =	vld.idx.msk [tilespmem:v41+s25+$0x0], $0xffff;
	v23 =	vadd.f32 v23, v31  }
0x407: {  	v27 =	vor.u32 v27, v25;
	v24 =	vadd.f32 v24, v42;
	v17 =	vadd.f32 v18, v17;
	v5 =	vld.idx.msk [tilespmem:v5+s25+$0x0], $0xffff  }
0x408: {  	v18 =	vmul.f32 v39, v38;
	v16 =	vadd.f32 v16, v23;
	v23 =	vor.u32 v26, v25;
	v25 =	vld.idx.msk [tilespmem:v59+s25+$0x0], $0xffff  }
0x409: {  	v26 =	vmul.f32 v40, v38;
	v31 =	vld.idx.msk [tilespmem:v61+s25+$0x0], $0xffff;
	v2 =	vmul.f32 v2, v38  }
0x40a: {  	v18 =	vadd.f32 v18, v24;
	v24 =	vmul.f32 v43, v6  }
0x40b: {  	v11 =	vld.idx.msk [tilespmem:v11+s12+$0x0], $0xffff;
	v62 =	vmul.f32 v44, v6;
	v17 =	vadd.f32 v26, v17;
	v2 =	vadd.f32 v2, v16  }
0x40c: {  	v12 =	vld.idx.msk [tilespmem:v12+s25+$0x0], $0xffff;
	v16 =	vadd.f32 v24, v18;
	v18 =	vmul.f32 v29, v10;
	v5 =	vmul.f32 v5, v6  }
0x40d: {  	v27 =	vld.idx.msk [tilespmem:v27+s25+$0x0], $0xffff;
	v26 =	vmov s8;
	v17 =	vadd.f32 v62, v17;
	v24 =	vmul.f32 v25, v10  }
0x40e: {  	v2 =	vadd.f32 v5, v2;
	v5 =	vmul.f32 v31, v10;
	v10 =	vadd.f32 v18, v16;
	v18 =	vld [tilespmem:$0x1FEC0]  }
0x40f: {  	v6 =	vshrl.u32 v26, $0x3;
	v17 =	vadd.f32 v24, v17;
	v24 =	vld [tilespmem:$0x1FED0]  }
0x410: {  	v6 =	vshll.u32 v6, $0x3;
	v2 =	vadd.f32 v5, v2;
	v5 =	vld [tilespmem:$0x1FEE0]  }
0x411: {  	v23 =	vld.idx.msk [tilespmem:v23+s25+$0x0], $0xffff;
	v6 =	vbroadcast v6, $0x0;
	_ =	sdelay $0x1  }
0x412: {  	s2 =	simm.s32 $0x0;
	v18 =	vadd.s32 v18, v6  }
0x413: {  	v12 =	vmul.f32 v12, v11;
	v25 =	vadd.s32 s2, v0;
	v24 =	vadd.s32 v24, v6  }
0x414: {  	v16 =	vmul.f32 v27, v11;
	v5 =	vadd.s32 v5, v6;
	v6 =	vand.u32 $0x3F, v25  }
0x415: {  	v11 =	vmul.f32 v23, v11;
	v10 =	vadd.f32 v12, v10;
	v12 =	vor.u32 $0x380, v6  }
0x416: {  	s15 =	simm.s32 $0x3;
	v16 =	vadd.f32 v16, v17;
	v17 =	vor.u32 v34, v6  }
0x417: {  	v2 =	vadd.f32 v11, v2;
	v11 =	vor.u32 v30, v6;
	[tilespmem:v18+s24+$0x0] =	vst.idx.msk $0xffff, v10;
	v10 =	vadd.s32 s15, v0  }
0x418: {  	s16 =	simm.s32 $0x2;
	v6 =	vor.u32 v28, v6;
	[tilespmem:v24+s24+$0x0] =	vst.idx.msk $0xffff, v16;
	v10 =	vand.u32 $0x3F, v10  }
0x419: {  	[tilespmem:v5+s24+$0x0] =	vst.idx.msk $0xffff, v2;
	v2 =	vadd.s32 s16, v0;
	v5 =	vor.u32 $0x380, v10  }
0x41a: {  	s17 =	simm.s32 $0x1;
	v16 =	vor.u32 v34, v10;
	v2 =	vand.u32 $0x3F, v2;
	v31 =	vld.idx.msk [tilespmem:v12+s12+$0x0], $0xffff  }
0x41b: {  	v12 =	vadd.s32 s17, v0;
	v36 =	vld.idx.msk [tilespmem:v17+s25+$0x0], $0xffff;
	v18 =	vor.u32 $0x380, v2  }
0x41c: {  	v63 =	vld.idx.msk [tilespmem:v11+s25+$0x0], $0xffff;
	v12 =	vand.u32 $0x3F, v12;
	v17 =	vor.u32 v34, v2  }
0x41d: {  	v57 =	vld.idx.msk [tilespmem:v6+s25+$0x0], $0xffff;
	v11 =	vor.u32 $0x380, v12  }
0x41e: {  	v6 =	vor.u32 v34, v12;
	v26 =	vld.idx.msk [tilespmem:v5+s12+$0x0], $0xffff  }
0x41f: {  	v5 =	vor.u32 v30, v12;
	v24 =	vld.idx.msk [tilespmem:v16+s25+$0x0], $0xffff  }
0x420: {  	s20 =	simm.s32 $0x7;
	v12 =	vor.u32 v28, v12;
	v27 =	vld.idx.msk [tilespmem:v18+s12+$0x0], $0xffff  }
0x421: {  	v58 =	vimm.f32 $0.0e+00;
	v23 =	vadd.s32 s20, v0;
	v47 =	vor.u32 v28, v10;
	v45 =	vld.idx.msk [tilespmem:v17+s25+$0x0], $0xffff  }
0x422: {  	s18 =	simm.s32 $0x4;
	v25 =	vand.u32 $0x3F, v23;
	v60 =	vor.u32 v30, v10;
	v18 =	vor.u32 v30, v2;
	v46 =	vld.idx.msk [tilespmem:v11+s12+$0x0], $0xffff  }
0x423: {  	s19 =	simm.s32 $0x6;
	v16 =	vadd.s32 s18, v0;
	v37 =	vmul.f32 v63, v31;
	v2 =	vor.u32 v28, v2;
	v59 =	vld.idx.msk [tilespmem:v6+s25+$0x0], $0xffff  }
0x424: {  	s9 =	simm.s32 $0x5;
	v41 =	vmul.f32 v57, v31;
	v17 =	vadd.s32 s19, v0;
	v11 =	vand.u32 $0x3F, v16;
	v61 =	vld.idx.msk [tilespmem:v5+s25+$0x0], $0xffff  }
0x425: {  	v16 =	vadd.s32 s9, v0;
	v29 =	vand.u32 $0x3F, v17;
	v48 =	vor.u32 $0x380, v11;
	v50 =	vld.idx.msk [tilespmem:v12+s25+$0x0], $0xffff  }
0x426: {  	v44 =	vadd.f32 v37, v58;
	v49 =	vor.u32 v34, v11;
	v5 =	vand.u32 $0x3F, v16;
	v16 =	vld.idx.msk [tilespmem:v47+s25+$0x0], $0xffff  }
0x427: {  	v43 =	vadd.f32 v41, v58;
	v51 =	vor.u32 v30, v11;
	v17 =	vor.u32 v28, v11;
	v62 =	vld.idx.msk [tilespmem:v18+s25+$0x0], $0xffff  }
0x428: {  	v11 =	vor.u32 $0x380, v25;
	v10 =	vor.u32 $0x380, v29;
	v23 =	vld.idx.msk [tilespmem:v2+s25+$0x0], $0xffff;
	v2 =	vmul.f32 v36, v31  }
0x429: {  	v38 =	vor.u32 v34, v29;
	v12 =	vor.u32 v34, v25;
	v6 =	vor.u32 $0x380, v5;
	v18 =	vld.idx.msk [tilespmem:v60+s25+$0x0], $0xffff  }
0x42a: {  	v40 =	vor.u32 v34, v5;
	v63 =	vmul.f32 v59, v46;
	v31 =	vld.idx.msk [tilespmem:v48+s12+$0x0], $0xffff;
	v2 =	vadd.f32 v2, v58  }
0x42b: {  	v39 =	vor.u32 v30, v5;
	v36 =	vld.idx.msk [tilespmem:v49+s25+$0x0], $0xffff;
	v42 =	vmul.f32 v61, v46;
	v53 =	vmul.f32 v50, v46  }
0x42c: {  	s2 =	simm.s32 $0x8;
	v54 =	vmul.f32 v45, v27;
	v37 =	vld.idx.msk [tilespmem:v51+s25+$0x0], $0xffff;
	v52 =	vadd.f32 v63, v2;
	v41 =	vmul.f32 v62, v27  }
.LBB2_33:
0x42d: {  	p0 =	sne.s32 s2, $0x3C;
	v2 =	vld.idx.msk [tilespmem:v17+s25+$0x0], $0xffff;
	v17 =	vadd.f32 v42, v44;
	v42 =	vadd.f32 v53, v43;
	v23 =	vmul.f32 v23, v27  }
0x42e: {  	v44 =	vmul.f32 v24, v26;
	v18 =	vmul.f32 v18, v26;
	v11 =	vld.idx.msk [tilespmem:v11+s12+$0x0], $0xffff;
	v43 =	vadd.f32 v54, v52  }
0x42f: {  	v16 =	vmul.f32 v16, v26;
	v24 =	vld.idx.msk [tilespmem:v12+s25+$0x0], $0xffff;
	v12 =	vadd.f32 v41, v17;
	v17 =	vadd.f32 v23, v42  }
0x430: {  	v23 =	vadd.s32 s2, v0;
	v41 =	vor.u32 v28, v5;
	v27 =	vld.idx.msk [tilespmem:v10+s12+$0x0], $0xffff;
	v42 =	vadd.f32 v44, v43  }
0x431: {  	s8 =	sadd.s32 $0x2, s2;
	s9 =	sadd.s32 $0x3, s2;
	v10 =	vor.u32 v30, v29;
	v45 =	vld.idx.msk [tilespmem:v38+s25+$0x0], $0xffff;
	v43 =	vadd.f32 v18, v12;
	v46 =	vadd.f32 v16, v17  }
0x432: {  	s11 =	sadd.s32 $0x1, s2;
	v5 =	vadd.s32 s8, v0;
	v12 =	vadd.s32 s9, v0;
	v47 =	vld.idx.msk [tilespmem:v6+s12+$0x0], $0xffff;
	v6 =	vor.u32 v28, v29  }
0x433: {  	v16 =	vand.u32 $0x3F, v23;
	v17 =	vadd.s32 s11, v0;
	v18 =	vor.u32 v30, v25;
	v44 =	vld.idx.msk [tilespmem:v40+s25+$0x0], $0xffff  }
0x434: {  	v49 =	vor.u32 v28, v25;
	v29 =	vand.u32 $0x3F, v5;
	v25 =	vand.u32 $0x3F, v12;
	v26 =	vmovc v11;
	v48 =	vld.idx.msk [tilespmem:v39+s25+$0x0], $0xffff  }
0x435: {  	v50 =	vor.u32 $0x380, v16;
	v51 =	vor.u32 v34, v16;
	v5 =	vand.u32 $0x3F, v17;
	v41 =	vld.idx.msk [tilespmem:v41+s25+$0x0], $0xffff  }
0x436: {  	v52 =	vor.u32 v30, v16;
	v17 =	vor.u32 v28, v16;
	v11 =	vor.u32 $0x380, v25;
	v55 =	vld.idx.msk [tilespmem:v10+s25+$0x0], $0xffff  }
0x437: {  	v38 =	vor.u32 v34, v29;
	v12 =	vor.u32 v34, v25;
	v10 =	vor.u32 $0x380, v29;
	v23 =	vld.idx.msk [tilespmem:v6+s25+$0x0], $0xffff  }
.Ltmp15:
0x438: {  	v36 =	vmul.f32 v36, v31;
	v40 =	vor.u32 v34, v5;
	v6 =	vor.u32 $0x380, v5;
	v18 =	vld.idx.msk [tilespmem:v18+s25+$0x0], $0xffff;
	(pc) =	sbr.rel @p0 .LBB2_33-.Ltmp15, $4  }
0x439: {  	v37 =	vmul.f32 v37, v31;
	v2 =	vmul.f32 v2, v31;
	v39 =	vor.u32 v30, v5;
	v16 =	vld.idx.msk [tilespmem:v49+s25+$0x0], $0xffff  }
0x43a: {  	v49 =	vadd.f32 v36, v42;
	v42 =	vmul.f32 v48, v47;
	v31 =	vld.idx.msk [tilespmem:v50+s12+$0x0], $0xffff;
	v50 =	vmul.f32 v44, v47  }
0x43b: {  	v44 =	vadd.f32 v37, v43;
	v43 =	vadd.f32 v2, v46;
	v53 =	vmul.f32 v41, v47;
	v36 =	vld.idx.msk [tilespmem:v51+s25+$0x0], $0xffff  }
0x43c: {  	s2 =	sadd.s32 $0x4, s2;
	v54 =	vmul.f32 v45, v27;
	v41 =	vmul.f32 v55, v27;
	v37 =	vld.idx.msk [tilespmem:v52+s25+$0x0], $0xffff;
	v52 =	vadd.f32 v50, v49  }
0x43d: {  	_ =	sdelay $0x3  }
0x43e: {  	v2 =	vld.idx.msk [tilespmem:v17+s25+$0x0], $0xffff  }
0x43f: {  	v5 =	vor.u32 v28, v5;
	v10 =	vld.idx.msk [tilespmem:v10+s12+$0x0], $0xffff  }
0x440: {  	v17 =	vadd.f32 v42, v44;
	v23 =	vmul.f32 v23, v27;
	v27 =	vor.u32 v30, v29;
	v6 =	vld.idx.msk [tilespmem:v6+s12+$0x0], $0xffff  }
0x441: {  	v34 =	vadd.f32 v53, v43;
	v24 =	vmul.f32 v24, v26;
	v29 =	vor.u32 v28, v29;
	v40 =	vld.idx.msk [tilespmem:v40+s25+$0x0], $0xffff  }
0x442: {  	v18 =	vmul.f32 v18, v26;
	v39 =	vld.idx.msk [tilespmem:v39+s25+$0x0], $0xffff;
	v55 =	vadd.f32 v54, v52;
	v17 =	vadd.f32 v41, v17  }
0x443: {  	v30 =	vor.u32 v30, v25;
	v16 =	vmul.f32 v16, v26;
	v26 =	vld.idx.msk [tilespmem:v38+s25+$0x0], $0xffff;
	v23 =	vadd.f32 v23, v34  }
0x444: {  	v24 =	vadd.f32 v24, v55;
	v17 =	vadd.f32 v18, v17;
	v5 =	vld.idx.msk [tilespmem:v5+s25+$0x0], $0xffff  }
0x445: {  	v18 =	vmul.f32 v36, v31;
	v16 =	vadd.f32 v16, v23;
	v23 =	vor.u32 v28, v25;
	v25 =	vld.idx.msk [tilespmem:v27+s25+$0x0], $0xffff  }
0x446: {  	v27 =	vmul.f32 v37, v31;
	v28 =	vld.idx.msk [tilespmem:v29+s25+$0x0], $0xffff;
	v2 =	vmul.f32 v2, v31  }
0x447: {  	v18 =	vadd.f32 v18, v24;
	v24 =	vmul.f32 v40, v6  }
0x448: {  	v29 =	vld.idx.msk [tilespmem:v30+s25+$0x0], $0xffff;
	v30 =	vmul.f32 v39, v6;
	v17 =	vadd.f32 v27, v17;
	v2 =	vadd.f32 v2, v16  }
0x449: {  	v11 =	vld.idx.msk [tilespmem:v11+s12+$0x0], $0xffff;
	v16 =	vadd.f32 v24, v18;
	v18 =	vmul.f32 v26, v10;
	v5 =	vmul.f32 v5, v6  }
0x44a: {  	v12 =	vld.idx.msk [tilespmem:v12+s25+$0x0], $0xffff;
	v27 =	vmov s7;
	v17 =	vadd.f32 v30, v17;
	v24 =	vmul.f32 v25, v10  }
0x44b: {  	v2 =	vadd.f32 v5, v2;
	v5 =	vmul.f32 v28, v10;
	v10 =	vadd.f32 v18, v16;
	v18 =	vld [tilespmem:$0x1FE90]  }
0x44c: {  	v6 =	vshrl.u32 v27, $0x3;
	v17 =	vadd.f32 v24, v17;
	v24 =	vld [tilespmem:$0x1FEA0]  }
0x44d: {  	v6 =	vshll.u32 v6, $0x3;
	v2 =	vadd.f32 v5, v2;
	v5 =	vld [tilespmem:$0x1FEB0]  }
0x44e: {  	v23 =	vld.idx.msk [tilespmem:v23+s25+$0x0], $0xffff;
	v6 =	vbroadcast v6, $0x0;
	_ =	sdelay $0x1  }
0x44f: {  	s2 =	simm.s32 $0x0;
	v18 =	vadd.s32 v18, v6  }
0x450: {  	v12 =	vmul.f32 v12, v11;
	v25 =	vadd.s32 s2, v0;
	v24 =	vadd.s32 v24, v6  }
0x451: {  	v16 =	vmul.f32 v29, v11;
	v5 =	vadd.s32 v5, v6;
	v6 =	vand.u32 $0x3F, v25  }
0x452: {  	v11 =	vmul.f32 v23, v11;
	v10 =	vadd.f32 v12, v10;
	v12 =	vor.u32 $0x3C0, v6  }
0x453: {  	s15 =	simm.s32 $0x3;
	v16 =	vadd.f32 v16, v17;
	v17 =	vor.u32 v35, v6  }
0x454: {  	v2 =	vadd.f32 v11, v2;
	v11 =	vor.u32 v33, v6;
	[tilespmem:v18+s24+$0x0] =	vst.idx.msk $0xffff, v10;
	v10 =	vadd.s32 s15, v0  }
0x455: {  	s16 =	simm.s32 $0x2;
	v6 =	vor.u32 v32, v6;
	[tilespmem:v24+s24+$0x0] =	vst.idx.msk $0xffff, v16;
	v10 =	vand.u32 $0x3F, v10  }
0x456: {  	[tilespmem:v5+s24+$0x0] =	vst.idx.msk $0xffff, v2;
	v2 =	vadd.s32 s16, v0;
	v5 =	vor.u32 $0x3C0, v10  }
0x457: {  	s17 =	simm.s32 $0x1;
	v16 =	vor.u32 v35, v10;
	v2 =	vand.u32 $0x3F, v2;
	v23 =	vld.idx.msk [tilespmem:v12+s12+$0x0], $0xffff  }
0x458: {  	v12 =	vadd.s32 s17, v0;
	v29 =	vld.idx.msk [tilespmem:v17+s25+$0x0], $0xffff;
	v18 =	vor.u32 $0x3C0, v2  }
0x459: {  	v30 =	vld.idx.msk [tilespmem:v11+s25+$0x0], $0xffff;
	v12 =	vand.u32 $0x3F, v12;
	v17 =	vor.u32 v35, v2  }
0x45a: {  	v31 =	vld.idx.msk [tilespmem:v6+s25+$0x0], $0xffff;
	v11 =	vor.u32 $0x3C0, v12  }
0x45b: {  	v6 =	vor.u32 v35, v12;
	v26 =	vld.idx.msk [tilespmem:v5+s12+$0x0], $0xffff  }
0x45c: {  	v5 =	vor.u32 v33, v12;
	v24 =	vld.idx.msk [tilespmem:v16+s25+$0x0], $0xffff  }
0x45d: {  	s20 =	simm.s32 $0x7;
	v12 =	vor.u32 v32, v12;
	v27 =	vld.idx.msk [tilespmem:v18+s12+$0x0], $0xffff  }
0x45e: {  	v56 =	vimm.f32 $0.0e+00;
	v25 =	vadd.s32 s20, v0;
	v62 =	vor.u32 v32, v10;
	v57 =	vld.idx.msk [tilespmem:v17+s25+$0x0], $0xffff  }
0x45f: {  	s18 =	simm.s32 $0x4;
	v25 =	vand.u32 $0x3F, v25;
	v60 =	vor.u32 v33, v10;
	v18 =	vor.u32 v33, v2;
	v58 =	vld.idx.msk [tilespmem:v11+s12+$0x0], $0xffff  }
0x460: {  	s19 =	simm.s32 $0x6;
	s8 =	simm.s32 $0x5;
	v16 =	vadd.s32 s18, v0;
	v50 =	vmul.f32 v30, v23;
	v2 =	vor.u32 v32, v2;
	v59 =	vld.idx.msk [tilespmem:v6+s25+$0x0], $0xffff  }
0x461: {  	v17 =	vadd.s32 s19, v0;
	v11 =	vand.u32 $0x3F, v16;
	v16 =	vadd.s32 s8, v0;
	v61 =	vld.idx.msk [tilespmem:v5+s25+$0x0], $0xffff  }
0x462: {  	v28 =	vand.u32 $0x3F, v17;
	v40 =	vadd.f32 v50, v56;
	v45 =	vor.u32 $0x3C0, v11;
	v47 =	vld.idx.msk [tilespmem:v12+s25+$0x0], $0xffff  }
0x463: {  	v46 =	vor.u32 v35, v11;
	v48 =	vor.u32 v33, v11;
	v5 =	vand.u32 $0x3F, v16;
	v16 =	vld.idx.msk [tilespmem:v62+s25+$0x0], $0xffff  }
0x464: {  	v17 =	vor.u32 v32, v11;
	v11 =	vor.u32 $0x3C0, v25;
	v10 =	vor.u32 $0x3C0, v28;
	v49 =	vld.idx.msk [tilespmem:v18+s25+$0x0], $0xffff  }
0x465: {  	v34 =	vor.u32 v35, v28;
	v12 =	vor.u32 v35, v25;
	v38 =	vld.idx.msk [tilespmem:v2+s25+$0x0], $0xffff;
	v2 =	vmul.f32 v29, v23  }
0x466: {  	v6 =	vor.u32 $0x3C0, v5;
	v37 =	vor.u32 v35, v5;
	v18 =	vld.idx.msk [tilespmem:v60+s25+$0x0], $0xffff;
	v23 =	vmul.f32 v31, v23  }
0x467: {  	v36 =	vor.u32 v33, v5;
	v63 =	vmul.f32 v59, v58;
	v29 =	vld.idx.msk [tilespmem:v45+s12+$0x0], $0xffff;
	v2 =	vadd.f32 v2, v56  }
0x468: {  	v30 =	vld.idx.msk [tilespmem:v46+s25+$0x0], $0xffff;
	v41 =	vadd.f32 v23, v56;
	v39 =	vmul.f32 v61, v58;
	v43 =	vmul.f32 v47, v58  }
0x469: {  	s2 =	simm.s32 $0x8;
	v44 =	vmul.f32 v57, v27;
	v31 =	vld.idx.msk [tilespmem:v48+s25+$0x0], $0xffff;
	v42 =	vadd.f32 v63, v2;
	v23 =	vmul.f32 v49, v27  }
.LBB2_35:
0x46a: {  	p0 =	sne.s32 s2, $0x3C;
	v2 =	vld.idx.msk [tilespmem:v17+s25+$0x0], $0xffff;
	v17 =	vadd.f32 v39, v40;
	v39 =	vadd.f32 v43, v41;
	v27 =	vmul.f32 v38, v27  }
0x46b: {  	v40 =	vmul.f32 v24, v26;
	v18 =	vmul.f32 v18, v26;
	v11 =	vld.idx.msk [tilespmem:v11+s12+$0x0], $0xffff;
	v38 =	vadd.f32 v44, v42  }
0x46c: {  	v16 =	vmul.f32 v16, v26;
	v24 =	vld.idx.msk [tilespmem:v12+s25+$0x0], $0xffff;
	v12 =	vadd.f32 v23, v17;
	v17 =	vadd.f32 v27, v39  }
0x46d: {  	v23 =	vadd.s32 s2, v0;
	v39 =	vor.u32 v32, v5;
	v27 =	vld.idx.msk [tilespmem:v10+s12+$0x0], $0xffff;
	v40 =	vadd.f32 v40, v38  }
0x46e: {  	s7 =	sadd.s32 $0x2, s2;
	s8 =	sadd.s32 $0x3, s2;
	v10 =	vor.u32 v33, v28;
	v44 =	vld.idx.msk [tilespmem:v34+s25+$0x0], $0xffff;
	v41 =	vadd.f32 v18, v12;
	v42 =	vadd.f32 v16, v17  }
0x46f: {  	s9 =	sadd.s32 $0x1, s2;
	v5 =	vadd.s32 s7, v0;
	v12 =	vadd.s32 s8, v0;
	v43 =	vld.idx.msk [tilespmem:v6+s12+$0x0], $0xffff;
	v6 =	vor.u32 v32, v28  }
0x470: {  	v16 =	vand.u32 $0x3F, v23;
	v17 =	vadd.s32 s9, v0;
	v18 =	vor.u32 v33, v25;
	v23 =	vld.idx.msk [tilespmem:v37+s25+$0x0], $0xffff  }
0x471: {  	v46 =	vor.u32 v32, v25;
	v28 =	vand.u32 $0x3F, v5;
	v25 =	vand.u32 $0x3F, v12;
	v26 =	vmovc v11;
	v45 =	vld.idx.msk [tilespmem:v36+s25+$0x0], $0xffff  }
0x472: {  	v47 =	vor.u32 $0x3C0, v16;
	v48 =	vor.u32 v35, v16;
	v5 =	vand.u32 $0x3F, v17;
	v49 =	vld.idx.msk [tilespmem:v39+s25+$0x0], $0xffff  }
0x473: {  	v50 =	vor.u32 v33, v16;
	v17 =	vor.u32 v32, v16;
	v11 =	vor.u32 $0x3C0, v25;
	v51 =	vld.idx.msk [tilespmem:v10+s25+$0x0], $0xffff  }
0x474: {  	v34 =	vor.u32 v35, v28;
	v12 =	vor.u32 v35, v25;
	v10 =	vor.u32 $0x3C0, v28;
	v38 =	vld.idx.msk [tilespmem:v6+s25+$0x0], $0xffff  }
.Ltmp16:
0x475: {  	v30 =	vmul.f32 v30, v29;
	v37 =	vor.u32 v35, v5;
	v6 =	vor.u32 $0x3C0, v5;
	v18 =	vld.idx.msk [tilespmem:v18+s25+$0x0], $0xffff;
	(pc) =	sbr.rel @p0 .LBB2_35-.Ltmp16, $4  }
0x476: {  	v31 =	vmul.f32 v31, v29;
	v2 =	vmul.f32 v2, v29;
	v36 =	vor.u32 v33, v5;
	v16 =	vld.idx.msk [tilespmem:v46+s25+$0x0], $0xffff  }
0x477: {  	v23 =	vmul.f32 v23, v43;
	v46 =	vadd.f32 v30, v40;
	v39 =	vmul.f32 v45, v43;
	v29 =	vld.idx.msk [tilespmem:v47+s12+$0x0], $0xffff  }
0x478: {  	v40 =	vadd.f32 v31, v41;
	v41 =	vadd.f32 v2, v42;
	v43 =	vmul.f32 v49, v43;
	v30 =	vld.idx.msk [tilespmem:v48+s25+$0x0], $0xffff  }
0x479: {  	s2 =	sadd.s32 $0x4, s2;
	v44 =	vmul.f32 v44, v27;
	v42 =	vadd.f32 v23, v46;
	v23 =	vmul.f32 v51, v27;
	v31 =	vld.idx.msk [tilespmem:v50+s25+$0x0], $0xffff  }
0x47a: {  	_ =	sdelay $0x3  }
0x47b: {  	v2 =	vld.idx.msk [tilespmem:v17+s25+$0x0], $0xffff  }
0x47c: {  	v11 =	vld.idx.msk [tilespmem:v11+s12+$0x0], $0xffff  }
0x47d: {  	v12 =	vld.idx.msk [tilespmem:v12+s25+$0x0], $0xffff;
	v5 =	vor.u32 v32, v5;
	v17 =	vadd.f32 v39, v40  }
0x47e: {  	v10 =	vld.idx.msk [tilespmem:v10+s12+$0x0], $0xffff;
	v35 =	vadd.f32 v43, v41;
	v61 =	vor.u32 v33, v28;
	v28 =	vor.u32 v32, v28  }
0x47f: {  	v6 =	vld.idx.msk [tilespmem:v6+s12+$0x0], $0xffff;
	v27 =	vmul.f32 v38, v27;
	v24 =	vmul.f32 v24, v26;
	v63 =	vor.u32 v33, v25  }
0x480: {  	v37 =	vld.idx.msk [tilespmem:v37+s25+$0x0], $0xffff;
	v18 =	vmul.f32 v18, v26;
	v25 =	vor.u32 v32, v25;
	v62 =	vadd.f32 v44, v42  }
0x481: {  	v16 =	vmul.f32 v16, v26;
	v26 =	vld.idx.msk [tilespmem:v34+s25+$0x0], $0xffff;
	v17 =	vadd.f32 v23, v17;
	v23 =	vadd.f32 v27, v35  }
0x482: {  	v24 =	vadd.f32 v24, v62;
	v27 =	vmul.f32 v30, v29;
	v5 =	vld.idx.msk [tilespmem:v5+s25+$0x0], $0xffff  }
0x483: {  	v16 =	vadd.f32 v16, v23;
	v23 =	vld.idx.msk [tilespmem:v28+s25+$0x0], $0xffff;
	v2 =	vmul.f32 v2, v29  }
0x484: {  	v24 =	vadd.f32 v27, v24;
	v27 =	vld.idx.msk [tilespmem:v63+s25+$0x0], $0xffff  }
0x485: {  	v2 =	vadd.f32 v2, v16;
	v16 =	vld.idx.msk [tilespmem:v25+s25+$0x0], $0xffff  }
0x486: {  	v17 =	vadd.f32 v18, v17;
	v18 =	vld.idx.msk [tilespmem:v61+s25+$0x0], $0xffff;
	v28 =	vmul.f32 v37, v6  }
0x487: {  	v36 =	vld.idx.msk [tilespmem:v36+s25+$0x0], $0xffff;
	v5 =	vmul.f32 v5, v6  }
0x488: {  	v12 =	vmul.f32 v12, v11;
	v24 =	vadd.f32 v28, v24  }
0x489: {  	v25 =	vmul.f32 v26, v10;
	v2 =	vadd.f32 v5, v2;
	v5 =	vmul.f32 v23, v10  }
0x48a: {  	v23 =	vmul.f32 v27, v11;
	v11 =	vmul.f32 v16, v11;
	v16 =	vld [tilespmem:$0x1FE70]  }
0x48b: {  	v30 =	vmul.f32 v31, v29;
	v18 =	vmul.f32 v18, v10;
	v10 =	vadd.f32 v25, v24;
	v24 =	vld [tilespmem:$0x1FE80]  }
0x48c: {  	v29 =	vmul.f32 v36, v6;
	v6 =	vmov s6;
	v2 =	vadd.f32 v5, v2;
	v5 =	vld [tilespmem:$0x1FE60]  }
0x48d: {  	v6 =	vshrl.u32 v6, $0x3  }
0x48e: {  	v6 =	vshll.u32 v6, $0x3  }
0x48f: {  	v6 =	vbroadcast v6, $0x0  }
0x490: {  	v17 =	vadd.f32 v30, v17  }
0x491: {  	v16 =	vadd.s32 v16, v6;
	v5 =	vadd.s32 v5, v6;
	v6 =	vadd.s32 v24, v6;
	v24 =	vld [tilespmem:$0x1FE50];
	_ =	sdelay $0x1  }
0x492: {  	v17 =	vadd.f32 v29, v17  }
0x493: {  	s2 =	simm.s32 $0x0  }
0x494: {  	v17 =	vadd.f32 v18, v17;
	v18 =	vadd.s32 s2, v0  }
0x495: {  	s9 =	simm.s32 $0x1;
	v18 =	vand.u32 $0x3F, v18;
	v24 =	vor.u32 $0x200, v24  }
0x496: {  	v10 =	vadd.f32 v12, v10;
	v12 =	vadd.s32 s9, v0;
	v25 =	vor.u32 v24, v18  }
0x497: {  	s11 =	simm.s32 $0x2;
	v17 =	vadd.f32 v23, v17;
	v12 =	vand.u32 $0x3F, v12;
	v18 =	vor.u32 v22, v18  }
0x498: {  	v2 =	vadd.f32 v11, v2;
	[tilespmem:v5+s24+$0x0] =	vst.idx.msk $0xffff, v10;
	v10 =	vadd.s32 s11, v0;
	v5 =	vor.u32 v24, v12  }
0x499: {  	s15 =	simm.s32 $0x3;
	v11 =	vor.u32 v22, v12;
	[tilespmem:v16+s24+$0x0] =	vst.idx.msk $0xffff, v17;
	v10 =	vand.u32 $0x3F, v10  }
0x49a: {  	[tilespmem:v6+s24+$0x0] =	vst.idx.msk $0xffff, v2;
	v2 =	vadd.s32 s15, v0;
	v6 =	vor.u32 v24, v10  }
0x49b: {  	s16 =	simm.s32 $0x4;
	v10 =	vor.u32 v22, v10;
	v2 =	vand.u32 $0x3F, v2;
	v12 =	vld.idx.msk [tilespmem:v25+s12+$0x0], $0xffff  }
0x49c: {  	v16 =	vadd.s32 s16, v0;
	v17 =	vld.idx.msk [tilespmem:v18+s25+$0x0], $0xffff;
	v18 =	vor.u32 v24, v2  }
0x49d: {  	v23 =	vld.idx.msk [tilespmem:v5+s12+$0x0], $0xffff;
	v2 =	vor.u32 v22, v2;
	v5 =	vand.u32 $0x3F, v16  }
0x49e: {  	s17 =	simm.s32 $0x5;
	v11 =	vld.idx.msk [tilespmem:v11+s25+$0x0], $0xffff;
	v26 =	vor.u32 v24, v5  }
0x49f: {  	v16 =	vadd.s32 s17, v0;
	v27 =	vld.idx.msk [tilespmem:v6+s12+$0x0], $0xffff  }
0x4a0: {  	s18 =	simm.s32 $0x6;
	s19 =	simm.s32 $0x7;
	v6 =	vor.u32 v22, v5;
	v5 =	vand.u32 $0x3F, v16;
	v29 =	vld.idx.msk [tilespmem:v10+s25+$0x0], $0xffff  }
0x4a1: {  	v28 =	vadd.s32 s19, v0;
	v25 =	vadd.s32 s18, v0;
	v16 =	vor.u32 v24, v5;
	v10 =	vld.idx.msk [tilespmem:v18+s12+$0x0], $0xffff  }
0x4a2: {  	v31 =	vand.u32 $0x3F, v25;
	v30 =	vor.u32 v22, v5;
	v12 =	vmul.f32 v17, v12;
	v17 =	vld.idx.msk [tilespmem:v2+s25+$0x0], $0xffff  }
0x4a3: {  	v25 =	vor.u32 v24, v31;
	v18 =	vimm.f32 $0.0e+00;
	v5 =	vld.idx.msk [tilespmem:v26+s12+$0x0], $0xffff;
	v26 =	vand.u32 $0x3F, v28  }
0x4a4: {  	v2 =	vadd.f32 v12, v18;
	v12 =	vmul.f32 v11, v23;
	v18 =	vor.u32 v22, v31  }
0x4a5: {  	s2 =	simm.s32 $0x8;
	v29 =	vmul.f32 v29, v27;
	v11 =	vld.idx.msk [tilespmem:v6+s25+$0x0], $0xffff;
	v23 =	vor.u32 v24, v26  }
0x4a6: {  	s20 =	simm.s32 $0x9;
	v31 =	vadd.s32 s2, v0;
	v6 =	vld.idx.msk [tilespmem:v16+s12+$0x0], $0xffff;
	v16 =	vor.u32 v22, v26;
	v28 =	vadd.f32 v12, v2  }
0x4a7: {  	s6 =	simm.s32 $0xC;
	v27 =	vadd.s32 s20, v0;
	v26 =	vand.u32 $0x3F, v31;
	v12 =	vld.idx.msk [tilespmem:v30+s25+$0x0], $0xffff  }
.LBB2_37:
0x4a8: {  	p0 =	sne.s32 s6, $0x3C;
	v2 =	vor.u32 v24, v26;
	s7 =	sadd.s32 $0x3, s2;
	v30 =	vld.idx.msk [tilespmem:v25+s12+$0x0], $0xffff;
	v25 =	vadd.f32 v29, v28;
	v17 =	vmul.f32 v17, v10  }
0x4a9: {  	v26 =	vor.u32 v22, v26;
	v27 =	vand.u32 $0x3F, v27;
	s8 =	sadd.s32 $0x2, s2;
	s2 =	smov.u32 s6;
	v28 =	vadd.s32 s7, v0;
	v29 =	vld.idx.msk [tilespmem:v18+s25+$0x0], $0xffff  }
0x4aa: {  	v31 =	vor.u32 v24, v27;
	v18 =	vadd.s32 s8, v0;
	v10 =	vld.idx.msk [tilespmem:v23+s12+$0x0], $0xffff;
	v23 =	vadd.f32 v17, v25  }
0x4ab: {  	v32 =	vor.u32 v22, v27;
	v18 =	vand.u32 $0x3F, v18;
	v11 =	vmul.f32 v11, v5;
	v17 =	vld.idx.msk [tilespmem:v16+s25+$0x0], $0xffff  }
.Ltmp17:
0x4ac: {  	v25 =	vor.u32 v24, v18;
	v16 =	vand.u32 $0x3F, v28;
	(pc) =	sbr.rel @p0 .LBB2_37-.Ltmp17, $4  }
0x4ad: {  	v18 =	vor.u32 v22, v18;
	v12 =	vmul.f32 v12, v6;
	v5 =	vld.idx.msk [tilespmem:v2+s12+$0x0], $0xffff;
	v2 =	vadd.f32 v11, v23  }
0x4ae: {  	v27 =	vadd.s32 s6, v0;
	v23 =	vor.u32 v24, v16;
	v11 =	vld.idx.msk [tilespmem:v26+s25+$0x0], $0xffff  }
0x4af: {  	s7 =	sadd.s32 $0x1, s6;
	v16 =	vor.u32 v22, v16;
	v29 =	vmul.f32 v29, v30;
	v6 =	vld.idx.msk [tilespmem:v31+s12+$0x0], $0xffff;
	v28 =	vadd.f32 v12, v2  }
0x4b0: {  	s6 =	sadd.s32 $0x4, s6;
	v26 =	vand.u32 $0x3F, v27;
	v27 =	vadd.s32 s7, v0;
	v12 =	vld.idx.msk [tilespmem:v32+s25+$0x0], $0xffff  }
0x4b1: {  	_ =	sdelay $0x2  }
0x4b2: {  	v2 =	vor.u32 v24, v26;
	v28 =	vadd.f32 v29, v28  }
0x4b3: {  	v10 =	vmul.f32 v17, v10;
	v17 =	vld.idx.msk [tilespmem:v25+s12+$0x0], $0xffff;
	v57 =	vor.u32 v22, v26;
	v58 =	vand.u32 $0x3F, v27;
	s20 =	sadd.s32 $0x2, s2  }
0x4b4: {  	v18 =	vld.idx.msk [tilespmem:v18+s25+$0x0], $0xffff;
	v60 =	vor.u32 v24, v58;
	v30 =	vadd.s32 s20, v0;
	v26 =	vor.u32 v22, v58  }
0x4b5: {  	v23 =	vld.idx.msk [tilespmem:v23+s12+$0x0], $0xffff;
	v10 =	vadd.f32 v10, v28;
	v61 =	vand.u32 $0x3F, v30;
	v5 =	vmul.f32 v11, v5  }
0x4b6: {  	v11 =	vld.idx.msk [tilespmem:v16+s25+$0x0], $0xffff;
	v16 =	vor.u32 v24, v61  }
0x4b7: {  	s6 =	sadd.s32 $0x3, s2;
	v28 =	vor.u32 v22, v61;
	v5 =	vadd.f32 v5, v10;
	v6 =	vmul.f32 v12, v6;
	v2 =	vld.idx.msk [tilespmem:v2+s12+$0x0], $0xffff  }
0x4b8: {  	v59 =	vadd.s32 s6, v0;
	v10 =	vld.idx.msk [tilespmem:v57+s25+$0x0], $0xffff  }
0x4b9: {  	v27 =	vand.u32 $0x3F, v59;
	v62 =	vld.idx.msk [tilespmem:v60+s12+$0x0], $0xffff;
	v5 =	vadd.f32 v6, v5;
	v6 =	vmul.f32 v18, v17  }
0x4ba: {  	v12 =	vor.u32 v24, v27;
	v17 =	vld.idx.msk [tilespmem:v26+s25+$0x0], $0xffff  }
0x4bb: {  	v16 =	vld.idx.msk [tilespmem:v16+s12+$0x0], $0xffff;
	v5 =	vadd.f32 v6, v5;
	v6 =	vmul.f32 v11, v23  }
0x4bc: {  	v11 =	vld.idx.msk [tilespmem:v28+s25+$0x0], $0xffff  }
0x4bd: {  	v63 =	vor.u32 v22, v27;
	v5 =	vadd.f32 v6, v5;
	v2 =	vmul.f32 v10, v2;
	_ =	sdelay $0x1  }
0x4be: {  	v12 =	vld.idx.msk [tilespmem:v12+s12+$0x0], $0xffff;
	v2 =	vadd.f32 v2, v5;
	v5 =	vmul.f32 v17, v62  }
0x4bf: {  	v10 =	vld [tilespmem:$0x1FFE0]  }
0x4c0: {  	v2 =	vadd.f32 v5, v2;
	v5 =	vmul.f32 v11, v16;
	v11 =	vld [tilespmem:$0x1FE40]  }
0x4c1: {  	v6 =	vld.idx.msk [tilespmem:v63+s25+$0x0], $0xffff;
	_ =	sdelay $0x2  }
0x4c2: {  	s5 =	sadd.s32 $0x1, s5  }
0x4c3: {  	p0 =	sne.s32 s5, $0x20;
	v10 =	vor.u32 v10, v11  }
.Ltmp18:
0x4c4: {  	v2 =	vadd.f32 v5, v2;
	v5 =	vmul.f32 v6, v12;
	(pc) =	sbr.rel @p0 .LBB2_2-.Ltmp18, $3  }
0x4c5: {  	_ = 	snop  }
0x4c6: {  	v2 =	vadd.f32 v5, v2;
	_ =	sdelay $0x1  }
0x4c7: {  	[tilespmem:v10+s24+$0x0] =	vst.idx.msk $0xffff, v2;
	v2 =	vld [tilespmem:$0x1FFF0]  }
0x4c8: {  	s2 =	rddreg [dreg:$0x6]  }
0x4c9: {  	s7 =	simm.s32 $0x200;
	s5 =	simm.s32 $0x4000;
	s6 =	simm.s32 $0x4  }
0x4ca: {  	[hbm4b:s2+s7] =	stream.strided.scatter [tilespmem:s24], [sflag:$0x4], $0x6400, s5, s7, $0x38;
	[tilespmem:$0x1DA00] =	vst v63  }
0x4cb: {  	_ =	swait.ge [sflag:s6], $0x6400  }
0x4cc: {  	s19 =	rddreg [dreg:$0x8]  }
0x4cd: {  	s20 =	rddreg [dreg:$0x7];
	s5 =	sadd.s32 $0x1, s19  }
0x4ce: {  	p0 =	sne.s32 s5, s20  }
.Ltmp19:
0x4cf: {  	_ = 	snop;
	(pc) =	sbr.rel @p0 .LBB2_1-.Ltmp19, $3  }
0x4d0: {  	_ =	sdelay $0x1  }
0x4d1: {  	[sflag:s6] =	ssyncset.done $0x0  }
0x4d2: {  	[sflag:s6] =	ssyncadd.s32 $0xFFFF9C00  }
0x4d3: {  	_ =	sfence.sel $0x180000  }
0x4d4: {  	[bflag:$0x0] =	sbarrier.arrive $0xFFFF  }
0x4d5: {  	_ =	strace $0x90000047  }
0x4d6: {  	s0 =	stileid.u32;
	[bflag:$0x2] =	sbarrier.arrive $0xFFFF  }
0x4d7: {  	p0 =	sne.s32 s0, $0x0;
	s0 =	rddreg [dreg:$0x3]  }
0x4d8: {  	s0 =	sadd.s32 @!p0 $0x100000, s0  }
0x4d9: {  	[sflag:s0] =	ssyncadd.tile.s32 @!p0 $0x1;
	_ =	shalt  }
.Lfunc_end2:
_tile_overlayer_lowered:
.L_overlay_start_2:
0x4da: {  	(tag) =	ssettag $0x2  }
0x4db: {  	s0 =	rddreg [dreg:$0x0];
	s2 =	stileid.u32  }
0x4dc: {  	s1 =	rddreg [dreg:$0x1];
	p0 =	sne.s32 s2, $0x0  }
0x4dd: {  	s3 =	rddreg [dreg:$0x2];
	[bflag:$0x3] =	sbarrier.arrive $0xFFFF;
	s2 =	simm.s32 @!p0 $0x1C04  }
0x4de: {  	[timem:s3], [sflag:s2] =	dma.local @!p0 [hbm:s0], s1  }
0x4df: {  	s0 =	simm.s32 @!p0 $0x4  }
0x4e0: {  	_ =	swait.ge @!p0 [sflag:s0], s1  }
0x4e1: {  	s1 =	ssub.s32 @!p0 $0x0, s1;
	[sflag:s0] =	ssyncset.done @!p0 $0x0  }
0x4e2: {  	[sflag:s0] =	ssyncadd.s32 @!p0 s1  }
0x4e3: {  	[bflag:$0x3] =	sbarrier.arrive $0xFFFF  }
0x4e4: {  	_ =	shalt  }

</sc_bundles>
